<compile_context>
chip_gen: v7x
topology: tpu7x:2x2x1
jax: 0.10.2.dev20260603
libtpu: 0.0.44.dev20260713+nightly
codegen_flags: <defaults>
</compile_context>

<pallas_src>
import functools

import jax
import jax.numpy as jnp
from jax import lax
from jax.experimental import pallas as pl
from jax.experimental.pallas import tpu as pltpu
from jax.experimental.pallas import tpu_sc as plsc

N_CORES = 2
N_SUB = 16
N_NODES = 10000
N_EDGES = 320000
D = 128
DH = D // 2
B = 8
LM_DIM = 1024
MLP_OUT = 256

NP = N_NODES
EPT = N_EDGES // N_SUB
CHUNK = 80
NCHUNK = EPT // CHUNK
HCHUNK = NCHUNK // N_CORES
NBUF = 4
NG = 62
TAIL = NCHUNK - NG * NBUF
ROWS_PER_TILE = N_NODES // N_SUB
SLAB = 125

_MESH = plsc.VectorSubcoreMesh(core_axis_name="c", subcore_axis_name="s")



def _deg_body(dst_hbm, deg_hbm, dst_v, ones_v, zbuf_v, dega_sp, sem):
    c = lax.axis_index("c")
    s = lax.axis_index("s")
    pltpu.sync_copy(dst_hbm.at[s, pl.ds(c * HCHUNK, HCHUNK), :], dst_v)
    zero16 = jnp.zeros((16,), jnp.float32)
    ones16 = jnp.ones((16,), jnp.float32)

    def _fill(i, carry):
        zbuf_v[i, :] = zero16
        return carry

    lax.fori_loop(0, SLAB, _fill, 0)

    def _fill1(i, carry):
        ones_v[i, :] = ones16
        return carry

    lax.fori_loop(0, CHUNK, _fill1, 0)
    for k in range(ROWS_PER_TILE // SLAB):
        pltpu.sync_copy(
            zbuf_v, dega_sp.at[pl.ds(s * ROWS_PER_TILE + k * SLAB, SLAB), :])
    plsc.subcore_barrier()

    def _edge_chunk(j, carry):
        pltpu.async_copy(ones_v, dega_sp.at[dst_v.at[j]], sem, add=True)
        return carry

    lax.fori_loop(0, HCHUNK, _edge_chunk, 0)

    def _drain(j, carry):
        pltpu.make_async_copy(
            deg_hbm.at[0, pl.ds(0, CHUNK), :], ones_v, sem).wait()
        return carry

    lax.fori_loop(0, HCHUNK, _drain, 0)
    plsc.subcore_barrier()
    sl = pl.ds(s * ROWS_PER_TILE, ROWS_PER_TILE)
    pltpu.sync_copy(dega_sp.at[sl, :], deg_hbm.at[c, sl, :])


_deg_kernel = functools.partial(
    pl.kernel,
    out_type=jax.ShapeDtypeStruct((N_CORES, NP, 16), jnp.float32),
    mesh=_MESH,
    compiler_params=pltpu.CompilerParams(use_tc_tiling_on_sc=False),
    scratch_types=[
        pltpu.VMEM((HCHUNK, CHUNK), jnp.int32),
        pltpu.VMEM((CHUNK, 16), jnp.float32),
        pltpu.VMEM((SLAB, 16), jnp.float32),
        pltpu.VMEM_SHARED((NP, 16), jnp.float32),
        pltpu.SemaphoreType.DMA,
    ],
)(_deg_body)


def _scatter_body(ysl_hbm, ysr_hbm, src_hbm, dst_hbm, out_hbm,
                  src_v, dst_v, rows_v, zbuf_v, acc_sp, gsem, ssem):
    c = lax.axis_index("c")
    s = lax.axis_index("s")
    cp_src = pltpu.async_copy(src_hbm.at[s], src_v, gsem)
    cp_dst = pltpu.async_copy(dst_hbm.at[s], dst_v, ssem)
    zero16 = jnp.zeros((16,), jnp.float32)

    def _zero(i, carry):
        zbuf_v[i // 4, pl.ds((i % 4) * 16, 16)] = zero16
        return carry

    lax.fori_loop(0, SLAB * 4, _zero, 0)
    zcps = [
        pltpu.async_copy(
            zbuf_v, acc_sp.at[pl.ds(s * ROWS_PER_TILE + k * SLAB, SLAB), :],
            ssem)
        for k in range(ROWS_PER_TILE // SLAB)
    ]
    cp_src.wait()
    cp_dst.wait()
    for cp in zcps:
        cp.wait()
    plsc.subcore_barrier()

    def _issue_gather(idx, buf):
        @pl.when(c == 0)
        def _gl():
            pltpu.async_copy(ysl_hbm.at[idx], buf, gsem)

        @pl.when(c == 1)
        def _gr():
            pltpu.async_copy(ysr_hbm.at[idx], buf, gsem)

    def _drain(sem):
        pltpu.make_async_copy(
            ysl_hbm.at[pl.ds(0, CHUNK), :], rows_v.at[0, 0], sem).wait()

    for b in range(NBUF):
        _issue_gather(src_v.at[b], rows_v.at[0, b])

    def _group(g, carry):
        p = lax.rem(g, 2)
        q = 1 - p
        for b in range(NBUF):
            _drain(gsem)
        for b in range(NBUF):
            pltpu.async_copy(rows_v.at[p, b],
                             acc_sp.at[dst_v.at[g * NBUF + b]], ssem, add=True)

        @pl.when(g < NG - 1)
        def _next():
            for b in range(NBUF):
                _issue_gather(src_v.at[(g + 1) * NBUF + b], rows_v.at[q, b])

        for b in range(NBUF):
            _drain(ssem)
        return carry

    lax.fori_loop(0, NG, _group, 0)
    for t in range(TAIL):
        _issue_gather(src_v.at[NG * NBUF + t], rows_v.at[0, 0])
        _drain(gsem)
        pltpu.async_copy(rows_v.at[0, 0],
                         acc_sp.at[dst_v.at[NG * NBUF + t]], ssem, add=True)
        _drain(ssem)
    plsc.subcore_barrier()

    @pl.when(c == 0)
    def _wl():
        cps = [pltpu.async_copy(
            acc_sp.at[pl.ds(s * ROWS_PER_TILE + k * SLAB, SLAB), :],
            out_hbm.at[pl.ds(s * ROWS_PER_TILE + k * SLAB, SLAB),
                       pl.ds(0, DH)], gsem)
            for k in range(ROWS_PER_TILE // SLAB)]
        for cp in cps:
            cp.wait()

    @pl.when(c == 1)
    def _wr():
        cps = [pltpu.async_copy(
            acc_sp.at[pl.ds(s * ROWS_PER_TILE + k * SLAB, SLAB), :],
            out_hbm.at[pl.ds(s * ROWS_PER_TILE + k * SLAB, SLAB),
                       pl.ds(DH, DH)], gsem)
            for k in range(ROWS_PER_TILE // SLAB)]
        for cp in cps:
            cp.wait()


_scatter_kernel = functools.partial(
    pl.kernel,
    out_type=jax.ShapeDtypeStruct((NP, D), jnp.float32),
    mesh=_MESH,
    compiler_params=pltpu.CompilerParams(use_tc_tiling_on_sc=False),
    scratch_types=[
        pltpu.VMEM((NCHUNK, CHUNK), jnp.int32),
        pltpu.VMEM((NCHUNK, CHUNK), jnp.int32),
        pltpu.VMEM((2, NBUF, CHUNK, DH), jnp.float32),
        pltpu.VMEM((SLAB, DH), jnp.float32),
        pltpu.VMEM_SHARED((NP, DH), jnp.float32),
        pltpu.SemaphoreType.DMA,
        pltpu.SemaphoreType.DMA,
    ],
)(_scatter_body)



_BN = 2000


def _tc1_body(x_ref, w_ref, degp_ref, ysl_ref, ysr_ref, dinv_ref):
    deg = 1.0 + jnp.sum(degp_ref[...], axis=(0, 2)) * (1.0 / 16.0)
    dinv = lax.rsqrt(deg)
    y = jnp.dot(x_ref[...], w_ref[...], preferred_element_type=jnp.float32)
    ys = y * dinv[:, None]
    ysl_ref[...] = ys[:, :DH]
    ysr_ref[...] = ys[:, DH:]
    dinv_ref[...] = dinv[:, None]


def _tc1(x, w1, deg_partials):
    return pl.pallas_call(
        _tc1_body,
        grid=(N_NODES // _BN,),
        in_specs=[
            pl.BlockSpec((_BN, D), lambda i: (i, 0)),
            pl.BlockSpec((D, D), lambda i: (0, 0)),
            pl.BlockSpec((N_CORES, _BN, 16), lambda i: (0, i, 0)),
        ],
        out_specs=[
            pl.BlockSpec((_BN, DH), lambda i: (i, 0)),
            pl.BlockSpec((_BN, DH), lambda i: (i, 0)),
            pl.BlockSpec((_BN, 1), lambda i: (i, 0)),
        ],
        out_shape=[
            jax.ShapeDtypeStruct((NP, DH), jnp.float32),
            jax.ShapeDtypeStruct((NP, DH), jnp.float32),
            jax.ShapeDtypeStruct((N_NODES, 1), jnp.float32),
        ],
    )(x, w1, deg_partials)


def _tc2_body(acc_ref, ysl_ref, ysr_ref, dinv_ref, b_ref, w_ref,
              ys2l_ref, ys2r_ref):
    dinv = dinv_ref[...]
    ys = jnp.concatenate([ysl_ref[...], ysr_ref[...]], axis=-1)
    tot = (acc_ref[...] + ys) * dinv + b_ref[...]
    h = jnp.maximum(tot, 0.0)
    y2 = jnp.dot(h, w_ref[...], preferred_element_type=jnp.float32)
    ys2 = y2 * dinv
    ys2l_ref[...] = ys2[:, :DH]
    ys2r_ref[...] = ys2[:, DH:]


def _tc2(acc1, ysl, ysr, dinv, b1, w2):
    return pl.pallas_call(
        _tc2_body,
        grid=(N_NODES // _BN,),
        in_specs=[
            pl.BlockSpec((_BN, D), lambda i: (i, 0)),
            pl.BlockSpec((_BN, DH), lambda i: (i, 0)),
            pl.BlockSpec((_BN, DH), lambda i: (i, 0)),
            pl.BlockSpec((_BN, 1), lambda i: (i, 0)),
            pl.BlockSpec((1, D), lambda i: (0, 0)),
            pl.BlockSpec((D, D), lambda i: (0, 0)),
        ],
        out_specs=[
            pl.BlockSpec((_BN, DH), lambda i: (i, 0)),
            pl.BlockSpec((_BN, DH), lambda i: (i, 0)),
        ],
        out_shape=[
            jax.ShapeDtypeStruct((NP, DH), jnp.float32),
            jax.ShapeDtypeStruct((NP, DH), jnp.float32),
        ],
    )(acc1, ysl, ysr, dinv, b1, w2)


def _tc3_body(acc_ref, ysl_ref, ysr_ref, dinv_ref, b_ref, out_ref):
    ys = jnp.concatenate([ysl_ref[...], ysr_ref[...]], axis=-1)
    out_ref[...] = (acc_ref[...] + ys) * dinv_ref[...] + b_ref[...]


def _tc3(acc2, ysl, ysr, dinv, b2):
    return pl.pallas_call(
        _tc3_body,
        grid=(N_NODES // _BN,),
        in_specs=[
            pl.BlockSpec((_BN, D), lambda i: (i, 0)),
            pl.BlockSpec((_BN, DH), lambda i: (i, 0)),
            pl.BlockSpec((_BN, DH), lambda i: (i, 0)),
            pl.BlockSpec((_BN, 1), lambda i: (i, 0)),
            pl.BlockSpec((1, D), lambda i: (0, 0)),
        ],
        out_specs=pl.BlockSpec((_BN, D), lambda i: (i, 0)),
        out_shape=jax.ShapeDtypeStruct((N_NODES, D), jnp.float32),
    )(acc2, ysl, ysr, dinv, b2)


def _lm_body(ids_ref, msk_ref, emb_ref, w_ref, b_ref, out_ref):
    i = pl.program_id(0)
    idx = ids_ref[i]
    sub = lax.rem(idx, 8)
    m = msk_ref[i].astype(jnp.float32)
    blk = emb_ref[...]
    sel = (lax.broadcasted_iota(jnp.int32, (8, 1), 0) == sub).astype(
        jnp.float32)
    row = jnp.sum(blk * sel, axis=0, keepdims=True)
    y = jnp.dot(row, w_ref[...], preferred_element_type=jnp.float32)
    out_ref[...] = (m * y + b_ref[...])[None]


def _lm(ids_col, mask_col, lm_embed, w_mlp, b_mlp):
    grid_spec = pltpu.PrefetchScalarGridSpec(
        num_scalar_prefetch=2,
        grid=(B,),
        in_specs=[
            pl.BlockSpec((8, LM_DIM), lambda i, ids, msk: (ids[i] // 8, 0)),
            pl.BlockSpec((LM_DIM, MLP_OUT), lambda i, ids, msk: (0, 0)),
            pl.BlockSpec((1, MLP_OUT), lambda i, ids, msk: (0, 0)),
        ],
        out_specs=pl.BlockSpec((1, 1, MLP_OUT), lambda i, ids, msk: (i, 0, 0)),
    )
    out = pl.pallas_call(
        _lm_body,
        grid_spec=grid_spec,
        out_shape=jax.ShapeDtypeStruct((B, 1, MLP_OUT), jnp.float32),
    )(ids_col, mask_col, lm_embed, w_mlp, b_mlp)
    return out.reshape(B, MLP_OUT)



def kernel(ids, mask, edge_index, node_features, lm_embed,
           W_mlp, b_mlp, W1, b1, W2, b2):
    src_r = edge_index[0].reshape(N_SUB, NCHUNK, CHUNK)
    dst_r = edge_index[1].reshape(N_SUB, NCHUNK, CHUNK)

    deg_partials = _deg_kernel(dst_r)
    ys1l, ys1r, dinv = _tc1(node_features, W1, deg_partials)
    acc1 = _scatter_kernel(ys1l, ys1r, src_r, dst_r)
    ys2l, ys2r = _tc2(acc1, ys1l, ys1r, dinv, b1.reshape(1, D), W2)
    acc2 = _scatter_kernel(ys2l, ys2r, src_r, dst_r)
    gcn_out = _tc3(acc2, ys2l, ys2r, dinv, b2.reshape(1, D))

    lm_embeddings = _lm(ids[:, 0], mask[:, 0], lm_embed,
                        W_mlp, b_mlp.reshape(1, -1))
    return (lm_embeddings, gcn_out)

# --- scband reference (transcript-rebuilt; emitter-appended) ---
"""Pipeline reference for scband-text-graph-model-68753836474409 (READ-ONLY COPY).

The authoritative reference and input builder live on the scoring server;
editing this copy changes nothing except your own understanding.
"""

import jax, jax.numpy as jnp
import numpy as np

N_NODES = 10000
N_EDGES = 320000
D_FEAT = 128
D_HID = 128
D_OUT = 128
VOCAB = 30000
B = 8
S = 128
LM_DIM = 1024
MLP_OUT = 256


def gcn_conv(x, edge_index, W, b):
    # PyG-style GCNConv: add self-loops, symmetric normalization, scatter-add aggregation
    N = x.shape[0]
    loop = jnp.arange(N, dtype=edge_index.dtype)
    src = jnp.concatenate([edge_index[0], loop])
    dst = jnp.concatenate([edge_index[1], loop])
    deg = jax.ops.segment_sum(jnp.ones(src.shape[0], dtype=x.dtype), dst, num_segments=N)
    dinv = jnp.where(deg > 0, jax.lax.rsqrt(jnp.maximum(deg, 1e-12)), 0.0)
    norm = dinv[src] * dinv[dst]
    msg = x @ W
    out = jax.ops.segment_sum(norm[:, None] * msg[src], dst, num_segments=N)
    return out + b


def setup_inputs(seed: int = 0) -> dict:
    key = jax.random.key(seed)
    ks = jax.random.split(key, 10)
    ids = jax.random.randint(ks[0], (B, S), 0, VOCAB, dtype=jnp.int32)
    mask = jnp.ones((B, S), dtype=jnp.int32)
    edge_index = jax.random.randint(ks[1], (2, N_EDGES), 0, N_NODES, dtype=jnp.int32)
    node_features = jax.random.normal(ks[2], (N_NODES, D_FEAT), dtype=jnp.float32)
    lm_embed = jax.random.normal(ks[3], (VOCAB, LM_DIM), dtype=jnp.float32) * 0.02
    W_mlp = jax.random.normal(ks[4], (LM_DIM, MLP_OUT), dtype=jnp.float32) * 0.02
    b_mlp = jnp.zeros((MLP_OUT,), dtype=jnp.float32)
    W1 = jax.random.normal(ks[5], (D_FEAT, D_HID), dtype=jnp.float32) * 0.05
    b1 = jnp.zeros((D_HID,), dtype=jnp.float32)
    W2 = jax.random.normal(ks[6], (D_HID, D_OUT), dtype=jnp.float32) * 0.05
    b2 = jnp.zeros((D_OUT,), dtype=jnp.float32)
    return {"ids": ids, "mask": mask, "edge_index": edge_index, "node_features": node_features,
            "lm_embed": lm_embed, "W_mlp": W_mlp, "b_mlp": b_mlp,
            "W1": W1, "b1": b1, "W2": W2, "b2": b2}


def reference(ids, mask, edge_index, node_features, lm_embed, W_mlp, b_mlp, W1, b1, W2, b2):
    # LM branch (stand-in LM: token embedding masked, CLS token at position 0)
    h = lm_embed[ids] * mask[..., None].astype(lm_embed.dtype)
    cls = h[:, 0, :]
    # dropout is identity in eval mode
    lm_embeddings = cls @ W_mlp + b_mlp
    # GCN branch
    g = jax.nn.relu(gcn_conv(node_features, edge_index, W1, b1))
    gcn_embeddings = gcn_conv(g, edge_index, W2, b2)
    return (lm_embeddings, gcn_embeddings)

if __name__ == "__main__":
    import jax
    _d = setup_inputs()
    print(jax.jit(kernel)(*tuple(_d.values())))

</pallas_src>

<mosaic_0001>
#map = affine_map<(d0, d1) -> (0, 0, 0)>
module attributes {stable_mosaic.version = 14 : i64} {
  func.func @_deg_body(%arg0: i32, %arg1: i32, %arg2: memref<16x250x80xi32, #tpu.memory_space<hbm>>, %arg3: memref<2x10000x16xf32, #tpu.memory_space<hbm>>, %arg4: memref<125x80xi32, #tpu.memory_space<vmem>>, %arg5: memref<80x16xf32, #tpu.memory_space<vmem>>, %arg6: memref<125x16xf32, #tpu.memory_space<vmem>>, %arg7: memref<10000x16xf32, #tpu.memory_space<vmem_shared>>, %arg8: memref<!tpu.dma_semaphore, #tpu.memory_space<semaphore_mem>>) attributes {dimension_semantics = [#tpu.dimension_semantics<core_parallel>, #tpu.dimension_semantics<subcore_parallel>], iteration_bounds = array<i64: 2, 16>, scalar_prefetch = 0 : i64, scratch_operands = 5 : i64, tpu.core_type = #tpu.core_type<sc_vector_subcore>, window_params = [{transform_indices = #map}, {transform_indices = #map}]} {
    %mul3A = arith.constant 125 : i32
    %mul3A_0 = arith.muli %arg0, %mul3A : i32
    "tpu.region"() ({
      %run_scoped3A = tpu.sem_alloc : memref<!tpu.dma_semaphore, #tpu.memory_space<semaphore_mem>>
      %dma_start3A = arith.constant 0 : i32
      %dma_start3A_49 = tpu.memref_slice %arg2[%arg1, %mul3A_0, %dma_start3A] : memref<16x250x80xi32, #tpu.memory_space<hbm>> -> memref<1x125x80xi32, #tpu.memory_space<hbm>>
      %dma_start3A_50 = tpu.memref_squeeze %dma_start3A_49 : memref<1x125x80xi32, #tpu.memory_space<hbm>> -> memref<125x80xi32, #tpu.memory_space<hbm>>
      %dma_start3A_51 = arith.constant 0 : i32
      %dma_start3A_52 = tpu.memref_slice %arg2[%arg1, %mul3A_0, %dma_start3A_51] : memref<16x250x80xi32, #tpu.memory_space<hbm>> -> memref<1x125x80xi32, #tpu.memory_space<hbm>>
      %dma_start3A_53 = tpu.memref_squeeze %dma_start3A_52 : memref<1x125x80xi32, #tpu.memory_space<hbm>> -> memref<125x80xi32, #tpu.memory_space<hbm>>
      tpu.enqueue_dma source(%dma_start3A_53 : memref<125x80xi32, #tpu.memory_space<hbm>>) target(%arg4 : memref<125x80xi32, #tpu.memory_space<vmem>>) target_semaphore(%run_scoped3A : memref<!tpu.dma_semaphore, #tpu.memory_space<semaphore_mem>>)
      %dma_wait3A = arith.constant 0 : i32
      %dma_wait3A_54 = tpu.memref_slice %arg2[%arg1, %mul3A_0, %dma_wait3A] : memref<16x250x80xi32, #tpu.memory_space<hbm>> -> memref<1x125x80xi32, #tpu.memory_space<hbm>>
      %dma_wait3A_55 = tpu.memref_squeeze %dma_wait3A_54 : memref<1x125x80xi32, #tpu.memory_space<hbm>> -> memref<125x80xi32, #tpu.memory_space<hbm>>
      %dma_wait3A_56 = arith.constant 0 : i32
      %dma_wait3A_57 = tpu.memref_slice %arg2[%arg1, %mul3A_0, %dma_wait3A_56] : memref<16x250x80xi32, #tpu.memory_space<hbm>> -> memref<1x125x80xi32, #tpu.memory_space<hbm>>
      %dma_wait3A_58 = tpu.memref_squeeze %dma_wait3A_57 : memref<1x125x80xi32, #tpu.memory_space<hbm>> -> memref<125x80xi32, #tpu.memory_space<hbm>>
      tpu.wait_dma2 semaphore(%run_scoped3A : memref<!tpu.dma_semaphore, #tpu.memory_space<semaphore_mem>>) src(%dma_wait3A_58 : memref<125x80xi32, #tpu.memory_space<hbm>>) dst(%arg4 : memref<125x80xi32, #tpu.memory_space<vmem>>)
      tpu.yield
    }) : () -> ()
    %broadcast_in_dim3A = arith.constant 0.000000e+00 : f32
    %broadcast_in_dim3A_1 = vector.broadcast %broadcast_in_dim3A : f32 to vector<16xf32>
    %broadcast_in_dim3A_2 = arith.constant 1.000000e+00 : f32
    %broadcast_in_dim3A_3 = vector.broadcast %broadcast_in_dim3A_2 : f32 to vector<16xf32>
    %scan3A = arith.constant 0 : i32
    %scan3A_4 = arith.constant 0 : i32
    %scan3A_5 = arith.constant 125 : i32
    %scan3A_6 = arith.addi %scan3A_4, %scan3A_5 : i32
    %scan3A_7 = arith.constant 1 : i32
    scf.for %scan3A_49 = %scan3A_4 to %scan3A_6 step %scan3A_7  : i32 {
      %swap3A = arith.index_cast %scan3A_49 : i32 to index
      %swap3A_50 = arith.constant 0 : index
      %swap3A_51 = tpu.vector_load %arg6[%swap3A, %swap3A_50] {strides = array<i32>} : memref<125x16xf32, #tpu.memory_space<vmem>>, vector<1x16xf32>,
      %swap3A_52 = vector.shape_cast %swap3A_51 : vector<1x16xf32> to vector<16xf32>
      %swap3A_53 = vector.shape_cast %broadcast_in_dim3A_1 : vector<16xf32> to vector<1x16xf32>
      tpu.vector_store %arg6[%swap3A, %swap3A_50], %swap3A_53 {strides = array<i32>} : memref<125x16xf32, #tpu.memory_space<vmem>>, vector<1x16xf32>,
    }
    %scan3A_8 = arith.constant 125 : i32
    %scan3A_9 = arith.constant 0 : i32
    %scan3A_10 = arith.constant 0 : i32
    %scan3A_11 = arith.constant 80 : i32
    %scan3A_12 = arith.addi %scan3A_10, %scan3A_11 : i32
    %scan3A_13 = arith.constant 1 : i32
    scf.for %scan3A_49 = %scan3A_10 to %scan3A_12 step %scan3A_13  : i32 {
      %swap3A = arith.index_cast %scan3A_49 : i32 to index
      %swap3A_50 = arith.constant 0 : index
      %swap3A_51 = tpu.vector_load %arg5[%swap3A, %swap3A_50] {strides = array<i32>} : memref<80x16xf32, #tpu.memory_space<vmem>>, vector<1x16xf32>,
      %swap3A_52 = vector.shape_cast %swap3A_51 : vector<1x16xf32> to vector<16xf32>
      %swap3A_53 = vector.shape_cast %broadcast_in_dim3A_3 : vector<16xf32> to vector<1x16xf32>
      tpu.vector_store %arg5[%swap3A, %swap3A_50], %swap3A_53 {strides = array<i32>} : memref<80x16xf32, #tpu.memory_space<vmem>>, vector<1x16xf32>,
    }
    %scan3A_14 = arith.constant 80 : i32
    %mul3A_15 = arith.constant 625 : i32
    %mul3A_16 = arith.muli %arg1, %mul3A_15 : i32
    %add3A = arith.constant 0 : i32
    %add3A_17 = arith.addi %mul3A_16, %add3A : i32
    "tpu.region"() ({
      %run_scoped3A = tpu.sem_alloc : memref<!tpu.dma_semaphore, #tpu.memory_space<semaphore_mem>>
      %dma_start3A = arith.constant 0 : i32
      %dma_start3A_49 = tpu.memref_slice %arg7[%add3A_17, %dma_start3A] : memref<10000x16xf32, #tpu.memory_space<vmem_shared>> -> memref<125x16xf32, #tpu.memory_space<vmem_shared>>
      %dma_start3A_50 = arith.constant 0 : i32
      %dma_start3A_51 = tpu.memref_slice %arg7[%add3A_17, %dma_start3A_50] : memref<10000x16xf32, #tpu.memory_space<vmem_shared>> -> memref<125x16xf32, #tpu.memory_space<vmem_shared>>
      tpu.enqueue_dma source(%arg6 : memref<125x16xf32, #tpu.memory_space<vmem>>) target(%dma_start3A_51 : memref<125x16xf32, #tpu.memory_space<vmem_shared>>) target_semaphore(%run_scoped3A : memref<!tpu.dma_semaphore, #tpu.memory_space<semaphore_mem>>)
      %dma_wait3A = arith.constant 0 : i32
      %dma_wait3A_52 = tpu.memref_slice %arg7[%add3A_17, %dma_wait3A] : memref<10000x16xf32, #tpu.memory_space<vmem_shared>> -> memref<125x16xf32, #tpu.memory_space<vmem_shared>>
      %dma_wait3A_53 = arith.constant 0 : i32
      %dma_wait3A_54 = tpu.memref_slice %arg7[%add3A_17, %dma_wait3A_53] : memref<10000x16xf32, #tpu.memory_space<vmem_shared>> -> memref<125x16xf32, #tpu.memory_space<vmem_shared>>
      tpu.wait_dma2 semaphore(%run_scoped3A : memref<!tpu.dma_semaphore, #tpu.memory_space<semaphore_mem>>) src(%arg6 : memref<125x16xf32, #tpu.memory_space<vmem>>) dst(%dma_wait3A_54 : memref<125x16xf32, #tpu.memory_space<vmem_shared>>)
      tpu.yield
    }) : () -> ()
    %mul3A_18 = arith.constant 625 : i32
    %mul3A_19 = arith.muli %arg1, %mul3A_18 : i32
    %add3A_20 = arith.constant 125 : i32
    %add3A_21 = arith.addi %mul3A_19, %add3A_20 : i32
    "tpu.region"() ({
      %run_scoped3A = tpu.sem_alloc : memref<!tpu.dma_semaphore, #tpu.memory_space<semaphore_mem>>
      %dma_start3A = arith.constant 0 : i32
      %dma_start3A_49 = tpu.memref_slice %arg7[%add3A_21, %dma_start3A] : memref<10000x16xf32, #tpu.memory_space<vmem_shared>> -> memref<125x16xf32, #tpu.memory_space<vmem_shared>>
      %dma_start3A_50 = arith.constant 0 : i32
      %dma_start3A_51 = tpu.memref_slice %arg7[%add3A_21, %dma_start3A_50] : memref<10000x16xf32, #tpu.memory_space<vmem_shared>> -> memref<125x16xf32, #tpu.memory_space<vmem_shared>>
      tpu.enqueue_dma source(%arg6 : memref<125x16xf32, #tpu.memory_space<vmem>>) target(%dma_start3A_51 : memref<125x16xf32, #tpu.memory_space<vmem_shared>>) target_semaphore(%run_scoped3A : memref<!tpu.dma_semaphore, #tpu.memory_space<semaphore_mem>>)
      %dma_wait3A = arith.constant 0 : i32
      %dma_wait3A_52 = tpu.memref_slice %arg7[%add3A_21, %dma_wait3A] : memref<10000x16xf32, #tpu.memory_space<vmem_shared>> -> memref<125x16xf32, #tpu.memory_space<vmem_shared>>
      %dma_wait3A_53 = arith.constant 0 : i32
      %dma_wait3A_54 = tpu.memref_slice %arg7[%add3A_21, %dma_wait3A_53] : memref<10000x16xf32, #tpu.memory_space<vmem_shared>> -> memref<125x16xf32, #tpu.memory_space<vmem_shared>>
      tpu.wait_dma2 semaphore(%run_scoped3A : memref<!tpu.dma_semaphore, #tpu.memory_space<semaphore_mem>>) src(%arg6 : memref<125x16xf32, #tpu.memory_space<vmem>>) dst(%dma_wait3A_54 : memref<125x16xf32, #tpu.memory_space<vmem_shared>>)
      tpu.yield
    }) : () -> ()
    %mul3A_22 = arith.constant 625 : i32
    %mul3A_23 = arith.muli %arg1, %mul3A_22 : i32
    %add3A_24 = arith.constant 250 : i32
    %add3A_25 = arith.addi %mul3A_23, %add3A_24 : i32
    "tpu.region"() ({
      %run_scoped3A = tpu.sem_alloc : memref<!tpu.dma_semaphore, #tpu.memory_space<semaphore_mem>>
      %dma_start3A = arith.constant 0 : i32
      %dma_start3A_49 = tpu.memref_slice %arg7[%add3A_25, %dma_start3A] : memref<10000x16xf32, #tpu.memory_space<vmem_shared>> -> memref<125x16xf32, #tpu.memory_space<vmem_shared>>
      %dma_start3A_50 = arith.constant 0 : i32
      %dma_start3A_51 = tpu.memref_slice %arg7[%add3A_25, %dma_start3A_50] : memref<10000x16xf32, #tpu.memory_space<vmem_shared>> -> memref<125x16xf32, #tpu.memory_space<vmem_shared>>
      tpu.enqueue_dma source(%arg6 : memref<125x16xf32, #tpu.memory_space<vmem>>) target(%dma_start3A_51 : memref<125x16xf32, #tpu.memory_space<vmem_shared>>) target_semaphore(%run_scoped3A : memref<!tpu.dma_semaphore, #tpu.memory_space<semaphore_mem>>)
      %dma_wait3A = arith.constant 0 : i32
      %dma_wait3A_52 = tpu.memref_slice %arg7[%add3A_25, %dma_wait3A] : memref<10000x16xf32, #tpu.memory_space<vmem_shared>> -> memref<125x16xf32, #tpu.memory_space<vmem_shared>>
      %dma_wait3A_53 = arith.constant 0 : i32
      %dma_wait3A_54 = tpu.memref_slice %arg7[%add3A_25, %dma_wait3A_53] : memref<10000x16xf32, #tpu.memory_space<vmem_shared>> -> memref<125x16xf32, #tpu.memory_space<vmem_shared>>
      tpu.wait_dma2 semaphore(%run_scoped3A : memref<!tpu.dma_semaphore, #tpu.memory_space<semaphore_mem>>) src(%arg6 : memref<125x16xf32, #tpu.memory_space<vmem>>) dst(%dma_wait3A_54 : memref<125x16xf32, #tpu.memory_space<vmem_shared>>)
      tpu.yield
    }) : () -> ()
    %mul3A_26 = arith.constant 625 : i32
    %mul3A_27 = arith.muli %arg1, %mul3A_26 : i32
    %add3A_28 = arith.constant 375 : i32
    %add3A_29 = arith.addi %mul3A_27, %add3A_28 : i32
    "tpu.region"() ({
      %run_scoped3A = tpu.sem_alloc : memref<!tpu.dma_semaphore, #tpu.memory_space<semaphore_mem>>
      %dma_start3A = arith.constant 0 : i32
      %dma_start3A_49 = tpu.memref_slice %arg7[%add3A_29, %dma_start3A] : memref<10000x16xf32, #tpu.memory_space<vmem_shared>> -> memref<125x16xf32, #tpu.memory_space<vmem_shared>>
      %dma_start3A_50 = arith.constant 0 : i32
      %dma_start3A_51 = tpu.memref_slice %arg7[%add3A_29, %dma_start3A_50] : memref<10000x16xf32, #tpu.memory_space<vmem_shared>> -> memref<125x16xf32, #tpu.memory_space<vmem_shared>>
      tpu.enqueue_dma source(%arg6 : memref<125x16xf32, #tpu.memory_space<vmem>>) target(%dma_start3A_51 : memref<125x16xf32, #tpu.memory_space<vmem_shared>>) target_semaphore(%run_scoped3A : memref<!tpu.dma_semaphore, #tpu.memory_space<semaphore_mem>>)
      %dma_wait3A = arith.constant 0 : i32
      %dma_wait3A_52 = tpu.memref_slice %arg7[%add3A_29, %dma_wait3A] : memref<10000x16xf32, #tpu.memory_space<vmem_shared>> -> memref<125x16xf32, #tpu.memory_space<vmem_shared>>
      %dma_wait3A_53 = arith.constant 0 : i32
      %dma_wait3A_54 = tpu.memref_slice %arg7[%add3A_29, %dma_wait3A_53] : memref<10000x16xf32, #tpu.memory_space<vmem_shared>> -> memref<125x16xf32, #tpu.memory_space<vmem_shared>>
      tpu.wait_dma2 semaphore(%run_scoped3A : memref<!tpu.dma_semaphore, #tpu.memory_space<semaphore_mem>>) src(%arg6 : memref<125x16xf32, #tpu.memory_space<vmem>>) dst(%dma_wait3A_54 : memref<125x16xf32, #tpu.memory_space<vmem_shared>>)
      tpu.yield
    }) : () -> ()
    %mul3A_30 = arith.constant 625 : i32
    %mul3A_31 = arith.muli %arg1, %mul3A_30 : i32
    %add3A_32 = arith.constant 500 : i32
    %add3A_33 = arith.addi %mul3A_31, %add3A_32 : i32
    "tpu.region"() ({
      %run_scoped3A = tpu.sem_alloc : memref<!tpu.dma_semaphore, #tpu.memory_space<semaphore_mem>>
      %dma_start3A = arith.constant 0 : i32
      %dma_start3A_49 = tpu.memref_slice %arg7[%add3A_33, %dma_start3A] : memref<10000x16xf32, #tpu.memory_space<vmem_shared>> -> memref<125x16xf32, #tpu.memory_space<vmem_shared>>
      %dma_start3A_50 = arith.constant 0 : i32
      %dma_start3A_51 = tpu.memref_slice %arg7[%add3A_33, %dma_start3A_50] : memref<10000x16xf32, #tpu.memory_space<vmem_shared>> -> memref<125x16xf32, #tpu.memory_space<vmem_shared>>
      tpu.enqueue_dma source(%arg6 : memref<125x16xf32, #tpu.memory_space<vmem>>) target(%dma_start3A_51 : memref<125x16xf32, #tpu.memory_space<vmem_shared>>) target_semaphore(%run_scoped3A : memref<!tpu.dma_semaphore, #tpu.memory_space<semaphore_mem>>)
      %dma_wait3A = arith.constant 0 : i32
      %dma_wait3A_52 = tpu.memref_slice %arg7[%add3A_33, %dma_wait3A] : memref<10000x16xf32, #tpu.memory_space<vmem_shared>> -> memref<125x16xf32, #tpu.memory_space<vmem_shared>>
      %dma_wait3A_53 = arith.constant 0 : i32
      %dma_wait3A_54 = tpu.memref_slice %arg7[%add3A_33, %dma_wait3A_53] : memref<10000x16xf32, #tpu.memory_space<vmem_shared>> -> memref<125x16xf32, #tpu.memory_space<vmem_shared>>
      tpu.wait_dma2 semaphore(%run_scoped3A : memref<!tpu.dma_semaphore, #tpu.memory_space<semaphore_mem>>) src(%arg6 : memref<125x16xf32, #tpu.memory_space<vmem>>) dst(%dma_wait3A_54 : memref<125x16xf32, #tpu.memory_space<vmem_shared>>)
      tpu.yield
    }) : () -> ()
    %barrier3A = arith.constant 0 : index
    tpu.barrier barrier_id(%barrier3A)
    %scan3A_34 = arith.constant 0 : i32
    %scan3A_35 = arith.constant 0 : i32
    %scan3A_36 = arith.constant 125 : i32
    %scan3A_37 = arith.addi %scan3A_35, %scan3A_36 : i32
    %scan3A_38 = arith.constant 1 : i32
    scf.for %scan3A_49 = %scan3A_35 to %scan3A_37 step %scan3A_38  : i32 {
      %dma_start3A = arith.constant 0 : i32
      %dma_start3A_50 = tpu.memref_slice %arg4[%scan3A_49, %dma_start3A] : memref<125x80xi32, #tpu.memory_space<vmem>> -> memref<1x80xi32, #tpu.memory_space<vmem>>
      %dma_start3A_51 = tpu.memref_squeeze %dma_start3A_50 : memref<1x80xi32, #tpu.memory_space<vmem>> -> memref<80xi32, #tpu.memory_space<vmem>>
      %dma_start3A_52 = arith.constant 0 : i32
      %dma_start3A_53 = arith.constant 0 : i32
      %dma_start3A_54 = tpu.memref_slice %arg7[%dma_start3A_52, %dma_start3A_53] : memref<10000x16xf32, #tpu.memory_space<vmem_shared>> -> memref<10000x16xf32, #tpu.memory_space<vmem_shared>>
      tpu.enqueue_indirect_dma source(%arg5 : memref<80x16xf32, #tpu.memory_space<vmem>>) target(%dma_start3A_54 : memref<10000x16xf32, #tpu.memory_space<vmem_shared>>) offsets(%dma_start3A_51 : memref<80xi32, #tpu.memory_space<vmem>>) semaphore(%arg8 : memref<!tpu.dma_semaphore, #tpu.memory_space<semaphore_mem>>) {add = true}
    }
    %scan3A_39 = arith.constant 125 : i32
    %scan3A_40 = arith.constant 0 : i32
    %scan3A_41 = arith.constant 0 : i32
    %scan3A_42 = arith.constant 125 : i32
    %scan3A_43 = arith.addi %scan3A_41, %scan3A_42 : i32
    %scan3A_44 = arith.constant 1 : i32
    scf.for %scan3A_49 = %scan3A_41 to %scan3A_43 step %scan3A_44  : i32 {
      %dma_wait3A = arith.constant 0 : i32
      %dma_wait3A_50 = arith.constant 0 : i32
      %dma_wait3A_51 = arith.constant 0 : i32
      %dma_wait3A_52 = tpu.memref_slice %arg3[%dma_wait3A, %dma_wait3A_50, %dma_wait3A_51] : memref<2x10000x16xf32, #tpu.memory_space<hbm>> -> memref<1x80x16xf32, #tpu.memory_space<hbm>>
      %dma_wait3A_53 = tpu.memref_squeeze %dma_wait3A_52 : memref<1x80x16xf32, #tpu.memory_space<hbm>> -> memref<80x16xf32, #tpu.memory_space<hbm>>
      %dma_wait3A_54 = arith.constant 0 : i32
      %dma_wait3A_55 = arith.constant 0 : i32
      %dma_wait3A_56 = tpu.memref_slice %arg3[%dma_wait3A, %dma_wait3A_54, %dma_wait3A_55] : memref<2x10000x16xf32, #tpu.memory_space<hbm>> -> memref<1x80x16xf32, #tpu.memory_space<hbm>>
      %dma_wait3A_57 = tpu.memref_squeeze %dma_wait3A_56 : memref<1x80x16xf32, #tpu.memory_space<hbm>> -> memref<80x16xf32, #tpu.memory_space<hbm>>
      tpu.wait_dma2 semaphore(%arg8 : memref<!tpu.dma_semaphore, #tpu.memory_space<semaphore_mem>>) src(%dma_wait3A_57 : memref<80x16xf32, #tpu.memory_space<hbm>>) dst(%arg5 : memref<80x16xf32, #tpu.memory_space<vmem>>)
    }
    %scan3A_45 = arith.constant 125 : i32
    %barrier3A_46 = arith.constant 0 : index
    tpu.barrier barrier_id(%barrier3A_46)
    %mul3A_47 = arith.constant 625 : i32
    %mul3A_48 = arith.muli %arg1, %mul3A_47 : i32
    "tpu.region"() ({
      %run_scoped3A = tpu.sem_alloc : memref<!tpu.dma_semaphore, #tpu.memory_space<semaphore_mem>>
      %dma_start3A = arith.constant 0 : i32
      %dma_start3A_49 = tpu.memref_slice %arg3[%arg0, %mul3A_48, %dma_start3A] : memref<2x10000x16xf32, #tpu.memory_space<hbm>> -> memref<1x625x16xf32, #tpu.memory_space<hbm>>
      %dma_start3A_50 = tpu.memref_squeeze %dma_start3A_49 : memref<1x625x16xf32, #tpu.memory_space<hbm>> -> memref<625x16xf32, #tpu.memory_space<hbm>>
      %dma_start3A_51 = arith.constant 0 : i32
      %dma_start3A_52 = tpu.memref_slice %arg7[%mul3A_48, %dma_start3A_51] : memref<10000x16xf32, #tpu.memory_space<vmem_shared>> -> memref<625x16xf32, #tpu.memory_space<vmem_shared>>
      tpu.enqueue_dma source(%dma_start3A_52 : memref<625x16xf32, #tpu.memory_space<vmem_shared>>) target(%dma_start3A_50 : memref<625x16xf32, #tpu.memory_space<hbm>>) target_semaphore(%run_scoped3A : memref<!tpu.dma_semaphore, #tpu.memory_space<semaphore_mem>>)
      %dma_wait3A = arith.constant 0 : i32
      %dma_wait3A_53 = tpu.memref_slice %arg3[%arg0, %mul3A_48, %dma_wait3A] : memref<2x10000x16xf32, #tpu.memory_space<hbm>> -> memref<1x625x16xf32, #tpu.memory_space<hbm>>
      %dma_wait3A_54 = tpu.memref_squeeze %dma_wait3A_53 : memref<1x625x16xf32, #tpu.memory_space<hbm>> -> memref<625x16xf32, #tpu.memory_space<hbm>>
      %dma_wait3A_55 = arith.constant 0 : i32
      %dma_wait3A_56 = tpu.memref_slice %arg7[%mul3A_48, %dma_wait3A_55] : memref<10000x16xf32, #tpu.memory_space<vmem_shared>> -> memref<625x16xf32, #tpu.memory_space<vmem_shared>>
      tpu.wait_dma2 semaphore(%run_scoped3A : memref<!tpu.dma_semaphore, #tpu.memory_space<semaphore_mem>>) src(%dma_wait3A_56 : memref<625x16xf32, #tpu.memory_space<vmem_shared>>) dst(%dma_wait3A_54 : memref<625x16xf32, #tpu.memory_space<hbm>>)
      tpu.yield
    }) : () -> ()
    return
  }
}

#map = affine_map<(d0, d1) -> (0, 0)>
#map1 = affine_map<(d0, d1) -> (0, 0, 0)>
module attributes {stable_mosaic.version = 14 : i64} {
  func.func @_scatter_body(%arg0: i32, %arg1: i32, %arg2: memref<10000x64xf32, #tpu.memory_space<hbm>>, %arg3: memref<10000x64xf32, #tpu.memory_space<hbm>>, %arg4: memref<16x250x80xi32, #tpu.memory_space<hbm>>, %arg5: memref<16x250x80xi32, #tpu.memory_space<hbm>>, %arg6: memref<10000x128xf32, #tpu.memory_space<hbm>>, %arg7: memref<250x80xi32, #tpu.memory_space<vmem>>, %arg8: memref<250x80xi32, #tpu.memory_space<vmem>>, %arg9: memref<2x4x80x64xf32, #tpu.memory_space<vmem>>, %arg10: memref<125x64xf32, #tpu.memory_space<vmem>>, %arg11: memref<10000x64xf32, #tpu.memory_space<vmem_shared>>, %arg12: memref<!tpu.dma_semaphore, #tpu.memory_space<semaphore_mem>>, %arg13: memref<!tpu.dma_semaphore, #tpu.memory_space<semaphore_mem>>) attributes {dimension_semantics = [#tpu.dimension_semantics<core_parallel>, #tpu.dimension_semantics<subcore_parallel>], iteration_bounds = array<i64: 2, 16>, scalar_prefetch = 0 : i64, scratch_operands = 7 : i64, tpu.core_type = #tpu.core_type<sc_vector_subcore>, window_params = [{transform_indices = #map}, {transform_indices = #map}, {transform_indices = #map1}, {transform_indices = #map1}, {transform_indices = #map}]} {
    %dma_start3A = arith.constant 0 : i32
    %dma_start3A_0 = arith.constant 0 : i32
    %dma_start3A_1 = tpu.memref_slice %arg4[%arg1, %dma_start3A, %dma_start3A_0] : memref<16x250x80xi32, #tpu.memory_space<hbm>> -> memref<1x250x80xi32, #tpu.memory_space<hbm>>
    %dma_start3A_2 = tpu.memref_squeeze %dma_start3A_1 : memref<1x250x80xi32, #tpu.memory_space<hbm>> -> memref<250x80xi32, #tpu.memory_space<hbm>>
    %dma_start3A_3 = arith.constant 0 : i32
    %dma_start3A_4 = arith.constant 0 : i32
    %dma_start3A_5 = tpu.memref_slice %arg4[%arg1, %dma_start3A_3, %dma_start3A_4] : memref<16x250x80xi32, #tpu.memory_space<hbm>> -> memref<1x250x80xi32, #tpu.memory_space<hbm>>
    %dma_start3A_6 = tpu.memref_squeeze %dma_start3A_5 : memref<1x250x80xi32, #tpu.memory_space<hbm>> -> memref<250x80xi32, #tpu.memory_space<hbm>>
    tpu.enqueue_dma source(%dma_start3A_6 : memref<250x80xi32, #tpu.memory_space<hbm>>) target(%arg7 : memref<250x80xi32, #tpu.memory_space<vmem>>) target_semaphore(%arg12 : memref<!tpu.dma_semaphore, #tpu.memory_space<semaphore_mem>>)
    %dma_start3A_7 = arith.constant 0 : i32
    %dma_start3A_8 = arith.constant 0 : i32
    %dma_start3A_9 = tpu.memref_slice %arg5[%arg1, %dma_start3A_7, %dma_start3A_8] : memref<16x250x80xi32, #tpu.memory_space<hbm>> -> memref<1x250x80xi32, #tpu.memory_space<hbm>>
    %dma_start3A_10 = tpu.memref_squeeze %dma_start3A_9 : memref<1x250x80xi32, #tpu.memory_space<hbm>> -> memref<250x80xi32, #tpu.memory_space<hbm>>
    %dma_start3A_11 = arith.constant 0 : i32
    %dma_start3A_12 = arith.constant 0 : i32
    %dma_start3A_13 = tpu.memref_slice %arg5[%arg1, %dma_start3A_11, %dma_start3A_12] : memref<16x250x80xi32, #tpu.memory_space<hbm>> -> memref<1x250x80xi32, #tpu.memory_space<hbm>>
    %dma_start3A_14 = tpu.memref_squeeze %dma_start3A_13 : memref<1x250x80xi32, #tpu.memory_space<hbm>> -> memref<250x80xi32, #tpu.memory_space<hbm>>
    tpu.enqueue_dma source(%dma_start3A_14 : memref<250x80xi32, #tpu.memory_space<hbm>>) target(%arg8 : memref<250x80xi32, #tpu.memory_space<vmem>>) target_semaphore(%arg13 : memref<!tpu.dma_semaphore, #tpu.memory_space<semaphore_mem>>)
    %broadcast_in_dim3A = arith.constant 0.000000e+00 : f32
    %broadcast_in_dim3A_15 = vector.broadcast %broadcast_in_dim3A : f32 to vector<16xf32>
    %scan3A = arith.constant 0 : i32
    %scan3A_16 = arith.constant 0 : i32
    %scan3A_17 = arith.constant 500 : i32
    %scan3A_18 = arith.addi %scan3A_16, %scan3A_17 : i32
    %scan3A_19 = arith.constant 1 : i32
    scf.for %scan3A_294 = %scan3A_16 to %scan3A_18 step %scan3A_19  : i32 {
      %jit3A = arith.constant 4 : i32
      %div3A = arith.divsi %scan3A_294, %jit3A : i32
      %sign3A = arith.constant 0 : i32
      %sign3A_295 = arith.cmpi sgt, %scan3A_294, %sign3A : i32
      %sign3A_296 = arith.extui %sign3A_295 : i1 to i32
      %sign3A_297 = arith.constant 0 : i32
      %sign3A_298 = arith.cmpi slt, %scan3A_294, %sign3A_297 : i32
      %sign3A_299 = arith.extui %sign3A_298 : i1 to i32
      %sign3A_300 = arith.subi %sign3A_296, %sign3A_299 : i32
      %sign3A_301 = arith.constant 0 : i32
      %sign3A_302 = arith.cmpi sgt, %jit3A, %sign3A_301 : i32
      %sign3A_303 = arith.extui %sign3A_302 : i1 to i32
      %sign3A_304 = arith.constant 0 : i32
      %sign3A_305 = arith.cmpi slt, %jit3A, %sign3A_304 : i32
      %sign3A_306 = arith.extui %sign3A_305 : i1 to i32
      %sign3A_307 = arith.subi %sign3A_303, %sign3A_306 : i32
      %ne3A = arith.cmpi ne, %sign3A_300, %sign3A_307 : i32
      %rem3A = arith.remsi %scan3A_294, %jit3A : i32
      %ne3A_308 = arith.constant 0 : i32
      %ne3A_309 = arith.cmpi ne, %rem3A, %ne3A_308 : i32
      %and3A = arith.andi %ne3A, %ne3A_309 : i1
      %sub3A = arith.constant 1 : i32
      %sub3A_310 = arith.subi %div3A, %sub3A : i32
      %select_n3A = arith.select %and3A, %sub3A_310, %div3A : i32
      %jit3A_311 = arith.constant 4 : i32
      %eq3A_312 = arith.constant 0 : i32
      %eq3A_313 = arith.cmpi eq, %jit3A_311, %eq3A_312 : i32
      %jit3A_314 = arith.constant 1 : i32
      %select_n3A_315 = arith.select %eq3A_313, %jit3A_314, %jit3A_311 : i32
      %rem3A_316 = arith.remsi %scan3A_294, %select_n3A_315 : i32
      %ne3A_317 = arith.constant 0 : i32
      %ne3A_318 = arith.cmpi ne, %rem3A_316, %ne3A_317 : i32
      %lt3A = arith.constant 0 : i32
      %lt3A_319 = arith.cmpi slt, %rem3A_316, %lt3A : i32
      %lt3A_320 = arith.constant 0 : i32
      %lt3A_321 = arith.cmpi slt, %select_n3A_315, %lt3A_320 : i32
      %ne3A_322 = arith.xori %lt3A_319, %lt3A_321 : i1
      %and3A_323 = arith.andi %ne3A_322, %ne3A_318 : i1
      %add3A_324 = arith.addi %rem3A_316, %select_n3A_315 : i32
      %select_n3A_325 = arith.select %and3A_323, %add3A_324, %rem3A_316 : i32
      %mul3A_326 = arith.constant 16 : i32
      %mul3A_327 = arith.muli %select_n3A_325, %mul3A_326 : i32
      %swap3A = arith.index_cast %select_n3A : i32 to index
      %swap3A_328 = arith.index_cast %mul3A_327 : i32 to index
      %swap3A_329 = tpu.vector_load %arg10[%swap3A, %swap3A_328] {strides = array<i32>} : memref<125x64xf32, #tpu.memory_space<vmem>>, vector<1x16xf32>,
      %swap3A_330 = vector.shape_cast %swap3A_329 : vector<1x16xf32> to vector<16xf32>
      %swap3A_331 = vector.shape_cast %broadcast_in_dim3A_15 : vector<16xf32> to vector<1x16xf32>
      tpu.vector_store %arg10[%swap3A, %swap3A_328], %swap3A_331 {strides = array<i32>} : memref<125x64xf32, #tpu.memory_space<vmem>>, vector<1x16xf32>,
    }
    %scan3A_20 = arith.constant 500 : i32
    %mul3A = arith.constant 625 : i32
    %mul3A_21 = arith.muli %arg1, %mul3A : i32
    %add3A = arith.constant 0 : i32
    %add3A_22 = arith.addi %mul3A_21, %add3A : i32
    %dma_start3A_23 = arith.constant 0 : i32
    %dma_start3A_24 = tpu.memref_slice %arg11[%add3A_22, %dma_start3A_23] : memref<10000x64xf32, #tpu.memory_space<vmem_shared>> -> memref<125x64xf32, #tpu.memory_space<vmem_shared>>
    %dma_start3A_25 = arith.constant 0 : i32
    %dma_start3A_26 = tpu.memref_slice %arg11[%add3A_22, %dma_start3A_25] : memref<10000x64xf32, #tpu.memory_space<vmem_shared>> -> memref<125x64xf32, #tpu.memory_space<vmem_shared>>
    tpu.enqueue_dma source(%arg10 : memref<125x64xf32, #tpu.memory_space<vmem>>) target(%dma_start3A_26 : memref<125x64xf32, #tpu.memory_space<vmem_shared>>) target_semaphore(%arg13 : memref<!tpu.dma_semaphore, #tpu.memory_space<semaphore_mem>>)
    %mul3A_27 = arith.constant 625 : i32
    %mul3A_28 = arith.muli %arg1, %mul3A_27 : i32
    %add3A_29 = arith.constant 125 : i32
    %add3A_30 = arith.addi %mul3A_28, %add3A_29 : i32
    %dma_start3A_31 = arith.constant 0 : i32
    %dma_start3A_32 = tpu.memref_slice %arg11[%add3A_30, %dma_start3A_31] : memref<10000x64xf32, #tpu.memory_space<vmem_shared>> -> memref<125x64xf32, #tpu.memory_space<vmem_shared>>
    %dma_start3A_33 = arith.constant 0 : i32
    %dma_start3A_34 = tpu.memref_slice %arg11[%add3A_30, %dma_start3A_33] : memref<10000x64xf32, #tpu.memory_space<vmem_shared>> -> memref<125x64xf32, #tpu.memory_space<vmem_shared>>
    tpu.enqueue_dma source(%arg10 : memref<125x64xf32, #tpu.memory_space<vmem>>) target(%dma_start3A_34 : memref<125x64xf32, #tpu.memory_space<vmem_shared>>) target_semaphore(%arg13 : memref<!tpu.dma_semaphore, #tpu.memory_space<semaphore_mem>>)
    %mul3A_35 = arith.constant 625 : i32
    %mul3A_36 = arith.muli %arg1, %mul3A_35 : i32
    %add3A_37 = arith.constant 250 : i32
    %add3A_38 = arith.addi %mul3A_36, %add3A_37 : i32
    %dma_start3A_39 = arith.constant 0 : i32
    %dma_start3A_40 = tpu.memref_slice %arg11[%add3A_38, %dma_start3A_39] : memref<10000x64xf32, #tpu.memory_space<vmem_shared>> -> memref<125x64xf32, #tpu.memory_space<vmem_shared>>
    %dma_start3A_41 = arith.constant 0 : i32
    %dma_start3A_42 = tpu.memref_slice %arg11[%add3A_38, %dma_start3A_41] : memref<10000x64xf32, #tpu.memory_space<vmem_shared>> -> memref<125x64xf32, #tpu.memory_space<vmem_shared>>
    tpu.enqueue_dma source(%arg10 : memref<125x64xf32, #tpu.memory_space<vmem>>) target(%dma_start3A_42 : memref<125x64xf32, #tpu.memory_space<vmem_shared>>) target_semaphore(%arg13 : memref<!tpu.dma_semaphore, #tpu.memory_space<semaphore_mem>>)
    %mul3A_43 = arith.constant 625 : i32
    %mul3A_44 = arith.muli %arg1, %mul3A_43 : i32
    %add3A_45 = arith.constant 375 : i32
    %add3A_46 = arith.addi %mul3A_44, %add3A_45 : i32
    %dma_start3A_47 = arith.constant 0 : i32
    %dma_start3A_48 = tpu.memref_slice %arg11[%add3A_46, %dma_start3A_47] : memref<10000x64xf32, #tpu.memory_space<vmem_shared>> -> memref<125x64xf32, #tpu.memory_space<vmem_shared>>
    %dma_start3A_49 = arith.constant 0 : i32
    %dma_start3A_50 = tpu.memref_slice %arg11[%add3A_46, %dma_start3A_49] : memref<10000x64xf32, #tpu.memory_space<vmem_shared>> -> memref<125x64xf32, #tpu.memory_space<vmem_shared>>
    tpu.enqueue_dma source(%arg10 : memref<125x64xf32, #tpu.memory_space<vmem>>) target(%dma_start3A_50 : memref<125x64xf32, #tpu.memory_space<vmem_shared>>) target_semaphore(%arg13 : memref<!tpu.dma_semaphore, #tpu.memory_space<semaphore_mem>>)
    %mul3A_51 = arith.constant 625 : i32
    %mul3A_52 = arith.muli %arg1, %mul3A_51 : i32
    %add3A_53 = arith.constant 500 : i32
    %add3A_54 = arith.addi %mul3A_52, %add3A_53 : i32
    %dma_start3A_55 = arith.constant 0 : i32
    %dma_start3A_56 = tpu.memref_slice %arg11[%add3A_54, %dma_start3A_55] : memref<10000x64xf32, #tpu.memory_space<vmem_shared>> -> memref<125x64xf32, #tpu.memory_space<vmem_shared>>
    %dma_start3A_57 = arith.constant 0 : i32
    %dma_start3A_58 = tpu.memref_slice %arg11[%add3A_54, %dma_start3A_57] : memref<10000x64xf32, #tpu.memory_space<vmem_shared>> -> memref<125x64xf32, #tpu.memory_space<vmem_shared>>
    tpu.enqueue_dma source(%arg10 : memref<125x64xf32, #tpu.memory_space<vmem>>) target(%dma_start3A_58 : memref<125x64xf32, #tpu.memory_space<vmem_shared>>) target_semaphore(%arg13 : memref<!tpu.dma_semaphore, #tpu.memory_space<semaphore_mem>>)
    %dma_wait3A = arith.constant 0 : i32
    %dma_wait3A_59 = arith.constant 0 : i32
    %dma_wait3A_60 = tpu.memref_slice %arg4[%arg1, %dma_wait3A, %dma_wait3A_59] : memref<16x250x80xi32, #tpu.memory_space<hbm>> -> memref<1x250x80xi32, #tpu.memory_space<hbm>>
    %dma_wait3A_61 = tpu.memref_squeeze %dma_wait3A_60 : memref<1x250x80xi32, #tpu.memory_space<hbm>> -> memref<250x80xi32, #tpu.memory_space<hbm>>
    %dma_wait3A_62 = arith.constant 0 : i32
    %dma_wait3A_63 = arith.constant 0 : i32
    %dma_wait3A_64 = tpu.memref_slice %arg4[%arg1, %dma_wait3A_62, %dma_wait3A_63] : memref<16x250x80xi32, #tpu.memory_space<hbm>> -> memref<1x250x80xi32, #tpu.memory_space<hbm>>
    %dma_wait3A_65 = tpu.memref_squeeze %dma_wait3A_64 : memref<1x250x80xi32, #tpu.memory_space<hbm>> -> memref<250x80xi32, #tpu.memory_space<hbm>>
    tpu.wait_dma2 semaphore(%arg12 : memref<!tpu.dma_semaphore, #tpu.memory_space<semaphore_mem>>) src(%dma_wait3A_65 : memref<250x80xi32, #tpu.memory_space<hbm>>) dst(%arg7 : memref<250x80xi32, #tpu.memory_space<vmem>>)
    %dma_wait3A_66 = arith.constant 0 : i32
    %dma_wait3A_67 = arith.constant 0 : i32
    %dma_wait3A_68 = tpu.memref_slice %arg5[%arg1, %dma_wait3A_66, %dma_wait3A_67] : memref<16x250x80xi32, #tpu.memory_space<hbm>> -> memref<1x250x80xi32, #tpu.memory_space<hbm>>
    %dma_wait3A_69 = tpu.memref_squeeze %dma_wait3A_68 : memref<1x250x80xi32, #tpu.memory_space<hbm>> -> memref<250x80xi32, #tpu.memory_space<hbm>>
    %dma_wait3A_70 = arith.constant 0 : i32
    %dma_wait3A_71 = arith.constant 0 : i32
    %dma_wait3A_72 = tpu.memref_slice %arg5[%arg1, %dma_wait3A_70, %dma_wait3A_71] : memref<16x250x80xi32, #tpu.memory_space<hbm>> -> memref<1x250x80xi32, #tpu.memory_space<hbm>>
    %dma_wait3A_73 = tpu.memref_squeeze %dma_wait3A_72 : memref<1x250x80xi32, #tpu.memory_space<hbm>> -> memref<250x80xi32, #tpu.memory_space<hbm>>
    tpu.wait_dma2 semaphore(%arg13 : memref<!tpu.dma_semaphore, #tpu.memory_space<semaphore_mem>>) src(%dma_wait3A_73 : memref<250x80xi32, #tpu.memory_space<hbm>>) dst(%arg8 : memref<250x80xi32, #tpu.memory_space<vmem>>)
    %dma_wait3A_74 = arith.constant 0 : i32
    %dma_wait3A_75 = tpu.memref_slice %arg11[%add3A_22, %dma_wait3A_74] : memref<10000x64xf32, #tpu.memory_space<vmem_shared>> -> memref<125x64xf32, #tpu.memory_space<vmem_shared>>
    %dma_wait3A_76 = arith.constant 0 : i32
    %dma_wait3A_77 = tpu.memref_slice %arg11[%add3A_22, %dma_wait3A_76] : memref<10000x64xf32, #tpu.memory_space<vmem_shared>> -> memref<125x64xf32, #tpu.memory_space<vmem_shared>>
    tpu.wait_dma2 semaphore(%arg13 : memref<!tpu.dma_semaphore, #tpu.memory_space<semaphore_mem>>) src(%arg10 : memref<125x64xf32, #tpu.memory_space<vmem>>) dst(%dma_wait3A_77 : memref<125x64xf32, #tpu.memory_space<vmem_shared>>)
    %dma_wait3A_78 = arith.constant 0 : i32
    %dma_wait3A_79 = tpu.memref_slice %arg11[%add3A_30, %dma_wait3A_78] : memref<10000x64xf32, #tpu.memory_space<vmem_shared>> -> memref<125x64xf32, #tpu.memory_space<vmem_shared>>
    %dma_wait3A_80 = arith.constant 0 : i32
    %dma_wait3A_81 = tpu.memref_slice %arg11[%add3A_30, %dma_wait3A_80] : memref<10000x64xf32, #tpu.memory_space<vmem_shared>> -> memref<125x64xf32, #tpu.memory_space<vmem_shared>>
    tpu.wait_dma2 semaphore(%arg13 : memref<!tpu.dma_semaphore, #tpu.memory_space<semaphore_mem>>) src(%arg10 : memref<125x64xf32, #tpu.memory_space<vmem>>) dst(%dma_wait3A_81 : memref<125x64xf32, #tpu.memory_space<vmem_shared>>)
    %dma_wait3A_82 = arith.constant 0 : i32
    %dma_wait3A_83 = tpu.memref_slice %arg11[%add3A_38, %dma_wait3A_82] : memref<10000x64xf32, #tpu.memory_space<vmem_shared>> -> memref<125x64xf32, #tpu.memory_space<vmem_shared>>
    %dma_wait3A_84 = arith.constant 0 : i32
    %dma_wait3A_85 = tpu.memref_slice %arg11[%add3A_38, %dma_wait3A_84] : memref<10000x64xf32, #tpu.memory_space<vmem_shared>> -> memref<125x64xf32, #tpu.memory_space<vmem_shared>>
    tpu.wait_dma2 semaphore(%arg13 : memref<!tpu.dma_semaphore, #tpu.memory_space<semaphore_mem>>) src(%arg10 : memref<125x64xf32, #tpu.memory_space<vmem>>) dst(%dma_wait3A_85 : memref<125x64xf32, #tpu.memory_space<vmem_shared>>)
    %dma_wait3A_86 = arith.constant 0 : i32
    %dma_wait3A_87 = tpu.memref_slice %arg11[%add3A_46, %dma_wait3A_86] : memref<10000x64xf32, #tpu.memory_space<vmem_shared>> -> memref<125x64xf32, #tpu.memory_space<vmem_shared>>
    %dma_wait3A_88 = arith.constant 0 : i32
    %dma_wait3A_89 = tpu.memref_slice %arg11[%add3A_46, %dma_wait3A_88] : memref<10000x64xf32, #tpu.memory_space<vmem_shared>> -> memref<125x64xf32, #tpu.memory_space<vmem_shared>>
    tpu.wait_dma2 semaphore(%arg13 : memref<!tpu.dma_semaphore, #tpu.memory_space<semaphore_mem>>) src(%arg10 : memref<125x64xf32, #tpu.memory_space<vmem>>) dst(%dma_wait3A_89 : memref<125x64xf32, #tpu.memory_space<vmem_shared>>)
    %dma_wait3A_90 = arith.constant 0 : i32
    %dma_wait3A_91 = tpu.memref_slice %arg11[%add3A_54, %dma_wait3A_90] : memref<10000x64xf32, #tpu.memory_space<vmem_shared>> -> memref<125x64xf32, #tpu.memory_space<vmem_shared>>
    %dma_wait3A_92 = arith.constant 0 : i32
    %dma_wait3A_93 = tpu.memref_slice %arg11[%add3A_54, %dma_wait3A_92] : memref<10000x64xf32, #tpu.memory_space<vmem_shared>> -> memref<125x64xf32, #tpu.memory_space<vmem_shared>>
    tpu.wait_dma2 semaphore(%arg13 : memref<!tpu.dma_semaphore, #tpu.memory_space<semaphore_mem>>) src(%arg10 : memref<125x64xf32, #tpu.memory_space<vmem>>) dst(%dma_wait3A_93 : memref<125x64xf32, #tpu.memory_space<vmem_shared>>)
    %barrier3A = arith.constant 0 : index
    tpu.barrier barrier_id(%barrier3A)
    %eq3A = arith.constant 0 : i32
    %eq3A_94 = arith.cmpi eq, %arg0, %eq3A : i32
    %convert_element_type3A = arith.extui %eq3A_94 : i1 to i32
    %cond3A = arith.constant 0 : i32
    %cond3A_95 = arith.constant 0 : i32
    %cond3A_96 = arith.constant 0 : i32
    %cond3A_97 = arith.constant 0 : i32
    %cond3A_98 = arith.cmpi ne, %convert_element_type3A, %cond3A_97 : i32
    scf.if %cond3A_98 {
      %dma_start3A_294 = arith.constant 0 : i32
      %dma_start3A_295 = arith.constant 0 : i32
      %dma_start3A_296 = tpu.memref_slice %arg9[%cond3A_95, %cond3A_96, %dma_start3A_294, %dma_start3A_295] : memref<2x4x80x64xf32, #tpu.memory_space<vmem>> -> memref<1x1x80x64xf32, #tpu.memory_space<vmem>>
      %dma_start3A_297 = tpu.memref_squeeze %dma_start3A_296 : memref<1x1x80x64xf32, #tpu.memory_space<vmem>> -> memref<80x64xf32, #tpu.memory_space<vmem>>
      %dma_start3A_298 = arith.constant 0 : i32
      %dma_start3A_299 = tpu.memref_slice %arg7[%cond3A, %dma_start3A_298] : memref<250x80xi32, #tpu.memory_space<vmem>> -> memref<1x80xi32, #tpu.memory_space<vmem>>
      %dma_start3A_300 = tpu.memref_squeeze %dma_start3A_299 : memref<1x80xi32, #tpu.memory_space<vmem>> -> memref<80xi32, #tpu.memory_space<vmem>>
      %dma_start3A_301 = arith.constant 0 : i32
      %dma_start3A_302 = arith.constant 0 : i32
      %dma_start3A_303 = tpu.memref_slice %arg2[%dma_start3A_301, %dma_start3A_302] : memref<10000x64xf32, #tpu.memory_space<hbm>> -> memref<10000x64xf32, #tpu.memory_space<hbm>>
      tpu.enqueue_indirect_dma source(%dma_start3A_303 : memref<10000x64xf32, #tpu.memory_space<hbm>>) target(%dma_start3A_297 : memref<80x64xf32, #tpu.memory_space<vmem>>) offsets(%dma_start3A_300 : memref<80xi32, #tpu.memory_space<vmem>>) semaphore(%arg12 : memref<!tpu.dma_semaphore, #tpu.memory_space<semaphore_mem>>)
    } else {
    }
    %eq3A_99 = arith.constant 1 : i32
    %eq3A_100 = arith.cmpi eq, %arg0, %eq3A_99 : i32
    %convert_element_type3A_101 = arith.extui %eq3A_100 : i1 to i32
    %cond3A_102 = arith.constant 0 : i32
    %cond3A_103 = arith.constant 0 : i32
    %cond3A_104 = arith.constant 0 : i32
    %cond3A_105 = arith.constant 0 : i32
    %cond3A_106 = arith.cmpi ne, %convert_element_type3A_101, %cond3A_105 : i32
    scf.if %cond3A_106 {
      %dma_start3A_294 = arith.constant 0 : i32
      %dma_start3A_295 = arith.constant 0 : i32
      %dma_start3A_296 = tpu.memref_slice %arg9[%cond3A_103, %cond3A_104, %dma_start3A_294, %dma_start3A_295] : memref<2x4x80x64xf32, #tpu.memory_space<vmem>> -> memref<1x1x80x64xf32, #tpu.memory_space<vmem>>
      %dma_start3A_297 = tpu.memref_squeeze %dma_start3A_296 : memref<1x1x80x64xf32, #tpu.memory_space<vmem>> -> memref<80x64xf32, #tpu.memory_space<vmem>>
      %dma_start3A_298 = arith.constant 0 : i32
      %dma_start3A_299 = tpu.memref_slice %arg7[%cond3A_102, %dma_start3A_298] : memref<250x80xi32, #tpu.memory_space<vmem>> -> memref<1x80xi32, #tpu.memory_space<vmem>>
      %dma_start3A_300 = tpu.memref_squeeze %dma_start3A_299 : memref<1x80xi32, #tpu.memory_space<vmem>> -> memref<80xi32, #tpu.memory_space<vmem>>
      %dma_start3A_301 = arith.constant 0 : i32
      %dma_start3A_302 = arith.constant 0 : i32
      %dma_start3A_303 = tpu.memref_slice %arg3[%dma_start3A_301, %dma_start3A_302] : memref<10000x64xf32, #tpu.memory_space<hbm>> -> memref<10000x64xf32, #tpu.memory_space<hbm>>
      tpu.enqueue_indirect_dma source(%dma_start3A_303 : memref<10000x64xf32, #tpu.memory_space<hbm>>) target(%dma_start3A_297 : memref<80x64xf32, #tpu.memory_space<vmem>>) offsets(%dma_start3A_300 : memref<80xi32, #tpu.memory_space<vmem>>) semaphore(%arg12 : memref<!tpu.dma_semaphore, #tpu.memory_space<semaphore_mem>>)
    } else {
    }
    %eq3A_107 = arith.constant 0 : i32
    %eq3A_108 = arith.cmpi eq, %arg0, %eq3A_107 : i32
    %convert_element_type3A_109 = arith.extui %eq3A_108 : i1 to i32
    %cond3A_110 = arith.constant 1 : i32
    %cond3A_111 = arith.constant 0 : i32
    %cond3A_112 = arith.constant 1 : i32
    %cond3A_113 = arith.constant 0 : i32
    %cond3A_114 = arith.cmpi ne, %convert_element_type3A_109, %cond3A_113 : i32
    scf.if %cond3A_114 {
      %dma_start3A_294 = arith.constant 0 : i32
      %dma_start3A_295 = arith.constant 0 : i32
      %dma_start3A_296 = tpu.memref_slice %arg9[%cond3A_111, %cond3A_112, %dma_start3A_294, %dma_start3A_295] : memref<2x4x80x64xf32, #tpu.memory_space<vmem>> -> memref<1x1x80x64xf32, #tpu.memory_space<vmem>>
      %dma_start3A_297 = tpu.memref_squeeze %dma_start3A_296 : memref<1x1x80x64xf32, #tpu.memory_space<vmem>> -> memref<80x64xf32, #tpu.memory_space<vmem>>
      %dma_start3A_298 = arith.constant 0 : i32
      %dma_start3A_299 = tpu.memref_slice %arg7[%cond3A_110, %dma_start3A_298] : memref<250x80xi32, #tpu.memory_space<vmem>> -> memref<1x80xi32, #tpu.memory_space<vmem>>
      %dma_start3A_300 = tpu.memref_squeeze %dma_start3A_299 : memref<1x80xi32, #tpu.memory_space<vmem>> -> memref<80xi32, #tpu.memory_space<vmem>>
      %dma_start3A_301 = arith.constant 0 : i32
      %dma_start3A_302 = arith.constant 0 : i32
      %dma_start3A_303 = tpu.memref_slice %arg2[%dma_start3A_301, %dma_start3A_302] : memref<10000x64xf32, #tpu.memory_space<hbm>> -> memref<10000x64xf32, #tpu.memory_space<hbm>>
      tpu.enqueue_indirect_dma source(%dma_start3A_303 : memref<10000x64xf32, #tpu.memory_space<hbm>>) target(%dma_start3A_297 : memref<80x64xf32, #tpu.memory_space<vmem>>) offsets(%dma_start3A_300 : memref<80xi32, #tpu.memory_space<vmem>>) semaphore(%arg12 : memref<!tpu.dma_semaphore, #tpu.memory_space<semaphore_mem>>)
    } else {
    }
    %eq3A_115 = arith.constant 1 : i32
    %eq3A_116 = arith.cmpi eq, %arg0, %eq3A_115 : i32
    %convert_element_type3A_117 = arith.extui %eq3A_116 : i1 to i32
    %cond3A_118 = arith.constant 1 : i32
    %cond3A_119 = arith.constant 0 : i32
    %cond3A_120 = arith.constant 1 : i32
    %cond3A_121 = arith.constant 0 : i32
    %cond3A_122 = arith.cmpi ne, %convert_element_type3A_117, %cond3A_121 : i32
    scf.if %cond3A_122 {
      %dma_start3A_294 = arith.constant 0 : i32
      %dma_start3A_295 = arith.constant 0 : i32
      %dma_start3A_296 = tpu.memref_slice %arg9[%cond3A_119, %cond3A_120, %dma_start3A_294, %dma_start3A_295] : memref<2x4x80x64xf32, #tpu.memory_space<vmem>> -> memref<1x1x80x64xf32, #tpu.memory_space<vmem>>
      %dma_start3A_297 = tpu.memref_squeeze %dma_start3A_296 : memref<1x1x80x64xf32, #tpu.memory_space<vmem>> -> memref<80x64xf32, #tpu.memory_space<vmem>>
      %dma_start3A_298 = arith.constant 0 : i32
      %dma_start3A_299 = tpu.memref_slice %arg7[%cond3A_118, %dma_start3A_298] : memref<250x80xi32, #tpu.memory_space<vmem>> -> memref<1x80xi32, #tpu.memory_space<vmem>>
      %dma_start3A_300 = tpu.memref_squeeze %dma_start3A_299 : memref<1x80xi32, #tpu.memory_space<vmem>> -> memref<80xi32, #tpu.memory_space<vmem>>
      %dma_start3A_301 = arith.constant 0 : i32
      %dma_start3A_302 = arith.constant 0 : i32
      %dma_start3A_303 = tpu.memref_slice %arg3[%dma_start3A_301, %dma_start3A_302] : memref<10000x64xf32, #tpu.memory_space<hbm>> -> memref<10000x64xf32, #tpu.memory_space<hbm>>
      tpu.enqueue_indirect_dma source(%dma_start3A_303 : memref<10000x64xf32, #tpu.memory_space<hbm>>) target(%dma_start3A_297 : memref<80x64xf32, #tpu.memory_space<vmem>>) offsets(%dma_start3A_300 : memref<80xi32, #tpu.memory_space<vmem>>) semaphore(%arg12 : memref<!tpu.dma_semaphore, #tpu.memory_space<semaphore_mem>>)
    } else {
    }
    %eq3A_123 = arith.constant 0 : i32
    %eq3A_124 = arith.cmpi eq, %arg0, %eq3A_123 : i32
    %convert_element_type3A_125 = arith.extui %eq3A_124 : i1 to i32
    %cond3A_126 = arith.constant 2 : i32
    %cond3A_127 = arith.constant 0 : i32
    %cond3A_128 = arith.constant 2 : i32
    %cond3A_129 = arith.constant 0 : i32
    %cond3A_130 = arith.cmpi ne, %convert_element_type3A_125, %cond3A_129 : i32
    scf.if %cond3A_130 {
      %dma_start3A_294 = arith.constant 0 : i32
      %dma_start3A_295 = arith.constant 0 : i32
      %dma_start3A_296 = tpu.memref_slice %arg9[%cond3A_127, %cond3A_128, %dma_start3A_294, %dma_start3A_295] : memref<2x4x80x64xf32, #tpu.memory_space<vmem>> -> memref<1x1x80x64xf32, #tpu.memory_space<vmem>>
      %dma_start3A_297 = tpu.memref_squeeze %dma_start3A_296 : memref<1x1x80x64xf32, #tpu.memory_space<vmem>> -> memref<80x64xf32, #tpu.memory_space<vmem>>
      %dma_start3A_298 = arith.constant 0 : i32
      %dma_start3A_299 = tpu.memref_slice %arg7[%cond3A_126, %dma_start3A_298] : memref<250x80xi32, #tpu.memory_space<vmem>> -> memref<1x80xi32, #tpu.memory_space<vmem>>
      %dma_start3A_300 = tpu.memref_squeeze %dma_start3A_299 : memref<1x80xi32, #tpu.memory_space<vmem>> -> memref<80xi32, #tpu.memory_space<vmem>>
      %dma_start3A_301 = arith.constant 0 : i32
      %dma_start3A_302 = arith.constant 0 : i32
      %dma_start3A_303 = tpu.memref_slice %arg2[%dma_start3A_301, %dma_start3A_302] : memref<10000x64xf32, #tpu.memory_space<hbm>> -> memref<10000x64xf32, #tpu.memory_space<hbm>>
      tpu.enqueue_indirect_dma source(%dma_start3A_303 : memref<10000x64xf32, #tpu.memory_space<hbm>>) target(%dma_start3A_297 : memref<80x64xf32, #tpu.memory_space<vmem>>) offsets(%dma_start3A_300 : memref<80xi32, #tpu.memory_space<vmem>>) semaphore(%arg12 : memref<!tpu.dma_semaphore, #tpu.memory_space<semaphore_mem>>)
    } else {
    }
    %eq3A_131 = arith.constant 1 : i32
    %eq3A_132 = arith.cmpi eq, %arg0, %eq3A_131 : i32
    %convert_element_type3A_133 = arith.extui %eq3A_132 : i1 to i32
    %cond3A_134 = arith.constant 2 : i32
    %cond3A_135 = arith.constant 0 : i32
    %cond3A_136 = arith.constant 2 : i32
    %cond3A_137 = arith.constant 0 : i32
    %cond3A_138 = arith.cmpi ne, %convert_element_type3A_133, %cond3A_137 : i32
    scf.if %cond3A_138 {
      %dma_start3A_294 = arith.constant 0 : i32
      %dma_start3A_295 = arith.constant 0 : i32
      %dma_start3A_296 = tpu.memref_slice %arg9[%cond3A_135, %cond3A_136, %dma_start3A_294, %dma_start3A_295] : memref<2x4x80x64xf32, #tpu.memory_space<vmem>> -> memref<1x1x80x64xf32, #tpu.memory_space<vmem>>
      %dma_start3A_297 = tpu.memref_squeeze %dma_start3A_296 : memref<1x1x80x64xf32, #tpu.memory_space<vmem>> -> memref<80x64xf32, #tpu.memory_space<vmem>>
      %dma_start3A_298 = arith.constant 0 : i32
      %dma_start3A_299 = tpu.memref_slice %arg7[%cond3A_134, %dma_start3A_298] : memref<250x80xi32, #tpu.memory_space<vmem>> -> memref<1x80xi32, #tpu.memory_space<vmem>>
      %dma_start3A_300 = tpu.memref_squeeze %dma_start3A_299 : memref<1x80xi32, #tpu.memory_space<vmem>> -> memref<80xi32, #tpu.memory_space<vmem>>
      %dma_start3A_301 = arith.constant 0 : i32
      %dma_start3A_302 = arith.constant 0 : i32
      %dma_start3A_303 = tpu.memref_slice %arg3[%dma_start3A_301, %dma_start3A_302] : memref<10000x64xf32, #tpu.memory_space<hbm>> -> memref<10000x64xf32, #tpu.memory_space<hbm>>
      tpu.enqueue_indirect_dma source(%dma_start3A_303 : memref<10000x64xf32, #tpu.memory_space<hbm>>) target(%dma_start3A_297 : memref<80x64xf32, #tpu.memory_space<vmem>>) offsets(%dma_start3A_300 : memref<80xi32, #tpu.memory_space<vmem>>) semaphore(%arg12 : memref<!tpu.dma_semaphore, #tpu.memory_space<semaphore_mem>>)
    } else {
    }
    %eq3A_139 = arith.constant 0 : i32
    %eq3A_140 = arith.cmpi eq, %arg0, %eq3A_139 : i32
    %convert_element_type3A_141 = arith.extui %eq3A_140 : i1 to i32
    %cond3A_142 = arith.constant 3 : i32
    %cond3A_143 = arith.constant 0 : i32
    %cond3A_144 = arith.constant 3 : i32
    %cond3A_145 = arith.constant 0 : i32
    %cond3A_146 = arith.cmpi ne, %convert_element_type3A_141, %cond3A_145 : i32
    scf.if %cond3A_146 {
      %dma_start3A_294 = arith.constant 0 : i32
      %dma_start3A_295 = arith.constant 0 : i32
      %dma_start3A_296 = tpu.memref_slice %arg9[%cond3A_143, %cond3A_144, %dma_start3A_294, %dma_start3A_295] : memref<2x4x80x64xf32, #tpu.memory_space<vmem>> -> memref<1x1x80x64xf32, #tpu.memory_space<vmem>>
      %dma_start3A_297 = tpu.memref_squeeze %dma_start3A_296 : memref<1x1x80x64xf32, #tpu.memory_space<vmem>> -> memref<80x64xf32, #tpu.memory_space<vmem>>
      %dma_start3A_298 = arith.constant 0 : i32
      %dma_start3A_299 = tpu.memref_slice %arg7[%cond3A_142, %dma_start3A_298] : memref<250x80xi32, #tpu.memory_space<vmem>> -> memref<1x80xi32, #tpu.memory_space<vmem>>
      %dma_start3A_300 = tpu.memref_squeeze %dma_start3A_299 : memref<1x80xi32, #tpu.memory_space<vmem>> -> memref<80xi32, #tpu.memory_space<vmem>>
      %dma_start3A_301 = arith.constant 0 : i32
      %dma_start3A_302 = arith.constant 0 : i32
      %dma_start3A_303 = tpu.memref_slice %arg2[%dma_start3A_301, %dma_start3A_302] : memref<10000x64xf32, #tpu.memory_space<hbm>> -> memref<10000x64xf32, #tpu.memory_space<hbm>>
      tpu.enqueue_indirect_dma source(%dma_start3A_303 : memref<10000x64xf32, #tpu.memory_space<hbm>>) target(%dma_start3A_297 : memref<80x64xf32, #tpu.memory_space<vmem>>) offsets(%dma_start3A_300 : memref<80xi32, #tpu.memory_space<vmem>>) semaphore(%arg12 : memref<!tpu.dma_semaphore, #tpu.memory_space<semaphore_mem>>)
    } else {
    }
    %eq3A_147 = arith.constant 1 : i32
    %eq3A_148 = arith.cmpi eq, %arg0, %eq3A_147 : i32
    %convert_element_type3A_149 = arith.extui %eq3A_148 : i1 to i32
    %cond3A_150 = arith.constant 3 : i32
    %cond3A_151 = arith.constant 0 : i32
    %cond3A_152 = arith.constant 3 : i32
    %cond3A_153 = arith.constant 0 : i32
    %cond3A_154 = arith.cmpi ne, %convert_element_type3A_149, %cond3A_153 : i32
    scf.if %cond3A_154 {
      %dma_start3A_294 = arith.constant 0 : i32
      %dma_start3A_295 = arith.constant 0 : i32
      %dma_start3A_296 = tpu.memref_slice %arg9[%cond3A_151, %cond3A_152, %dma_start3A_294, %dma_start3A_295] : memref<2x4x80x64xf32, #tpu.memory_space<vmem>> -> memref<1x1x80x64xf32, #tpu.memory_space<vmem>>
      %dma_start3A_297 = tpu.memref_squeeze %dma_start3A_296 : memref<1x1x80x64xf32, #tpu.memory_space<vmem>> -> memref<80x64xf32, #tpu.memory_space<vmem>>
      %dma_start3A_298 = arith.constant 0 : i32
      %dma_start3A_299 = tpu.memref_slice %arg7[%cond3A_150, %dma_start3A_298] : memref<250x80xi32, #tpu.memory_space<vmem>> -> memref<1x80xi32, #tpu.memory_space<vmem>>
      %dma_start3A_300 = tpu.memref_squeeze %dma_start3A_299 : memref<1x80xi32, #tpu.memory_space<vmem>> -> memref<80xi32, #tpu.memory_space<vmem>>
      %dma_start3A_301 = arith.constant 0 : i32
      %dma_start3A_302 = arith.constant 0 : i32
      %dma_start3A_303 = tpu.memref_slice %arg3[%dma_start3A_301, %dma_start3A_302] : memref<10000x64xf32, #tpu.memory_space<hbm>> -> memref<10000x64xf32, #tpu.memory_space<hbm>>
      tpu.enqueue_indirect_dma source(%dma_start3A_303 : memref<10000x64xf32, #tpu.memory_space<hbm>>) target(%dma_start3A_297 : memref<80x64xf32, #tpu.memory_space<vmem>>) offsets(%dma_start3A_300 : memref<80xi32, #tpu.memory_space<vmem>>) semaphore(%arg12 : memref<!tpu.dma_semaphore, #tpu.memory_space<semaphore_mem>>)
    } else {
    }
    %scan3A_155 = arith.constant 0 : i32
    %scan3A_156 = arith.constant 0 : i32
    %scan3A_157 = arith.constant 62 : i32
    %scan3A_158 = arith.addi %scan3A_156, %scan3A_157 : i32
    %scan3A_159 = arith.constant 1 : i32
    scf.for %scan3A_294 = %scan3A_156 to %scan3A_158 step %scan3A_159  : i32 {
      %rem3A = arith.constant 2 : i32
      %rem3A_295 = arith.remsi %scan3A_294, %rem3A : i32
      %sub3A = arith.constant 1 : i32
      %sub3A_296 = arith.subi %sub3A, %rem3A_295 : i32
      %dma_wait3A_297 = arith.constant 0 : i32
      %dma_wait3A_298 = arith.constant 0 : i32
      %dma_wait3A_299 = arith.constant 0 : i32
      %dma_wait3A_300 = arith.constant 0 : i32
      %dma_wait3A_301 = tpu.memref_slice %arg9[%dma_wait3A_297, %dma_wait3A_298, %dma_wait3A_299, %dma_wait3A_300] : memref<2x4x80x64xf32, #tpu.memory_space<vmem>> -> memref<1x1x80x64xf32, #tpu.memory_space<vmem>>
      %dma_wait3A_302 = tpu.memref_squeeze %dma_wait3A_301 : memref<1x1x80x64xf32, #tpu.memory_space<vmem>> -> memref<80x64xf32, #tpu.memory_space<vmem>>
      %dma_wait3A_303 = arith.constant 0 : i32
      %dma_wait3A_304 = arith.constant 0 : i32
      %dma_wait3A_305 = tpu.memref_slice %arg2[%dma_wait3A_303, %dma_wait3A_304] : memref<10000x64xf32, #tpu.memory_space<hbm>> -> memref<80x64xf32, #tpu.memory_space<hbm>>
      %dma_wait3A_306 = arith.constant 0 : i32
      %dma_wait3A_307 = arith.constant 0 : i32
      %dma_wait3A_308 = tpu.memref_slice %arg9[%dma_wait3A_297, %dma_wait3A_298, %dma_wait3A_306, %dma_wait3A_307] : memref<2x4x80x64xf32, #tpu.memory_space<vmem>> -> memref<1x1x80x64xf32, #tpu.memory_space<vmem>>
      %dma_wait3A_309 = tpu.memref_squeeze %dma_wait3A_308 : memref<1x1x80x64xf32, #tpu.memory_space<vmem>> -> memref<80x64xf32, #tpu.memory_space<vmem>>
      %dma_wait3A_310 = arith.constant 0 : i32
      %dma_wait3A_311 = arith.constant 0 : i32
      %dma_wait3A_312 = tpu.memref_slice %arg2[%dma_wait3A_310, %dma_wait3A_311] : memref<10000x64xf32, #tpu.memory_space<hbm>> -> memref<80x64xf32, #tpu.memory_space<hbm>>
      tpu.wait_dma2 semaphore(%arg12 : memref<!tpu.dma_semaphore, #tpu.memory_space<semaphore_mem>>) src(%dma_wait3A_312 : memref<80x64xf32, #tpu.memory_space<hbm>>) dst(%dma_wait3A_309 : memref<80x64xf32, #tpu.memory_space<vmem>>)
      %dma_wait3A_313 = arith.constant 0 : i32
      %dma_wait3A_314 = arith.constant 0 : i32
      %dma_wait3A_315 = arith.constant 0 : i32
      %dma_wait3A_316 = arith.constant 0 : i32
      %dma_wait3A_317 = tpu.memref_slice %arg9[%dma_wait3A_313, %dma_wait3A_314, %dma_wait3A_315, %dma_wait3A_316] : memref<2x4x80x64xf32, #tpu.memory_space<vmem>> -> memref<1x1x80x64xf32, #tpu.memory_space<vmem>>
      %dma_wait3A_318 = tpu.memref_squeeze %dma_wait3A_317 : memref<1x1x80x64xf32, #tpu.memory_space<vmem>> -> memref<80x64xf32, #tpu.memory_space<vmem>>
      %dma_wait3A_319 = arith.constant 0 : i32
      %dma_wait3A_320 = arith.constant 0 : i32
      %dma_wait3A_321 = tpu.memref_slice %arg2[%dma_wait3A_319, %dma_wait3A_320] : memref<10000x64xf32, #tpu.memory_space<hbm>> -> memref<80x64xf32, #tpu.memory_space<hbm>>
      %dma_wait3A_322 = arith.constant 0 : i32
      %dma_wait3A_323 = arith.constant 0 : i32
      %dma_wait3A_324 = tpu.memref_slice %arg9[%dma_wait3A_313, %dma_wait3A_314, %dma_wait3A_322, %dma_wait3A_323] : memref<2x4x80x64xf32, #tpu.memory_space<vmem>> -> memref<1x1x80x64xf32, #tpu.memory_space<vmem>>
      %dma_wait3A_325 = tpu.memref_squeeze %dma_wait3A_324 : memref<1x1x80x64xf32, #tpu.memory_space<vmem>> -> memref<80x64xf32, #tpu.memory_space<vmem>>
      %dma_wait3A_326 = arith.constant 0 : i32
      %dma_wait3A_327 = arith.constant 0 : i32
      %dma_wait3A_328 = tpu.memref_slice %arg2[%dma_wait3A_326, %dma_wait3A_327] : memref<10000x64xf32, #tpu.memory_space<hbm>> -> memref<80x64xf32, #tpu.memory_space<hbm>>
      tpu.wait_dma2 semaphore(%arg12 : memref<!tpu.dma_semaphore, #tpu.memory_space<semaphore_mem>>) src(%dma_wait3A_328 : memref<80x64xf32, #tpu.memory_space<hbm>>) dst(%dma_wait3A_325 : memref<80x64xf32, #tpu.memory_space<vmem>>)
      %dma_wait3A_329 = arith.constant 0 : i32
      %dma_wait3A_330 = arith.constant 0 : i32
      %dma_wait3A_331 = arith.constant 0 : i32
      %dma_wait3A_332 = arith.constant 0 : i32
      %dma_wait3A_333 = tpu.memref_slice %arg9[%dma_wait3A_329, %dma_wait3A_330, %dma_wait3A_331, %dma_wait3A_332] : memref<2x4x80x64xf32, #tpu.memory_space<vmem>> -> memref<1x1x80x64xf32, #tpu.memory_space<vmem>>
      %dma_wait3A_334 = tpu.memref_squeeze %dma_wait3A_333 : memref<1x1x80x64xf32, #tpu.memory_space<vmem>> -> memref<80x64xf32, #tpu.memory_space<vmem>>
      %dma_wait3A_335 = arith.constant 0 : i32
      %dma_wait3A_336 = arith.constant 0 : i32
      %dma_wait3A_337 = tpu.memref_slice %arg2[%dma_wait3A_335, %dma_wait3A_336] : memref<10000x64xf32, #tpu.memory_space<hbm>> -> memref<80x64xf32, #tpu.memory_space<hbm>>
      %dma_wait3A_338 = arith.constant 0 : i32
      %dma_wait3A_339 = arith.constant 0 : i32
      %dma_wait3A_340 = tpu.memref_slice %arg9[%dma_wait3A_329, %dma_wait3A_330, %dma_wait3A_338, %dma_wait3A_339] : memref<2x4x80x64xf32, #tpu.memory_space<vmem>> -> memref<1x1x80x64xf32, #tpu.memory_space<vmem>>
      %dma_wait3A_341 = tpu.memref_squeeze %dma_wait3A_340 : memref<1x1x80x64xf32, #tpu.memory_space<vmem>> -> memref<80x64xf32, #tpu.memory_space<vmem>>
      %dma_wait3A_342 = arith.constant 0 : i32
      %dma_wait3A_343 = arith.constant 0 : i32
      %dma_wait3A_344 = tpu.memref_slice %arg2[%dma_wait3A_342, %dma_wait3A_343] : memref<10000x64xf32, #tpu.memory_space<hbm>> -> memref<80x64xf32, #tpu.memory_space<hbm>>
      tpu.wait_dma2 semaphore(%arg12 : memref<!tpu.dma_semaphore, #tpu.memory_space<semaphore_mem>>) src(%dma_wait3A_344 : memref<80x64xf32, #tpu.memory_space<hbm>>) dst(%dma_wait3A_341 : memref<80x64xf32, #tpu.memory_space<vmem>>)
      %dma_wait3A_345 = arith.constant 0 : i32
      %dma_wait3A_346 = arith.constant 0 : i32
      %dma_wait3A_347 = arith.constant 0 : i32
      %dma_wait3A_348 = arith.constant 0 : i32
      %dma_wait3A_349 = tpu.memref_slice %arg9[%dma_wait3A_345, %dma_wait3A_346, %dma_wait3A_347, %dma_wait3A_348] : memref<2x4x80x64xf32, #tpu.memory_space<vmem>> -> memref<1x1x80x64xf32, #tpu.memory_space<vmem>>
      %dma_wait3A_350 = tpu.memref_squeeze %dma_wait3A_349 : memref<1x1x80x64xf32, #tpu.memory_space<vmem>> -> memref<80x64xf32, #tpu.memory_space<vmem>>
      %dma_wait3A_351 = arith.constant 0 : i32
      %dma_wait3A_352 = arith.constant 0 : i32
      %dma_wait3A_353 = tpu.memref_slice %arg2[%dma_wait3A_351, %dma_wait3A_352] : memref<10000x64xf32, #tpu.memory_space<hbm>> -> memref<80x64xf32, #tpu.memory_space<hbm>>
      %dma_wait3A_354 = arith.constant 0 : i32
      %dma_wait3A_355 = arith.constant 0 : i32
      %dma_wait3A_356 = tpu.memref_slice %arg9[%dma_wait3A_345, %dma_wait3A_346, %dma_wait3A_354, %dma_wait3A_355] : memref<2x4x80x64xf32, #tpu.memory_space<vmem>> -> memref<1x1x80x64xf32, #tpu.memory_space<vmem>>
      %dma_wait3A_357 = tpu.memref_squeeze %dma_wait3A_356 : memref<1x1x80x64xf32, #tpu.memory_space<vmem>> -> memref<80x64xf32, #tpu.memory_space<vmem>>
      %dma_wait3A_358 = arith.constant 0 : i32
      %dma_wait3A_359 = arith.constant 0 : i32
      %dma_wait3A_360 = tpu.memref_slice %arg2[%dma_wait3A_358, %dma_wait3A_359] : memref<10000x64xf32, #tpu.memory_space<hbm>> -> memref<80x64xf32, #tpu.memory_space<hbm>>
      tpu.wait_dma2 semaphore(%arg12 : memref<!tpu.dma_semaphore, #tpu.memory_space<semaphore_mem>>) src(%dma_wait3A_360 : memref<80x64xf32, #tpu.memory_space<hbm>>) dst(%dma_wait3A_357 : memref<80x64xf32, #tpu.memory_space<vmem>>)
      %mul3A_361 = arith.constant 4 : i32
      %mul3A_362 = arith.muli %scan3A_294, %mul3A_361 : i32
      %add3A_363 = arith.constant 0 : i32
      %add3A_364 = arith.addi %mul3A_362, %add3A_363 : i32
      %dma_start3A_365 = arith.constant 0 : i32
      %dma_start3A_366 = arith.constant 0 : i32
      %dma_start3A_367 = arith.constant 0 : i32
      %dma_start3A_368 = tpu.memref_slice %arg9[%rem3A_295, %dma_start3A_365, %dma_start3A_366, %dma_start3A_367] : memref<2x4x80x64xf32, #tpu.memory_space<vmem>> -> memref<1x1x80x64xf32, #tpu.memory_space<vmem>>
      %dma_start3A_369 = tpu.memref_squeeze %dma_start3A_368 : memref<1x1x80x64xf32, #tpu.memory_space<vmem>> -> memref<80x64xf32, #tpu.memory_space<vmem>>
      %dma_start3A_370 = arith.constant 0 : i32
      %dma_start3A_371 = tpu.memref_slice %arg8[%add3A_364, %dma_start3A_370] : memref<250x80xi32, #tpu.memory_space<vmem>> -> memref<1x80xi32, #tpu.memory_space<vmem>>
      %dma_start3A_372 = tpu.memref_squeeze %dma_start3A_371 : memref<1x80xi32, #tpu.memory_space<vmem>> -> memref<80xi32, #tpu.memory_space<vmem>>
      %dma_start3A_373 = arith.constant 0 : i32
      %dma_start3A_374 = arith.constant 0 : i32
      %dma_start3A_375 = tpu.memref_slice %arg11[%dma_start3A_373, %dma_start3A_374] : memref<10000x64xf32, #tpu.memory_space<vmem_shared>> -> memref<10000x64xf32, #tpu.memory_space<vmem_shared>>
      tpu.enqueue_indirect_dma source(%dma_start3A_369 : memref<80x64xf32, #tpu.memory_space<vmem>>) target(%dma_start3A_375 : memref<10000x64xf32, #tpu.memory_space<vmem_shared>>) offsets(%dma_start3A_372 : memref<80xi32, #tpu.memory_space<vmem>>) semaphore(%arg13 : memref<!tpu.dma_semaphore, #tpu.memory_space<semaphore_mem>>) {add = true}
      %mul3A_376 = arith.constant 4 : i32
      %mul3A_377 = arith.muli %scan3A_294, %mul3A_376 : i32
      %add3A_378 = arith.constant 1 : i32
      %add3A_379 = arith.addi %mul3A_377, %add3A_378 : i32
      %dma_start3A_380 = arith.constant 1 : i32
      %dma_start3A_381 = arith.constant 0 : i32
      %dma_start3A_382 = arith.constant 0 : i32
      %dma_start3A_383 = tpu.memref_slice %arg9[%rem3A_295, %dma_start3A_380, %dma_start3A_381, %dma_start3A_382] : memref<2x4x80x64xf32, #tpu.memory_space<vmem>> -> memref<1x1x80x64xf32, #tpu.memory_space<vmem>>
      %dma_start3A_384 = tpu.memref_squeeze %dma_start3A_383 : memref<1x1x80x64xf32, #tpu.memory_space<vmem>> -> memref<80x64xf32, #tpu.memory_space<vmem>>
      %dma_start3A_385 = arith.constant 0 : i32
      %dma_start3A_386 = tpu.memref_slice %arg8[%add3A_379, %dma_start3A_385] : memref<250x80xi32, #tpu.memory_space<vmem>> -> memref<1x80xi32, #tpu.memory_space<vmem>>
      %dma_start3A_387 = tpu.memref_squeeze %dma_start3A_386 : memref<1x80xi32, #tpu.memory_space<vmem>> -> memref<80xi32, #tpu.memory_space<vmem>>
      %dma_start3A_388 = arith.constant 0 : i32
      %dma_start3A_389 = arith.constant 0 : i32
      %dma_start3A_390 = tpu.memref_slice %arg11[%dma_start3A_388, %dma_start3A_389] : memref<10000x64xf32, #tpu.memory_space<vmem_shared>> -> memref<10000x64xf32, #tpu.memory_space<vmem_shared>>
      tpu.enqueue_indirect_dma source(%dma_start3A_384 : memref<80x64xf32, #tpu.memory_space<vmem>>) target(%dma_start3A_390 : memref<10000x64xf32, #tpu.memory_space<vmem_shared>>) offsets(%dma_start3A_387 : memref<80xi32, #tpu.memory_space<vmem>>) semaphore(%arg13 : memref<!tpu.dma_semaphore, #tpu.memory_space<semaphore_mem>>) {add = true}
      %mul3A_391 = arith.constant 4 : i32
      %mul3A_392 = arith.muli %scan3A_294, %mul3A_391 : i32
      %add3A_393 = arith.constant 2 : i32
      %add3A_394 = arith.addi %mul3A_392, %add3A_393 : i32
      %dma_start3A_395 = arith.constant 2 : i32
      %dma_start3A_396 = arith.constant 0 : i32
      %dma_start3A_397 = arith.constant 0 : i32
      %dma_start3A_398 = tpu.memref_slice %arg9[%rem3A_295, %dma_start3A_395, %dma_start3A_396, %dma_start3A_397] : memref<2x4x80x64xf32, #tpu.memory_space<vmem>> -> memref<1x1x80x64xf32, #tpu.memory_space<vmem>>
      %dma_start3A_399 = tpu.memref_squeeze %dma_start3A_398 : memref<1x1x80x64xf32, #tpu.memory_space<vmem>> -> memref<80x64xf32, #tpu.memory_space<vmem>>
      %dma_start3A_400 = arith.constant 0 : i32
      %dma_start3A_401 = tpu.memref_slice %arg8[%add3A_394, %dma_start3A_400] : memref<250x80xi32, #tpu.memory_space<vmem>> -> memref<1x80xi32, #tpu.memory_space<vmem>>
      %dma_start3A_402 = tpu.memref_squeeze %dma_start3A_401 : memref<1x80xi32, #tpu.memory_space<vmem>> -> memref<80xi32, #tpu.memory_space<vmem>>
      %dma_start3A_403 = arith.constant 0 : i32
      %dma_start3A_404 = arith.constant 0 : i32
      %dma_start3A_405 = tpu.memref_slice %arg11[%dma_start3A_403, %dma_start3A_404] : memref<10000x64xf32, #tpu.memory_space<vmem_shared>> -> memref<10000x64xf32, #tpu.memory_space<vmem_shared>>
      tpu.enqueue_indirect_dma source(%dma_start3A_399 : memref<80x64xf32, #tpu.memory_space<vmem>>) target(%dma_start3A_405 : memref<10000x64xf32, #tpu.memory_space<vmem_shared>>) offsets(%dma_start3A_402 : memref<80xi32, #tpu.memory_space<vmem>>) semaphore(%arg13 : memref<!tpu.dma_semaphore, #tpu.memory_space<semaphore_mem>>) {add = true}
      %mul3A_406 = arith.constant 4 : i32
      %mul3A_407 = arith.muli %scan3A_294, %mul3A_406 : i32
      %add3A_408 = arith.constant 3 : i32
      %add3A_409 = arith.addi %mul3A_407, %add3A_408 : i32
      %dma_start3A_410 = arith.constant 3 : i32
      %dma_start3A_411 = arith.constant 0 : i32
      %dma_start3A_412 = arith.constant 0 : i32
      %dma_start3A_413 = tpu.memref_slice %arg9[%rem3A_295, %dma_start3A_410, %dma_start3A_411, %dma_start3A_412] : memref<2x4x80x64xf32, #tpu.memory_space<vmem>> -> memref<1x1x80x64xf32, #tpu.memory_space<vmem>>
      %dma_start3A_414 = tpu.memref_squeeze %dma_start3A_413 : memref<1x1x80x64xf32, #tpu.memory_space<vmem>> -> memref<80x64xf32, #tpu.memory_space<vmem>>
      %dma_start3A_415 = arith.constant 0 : i32
      %dma_start3A_416 = tpu.memref_slice %arg8[%add3A_409, %dma_start3A_415] : memref<250x80xi32, #tpu.memory_space<vmem>> -> memref<1x80xi32, #tpu.memory_space<vmem>>
      %dma_start3A_417 = tpu.memref_squeeze %dma_start3A_416 : memref<1x80xi32, #tpu.memory_space<vmem>> -> memref<80xi32, #tpu.memory_space<vmem>>
      %dma_start3A_418 = arith.constant 0 : i32
      %dma_start3A_419 = arith.constant 0 : i32
      %dma_start3A_420 = tpu.memref_slice %arg11[%dma_start3A_418, %dma_start3A_419] : memref<10000x64xf32, #tpu.memory_space<vmem_shared>> -> memref<10000x64xf32, #tpu.memory_space<vmem_shared>>
      tpu.enqueue_indirect_dma source(%dma_start3A_414 : memref<80x64xf32, #tpu.memory_space<vmem>>) target(%dma_start3A_420 : memref<10000x64xf32, #tpu.memory_space<vmem_shared>>) offsets(%dma_start3A_417 : memref<80xi32, #tpu.memory_space<vmem>>) semaphore(%arg13 : memref<!tpu.dma_semaphore, #tpu.memory_space<semaphore_mem>>) {add = true}
      %lt3A = arith.constant 61 : i32
      %lt3A_421 = arith.cmpi slt, %scan3A_294, %lt3A : i32
      %convert_element_type3A_422 = arith.extui %lt3A_421 : i1 to i32
      %cond3A_423 = arith.constant 0 : i32
      %cond3A_424 = arith.cmpi ne, %convert_element_type3A_422, %cond3A_423 : i32
      scf.if %cond3A_424 {
        %add3A_489 = arith.constant 1 : i32
        %add3A_490 = arith.addi %scan3A_294, %add3A_489 : i32
        %mul3A_491 = arith.constant 4 : i32
        %mul3A_492 = arith.muli %add3A_490, %mul3A_491 : i32
        %add3A_493 = arith.constant 0 : i32
        %add3A_494 = arith.addi %mul3A_492, %add3A_493 : i32
        %eq3A_495 = arith.constant 0 : i32
        %eq3A_496 = arith.cmpi eq, %arg0, %eq3A_495 : i32
        %convert_element_type3A_497 = arith.extui %eq3A_496 : i1 to i32
        %cond3A_498 = arith.constant 0 : i32
        %cond3A_499 = arith.constant 0 : i32
        %cond3A_500 = arith.cmpi ne, %convert_element_type3A_497, %cond3A_499 : i32
        scf.if %cond3A_500 {
          %dma_start3A_561 = arith.constant 0 : i32
          %dma_start3A_562 = arith.constant 0 : i32
          %dma_start3A_563 = tpu.memref_slice %arg9[%sub3A_296, %cond3A_498, %dma_start3A_561, %dma_start3A_562] : memref<2x4x80x64xf32, #tpu.memory_space<vmem>> -> memref<1x1x80x64xf32, #tpu.memory_space<vmem>>
          %dma_start3A_564 = tpu.memref_squeeze %dma_start3A_563 : memref<1x1x80x64xf32, #tpu.memory_space<vmem>> -> memref<80x64xf32, #tpu.memory_space<vmem>>
          %dma_start3A_565 = arith.constant 0 : i32
          %dma_start3A_566 = tpu.memref_slice %arg7[%add3A_494, %dma_start3A_565] : memref<250x80xi32, #tpu.memory_space<vmem>> -> memref<1x80xi32, #tpu.memory_space<vmem>>
          %dma_start3A_567 = tpu.memref_squeeze %dma_start3A_566 : memref<1x80xi32, #tpu.memory_space<vmem>> -> memref<80xi32, #tpu.memory_space<vmem>>
          %dma_start3A_568 = arith.constant 0 : i32
          %dma_start3A_569 = arith.constant 0 : i32
          %dma_start3A_570 = tpu.memref_slice %arg2[%dma_start3A_568, %dma_start3A_569] : memref<10000x64xf32, #tpu.memory_space<hbm>> -> memref<10000x64xf32, #tpu.memory_space<hbm>>
          tpu.enqueue_indirect_dma source(%dma_start3A_570 : memref<10000x64xf32, #tpu.memory_space<hbm>>) target(%dma_start3A_564 : memref<80x64xf32, #tpu.memory_space<vmem>>) offsets(%dma_start3A_567 : memref<80xi32, #tpu.memory_space<vmem>>) semaphore(%arg12 : memref<!tpu.dma_semaphore, #tpu.memory_space<semaphore_mem>>)
        } else {
        }
        %eq3A_501 = arith.constant 1 : i32
        %eq3A_502 = arith.cmpi eq, %arg0, %eq3A_501 : i32
        %convert_element_type3A_503 = arith.extui %eq3A_502 : i1 to i32
        %cond3A_504 = arith.constant 0 : i32
        %cond3A_505 = arith.constant 0 : i32
        %cond3A_506 = arith.cmpi ne, %convert_element_type3A_503, %cond3A_505 : i32
        scf.if %cond3A_506 {
          %dma_start3A_561 = arith.constant 0 : i32
          %dma_start3A_562 = arith.constant 0 : i32
          %dma_start3A_563 = tpu.memref_slice %arg9[%sub3A_296, %cond3A_504, %dma_start3A_561, %dma_start3A_562] : memref<2x4x80x64xf32, #tpu.memory_space<vmem>> -> memref<1x1x80x64xf32, #tpu.memory_space<vmem>>
          %dma_start3A_564 = tpu.memref_squeeze %dma_start3A_563 : memref<1x1x80x64xf32, #tpu.memory_space<vmem>> -> memref<80x64xf32, #tpu.memory_space<vmem>>
          %dma_start3A_565 = arith.constant 0 : i32
          %dma_start3A_566 = tpu.memref_slice %arg7[%add3A_494, %dma_start3A_565] : memref<250x80xi32, #tpu.memory_space<vmem>> -> memref<1x80xi32, #tpu.memory_space<vmem>>
          %dma_start3A_567 = tpu.memref_squeeze %dma_start3A_566 : memref<1x80xi32, #tpu.memory_space<vmem>> -> memref<80xi32, #tpu.memory_space<vmem>>
          %dma_start3A_568 = arith.constant 0 : i32
          %dma_start3A_569 = arith.constant 0 : i32
          %dma_start3A_570 = tpu.memref_slice %arg3[%dma_start3A_568, %dma_start3A_569] : memref<10000x64xf32, #tpu.memory_space<hbm>> -> memref<10000x64xf32, #tpu.memory_space<hbm>>
          tpu.enqueue_indirect_dma source(%dma_start3A_570 : memref<10000x64xf32, #tpu.memory_space<hbm>>) target(%dma_start3A_564 : memref<80x64xf32, #tpu.memory_space<vmem>>) offsets(%dma_start3A_567 : memref<80xi32, #tpu.memory_space<vmem>>) semaphore(%arg12 : memref<!tpu.dma_semaphore, #tpu.memory_space<semaphore_mem>>)
        } else {
        }
        %add3A_507 = arith.constant 1 : i32
        %add3A_508 = arith.addi %scan3A_294, %add3A_507 : i32
        %mul3A_509 = arith.constant 4 : i32
        %mul3A_510 = arith.muli %add3A_508, %mul3A_509 : i32
        %add3A_511 = arith.constant 1 : i32
        %add3A_512 = arith.addi %mul3A_510, %add3A_511 : i32
        %eq3A_513 = arith.constant 0 : i32
        %eq3A_514 = arith.cmpi eq, %arg0, %eq3A_513 : i32
        %convert_element_type3A_515 = arith.extui %eq3A_514 : i1 to i32
        %cond3A_516 = arith.constant 1 : i32
        %cond3A_517 = arith.constant 0 : i32
        %cond3A_518 = arith.cmpi ne, %convert_element_type3A_515, %cond3A_517 : i32
        scf.if %cond3A_518 {
          %dma_start3A_561 = arith.constant 0 : i32
          %dma_start3A_562 = arith.constant 0 : i32
          %dma_start3A_563 = tpu.memref_slice %arg9[%sub3A_296, %cond3A_516, %dma_start3A_561, %dma_start3A_562] : memref<2x4x80x64xf32, #tpu.memory_space<vmem>> -> memref<1x1x80x64xf32, #tpu.memory_space<vmem>>
          %dma_start3A_564 = tpu.memref_squeeze %dma_start3A_563 : memref<1x1x80x64xf32, #tpu.memory_space<vmem>> -> memref<80x64xf32, #tpu.memory_space<vmem>>
          %dma_start3A_565 = arith.constant 0 : i32
          %dma_start3A_566 = tpu.memref_slice %arg7[%add3A_512, %dma_start3A_565] : memref<250x80xi32, #tpu.memory_space<vmem>> -> memref<1x80xi32, #tpu.memory_space<vmem>>
          %dma_start3A_567 = tpu.memref_squeeze %dma_start3A_566 : memref<1x80xi32, #tpu.memory_space<vmem>> -> memref<80xi32, #tpu.memory_space<vmem>>
          %dma_start3A_568 = arith.constant 0 : i32
          %dma_start3A_569 = arith.constant 0 : i32
          %dma_start3A_570 = tpu.memref_slice %arg2[%dma_start3A_568, %dma_start3A_569] : memref<10000x64xf32, #tpu.memory_space<hbm>> -> memref<10000x64xf32, #tpu.memory_space<hbm>>
          tpu.enqueue_indirect_dma source(%dma_start3A_570 : memref<10000x64xf32, #tpu.memory_space<hbm>>) target(%dma_start3A_564 : memref<80x64xf32, #tpu.memory_space<vmem>>) offsets(%dma_start3A_567 : memref<80xi32, #tpu.memory_space<vmem>>) semaphore(%arg12 : memref<!tpu.dma_semaphore, #tpu.memory_space<semaphore_mem>>)
        } else {
        }
        %eq3A_519 = arith.constant 1 : i32
        %eq3A_520 = arith.cmpi eq, %arg0, %eq3A_519 : i32
        %convert_element_type3A_521 = arith.extui %eq3A_520 : i1 to i32
        %cond3A_522 = arith.constant 1 : i32
        %cond3A_523 = arith.constant 0 : i32
        %cond3A_524 = arith.cmpi ne, %convert_element_type3A_521, %cond3A_523 : i32
        scf.if %cond3A_524 {
          %dma_start3A_561 = arith.constant 0 : i32
          %dma_start3A_562 = arith.constant 0 : i32
          %dma_start3A_563 = tpu.memref_slice %arg9[%sub3A_296, %cond3A_522, %dma_start3A_561, %dma_start3A_562] : memref<2x4x80x64xf32, #tpu.memory_space<vmem>> -> memref<1x1x80x64xf32, #tpu.memory_space<vmem>>
          %dma_start3A_564 = tpu.memref_squeeze %dma_start3A_563 : memref<1x1x80x64xf32, #tpu.memory_space<vmem>> -> memref<80x64xf32, #tpu.memory_space<vmem>>
          %dma_start3A_565 = arith.constant 0 : i32
          %dma_start3A_566 = tpu.memref_slice %arg7[%add3A_512, %dma_start3A_565] : memref<250x80xi32, #tpu.memory_space<vmem>> -> memref<1x80xi32, #tpu.memory_space<vmem>>
          %dma_start3A_567 = tpu.memref_squeeze %dma_start3A_566 : memref<1x80xi32, #tpu.memory_space<vmem>> -> memref<80xi32, #tpu.memory_space<vmem>>
          %dma_start3A_568 = arith.constant 0 : i32
          %dma_start3A_569 = arith.constant 0 : i32
          %dma_start3A_570 = tpu.memref_slice %arg3[%dma_start3A_568, %dma_start3A_569] : memref<10000x64xf32, #tpu.memory_space<hbm>> -> memref<10000x64xf32, #tpu.memory_space<hbm>>
          tpu.enqueue_indirect_dma source(%dma_start3A_570 : memref<10000x64xf32, #tpu.memory_space<hbm>>) target(%dma_start3A_564 : memref<80x64xf32, #tpu.memory_space<vmem>>) offsets(%dma_start3A_567 : memref<80xi32, #tpu.memory_space<vmem>>) semaphore(%arg12 : memref<!tpu.dma_semaphore, #tpu.memory_space<semaphore_mem>>)
        } else {
        }
        %add3A_525 = arith.constant 1 : i32
        %add3A_526 = arith.addi %scan3A_294, %add3A_525 : i32
        %mul3A_527 = arith.constant 4 : i32
        %mul3A_528 = arith.muli %add3A_526, %mul3A_527 : i32
        %add3A_529 = arith.constant 2 : i32
        %add3A_530 = arith.addi %mul3A_528, %add3A_529 : i32
        %eq3A_531 = arith.constant 0 : i32
        %eq3A_532 = arith.cmpi eq, %arg0, %eq3A_531 : i32
        %convert_element_type3A_533 = arith.extui %eq3A_532 : i1 to i32
        %cond3A_534 = arith.constant 2 : i32
        %cond3A_535 = arith.constant 0 : i32
        %cond3A_536 = arith.cmpi ne, %convert_element_type3A_533, %cond3A_535 : i32
        scf.if %cond3A_536 {
          %dma_start3A_561 = arith.constant 0 : i32
          %dma_start3A_562 = arith.constant 0 : i32
          %dma_start3A_563 = tpu.memref_slice %arg9[%sub3A_296, %cond3A_534, %dma_start3A_561, %dma_start3A_562] : memref<2x4x80x64xf32, #tpu.memory_space<vmem>> -> memref<1x1x80x64xf32, #tpu.memory_space<vmem>>
          %dma_start3A_564 = tpu.memref_squeeze %dma_start3A_563 : memref<1x1x80x64xf32, #tpu.memory_space<vmem>> -> memref<80x64xf32, #tpu.memory_space<vmem>>
          %dma_start3A_565 = arith.constant 0 : i32
          %dma_start3A_566 = tpu.memref_slice %arg7[%add3A_530, %dma_start3A_565] : memref<250x80xi32, #tpu.memory_space<vmem>> -> memref<1x80xi32, #tpu.memory_space<vmem>>
          %dma_start3A_567 = tpu.memref_squeeze %dma_start3A_566 : memref<1x80xi32, #tpu.memory_space<vmem>> -> memref<80xi32, #tpu.memory_space<vmem>>
          %dma_start3A_568 = arith.constant 0 : i32
          %dma_start3A_569 = arith.constant 0 : i32
          %dma_start3A_570 = tpu.memref_slice %arg2[%dma_start3A_568, %dma_start3A_569] : memref<10000x64xf32, #tpu.memory_space<hbm>> -> memref<10000x64xf32, #tpu.memory_space<hbm>>
          tpu.enqueue_indirect_dma source(%dma_start3A_570 : memref<10000x64xf32, #tpu.memory_space<hbm>>) target(%dma_start3A_564 : memref<80x64xf32, #tpu.memory_space<vmem>>) offsets(%dma_start3A_567 : memref<80xi32, #tpu.memory_space<vmem>>) semaphore(%arg12 : memref<!tpu.dma_semaphore, #tpu.memory_space<semaphore_mem>>)
        } else {
        }
        %eq3A_537 = arith.constant 1 : i32
        %eq3A_538 = arith.cmpi eq, %arg0, %eq3A_537 : i32
        %convert_element_type3A_539 = arith.extui %eq3A_538 : i1 to i32
        %cond3A_540 = arith.constant 2 : i32
        %cond3A_541 = arith.constant 0 : i32
        %cond3A_542 = arith.cmpi ne, %convert_element_type3A_539, %cond3A_541 : i32
        scf.if %cond3A_542 {
          %dma_start3A_561 = arith.constant 0 : i32
          %dma_start3A_562 = arith.constant 0 : i32
          %dma_start3A_563 = tpu.memref_slice %arg9[%sub3A_296, %cond3A_540, %dma_start3A_561, %dma_start3A_562] : memref<2x4x80x64xf32, #tpu.memory_space<vmem>> -> memref<1x1x80x64xf32, #tpu.memory_space<vmem>>
          %dma_start3A_564 = tpu.memref_squeeze %dma_start3A_563 : memref<1x1x80x64xf32, #tpu.memory_space<vmem>> -> memref<80x64xf32, #tpu.memory_space<vmem>>
          %dma_start3A_565 = arith.constant 0 : i32
          %dma_start3A_566 = tpu.memref_slice %arg7[%add3A_530, %dma_start3A_565] : memref<250x80xi32, #tpu.memory_space<vmem>> -> memref<1x80xi32, #tpu.memory_space<vmem>>
          %dma_start3A_567 = tpu.memref_squeeze %dma_start3A_566 : memref<1x80xi32, #tpu.memory_space<vmem>> -> memref<80xi32, #tpu.memory_space<vmem>>
          %dma_start3A_568 = arith.constant 0 : i32
          %dma_start3A_569 = arith.constant 0 : i32
          %dma_start3A_570 = tpu.memref_slice %arg3[%dma_start3A_568, %dma_start3A_569] : memref<10000x64xf32, #tpu.memory_space<hbm>> -> memref<10000x64xf32, #tpu.memory_space<hbm>>
          tpu.enqueue_indirect_dma source(%dma_start3A_570 : memref<10000x64xf32, #tpu.memory_space<hbm>>) target(%dma_start3A_564 : memref<80x64xf32, #tpu.memory_space<vmem>>) offsets(%dma_start3A_567 : memref<80xi32, #tpu.memory_space<vmem>>) semaphore(%arg12 : memref<!tpu.dma_semaphore, #tpu.memory_space<semaphore_mem>>)
        } else {
        }
        %add3A_543 = arith.constant 1 : i32
        %add3A_544 = arith.addi %scan3A_294, %add3A_543 : i32
        %mul3A_545 = arith.constant 4 : i32
        %mul3A_546 = arith.muli %add3A_544, %mul3A_545 : i32
        %add3A_547 = arith.constant 3 : i32
        %add3A_548 = arith.addi %mul3A_546, %add3A_547 : i32
        %eq3A_549 = arith.constant 0 : i32
        %eq3A_550 = arith.cmpi eq, %arg0, %eq3A_549 : i32
        %convert_element_type3A_551 = arith.extui %eq3A_550 : i1 to i32
        %cond3A_552 = arith.constant 3 : i32
        %cond3A_553 = arith.constant 0 : i32
        %cond3A_554 = arith.cmpi ne, %convert_element_type3A_551, %cond3A_553 : i32
        scf.if %cond3A_554 {
          %dma_start3A_561 = arith.constant 0 : i32
          %dma_start3A_562 = arith.constant 0 : i32
          %dma_start3A_563 = tpu.memref_slice %arg9[%sub3A_296, %cond3A_552, %dma_start3A_561, %dma_start3A_562] : memref<2x4x80x64xf32, #tpu.memory_space<vmem>> -> memref<1x1x80x64xf32, #tpu.memory_space<vmem>>
          %dma_start3A_564 = tpu.memref_squeeze %dma_start3A_563 : memref<1x1x80x64xf32, #tpu.memory_space<vmem>> -> memref<80x64xf32, #tpu.memory_space<vmem>>
          %dma_start3A_565 = arith.constant 0 : i32
          %dma_start3A_566 = tpu.memref_slice %arg7[%add3A_548, %dma_start3A_565] : memref<250x80xi32, #tpu.memory_space<vmem>> -> memref<1x80xi32, #tpu.memory_space<vmem>>
          %dma_start3A_567 = tpu.memref_squeeze %dma_start3A_566 : memref<1x80xi32, #tpu.memory_space<vmem>> -> memref<80xi32, #tpu.memory_space<vmem>>
          %dma_start3A_568 = arith.constant 0 : i32
          %dma_start3A_569 = arith.constant 0 : i32
          %dma_start3A_570 = tpu.memref_slice %arg2[%dma_start3A_568, %dma_start3A_569] : memref<10000x64xf32, #tpu.memory_space<hbm>> -> memref<10000x64xf32, #tpu.memory_space<hbm>>
          tpu.enqueue_indirect_dma source(%dma_start3A_570 : memref<10000x64xf32, #tpu.memory_space<hbm>>) target(%dma_start3A_564 : memref<80x64xf32, #tpu.memory_space<vmem>>) offsets(%dma_start3A_567 : memref<80xi32, #tpu.memory_space<vmem>>) semaphore(%arg12 : memref<!tpu.dma_semaphore, #tpu.memory_space<semaphore_mem>>)
        } else {
        }
        %eq3A_555 = arith.constant 1 : i32
        %eq3A_556 = arith.cmpi eq, %arg0, %eq3A_555 : i32
        %convert_element_type3A_557 = arith.extui %eq3A_556 : i1 to i32
        %cond3A_558 = arith.constant 3 : i32
        %cond3A_559 = arith.constant 0 : i32
        %cond3A_560 = arith.cmpi ne, %convert_element_type3A_557, %cond3A_559 : i32
        scf.if %cond3A_560 {
          %dma_start3A_561 = arith.constant 0 : i32
          %dma_start3A_562 = arith.constant 0 : i32
          %dma_start3A_563 = tpu.memref_slice %arg9[%sub3A_296, %cond3A_558, %dma_start3A_561, %dma_start3A_562] : memref<2x4x80x64xf32, #tpu.memory_space<vmem>> -> memref<1x1x80x64xf32, #tpu.memory_space<vmem>>
          %dma_start3A_564 = tpu.memref_squeeze %dma_start3A_563 : memref<1x1x80x64xf32, #tpu.memory_space<vmem>> -> memref<80x64xf32, #tpu.memory_space<vmem>>
          %dma_start3A_565 = arith.constant 0 : i32
          %dma_start3A_566 = tpu.memref_slice %arg7[%add3A_548, %dma_start3A_565] : memref<250x80xi32, #tpu.memory_space<vmem>> -> memref<1x80xi32, #tpu.memory_space<vmem>>
          %dma_start3A_567 = tpu.memref_squeeze %dma_start3A_566 : memref<1x80xi32, #tpu.memory_space<vmem>> -> memref<80xi32, #tpu.memory_space<vmem>>
          %dma_start3A_568 = arith.constant 0 : i32
          %dma_start3A_569 = arith.constant 0 : i32
          %dma_start3A_570 = tpu.memref_slice %arg3[%dma_start3A_568, %dma_start3A_569] : memref<10000x64xf32, #tpu.memory_space<hbm>> -> memref<10000x64xf32, #tpu.memory_space<hbm>>
          tpu.enqueue_indirect_dma source(%dma_start3A_570 : memref<10000x64xf32, #tpu.memory_space<hbm>>) target(%dma_start3A_564 : memref<80x64xf32, #tpu.memory_space<vmem>>) offsets(%dma_start3A_567 : memref<80xi32, #tpu.memory_space<vmem>>) semaphore(%arg12 : memref<!tpu.dma_semaphore, #tpu.memory_space<semaphore_mem>>)
        } else {
        }
      } else {
      }
      %dma_wait3A_425 = arith.constant 0 : i32
      %dma_wait3A_426 = arith.constant 0 : i32
      %dma_wait3A_427 = arith.constant 0 : i32
      %dma_wait3A_428 = arith.constant 0 : i32
      %dma_wait3A_429 = tpu.memref_slice %arg9[%dma_wait3A_425, %dma_wait3A_426, %dma_wait3A_427, %dma_wait3A_428] : memref<2x4x80x64xf32, #tpu.memory_space<vmem>> -> memref<1x1x80x64xf32, #tpu.memory_space<vmem>>
      %dma_wait3A_430 = tpu.memref_squeeze %dma_wait3A_429 : memref<1x1x80x64xf32, #tpu.memory_space<vmem>> -> memref<80x64xf32, #tpu.memory_space<vmem>>
      %dma_wait3A_431 = arith.constant 0 : i32
      %dma_wait3A_432 = arith.constant 0 : i32
      %dma_wait3A_433 = tpu.memref_slice %arg2[%dma_wait3A_431, %dma_wait3A_432] : memref<10000x64xf32, #tpu.memory_space<hbm>> -> memref<80x64xf32, #tpu.memory_space<hbm>>
      %dma_wait3A_434 = arith.constant 0 : i32
      %dma_wait3A_435 = arith.constant 0 : i32
      %dma_wait3A_436 = tpu.memref_slice %arg9[%dma_wait3A_425, %dma_wait3A_426, %dma_wait3A_434, %dma_wait3A_435] : memref<2x4x80x64xf32, #tpu.memory_space<vmem>> -> memref<1x1x80x64xf32, #tpu.memory_space<vmem>>
      %dma_wait3A_437 = tpu.memref_squeeze %dma_wait3A_436 : memref<1x1x80x64xf32, #tpu.memory_space<vmem>> -> memref<80x64xf32, #tpu.memory_space<vmem>>
      %dma_wait3A_438 = arith.constant 0 : i32
      %dma_wait3A_439 = arith.constant 0 : i32
      %dma_wait3A_440 = tpu.memref_slice %arg2[%dma_wait3A_438, %dma_wait3A_439] : memref<10000x64xf32, #tpu.memory_space<hbm>> -> memref<80x64xf32, #tpu.memory_space<hbm>>
      tpu.wait_dma2 semaphore(%arg13 : memref<!tpu.dma_semaphore, #tpu.memory_space<semaphore_mem>>) src(%dma_wait3A_440 : memref<80x64xf32, #tpu.memory_space<hbm>>) dst(%dma_wait3A_437 : memref<80x64xf32, #tpu.memory_space<vmem>>)
      %dma_wait3A_441 = arith.constant 0 : i32
      %dma_wait3A_442 = arith.constant 0 : i32
      %dma_wait3A_443 = arith.constant 0 : i32
      %dma_wait3A_444 = arith.constant 0 : i32
      %dma_wait3A_445 = tpu.memref_slice %arg9[%dma_wait3A_441, %dma_wait3A_442, %dma_wait3A_443, %dma_wait3A_444] : memref<2x4x80x64xf32, #tpu.memory_space<vmem>> -> memref<1x1x80x64xf32, #tpu.memory_space<vmem>>
      %dma_wait3A_446 = tpu.memref_squeeze %dma_wait3A_445 : memref<1x1x80x64xf32, #tpu.memory_space<vmem>> -> memref<80x64xf32, #tpu.memory_space<vmem>>
      %dma_wait3A_447 = arith.constant 0 : i32
      %dma_wait3A_448 = arith.constant 0 : i32
      %dma_wait3A_449 = tpu.memref_slice %arg2[%dma_wait3A_447, %dma_wait3A_448] : memref<10000x64xf32, #tpu.memory_space<hbm>> -> memref<80x64xf32, #tpu.memory_space<hbm>>
      %dma_wait3A_450 = arith.constant 0 : i32
      %dma_wait3A_451 = arith.constant 0 : i32
      %dma_wait3A_452 = tpu.memref_slice %arg9[%dma_wait3A_441, %dma_wait3A_442, %dma_wait3A_450, %dma_wait3A_451] : memref<2x4x80x64xf32, #tpu.memory_space<vmem>> -> memref<1x1x80x64xf32, #tpu.memory_space<vmem>>
      %dma_wait3A_453 = tpu.memref_squeeze %dma_wait3A_452 : memref<1x1x80x64xf32, #tpu.memory_space<vmem>> -> memref<80x64xf32, #tpu.memory_space<vmem>>
      %dma_wait3A_454 = arith.constant 0 : i32
      %dma_wait3A_455 = arith.constant 0 : i32
      %dma_wait3A_456 = tpu.memref_slice %arg2[%dma_wait3A_454, %dma_wait3A_455] : memref<10000x64xf32, #tpu.memory_space<hbm>> -> memref<80x64xf32, #tpu.memory_space<hbm>>
      tpu.wait_dma2 semaphore(%arg13 : memref<!tpu.dma_semaphore, #tpu.memory_space<semaphore_mem>>) src(%dma_wait3A_456 : memref<80x64xf32, #tpu.memory_space<hbm>>) dst(%dma_wait3A_453 : memref<80x64xf32, #tpu.memory_space<vmem>>)
      %dma_wait3A_457 = arith.constant 0 : i32
      %dma_wait3A_458 = arith.constant 0 : i32
      %dma_wait3A_459 = arith.constant 0 : i32
      %dma_wait3A_460 = arith.constant 0 : i32
      %dma_wait3A_461 = tpu.memref_slice %arg9[%dma_wait3A_457, %dma_wait3A_458, %dma_wait3A_459, %dma_wait3A_460] : memref<2x4x80x64xf32, #tpu.memory_space<vmem>> -> memref<1x1x80x64xf32, #tpu.memory_space<vmem>>
      %dma_wait3A_462 = tpu.memref_squeeze %dma_wait3A_461 : memref<1x1x80x64xf32, #tpu.memory_space<vmem>> -> memref<80x64xf32, #tpu.memory_space<vmem>>
      %dma_wait3A_463 = arith.constant 0 : i32
      %dma_wait3A_464 = arith.constant 0 : i32
      %dma_wait3A_465 = tpu.memref_slice %arg2[%dma_wait3A_463, %dma_wait3A_464] : memref<10000x64xf32, #tpu.memory_space<hbm>> -> memref<80x64xf32, #tpu.memory_space<hbm>>
      %dma_wait3A_466 = arith.constant 0 : i32
      %dma_wait3A_467 = arith.constant 0 : i32
      %dma_wait3A_468 = tpu.memref_slice %arg9[%dma_wait3A_457, %dma_wait3A_458, %dma_wait3A_466, %dma_wait3A_467] : memref<2x4x80x64xf32, #tpu.memory_space<vmem>> -> memref<1x1x80x64xf32, #tpu.memory_space<vmem>>
      %dma_wait3A_469 = tpu.memref_squeeze %dma_wait3A_468 : memref<1x1x80x64xf32, #tpu.memory_space<vmem>> -> memref<80x64xf32, #tpu.memory_space<vmem>>
      %dma_wait3A_470 = arith.constant 0 : i32
      %dma_wait3A_471 = arith.constant 0 : i32
      %dma_wait3A_472 = tpu.memref_slice %arg2[%dma_wait3A_470, %dma_wait3A_471] : memref<10000x64xf32, #tpu.memory_space<hbm>> -> memref<80x64xf32, #tpu.memory_space<hbm>>
      tpu.wait_dma2 semaphore(%arg13 : memref<!tpu.dma_semaphore, #tpu.memory_space<semaphore_mem>>) src(%dma_wait3A_472 : memref<80x64xf32, #tpu.memory_space<hbm>>) dst(%dma_wait3A_469 : memref<80x64xf32, #tpu.memory_space<vmem>>)
      %dma_wait3A_473 = arith.constant 0 : i32
      %dma_wait3A_474 = arith.constant 0 : i32
      %dma_wait3A_475 = arith.constant 0 : i32
      %dma_wait3A_476 = arith.constant 0 : i32
      %dma_wait3A_477 = tpu.memref_slice %arg9[%dma_wait3A_473, %dma_wait3A_474, %dma_wait3A_475, %dma_wait3A_476] : memref<2x4x80x64xf32, #tpu.memory_space<vmem>> -> memref<1x1x80x64xf32, #tpu.memory_space<vmem>>
      %dma_wait3A_478 = tpu.memref_squeeze %dma_wait3A_477 : memref<1x1x80x64xf32, #tpu.memory_space<vmem>> -> memref<80x64xf32, #tpu.memory_space<vmem>>
      %dma_wait3A_479 = arith.constant 0 : i32
      %dma_wait3A_480 = arith.constant 0 : i32
      %dma_wait3A_481 = tpu.memref_slice %arg2[%dma_wait3A_479, %dma_wait3A_480] : memref<10000x64xf32, #tpu.memory_space<hbm>> -> memref<80x64xf32, #tpu.memory_space<hbm>>
      %dma_wait3A_482 = arith.constant 0 : i32
      %dma_wait3A_483 = arith.constant 0 : i32
      %dma_wait3A_484 = tpu.memref_slice %arg9[%dma_wait3A_473, %dma_wait3A_474, %dma_wait3A_482, %dma_wait3A_483] : memref<2x4x80x64xf32, #tpu.memory_space<vmem>> -> memref<1x1x80x64xf32, #tpu.memory_space<vmem>>
      %dma_wait3A_485 = tpu.memref_squeeze %dma_wait3A_484 : memref<1x1x80x64xf32, #tpu.memory_space<vmem>> -> memref<80x64xf32, #tpu.memory_space<vmem>>
      %dma_wait3A_486 = arith.constant 0 : i32
      %dma_wait3A_487 = arith.constant 0 : i32
      %dma_wait3A_488 = tpu.memref_slice %arg2[%dma_wait3A_486, %dma_wait3A_487] : memref<10000x64xf32, #tpu.memory_space<hbm>> -> memref<80x64xf32, #tpu.memory_space<hbm>>
      tpu.wait_dma2 semaphore(%arg13 : memref<!tpu.dma_semaphore, #tpu.memory_space<semaphore_mem>>) src(%dma_wait3A_488 : memref<80x64xf32, #tpu.memory_space<hbm>>) dst(%dma_wait3A_485 : memref<80x64xf32, #tpu.memory_space<vmem>>)
    }
    %scan3A_160 = arith.constant 62 : i32
    %eq3A_161 = arith.constant 0 : i32
    %eq3A_162 = arith.cmpi eq, %arg0, %eq3A_161 : i32
    %convert_element_type3A_163 = arith.extui %eq3A_162 : i1 to i32
    %cond3A_164 = arith.constant 248 : i32
    %cond3A_165 = arith.constant 0 : i32
    %cond3A_166 = arith.constant 0 : i32
    %cond3A_167 = arith.constant 0 : i32
    %cond3A_168 = arith.cmpi ne, %convert_element_type3A_163, %cond3A_167 : i32
    scf.if %cond3A_168 {
      %dma_start3A_294 = arith.constant 0 : i32
      %dma_start3A_295 = arith.constant 0 : i32
      %dma_start3A_296 = tpu.memref_slice %arg9[%cond3A_165, %cond3A_166, %dma_start3A_294, %dma_start3A_295] : memref<2x4x80x64xf32, #tpu.memory_space<vmem>> -> memref<1x1x80x64xf32, #tpu.memory_space<vmem>>
      %dma_start3A_297 = tpu.memref_squeeze %dma_start3A_296 : memref<1x1x80x64xf32, #tpu.memory_space<vmem>> -> memref<80x64xf32, #tpu.memory_space<vmem>>
      %dma_start3A_298 = arith.constant 0 : i32
      %dma_start3A_299 = tpu.memref_slice %arg7[%cond3A_164, %dma_start3A_298] : memref<250x80xi32, #tpu.memory_space<vmem>> -> memref<1x80xi32, #tpu.memory_space<vmem>>
      %dma_start3A_300 = tpu.memref_squeeze %dma_start3A_299 : memref<1x80xi32, #tpu.memory_space<vmem>> -> memref<80xi32, #tpu.memory_space<vmem>>
      %dma_start3A_301 = arith.constant 0 : i32
      %dma_start3A_302 = arith.constant 0 : i32
      %dma_start3A_303 = tpu.memref_slice %arg2[%dma_start3A_301, %dma_start3A_302] : memref<10000x64xf32, #tpu.memory_space<hbm>> -> memref<10000x64xf32, #tpu.memory_space<hbm>>
      tpu.enqueue_indirect_dma source(%dma_start3A_303 : memref<10000x64xf32, #tpu.memory_space<hbm>>) target(%dma_start3A_297 : memref<80x64xf32, #tpu.memory_space<vmem>>) offsets(%dma_start3A_300 : memref<80xi32, #tpu.memory_space<vmem>>) semaphore(%arg12 : memref<!tpu.dma_semaphore, #tpu.memory_space<semaphore_mem>>)
    } else {
    }
    %eq3A_169 = arith.constant 1 : i32
    %eq3A_170 = arith.cmpi eq, %arg0, %eq3A_169 : i32
    %convert_element_type3A_171 = arith.extui %eq3A_170 : i1 to i32
    %cond3A_172 = arith.constant 248 : i32
    %cond3A_173 = arith.constant 0 : i32
    %cond3A_174 = arith.constant 0 : i32
    %cond3A_175 = arith.constant 0 : i32
    %cond3A_176 = arith.cmpi ne, %convert_element_type3A_171, %cond3A_175 : i32
    scf.if %cond3A_176 {
      %dma_start3A_294 = arith.constant 0 : i32
      %dma_start3A_295 = arith.constant 0 : i32
      %dma_start3A_296 = tpu.memref_slice %arg9[%cond3A_173, %cond3A_174, %dma_start3A_294, %dma_start3A_295] : memref<2x4x80x64xf32, #tpu.memory_space<vmem>> -> memref<1x1x80x64xf32, #tpu.memory_space<vmem>>
      %dma_start3A_297 = tpu.memref_squeeze %dma_start3A_296 : memref<1x1x80x64xf32, #tpu.memory_space<vmem>> -> memref<80x64xf32, #tpu.memory_space<vmem>>
      %dma_start3A_298 = arith.constant 0 : i32
      %dma_start3A_299 = tpu.memref_slice %arg7[%cond3A_172, %dma_start3A_298] : memref<250x80xi32, #tpu.memory_space<vmem>> -> memref<1x80xi32, #tpu.memory_space<vmem>>
      %dma_start3A_300 = tpu.memref_squeeze %dma_start3A_299 : memref<1x80xi32, #tpu.memory_space<vmem>> -> memref<80xi32, #tpu.memory_space<vmem>>
      %dma_start3A_301 = arith.constant 0 : i32
      %dma_start3A_302 = arith.constant 0 : i32
      %dma_start3A_303 = tpu.memref_slice %arg3[%dma_start3A_301, %dma_start3A_302] : memref<10000x64xf32, #tpu.memory_space<hbm>> -> memref<10000x64xf32, #tpu.memory_space<hbm>>
      tpu.enqueue_indirect_dma source(%dma_start3A_303 : memref<10000x64xf32, #tpu.memory_space<hbm>>) target(%dma_start3A_297 : memref<80x64xf32, #tpu.memory_space<vmem>>) offsets(%dma_start3A_300 : memref<80xi32, #tpu.memory_space<vmem>>) semaphore(%arg12 : memref<!tpu.dma_semaphore, #tpu.memory_space<semaphore_mem>>)
    } else {
    }
    %dma_wait3A_177 = arith.constant 0 : i32
    %dma_wait3A_178 = arith.constant 0 : i32
    %dma_wait3A_179 = arith.constant 0 : i32
    %dma_wait3A_180 = arith.constant 0 : i32
    %dma_wait3A_181 = tpu.memref_slice %arg9[%dma_wait3A_177, %dma_wait3A_178, %dma_wait3A_179, %dma_wait3A_180] : memref<2x4x80x64xf32, #tpu.memory_space<vmem>> -> memref<1x1x80x64xf32, #tpu.memory_space<vmem>>
    %dma_wait3A_182 = tpu.memref_squeeze %dma_wait3A_181 : memref<1x1x80x64xf32, #tpu.memory_space<vmem>> -> memref<80x64xf32, #tpu.memory_space<vmem>>
    %dma_wait3A_183 = arith.constant 0 : i32
    %dma_wait3A_184 = arith.constant 0 : i32
    %dma_wait3A_185 = tpu.memref_slice %arg2[%dma_wait3A_183, %dma_wait3A_184] : memref<10000x64xf32, #tpu.memory_space<hbm>> -> memref<80x64xf32, #tpu.memory_space<hbm>>
    %dma_wait3A_186 = arith.constant 0 : i32
    %dma_wait3A_187 = arith.constant 0 : i32
    %dma_wait3A_188 = tpu.memref_slice %arg9[%dma_wait3A_177, %dma_wait3A_178, %dma_wait3A_186, %dma_wait3A_187] : memref<2x4x80x64xf32, #tpu.memory_space<vmem>> -> memref<1x1x80x64xf32, #tpu.memory_space<vmem>>
    %dma_wait3A_189 = tpu.memref_squeeze %dma_wait3A_188 : memref<1x1x80x64xf32, #tpu.memory_space<vmem>> -> memref<80x64xf32, #tpu.memory_space<vmem>>
    %dma_wait3A_190 = arith.constant 0 : i32
    %dma_wait3A_191 = arith.constant 0 : i32
    %dma_wait3A_192 = tpu.memref_slice %arg2[%dma_wait3A_190, %dma_wait3A_191] : memref<10000x64xf32, #tpu.memory_space<hbm>> -> memref<80x64xf32, #tpu.memory_space<hbm>>
    tpu.wait_dma2 semaphore(%arg12 : memref<!tpu.dma_semaphore, #tpu.memory_space<semaphore_mem>>) src(%dma_wait3A_192 : memref<80x64xf32, #tpu.memory_space<hbm>>) dst(%dma_wait3A_189 : memref<80x64xf32, #tpu.memory_space<vmem>>)
    %dma_start3A_193 = arith.constant 0 : i32
    %dma_start3A_194 = arith.constant 0 : i32
    %dma_start3A_195 = arith.constant 248 : i32
    %dma_start3A_196 = arith.constant 0 : i32
    %dma_start3A_197 = arith.constant 0 : i32
    %dma_start3A_198 = tpu.memref_slice %arg9[%dma_start3A_193, %dma_start3A_194, %dma_start3A_196, %dma_start3A_197] : memref<2x4x80x64xf32, #tpu.memory_space<vmem>> -> memref<1x1x80x64xf32, #tpu.memory_space<vmem>>
    %dma_start3A_199 = tpu.memref_squeeze %dma_start3A_198 : memref<1x1x80x64xf32, #tpu.memory_space<vmem>> -> memref<80x64xf32, #tpu.memory_space<vmem>>
    %dma_start3A_200 = arith.constant 0 : i32
    %dma_start3A_201 = tpu.memref_slice %arg8[%dma_start3A_195, %dma_start3A_200] : memref<250x80xi32, #tpu.memory_space<vmem>> -> memref<1x80xi32, #tpu.memory_space<vmem>>
    %dma_start3A_202 = tpu.memref_squeeze %dma_start3A_201 : memref<1x80xi32, #tpu.memory_space<vmem>> -> memref<80xi32, #tpu.memory_space<vmem>>
    %dma_start3A_203 = arith.constant 0 : i32
    %dma_start3A_204 = arith.constant 0 : i32
    %dma_start3A_205 = tpu.memref_slice %arg11[%dma_start3A_203, %dma_start3A_204] : memref<10000x64xf32, #tpu.memory_space<vmem_shared>> -> memref<10000x64xf32, #tpu.memory_space<vmem_shared>>
    tpu.enqueue_indirect_dma source(%dma_start3A_199 : memref<80x64xf32, #tpu.memory_space<vmem>>) target(%dma_start3A_205 : memref<10000x64xf32, #tpu.memory_space<vmem_shared>>) offsets(%dma_start3A_202 : memref<80xi32, #tpu.memory_space<vmem>>) semaphore(%arg13 : memref<!tpu.dma_semaphore, #tpu.memory_space<semaphore_mem>>) {add = true}
    %dma_wait3A_206 = arith.constant 0 : i32
    %dma_wait3A_207 = arith.constant 0 : i32
    %dma_wait3A_208 = arith.constant 0 : i32
    %dma_wait3A_209 = arith.constant 0 : i32
    %dma_wait3A_210 = tpu.memref_slice %arg9[%dma_wait3A_206, %dma_wait3A_207, %dma_wait3A_208, %dma_wait3A_209] : memref<2x4x80x64xf32, #tpu.memory_space<vmem>> -> memref<1x1x80x64xf32, #tpu.memory_space<vmem>>
    %dma_wait3A_211 = tpu.memref_squeeze %dma_wait3A_210 : memref<1x1x80x64xf32, #tpu.memory_space<vmem>> -> memref<80x64xf32, #tpu.memory_space<vmem>>
    %dma_wait3A_212 = arith.constant 0 : i32
    %dma_wait3A_213 = arith.constant 0 : i32
    %dma_wait3A_214 = tpu.memref_slice %arg2[%dma_wait3A_212, %dma_wait3A_213] : memref<10000x64xf32, #tpu.memory_space<hbm>> -> memref<80x64xf32, #tpu.memory_space<hbm>>
    %dma_wait3A_215 = arith.constant 0 : i32
    %dma_wait3A_216 = arith.constant 0 : i32
    %dma_wait3A_217 = tpu.memref_slice %arg9[%dma_wait3A_206, %dma_wait3A_207, %dma_wait3A_215, %dma_wait3A_216] : memref<2x4x80x64xf32, #tpu.memory_space<vmem>> -> memref<1x1x80x64xf32, #tpu.memory_space<vmem>>
    %dma_wait3A_218 = tpu.memref_squeeze %dma_wait3A_217 : memref<1x1x80x64xf32, #tpu.memory_space<vmem>> -> memref<80x64xf32, #tpu.memory_space<vmem>>
    %dma_wait3A_219 = arith.constant 0 : i32
    %dma_wait3A_220 = arith.constant 0 : i32
    %dma_wait3A_221 = tpu.memref_slice %arg2[%dma_wait3A_219, %dma_wait3A_220] : memref<10000x64xf32, #tpu.memory_space<hbm>> -> memref<80x64xf32, #tpu.memory_space<hbm>>
    tpu.wait_dma2 semaphore(%arg13 : memref<!tpu.dma_semaphore, #tpu.memory_space<semaphore_mem>>) src(%dma_wait3A_221 : memref<80x64xf32, #tpu.memory_space<hbm>>) dst(%dma_wait3A_218 : memref<80x64xf32, #tpu.memory_space<vmem>>)
    %eq3A_222 = arith.constant 0 : i32
    %eq3A_223 = arith.cmpi eq, %arg0, %eq3A_222 : i32
    %convert_element_type3A_224 = arith.extui %eq3A_223 : i1 to i32
    %cond3A_225 = arith.constant 249 : i32
    %cond3A_226 = arith.constant 0 : i32
    %cond3A_227 = arith.constant 0 : i32
    %cond3A_228 = arith.constant 0 : i32
    %cond3A_229 = arith.cmpi ne, %convert_element_type3A_224, %cond3A_228 : i32
    scf.if %cond3A_229 {
      %dma_start3A_294 = arith.constant 0 : i32
      %dma_start3A_295 = arith.constant 0 : i32
      %dma_start3A_296 = tpu.memref_slice %arg9[%cond3A_226, %cond3A_227, %dma_start3A_294, %dma_start3A_295] : memref<2x4x80x64xf32, #tpu.memory_space<vmem>> -> memref<1x1x80x64xf32, #tpu.memory_space<vmem>>
      %dma_start3A_297 = tpu.memref_squeeze %dma_start3A_296 : memref<1x1x80x64xf32, #tpu.memory_space<vmem>> -> memref<80x64xf32, #tpu.memory_space<vmem>>
      %dma_start3A_298 = arith.constant 0 : i32
      %dma_start3A_299 = tpu.memref_slice %arg7[%cond3A_225, %dma_start3A_298] : memref<250x80xi32, #tpu.memory_space<vmem>> -> memref<1x80xi32, #tpu.memory_space<vmem>>
      %dma_start3A_300 = tpu.memref_squeeze %dma_start3A_299 : memref<1x80xi32, #tpu.memory_space<vmem>> -> memref<80xi32, #tpu.memory_space<vmem>>
      %dma_start3A_301 = arith.constant 0 : i32
      %dma_start3A_302 = arith.constant 0 : i32
      %dma_start3A_303 = tpu.memref_slice %arg2[%dma_start3A_301, %dma_start3A_302] : memref<10000x64xf32, #tpu.memory_space<hbm>> -> memref<10000x64xf32, #tpu.memory_space<hbm>>
      tpu.enqueue_indirect_dma source(%dma_start3A_303 : memref<10000x64xf32, #tpu.memory_space<hbm>>) target(%dma_start3A_297 : memref<80x64xf32, #tpu.memory_space<vmem>>) offsets(%dma_start3A_300 : memref<80xi32, #tpu.memory_space<vmem>>) semaphore(%arg12 : memref<!tpu.dma_semaphore, #tpu.memory_space<semaphore_mem>>)
    } else {
    }
    %eq3A_230 = arith.constant 1 : i32
    %eq3A_231 = arith.cmpi eq, %arg0, %eq3A_230 : i32
    %convert_element_type3A_232 = arith.extui %eq3A_231 : i1 to i32
    %cond3A_233 = arith.constant 249 : i32
    %cond3A_234 = arith.constant 0 : i32
    %cond3A_235 = arith.constant 0 : i32
    %cond3A_236 = arith.constant 0 : i32
    %cond3A_237 = arith.cmpi ne, %convert_element_type3A_232, %cond3A_236 : i32
    scf.if %cond3A_237 {
      %dma_start3A_294 = arith.constant 0 : i32
      %dma_start3A_295 = arith.constant 0 : i32
      %dma_start3A_296 = tpu.memref_slice %arg9[%cond3A_234, %cond3A_235, %dma_start3A_294, %dma_start3A_295] : memref<2x4x80x64xf32, #tpu.memory_space<vmem>> -> memref<1x1x80x64xf32, #tpu.memory_space<vmem>>
      %dma_start3A_297 = tpu.memref_squeeze %dma_start3A_296 : memref<1x1x80x64xf32, #tpu.memory_space<vmem>> -> memref<80x64xf32, #tpu.memory_space<vmem>>
      %dma_start3A_298 = arith.constant 0 : i32
      %dma_start3A_299 = tpu.memref_slice %arg7[%cond3A_233, %dma_start3A_298] : memref<250x80xi32, #tpu.memory_space<vmem>> -> memref<1x80xi32, #tpu.memory_space<vmem>>
      %dma_start3A_300 = tpu.memref_squeeze %dma_start3A_299 : memref<1x80xi32, #tpu.memory_space<vmem>> -> memref<80xi32, #tpu.memory_space<vmem>>
      %dma_start3A_301 = arith.constant 0 : i32
      %dma_start3A_302 = arith.constant 0 : i32
      %dma_start3A_303 = tpu.memref_slice %arg3[%dma_start3A_301, %dma_start3A_302] : memref<10000x64xf32, #tpu.memory_space<hbm>> -> memref<10000x64xf32, #tpu.memory_space<hbm>>
      tpu.enqueue_indirect_dma source(%dma_start3A_303 : memref<10000x64xf32, #tpu.memory_space<hbm>>) target(%dma_start3A_297 : memref<80x64xf32, #tpu.memory_space<vmem>>) offsets(%dma_start3A_300 : memref<80xi32, #tpu.memory_space<vmem>>) semaphore(%arg12 : memref<!tpu.dma_semaphore, #tpu.memory_space<semaphore_mem>>)
    } else {
    }
    %dma_wait3A_238 = arith.constant 0 : i32
    %dma_wait3A_239 = arith.constant 0 : i32
    %dma_wait3A_240 = arith.constant 0 : i32
    %dma_wait3A_241 = arith.constant 0 : i32
    %dma_wait3A_242 = tpu.memref_slice %arg9[%dma_wait3A_238, %dma_wait3A_239, %dma_wait3A_240, %dma_wait3A_241] : memref<2x4x80x64xf32, #tpu.memory_space<vmem>> -> memref<1x1x80x64xf32, #tpu.memory_space<vmem>>
    %dma_wait3A_243 = tpu.memref_squeeze %dma_wait3A_242 : memref<1x1x80x64xf32, #tpu.memory_space<vmem>> -> memref<80x64xf32, #tpu.memory_space<vmem>>
    %dma_wait3A_244 = arith.constant 0 : i32
    %dma_wait3A_245 = arith.constant 0 : i32
    %dma_wait3A_246 = tpu.memref_slice %arg2[%dma_wait3A_244, %dma_wait3A_245] : memref<10000x64xf32, #tpu.memory_space<hbm>> -> memref<80x64xf32, #tpu.memory_space<hbm>>
    %dma_wait3A_247 = arith.constant 0 : i32
    %dma_wait3A_248 = arith.constant 0 : i32
    %dma_wait3A_249 = tpu.memref_slice %arg9[%dma_wait3A_238, %dma_wait3A_239, %dma_wait3A_247, %dma_wait3A_248] : memref<2x4x80x64xf32, #tpu.memory_space<vmem>> -> memref<1x1x80x64xf32, #tpu.memory_space<vmem>>
    %dma_wait3A_250 = tpu.memref_squeeze %dma_wait3A_249 : memref<1x1x80x64xf32, #tpu.memory_space<vmem>> -> memref<80x64xf32, #tpu.memory_space<vmem>>
    %dma_wait3A_251 = arith.constant 0 : i32
    %dma_wait3A_252 = arith.constant 0 : i32
    %dma_wait3A_253 = tpu.memref_slice %arg2[%dma_wait3A_251, %dma_wait3A_252] : memref<10000x64xf32, #tpu.memory_space<hbm>> -> memref<80x64xf32, #tpu.memory_space<hbm>>
    tpu.wait_dma2 semaphore(%arg12 : memref<!tpu.dma_semaphore, #tpu.memory_space<semaphore_mem>>) src(%dma_wait3A_253 : memref<80x64xf32, #tpu.memory_space<hbm>>) dst(%dma_wait3A_250 : memref<80x64xf32, #tpu.memory_space<vmem>>)
    %dma_start3A_254 = arith.constant 0 : i32
    %dma_start3A_255 = arith.constant 0 : i32
    %dma_start3A_256 = arith.constant 249 : i32
    %dma_start3A_257 = arith.constant 0 : i32
    %dma_start3A_258 = arith.constant 0 : i32
    %dma_start3A_259 = tpu.memref_slice %arg9[%dma_start3A_254, %dma_start3A_255, %dma_start3A_257, %dma_start3A_258] : memref<2x4x80x64xf32, #tpu.memory_space<vmem>> -> memref<1x1x80x64xf32, #tpu.memory_space<vmem>>
    %dma_start3A_260 = tpu.memref_squeeze %dma_start3A_259 : memref<1x1x80x64xf32, #tpu.memory_space<vmem>> -> memref<80x64xf32, #tpu.memory_space<vmem>>
    %dma_start3A_261 = arith.constant 0 : i32
    %dma_start3A_262 = tpu.memref_slice %arg8[%dma_start3A_256, %dma_start3A_261] : memref<250x80xi32, #tpu.memory_space<vmem>> -> memref<1x80xi32, #tpu.memory_space<vmem>>
    %dma_start3A_263 = tpu.memref_squeeze %dma_start3A_262 : memref<1x80xi32, #tpu.memory_space<vmem>> -> memref<80xi32, #tpu.memory_space<vmem>>
    %dma_start3A_264 = arith.constant 0 : i32
    %dma_start3A_265 = arith.constant 0 : i32
    %dma_start3A_266 = tpu.memref_slice %arg11[%dma_start3A_264, %dma_start3A_265] : memref<10000x64xf32, #tpu.memory_space<vmem_shared>> -> memref<10000x64xf32, #tpu.memory_space<vmem_shared>>
    tpu.enqueue_indirect_dma source(%dma_start3A_260 : memref<80x64xf32, #tpu.memory_space<vmem>>) target(%dma_start3A_266 : memref<10000x64xf32, #tpu.memory_space<vmem_shared>>) offsets(%dma_start3A_263 : memref<80xi32, #tpu.memory_space<vmem>>) semaphore(%arg13 : memref<!tpu.dma_semaphore, #tpu.memory_space<semaphore_mem>>) {add = true}
    %dma_wait3A_267 = arith.constant 0 : i32
    %dma_wait3A_268 = arith.constant 0 : i32
    %dma_wait3A_269 = arith.constant 0 : i32
    %dma_wait3A_270 = arith.constant 0 : i32
    %dma_wait3A_271 = tpu.memref_slice %arg9[%dma_wait3A_267, %dma_wait3A_268, %dma_wait3A_269, %dma_wait3A_270] : memref<2x4x80x64xf32, #tpu.memory_space<vmem>> -> memref<1x1x80x64xf32, #tpu.memory_space<vmem>>
    %dma_wait3A_272 = tpu.memref_squeeze %dma_wait3A_271 : memref<1x1x80x64xf32, #tpu.memory_space<vmem>> -> memref<80x64xf32, #tpu.memory_space<vmem>>
    %dma_wait3A_273 = arith.constant 0 : i32
    %dma_wait3A_274 = arith.constant 0 : i32
    %dma_wait3A_275 = tpu.memref_slice %arg2[%dma_wait3A_273, %dma_wait3A_274] : memref<10000x64xf32, #tpu.memory_space<hbm>> -> memref<80x64xf32, #tpu.memory_space<hbm>>
    %dma_wait3A_276 = arith.constant 0 : i32
    %dma_wait3A_277 = arith.constant 0 : i32
    %dma_wait3A_278 = tpu.memref_slice %arg9[%dma_wait3A_267, %dma_wait3A_268, %dma_wait3A_276, %dma_wait3A_277] : memref<2x4x80x64xf32, #tpu.memory_space<vmem>> -> memref<1x1x80x64xf32, #tpu.memory_space<vmem>>
    %dma_wait3A_279 = tpu.memref_squeeze %dma_wait3A_278 : memref<1x1x80x64xf32, #tpu.memory_space<vmem>> -> memref<80x64xf32, #tpu.memory_space<vmem>>
    %dma_wait3A_280 = arith.constant 0 : i32
    %dma_wait3A_281 = arith.constant 0 : i32
    %dma_wait3A_282 = tpu.memref_slice %arg2[%dma_wait3A_280, %dma_wait3A_281] : memref<10000x64xf32, #tpu.memory_space<hbm>> -> memref<80x64xf32, #tpu.memory_space<hbm>>
    tpu.wait_dma2 semaphore(%arg13 : memref<!tpu.dma_semaphore, #tpu.memory_space<semaphore_mem>>) src(%dma_wait3A_282 : memref<80x64xf32, #tpu.memory_space<hbm>>) dst(%dma_wait3A_279 : memref<80x64xf32, #tpu.memory_space<vmem>>)
    %barrier3A_283 = arith.constant 0 : index
    tpu.barrier barrier_id(%barrier3A_283)
    %eq3A_284 = arith.constant 0 : i32
    %eq3A_285 = arith.cmpi eq, %arg0, %eq3A_284 : i32
    %convert_element_type3A_286 = arith.extui %eq3A_285 : i1 to i32
    %cond3A_287 = arith.constant 0 : i32
    %cond3A_288 = arith.cmpi ne, %convert_element_type3A_286, %cond3A_287 : i32
    scf.if %cond3A_288 {
      %mul3A_294 = arith.constant 625 : i32
      %mul3A_295 = arith.muli %arg1, %mul3A_294 : i32
      %add3A_296 = arith.constant 0 : i32
      %add3A_297 = arith.addi %mul3A_295, %add3A_296 : i32
      %mul3A_298 = arith.constant 625 : i32
      %mul3A_299 = arith.muli %arg1, %mul3A_298 : i32
      %add3A_300 = arith.constant 0 : i32
      %add3A_301 = arith.addi %mul3A_299, %add3A_300 : i32
      %dma_start3A_302 = arith.constant 0 : i32
      %dma_start3A_303 = tpu.memref_slice %arg6[%add3A_301, %dma_start3A_302] : memref<10000x128xf32, #tpu.memory_space<hbm>> -> memref<125x64xf32, #tpu.memory_space<hbm>>
      %dma_start3A_304 = arith.constant 0 : i32
      %dma_start3A_305 = tpu.memref_slice %arg11[%add3A_297, %dma_start3A_304] : memref<10000x64xf32, #tpu.memory_space<vmem_shared>> -> memref<125x64xf32, #tpu.memory_space<vmem_shared>>
      tpu.enqueue_dma source(%dma_start3A_305 : memref<125x64xf32, #tpu.memory_space<vmem_shared>>) target(%dma_start3A_303 : memref<125x64xf32, #tpu.memory_space<hbm>>) target_semaphore(%arg12 : memref<!tpu.dma_semaphore, #tpu.memory_space<semaphore_mem>>)
      %mul3A_306 = arith.constant 625 : i32
      %mul3A_307 = arith.muli %arg1, %mul3A_306 : i32
      %add3A_308 = arith.constant 125 : i32
      %add3A_309 = arith.addi %mul3A_307, %add3A_308 : i32
      %mul3A_310 = arith.constant 625 : i32
      %mul3A_311 = arith.muli %arg1, %mul3A_310 : i32
      %add3A_312 = arith.constant 125 : i32
      %add3A_313 = arith.addi %mul3A_311, %add3A_312 : i32
      %dma_start3A_314 = arith.constant 0 : i32
      %dma_start3A_315 = tpu.memref_slice %arg6[%add3A_313, %dma_start3A_314] : memref<10000x128xf32, #tpu.memory_space<hbm>> -> memref<125x64xf32, #tpu.memory_space<hbm>>
      %dma_start3A_316 = arith.constant 0 : i32
      %dma_start3A_317 = tpu.memref_slice %arg11[%add3A_309, %dma_start3A_316] : memref<10000x64xf32, #tpu.memory_space<vmem_shared>> -> memref<125x64xf32, #tpu.memory_space<vmem_shared>>
      tpu.enqueue_dma source(%dma_start3A_317 : memref<125x64xf32, #tpu.memory_space<vmem_shared>>) target(%dma_start3A_315 : memref<125x64xf32, #tpu.memory_space<hbm>>) target_semaphore(%arg12 : memref<!tpu.dma_semaphore, #tpu.memory_space<semaphore_mem>>)
      %mul3A_318 = arith.constant 625 : i32
      %mul3A_319 = arith.muli %arg1, %mul3A_318 : i32
      %add3A_320 = arith.constant 250 : i32
      %add3A_321 = arith.addi %mul3A_319, %add3A_320 : i32
      %mul3A_322 = arith.constant 625 : i32
      %mul3A_323 = arith.muli %arg1, %mul3A_322 : i32
      %add3A_324 = arith.constant 250 : i32
      %add3A_325 = arith.addi %mul3A_323, %add3A_324 : i32
      %dma_start3A_326 = arith.constant 0 : i32
      %dma_start3A_327 = tpu.memref_slice %arg6[%add3A_325, %dma_start3A_326] : memref<10000x128xf32, #tpu.memory_space<hbm>> -> memref<125x64xf32, #tpu.memory_space<hbm>>
      %dma_start3A_328 = arith.constant 0 : i32
      %dma_start3A_329 = tpu.memref_slice %arg11[%add3A_321, %dma_start3A_328] : memref<10000x64xf32, #tpu.memory_space<vmem_shared>> -> memref<125x64xf32, #tpu.memory_space<vmem_shared>>
      tpu.enqueue_dma source(%dma_start3A_329 : memref<125x64xf32, #tpu.memory_space<vmem_shared>>) target(%dma_start3A_327 : memref<125x64xf32, #tpu.memory_space<hbm>>) target_semaphore(%arg12 : memref<!tpu.dma_semaphore, #tpu.memory_space<semaphore_mem>>)
      %mul3A_330 = arith.constant 625 : i32
      %mul3A_331 = arith.muli %arg1, %mul3A_330 : i32
      %add3A_332 = arith.constant 375 : i32
      %add3A_333 = arith.addi %mul3A_331, %add3A_332 : i32
      %mul3A_334 = arith.constant 625 : i32
      %mul3A_335 = arith.muli %arg1, %mul3A_334 : i32
      %add3A_336 = arith.constant 375 : i32
      %add3A_337 = arith.addi %mul3A_335, %add3A_336 : i32
      %dma_start3A_338 = arith.constant 0 : i32
      %dma_start3A_339 = tpu.memref_slice %arg6[%add3A_337, %dma_start3A_338] : memref<10000x128xf32, #tpu.memory_space<hbm>> -> memref<125x64xf32, #tpu.memory_space<hbm>>
      %dma_start3A_340 = arith.constant 0 : i32
      %dma_start3A_341 = tpu.memref_slice %arg11[%add3A_333, %dma_start3A_340] : memref<10000x64xf32, #tpu.memory_space<vmem_shared>> -> memref<125x64xf32, #tpu.memory_space<vmem_shared>>
      tpu.enqueue_dma source(%dma_start3A_341 : memref<125x64xf32, #tpu.memory_space<vmem_shared>>) target(%dma_start3A_339 : memref<125x64xf32, #tpu.memory_space<hbm>>) target_semaphore(%arg12 : memref<!tpu.dma_semaphore, #tpu.memory_space<semaphore_mem>>)
      %mul3A_342 = arith.constant 625 : i32
      %mul3A_343 = arith.muli %arg1, %mul3A_342 : i32
      %add3A_344 = arith.constant 500 : i32
      %add3A_345 = arith.addi %mul3A_343, %add3A_344 : i32
      %mul3A_346 = arith.constant 625 : i32
      %mul3A_347 = arith.muli %arg1, %mul3A_346 : i32
      %add3A_348 = arith.constant 500 : i32
      %add3A_349 = arith.addi %mul3A_347, %add3A_348 : i32
      %dma_start3A_350 = arith.constant 0 : i32
      %dma_start3A_351 = tpu.memref_slice %arg6[%add3A_349, %dma_start3A_350] : memref<10000x128xf32, #tpu.memory_space<hbm>> -> memref<125x64xf32, #tpu.memory_space<hbm>>
      %dma_start3A_352 = arith.constant 0 : i32
      %dma_start3A_353 = tpu.memref_slice %arg11[%add3A_345, %dma_start3A_352] : memref<10000x64xf32, #tpu.memory_space<vmem_shared>> -> memref<125x64xf32, #tpu.memory_space<vmem_shared>>
      tpu.enqueue_dma source(%dma_start3A_353 : memref<125x64xf32, #tpu.memory_space<vmem_shared>>) target(%dma_start3A_351 : memref<125x64xf32, #tpu.memory_space<hbm>>) target_semaphore(%arg12 : memref<!tpu.dma_semaphore, #tpu.memory_space<semaphore_mem>>)
      %dma_wait3A_354 = arith.constant 0 : i32
      %dma_wait3A_355 = tpu.memref_slice %arg6[%add3A_301, %dma_wait3A_354] : memref<10000x128xf32, #tpu.memory_space<hbm>> -> memref<125x64xf32, #tpu.memory_space<hbm>>
      %dma_wait3A_356 = arith.constant 0 : i32
      %dma_wait3A_357 = tpu.memref_slice %arg11[%add3A_297, %dma_wait3A_356] : memref<10000x64xf32, #tpu.memory_space<vmem_shared>> -> memref<125x64xf32, #tpu.memory_space<vmem_shared>>
      tpu.wait_dma2 semaphore(%arg12 : memref<!tpu.dma_semaphore, #tpu.memory_space<semaphore_mem>>) src(%dma_wait3A_357 : memref<125x64xf32, #tpu.memory_space<vmem_shared>>) dst(%dma_wait3A_355 : memref<125x64xf32, #tpu.memory_space<hbm>>)
      %dma_wait3A_358 = arith.constant 0 : i32
      %dma_wait3A_359 = tpu.memref_slice %arg6[%add3A_313, %dma_wait3A_358] : memref<10000x128xf32, #tpu.memory_space<hbm>> -> memref<125x64xf32, #tpu.memory_space<hbm>>
      %dma_wait3A_360 = arith.constant 0 : i32
      %dma_wait3A_361 = tpu.memref_slice %arg11[%add3A_309, %dma_wait3A_360] : memref<10000x64xf32, #tpu.memory_space<vmem_shared>> -> memref<125x64xf32, #tpu.memory_space<vmem_shared>>
      tpu.wait_dma2 semaphore(%arg12 : memref<!tpu.dma_semaphore, #tpu.memory_space<semaphore_mem>>) src(%dma_wait3A_361 : memref<125x64xf32, #tpu.memory_space<vmem_shared>>) dst(%dma_wait3A_359 : memref<125x64xf32, #tpu.memory_space<hbm>>)
      %dma_wait3A_362 = arith.constant 0 : i32
      %dma_wait3A_363 = tpu.memref_slice %arg6[%add3A_325, %dma_wait3A_362] : memref<10000x128xf32, #tpu.memory_space<hbm>> -> memref<125x64xf32, #tpu.memory_space<hbm>>
      %dma_wait3A_364 = arith.constant 0 : i32
      %dma_wait3A_365 = tpu.memref_slice %arg11[%add3A_321, %dma_wait3A_364] : memref<10000x64xf32, #tpu.memory_space<vmem_shared>> -> memref<125x64xf32, #tpu.memory_space<vmem_shared>>
      tpu.wait_dma2 semaphore(%arg12 : memref<!tpu.dma_semaphore, #tpu.memory_space<semaphore_mem>>) src(%dma_wait3A_365 : memref<125x64xf32, #tpu.memory_space<vmem_shared>>) dst(%dma_wait3A_363 : memref<125x64xf32, #tpu.memory_space<hbm>>)
      %dma_wait3A_366 = arith.constant 0 : i32
      %dma_wait3A_367 = tpu.memref_slice %arg6[%add3A_337, %dma_wait3A_366] : memref<10000x128xf32, #tpu.memory_space<hbm>> -> memref<125x64xf32, #tpu.memory_space<hbm>>
      %dma_wait3A_368 = arith.constant 0 : i32
      %dma_wait3A_369 = tpu.memref_slice %arg11[%add3A_333, %dma_wait3A_368] : memref<10000x64xf32, #tpu.memory_space<vmem_shared>> -> memref<125x64xf32, #tpu.memory_space<vmem_shared>>
      tpu.wait_dma2 semaphore(%arg12 : memref<!tpu.dma_semaphore, #tpu.memory_space<semaphore_mem>>) src(%dma_wait3A_369 : memref<125x64xf32, #tpu.memory_space<vmem_shared>>) dst(%dma_wait3A_367 : memref<125x64xf32, #tpu.memory_space<hbm>>)
      %dma_wait3A_370 = arith.constant 0 : i32
      %dma_wait3A_371 = tpu.memref_slice %arg6[%add3A_349, %dma_wait3A_370] : memref<10000x128xf32, #tpu.memory_space<hbm>> -> memref<125x64xf32, #tpu.memory_space<hbm>>
      %dma_wait3A_372 = arith.constant 0 : i32
      %dma_wait3A_373 = tpu.memref_slice %arg11[%add3A_345, %dma_wait3A_372] : memref<10000x64xf32, #tpu.memory_space<vmem_shared>> -> memref<125x64xf32, #tpu.memory_space<vmem_shared>>
      tpu.wait_dma2 semaphore(%arg12 : memref<!tpu.dma_semaphore, #tpu.memory_space<semaphore_mem>>) src(%dma_wait3A_373 : memref<125x64xf32, #tpu.memory_space<vmem_shared>>) dst(%dma_wait3A_371 : memref<125x64xf32, #tpu.memory_space<hbm>>)
    } else {
    }
    %eq3A_289 = arith.constant 1 : i32
    %eq3A_290 = arith.cmpi eq, %arg0, %eq3A_289 : i32
    %convert_element_type3A_291 = arith.extui %eq3A_290 : i1 to i32
    %cond3A_292 = arith.constant 0 : i32
    %cond3A_293 = arith.cmpi ne, %convert_element_type3A_291, %cond3A_292 : i32
    scf.if %cond3A_293 {
      %mul3A_294 = arith.constant 625 : i32
      %mul3A_295 = arith.muli %arg1, %mul3A_294 : i32
      %add3A_296 = arith.constant 0 : i32
      %add3A_297 = arith.addi %mul3A_295, %add3A_296 : i32
      %mul3A_298 = arith.constant 625 : i32
      %mul3A_299 = arith.muli %arg1, %mul3A_298 : i32
      %add3A_300 = arith.constant 0 : i32
      %add3A_301 = arith.addi %mul3A_299, %add3A_300 : i32
      %dma_start3A_302 = arith.constant 64 : i32
      %dma_start3A_303 = tpu.memref_slice %arg6[%add3A_301, %dma_start3A_302] : memref<10000x128xf32, #tpu.memory_space<hbm>> -> memref<125x64xf32, #tpu.memory_space<hbm>>
      %dma_start3A_304 = arith.constant 0 : i32
      %dma_start3A_305 = tpu.memref_slice %arg11[%add3A_297, %dma_start3A_304] : memref<10000x64xf32, #tpu.memory_space<vmem_shared>> -> memref<125x64xf32, #tpu.memory_space<vmem_shared>>
      tpu.enqueue_dma source(%dma_start3A_305 : memref<125x64xf32, #tpu.memory_space<vmem_shared>>) target(%dma_start3A_303 : memref<125x64xf32, #tpu.memory_space<hbm>>) target_semaphore(%arg12 : memref<!tpu.dma_semaphore, #tpu.memory_space<semaphore_mem>>)
      %mul3A_306 = arith.constant 625 : i32
      %mul3A_307 = arith.muli %arg1, %mul3A_306 : i32
      %add3A_308 = arith.constant 125 : i32
      %add3A_309 = arith.addi %mul3A_307, %add3A_308 : i32
      %mul3A_310 = arith.constant 625 : i32
      %mul3A_311 = arith.muli %arg1, %mul3A_310 : i32
      %add3A_312 = arith.constant 125 : i32
      %add3A_313 = arith.addi %mul3A_311, %add3A_312 : i32
      %dma_start3A_314 = arith.constant 64 : i32
      %dma_start3A_315 = tpu.memref_slice %arg6[%add3A_313, %dma_start3A_314] : memref<10000x128xf32, #tpu.memory_space<hbm>> -> memref<125x64xf32, #tpu.memory_space<hbm>>
      %dma_start3A_316 = arith.constant 0 : i32
      %dma_start3A_317 = tpu.memref_slice %arg11[%add3A_309, %dma_start3A_316] : memref<10000x64xf32, #tpu.memory_space<vmem_shared>> -> memref<125x64xf32, #tpu.memory_space<vmem_shared>>
      tpu.enqueue_dma source(%dma_start3A_317 : memref<125x64xf32, #tpu.memory_space<vmem_shared>>) target(%dma_start3A_315 : memref<125x64xf32, #tpu.memory_space<hbm>>) target_semaphore(%arg12 : memref<!tpu.dma_semaphore, #tpu.memory_space<semaphore_mem>>)
      %mul3A_318 = arith.constant 625 : i32
      %mul3A_319 = arith.muli %arg1, %mul3A_318 : i32
      %add3A_320 = arith.constant 250 : i32
      %add3A_321 = arith.addi %mul3A_319, %add3A_320 : i32
      %mul3A_322 = arith.constant 625 : i32
      %mul3A_323 = arith.muli %arg1, %mul3A_322 : i32
      %add3A_324 = arith.constant 250 : i32
      %add3A_325 = arith.addi %mul3A_323, %add3A_324 : i32
      %dma_start3A_326 = arith.constant 64 : i32
      %dma_start3A_327 = tpu.memref_slice %arg6[%add3A_325, %dma_start3A_326] : memref<10000x128xf32, #tpu.memory_space<hbm>> -> memref<125x64xf32, #tpu.memory_space<hbm>>
      %dma_start3A_328 = arith.constant 0 : i32
      %dma_start3A_329 = tpu.memref_slice %arg11[%add3A_321, %dma_start3A_328] : memref<10000x64xf32, #tpu.memory_space<vmem_shared>> -> memref<125x64xf32, #tpu.memory_space<vmem_shared>>
      tpu.enqueue_dma source(%dma_start3A_329 : memref<125x64xf32, #tpu.memory_space<vmem_shared>>) target(%dma_start3A_327 : memref<125x64xf32, #tpu.memory_space<hbm>>) target_semaphore(%arg12 : memref<!tpu.dma_semaphore, #tpu.memory_space<semaphore_mem>>)
      %mul3A_330 = arith.constant 625 : i32
      %mul3A_331 = arith.muli %arg1, %mul3A_330 : i32
      %add3A_332 = arith.constant 375 : i32
      %add3A_333 = arith.addi %mul3A_331, %add3A_332 : i32
      %mul3A_334 = arith.constant 625 : i32
      %mul3A_335 = arith.muli %arg1, %mul3A_334 : i32
      %add3A_336 = arith.constant 375 : i32
      %add3A_337 = arith.addi %mul3A_335, %add3A_336 : i32
      %dma_start3A_338 = arith.constant 64 : i32
      %dma_start3A_339 = tpu.memref_slice %arg6[%add3A_337, %dma_start3A_338] : memref<10000x128xf32, #tpu.memory_space<hbm>> -> memref<125x64xf32, #tpu.memory_space<hbm>>
      %dma_start3A_340 = arith.constant 0 : i32
      %dma_start3A_341 = tpu.memref_slice %arg11[%add3A_333, %dma_start3A_340] : memref<10000x64xf32, #tpu.memory_space<vmem_shared>> -> memref<125x64xf32, #tpu.memory_space<vmem_shared>>
      tpu.enqueue_dma source(%dma_start3A_341 : memref<125x64xf32, #tpu.memory_space<vmem_shared>>) target(%dma_start3A_339 : memref<125x64xf32, #tpu.memory_space<hbm>>) target_semaphore(%arg12 : memref<!tpu.dma_semaphore, #tpu.memory_space<semaphore_mem>>)
      %mul3A_342 = arith.constant 625 : i32
      %mul3A_343 = arith.muli %arg1, %mul3A_342 : i32
      %add3A_344 = arith.constant 500 : i32
      %add3A_345 = arith.addi %mul3A_343, %add3A_344 : i32
      %mul3A_346 = arith.constant 625 : i32
      %mul3A_347 = arith.muli %arg1, %mul3A_346 : i32
      %add3A_348 = arith.constant 500 : i32
      %add3A_349 = arith.addi %mul3A_347, %add3A_348 : i32
      %dma_start3A_350 = arith.constant 64 : i32
      %dma_start3A_351 = tpu.memref_slice %arg6[%add3A_349, %dma_start3A_350] : memref<10000x128xf32, #tpu.memory_space<hbm>> -> memref<125x64xf32, #tpu.memory_space<hbm>>
      %dma_start3A_352 = arith.constant 0 : i32
      %dma_start3A_353 = tpu.memref_slice %arg11[%add3A_345, %dma_start3A_352] : memref<10000x64xf32, #tpu.memory_space<vmem_shared>> -> memref<125x64xf32, #tpu.memory_space<vmem_shared>>
      tpu.enqueue_dma source(%dma_start3A_353 : memref<125x64xf32, #tpu.memory_space<vmem_shared>>) target(%dma_start3A_351 : memref<125x64xf32, #tpu.memory_space<hbm>>) target_semaphore(%arg12 : memref<!tpu.dma_semaphore, #tpu.memory_space<semaphore_mem>>)
      %dma_wait3A_354 = arith.constant 64 : i32
      %dma_wait3A_355 = tpu.memref_slice %arg6[%add3A_301, %dma_wait3A_354] : memref<10000x128xf32, #tpu.memory_space<hbm>> -> memref<125x64xf32, #tpu.memory_space<hbm>>
      %dma_wait3A_356 = arith.constant 0 : i32
      %dma_wait3A_357 = tpu.memref_slice %arg11[%add3A_297, %dma_wait3A_356] : memref<10000x64xf32, #tpu.memory_space<vmem_shared>> -> memref<125x64xf32, #tpu.memory_space<vmem_shared>>
      tpu.wait_dma2 semaphore(%arg12 : memref<!tpu.dma_semaphore, #tpu.memory_space<semaphore_mem>>) src(%dma_wait3A_357 : memref<125x64xf32, #tpu.memory_space<vmem_shared>>) dst(%dma_wait3A_355 : memref<125x64xf32, #tpu.memory_space<hbm>>)
      %dma_wait3A_358 = arith.constant 64 : i32
      %dma_wait3A_359 = tpu.memref_slice %arg6[%add3A_313, %dma_wait3A_358] : memref<10000x128xf32, #tpu.memory_space<hbm>> -> memref<125x64xf32, #tpu.memory_space<hbm>>
      %dma_wait3A_360 = arith.constant 0 : i32
      %dma_wait3A_361 = tpu.memref_slice %arg11[%add3A_309, %dma_wait3A_360] : memref<10000x64xf32, #tpu.memory_space<vmem_shared>> -> memref<125x64xf32, #tpu.memory_space<vmem_shared>>
      tpu.wait_dma2 semaphore(%arg12 : memref<!tpu.dma_semaphore, #tpu.memory_space<semaphore_mem>>) src(%dma_wait3A_361 : memref<125x64xf32, #tpu.memory_space<vmem_shared>>) dst(%dma_wait3A_359 : memref<125x64xf32, #tpu.memory_space<hbm>>)
      %dma_wait3A_362 = arith.constant 64 : i32
      %dma_wait3A_363 = tpu.memref_slice %arg6[%add3A_325, %dma_wait3A_362] : memref<10000x128xf32, #tpu.memory_space<hbm>> -> memref<125x64xf32, #tpu.memory_space<hbm>>
      %dma_wait3A_364 = arith.constant 0 : i32
      %dma_wait3A_365 = tpu.memref_slice %arg11[%add3A_321, %dma_wait3A_364] : memref<10000x64xf32, #tpu.memory_space<vmem_shared>> -> memref<125x64xf32, #tpu.memory_space<vmem_shared>>
      tpu.wait_dma2 semaphore(%arg12 : memref<!tpu.dma_semaphore, #tpu.memory_space<semaphore_mem>>) src(%dma_wait3A_365 : memref<125x64xf32, #tpu.memory_space<vmem_shared>>) dst(%dma_wait3A_363 : memref<125x64xf32, #tpu.memory_space<hbm>>)
      %dma_wait3A_366 = arith.constant 64 : i32
      %dma_wait3A_367 = tpu.memref_slice %arg6[%add3A_337, %dma_wait3A_366] : memref<10000x128xf32, #tpu.memory_space<hbm>> -> memref<125x64xf32, #tpu.memory_space<hbm>>
      %dma_wait3A_368 = arith.constant 0 : i32
      %dma_wait3A_369 = tpu.memref_slice %arg11[%add3A_333, %dma_wait3A_368] : memref<10000x64xf32, #tpu.memory_space<vmem_shared>> -> memref<125x64xf32, #tpu.memory_space<vmem_shared>>
      tpu.wait_dma2 semaphore(%arg12 : memref<!tpu.dma_semaphore, #tpu.memory_space<semaphore_mem>>) src(%dma_wait3A_369 : memref<125x64xf32, #tpu.memory_space<vmem_shared>>) dst(%dma_wait3A_367 : memref<125x64xf32, #tpu.memory_space<hbm>>)
      %dma_wait3A_370 = arith.constant 64 : i32
      %dma_wait3A_371 = tpu.memref_slice %arg6[%add3A_349, %dma_wait3A_370] : memref<10000x128xf32, #tpu.memory_space<hbm>> -> memref<125x64xf32, #tpu.memory_space<hbm>>
      %dma_wait3A_372 = arith.constant 0 : i32
      %dma_wait3A_373 = tpu.memref_slice %arg11[%add3A_345, %dma_wait3A_372] : memref<10000x64xf32, #tpu.memory_space<vmem_shared>> -> memref<125x64xf32, #tpu.memory_space<vmem_shared>>
      tpu.wait_dma2 semaphore(%arg12 : memref<!tpu.dma_semaphore, #tpu.memory_space<semaphore_mem>>) src(%dma_wait3A_373 : memref<125x64xf32, #tpu.memory_space<vmem_shared>>) dst(%dma_wait3A_371 : memref<125x64xf32, #tpu.memory_space<hbm>>)
    } else {
    }
    return
  }
}

#map = affine_map<(d0, d1) -> (0, 0)>
#map1 = affine_map<(d0, d1) -> (0, 0, 0)>
module attributes {stable_mosaic.version = 14 : i64} {
  func.func @_scatter_body(%arg0: i32, %arg1: i32, %arg2: memref<10000x64xf32, #tpu.memory_space<hbm>>, %arg3: memref<10000x64xf32, #tpu.memory_space<hbm>>, %arg4: memref<16x250x80xi32, #tpu.memory_space<hbm>>, %arg5: memref<16x250x80xi32, #tpu.memory_space<hbm>>, %arg6: memref<10000x128xf32, #tpu.memory_space<hbm>>, %arg7: memref<250x80xi32, #tpu.memory_space<vmem>>, %arg8: memref<250x80xi32, #tpu.memory_space<vmem>>, %arg9: memref<2x4x80x64xf32, #tpu.memory_space<vmem>>, %arg10: memref<125x64xf32, #tpu.memory_space<vmem>>, %arg11: memref<10000x64xf32, #tpu.memory_space<vmem_shared>>, %arg12: memref<!tpu.dma_semaphore, #tpu.memory_space<semaphore_mem>>, %arg13: memref<!tpu.dma_semaphore, #tpu.memory_space<semaphore_mem>>) attributes {dimension_semantics = [#tpu.dimension_semantics<core_parallel>, #tpu.dimension_semantics<subcore_parallel>], iteration_bounds = array<i64: 2, 16>, scalar_prefetch = 0 : i64, scratch_operands = 7 : i64, tpu.core_type = #tpu.core_type<sc_vector_subcore>, window_params = [{transform_indices = #map}, {transform_indices = #map}, {transform_indices = #map1}, {transform_indices = #map1}, {transform_indices = #map}]} {
    %dma_start3A = arith.constant 0 : i32
    %dma_start3A_0 = arith.constant 0 : i32
    %dma_start3A_1 = tpu.memref_slice %arg4[%arg1, %dma_start3A, %dma_start3A_0] : memref<16x250x80xi32, #tpu.memory_space<hbm>> -> memref<1x250x80xi32, #tpu.memory_space<hbm>>
    %dma_start3A_2 = tpu.memref_squeeze %dma_start3A_1 : memref<1x250x80xi32, #tpu.memory_space<hbm>> -> memref<250x80xi32, #tpu.memory_space<hbm>>
    %dma_start3A_3 = arith.constant 0 : i32
    %dma_start3A_4 = arith.constant 0 : i32
    %dma_start3A_5 = tpu.memref_slice %arg4[%arg1, %dma_start3A_3, %dma_start3A_4] : memref<16x250x80xi32, #tpu.memory_space<hbm>> -> memref<1x250x80xi32, #tpu.memory_space<hbm>>
    %dma_start3A_6 = tpu.memref_squeeze %dma_start3A_5 : memref<1x250x80xi32, #tpu.memory_space<hbm>> -> memref<250x80xi32, #tpu.memory_space<hbm>>
    tpu.enqueue_dma source(%dma_start3A_6 : memref<250x80xi32, #tpu.memory_space<hbm>>) target(%arg7 : memref<250x80xi32, #tpu.memory_space<vmem>>) target_semaphore(%arg12 : memref<!tpu.dma_semaphore, #tpu.memory_space<semaphore_mem>>)
    %dma_start3A_7 = arith.constant 0 : i32
    %dma_start3A_8 = arith.constant 0 : i32
    %dma_start3A_9 = tpu.memref_slice %arg5[%arg1, %dma_start3A_7, %dma_start3A_8] : memref<16x250x80xi32, #tpu.memory_space<hbm>> -> memref<1x250x80xi32, #tpu.memory_space<hbm>>
    %dma_start3A_10 = tpu.memref_squeeze %dma_start3A_9 : memref<1x250x80xi32, #tpu.memory_space<hbm>> -> memref<250x80xi32, #tpu.memory_space<hbm>>
    %dma_start3A_11 = arith.constant 0 : i32
    %dma_start3A_12 = arith.constant 0 : i32
    %dma_start3A_13 = tpu.memref_slice %arg5[%arg1, %dma_start3A_11, %dma_start3A_12] : memref<16x250x80xi32, #tpu.memory_space<hbm>> -> memref<1x250x80xi32, #tpu.memory_space<hbm>>
    %dma_start3A_14 = tpu.memref_squeeze %dma_start3A_13 : memref<1x250x80xi32, #tpu.memory_space<hbm>> -> memref<250x80xi32, #tpu.memory_space<hbm>>
    tpu.enqueue_dma source(%dma_start3A_14 : memref<250x80xi32, #tpu.memory_space<hbm>>) target(%arg8 : memref<250x80xi32, #tpu.memory_space<vmem>>) target_semaphore(%arg13 : memref<!tpu.dma_semaphore, #tpu.memory_space<semaphore_mem>>)
    %broadcast_in_dim3A = arith.constant 0.000000e+00 : f32
    %broadcast_in_dim3A_15 = vector.broadcast %broadcast_in_dim3A : f32 to vector<16xf32>
    %scan3A = arith.constant 0 : i32
    %scan3A_16 = arith.constant 0 : i32
    %scan3A_17 = arith.constant 500 : i32
    %scan3A_18 = arith.addi %scan3A_16, %scan3A_17 : i32
    %scan3A_19 = arith.constant 1 : i32
    scf.for %scan3A_294 = %scan3A_16 to %scan3A_18 step %scan3A_19  : i32 {
      %jit3A = arith.constant 4 : i32
      %div3A = arith.divsi %scan3A_294, %jit3A : i32
      %sign3A = arith.constant 0 : i32
      %sign3A_295 = arith.cmpi sgt, %scan3A_294, %sign3A : i32
      %sign3A_296 = arith.extui %sign3A_295 : i1 to i32
      %sign3A_297 = arith.constant 0 : i32
      %sign3A_298 = arith.cmpi slt, %scan3A_294, %sign3A_297 : i32
      %sign3A_299 = arith.extui %sign3A_298 : i1 to i32
      %sign3A_300 = arith.subi %sign3A_296, %sign3A_299 : i32
      %sign3A_301 = arith.constant 0 : i32
      %sign3A_302 = arith.cmpi sgt, %jit3A, %sign3A_301 : i32
      %sign3A_303 = arith.extui %sign3A_302 : i1 to i32
      %sign3A_304 = arith.constant 0 : i32
      %sign3A_305 = arith.cmpi slt, %jit3A, %sign3A_304 : i32
      %sign3A_306 = arith.extui %sign3A_305 : i1 to i32
      %sign3A_307 = arith.subi %sign3A_303, %sign3A_306 : i32
      %ne3A = arith.cmpi ne, %sign3A_300, %sign3A_307 : i32
      %rem3A = arith.remsi %scan3A_294, %jit3A : i32
      %ne3A_308 = arith.constant 0 : i32
      %ne3A_309 = arith.cmpi ne, %rem3A, %ne3A_308 : i32
      %and3A = arith.andi %ne3A, %ne3A_309 : i1
      %sub3A = arith.constant 1 : i32
      %sub3A_310 = arith.subi %div3A, %sub3A : i32
      %select_n3A = arith.select %and3A, %sub3A_310, %div3A : i32
      %jit3A_311 = arith.constant 4 : i32
      %eq3A_312 = arith.constant 0 : i32
      %eq3A_313 = arith.cmpi eq, %jit3A_311, %eq3A_312 : i32
      %jit3A_314 = arith.constant 1 : i32
      %select_n3A_315 = arith.select %eq3A_313, %jit3A_314, %jit3A_311 : i32
      %rem3A_316 = arith.remsi %scan3A_294, %select_n3A_315 : i32
      %ne3A_317 = arith.constant 0 : i32
      %ne3A_318 = arith.cmpi ne, %rem3A_316, %ne3A_317 : i32
      %lt3A = arith.constant 0 : i32
      %lt3A_319 = arith.cmpi slt, %rem3A_316, %lt3A : i32
      %lt3A_320 = arith.constant 0 : i32
      %lt3A_321 = arith.cmpi slt, %select_n3A_315, %lt3A_320 : i32
      %ne3A_322 = arith.xori %lt3A_319, %lt3A_321 : i1
      %and3A_323 = arith.andi %ne3A_322, %ne3A_318 : i1
      %add3A_324 = arith.addi %rem3A_316, %select_n3A_315 : i32
      %select_n3A_325 = arith.select %and3A_323, %add3A_324, %rem3A_316 : i32
      %mul3A_326 = arith.constant 16 : i32
      %mul3A_327 = arith.muli %select_n3A_325, %mul3A_326 : i32
      %swap3A = arith.index_cast %select_n3A : i32 to index
      %swap3A_328 = arith.index_cast %mul3A_327 : i32 to index
      %swap3A_329 = tpu.vector_load %arg10[%swap3A, %swap3A_328] {strides = array<i32>} : memref<125x64xf32, #tpu.memory_space<vmem>>, vector<1x16xf32>,
      %swap3A_330 = vector.shape_cast %swap3A_329 : vector<1x16xf32> to vector<16xf32>
      %swap3A_331 = vector.shape_cast %broadcast_in_dim3A_15 : vector<16xf32> to vector<1x16xf32>
      tpu.vector_store %arg10[%swap3A, %swap3A_328], %swap3A_331 {strides = array<i32>} : memref<125x64xf32, #tpu.memory_space<vmem>>, vector<1x16xf32>,
    }
    %scan3A_20 = arith.constant 500 : i32
    %mul3A = arith.constant 625 : i32
    %mul3A_21 = arith.muli %arg1, %mul3A : i32
    %add3A = arith.constant 0 : i32
    %add3A_22 = arith.addi %mul3A_21, %add3A : i32
    %dma_start3A_23 = arith.constant 0 : i32
    %dma_start3A_24 = tpu.memref_slice %arg11[%add3A_22, %dma_start3A_23] : memref<10000x64xf32, #tpu.memory_space<vmem_shared>> -> memref<125x64xf32, #tpu.memory_space<vmem_shared>>
    %dma_start3A_25 = arith.constant 0 : i32
    %dma_start3A_26 = tpu.memref_slice %arg11[%add3A_22, %dma_start3A_25] : memref<10000x64xf32, #tpu.memory_space<vmem_shared>> -> memref<125x64xf32, #tpu.memory_space<vmem_shared>>
    tpu.enqueue_dma source(%arg10 : memref<125x64xf32, #tpu.memory_space<vmem>>) target(%dma_start3A_26 : memref<125x64xf32, #tpu.memory_space<vmem_shared>>) target_semaphore(%arg13 : memref<!tpu.dma_semaphore, #tpu.memory_space<semaphore_mem>>)
    %mul3A_27 = arith.constant 625 : i32
    %mul3A_28 = arith.muli %arg1, %mul3A_27 : i32
    %add3A_29 = arith.constant 125 : i32
    %add3A_30 = arith.addi %mul3A_28, %add3A_29 : i32
    %dma_start3A_31 = arith.constant 0 : i32
    %dma_start3A_32 = tpu.memref_slice %arg11[%add3A_30, %dma_start3A_31] : memref<10000x64xf32, #tpu.memory_space<vmem_shared>> -> memref<125x64xf32, #tpu.memory_space<vmem_shared>>
    %dma_start3A_33 = arith.constant 0 : i32
    %dma_start3A_34 = tpu.memref_slice %arg11[%add3A_30, %dma_start3A_33] : memref<10000x64xf32, #tpu.memory_space<vmem_shared>> -> memref<125x64xf32, #tpu.memory_space<vmem_shared>>
    tpu.enqueue_dma source(%arg10 : memref<125x64xf32, #tpu.memory_space<vmem>>) target(%dma_start3A_34 : memref<125x64xf32, #tpu.memory_space<vmem_shared>>) target_semaphore(%arg13 : memref<!tpu.dma_semaphore, #tpu.memory_space<semaphore_mem>>)
    %mul3A_35 = arith.constant 625 : i32
    %mul3A_36 = arith.muli %arg1, %mul3A_35 : i32
    %add3A_37 = arith.constant 250 : i32
    %add3A_38 = arith.addi %mul3A_36, %add3A_37 : i32
    %dma_start3A_39 = arith.constant 0 : i32
    %dma_start3A_40 = tpu.memref_slice %arg11[%add3A_38, %dma_start3A_39] : memref<10000x64xf32, #tpu.memory_space<vmem_shared>> -> memref<125x64xf32, #tpu.memory_space<vmem_shared>>
    %dma_start3A_41 = arith.constant 0 : i32
    %dma_start3A_42 = tpu.memref_slice %arg11[%add3A_38, %dma_start3A_41] : memref<10000x64xf32, #tpu.memory_space<vmem_shared>> -> memref<125x64xf32, #tpu.memory_space<vmem_shared>>
    tpu.enqueue_dma source(%arg10 : memref<125x64xf32, #tpu.memory_space<vmem>>) target(%dma_start3A_42 : memref<125x64xf32, #tpu.memory_space<vmem_shared>>) target_semaphore(%arg13 : memref<!tpu.dma_semaphore, #tpu.memory_space<semaphore_mem>>)
    %mul3A_43 = arith.constant 625 : i32
    %mul3A_44 = arith.muli %arg1, %mul3A_43 : i32
    %add3A_45 = arith.constant 375 : i32
    %add3A_46 = arith.addi %mul3A_44, %add3A_45 : i32
    %dma_start3A_47 = arith.constant 0 : i32
    %dma_start3A_48 = tpu.memref_slice %arg11[%add3A_46, %dma_start3A_47] : memref<10000x64xf32, #tpu.memory_space<vmem_shared>> -> memref<125x64xf32, #tpu.memory_space<vmem_shared>>
    %dma_start3A_49 = arith.constant 0 : i32
    %dma_start3A_50 = tpu.memref_slice %arg11[%add3A_46, %dma_start3A_49] : memref<10000x64xf32, #tpu.memory_space<vmem_shared>> -> memref<125x64xf32, #tpu.memory_space<vmem_shared>>
    tpu.enqueue_dma source(%arg10 : memref<125x64xf32, #tpu.memory_space<vmem>>) target(%dma_start3A_50 : memref<125x64xf32, #tpu.memory_space<vmem_shared>>) target_semaphore(%arg13 : memref<!tpu.dma_semaphore, #tpu.memory_space<semaphore_mem>>)
    %mul3A_51 = arith.constant 625 : i32
    %mul3A_52 = arith.muli %arg1, %mul3A_51 : i32
    %add3A_53 = arith.constant 500 : i32
    %add3A_54 = arith.addi %mul3A_52, %add3A_53 : i32
    %dma_start3A_55 = arith.constant 0 : i32
    %dma_start3A_56 = tpu.memref_slice %arg11[%add3A_54, %dma_start3A_55] : memref<10000x64xf32, #tpu.memory_space<vmem_shared>> -> memref<125x64xf32, #tpu.memory_space<vmem_shared>>
    %dma_start3A_57 = arith.constant 0 : i32
    %dma_start3A_58 = tpu.memref_slice %arg11[%add3A_54, %dma_start3A_57] : memref<10000x64xf32, #tpu.memory_space<vmem_shared>> -> memref<125x64xf32, #tpu.memory_space<vmem_shared>>
    tpu.enqueue_dma source(%arg10 : memref<125x64xf32, #tpu.memory_space<vmem>>) target(%dma_start3A_58 : memref<125x64xf32, #tpu.memory_space<vmem_shared>>) target_semaphore(%arg13 : memref<!tpu.dma_semaphore, #tpu.memory_space<semaphore_mem>>)
    %dma_wait3A = arith.constant 0 : i32
    %dma_wait3A_59 = arith.constant 0 : i32
    %dma_wait3A_60 = tpu.memref_slice %arg4[%arg1, %dma_wait3A, %dma_wait3A_59] : memref<16x250x80xi32, #tpu.memory_space<hbm>> -> memref<1x250x80xi32, #tpu.memory_space<hbm>>
    %dma_wait3A_61 = tpu.memref_squeeze %dma_wait3A_60 : memref<1x250x80xi32, #tpu.memory_space<hbm>> -> memref<250x80xi32, #tpu.memory_space<hbm>>
    %dma_wait3A_62 = arith.constant 0 : i32
    %dma_wait3A_63 = arith.constant 0 : i32
    %dma_wait3A_64 = tpu.memref_slice %arg4[%arg1, %dma_wait3A_62, %dma_wait3A_63] : memref<16x250x80xi32, #tpu.memory_space<hbm>> -> memref<1x250x80xi32, #tpu.memory_space<hbm>>
    %dma_wait3A_65 = tpu.memref_squeeze %dma_wait3A_64 : memref<1x250x80xi32, #tpu.memory_space<hbm>> -> memref<250x80xi32, #tpu.memory_space<hbm>>
    tpu.wait_dma2 semaphore(%arg12 : memref<!tpu.dma_semaphore, #tpu.memory_space<semaphore_mem>>) src(%dma_wait3A_65 : memref<250x80xi32, #tpu.memory_space<hbm>>) dst(%arg7 : memref<250x80xi32, #tpu.memory_space<vmem>>)
    %dma_wait3A_66 = arith.constant 0 : i32
    %dma_wait3A_67 = arith.constant 0 : i32
    %dma_wait3A_68 = tpu.memref_slice %arg5[%arg1, %dma_wait3A_66, %dma_wait3A_67] : memref<16x250x80xi32, #tpu.memory_space<hbm>> -> memref<1x250x80xi32, #tpu.memory_space<hbm>>
    %dma_wait3A_69 = tpu.memref_squeeze %dma_wait3A_68 : memref<1x250x80xi32, #tpu.memory_space<hbm>> -> memref<250x80xi32, #tpu.memory_space<hbm>>
    %dma_wait3A_70 = arith.constant 0 : i32
    %dma_wait3A_71 = arith.constant 0 : i32
    %dma_wait3A_72 = tpu.memref_slice %arg5[%arg1, %dma_wait3A_70, %dma_wait3A_71] : memref<16x250x80xi32, #tpu.memory_space<hbm>> -> memref<1x250x80xi32, #tpu.memory_space<hbm>>
    %dma_wait3A_73 = tpu.memref_squeeze %dma_wait3A_72 : memref<1x250x80xi32, #tpu.memory_space<hbm>> -> memref<250x80xi32, #tpu.memory_space<hbm>>
    tpu.wait_dma2 semaphore(%arg13 : memref<!tpu.dma_semaphore, #tpu.memory_space<semaphore_mem>>) src(%dma_wait3A_73 : memref<250x80xi32, #tpu.memory_space<hbm>>) dst(%arg8 : memref<250x80xi32, #tpu.memory_space<vmem>>)
    %dma_wait3A_74 = arith.constant 0 : i32
    %dma_wait3A_75 = tpu.memref_slice %arg11[%add3A_22, %dma_wait3A_74] : memref<10000x64xf32, #tpu.memory_space<vmem_shared>> -> memref<125x64xf32, #tpu.memory_space<vmem_shared>>
    %dma_wait3A_76 = arith.constant 0 : i32
    %dma_wait3A_77 = tpu.memref_slice %arg11[%add3A_22, %dma_wait3A_76] : memref<10000x64xf32, #tpu.memory_space<vmem_shared>> -> memref<125x64xf32, #tpu.memory_space<vmem_shared>>
    tpu.wait_dma2 semaphore(%arg13 : memref<!tpu.dma_semaphore, #tpu.memory_space<semaphore_mem>>) src(%arg10 : memref<125x64xf32, #tpu.memory_space<vmem>>) dst(%dma_wait3A_77 : memref<125x64xf32, #tpu.memory_space<vmem_shared>>)
    %dma_wait3A_78 = arith.constant 0 : i32
    %dma_wait3A_79 = tpu.memref_slice %arg11[%add3A_30, %dma_wait3A_78] : memref<10000x64xf32, #tpu.memory_space<vmem_shared>> -> memref<125x64xf32, #tpu.memory_space<vmem_shared>>
    %dma_wait3A_80 = arith.constant 0 : i32
    %dma_wait3A_81 = tpu.memref_slice %arg11[%add3A_30, %dma_wait3A_80] : memref<10000x64xf32, #tpu.memory_space<vmem_shared>> -> memref<125x64xf32, #tpu.memory_space<vmem_shared>>
    tpu.wait_dma2 semaphore(%arg13 : memref<!tpu.dma_semaphore, #tpu.memory_space<semaphore_mem>>) src(%arg10 : memref<125x64xf32, #tpu.memory_space<vmem>>) dst(%dma_wait3A_81 : memref<125x64xf32, #tpu.memory_space<vmem_shared>>)
    %dma_wait3A_82 = arith.constant 0 : i32
    %dma_wait3A_83 = tpu.memref_slice %arg11[%add3A_38, %dma_wait3A_82] : memref<10000x64xf32, #tpu.memory_space<vmem_shared>> -> memref<125x64xf32, #tpu.memory_space<vmem_shared>>
    %dma_wait3A_84 = arith.constant 0 : i32
    %dma_wait3A_85 = tpu.memref_slice %arg11[%add3A_38, %dma_wait3A_84] : memref<10000x64xf32, #tpu.memory_space<vmem_shared>> -> memref<125x64xf32, #tpu.memory_space<vmem_shared>>
    tpu.wait_dma2 semaphore(%arg13 : memref<!tpu.dma_semaphore, #tpu.memory_space<semaphore_mem>>) src(%arg10 : memref<125x64xf32, #tpu.memory_space<vmem>>) dst(%dma_wait3A_85 : memref<125x64xf32, #tpu.memory_space<vmem_shared>>)
    %dma_wait3A_86 = arith.constant 0 : i32
    %dma_wait3A_87 = tpu.memref_slice %arg11[%add3A_46, %dma_wait3A_86] : memref<10000x64xf32, #tpu.memory_space<vmem_shared>> -> memref<125x64xf32, #tpu.memory_space<vmem_shared>>
    %dma_wait3A_88 = arith.constant 0 : i32
    %dma_wait3A_89 = tpu.memref_slice %arg11[%add3A_46, %dma_wait3A_88] : memref<10000x64xf32, #tpu.memory_space<vmem_shared>> -> memref<125x64xf32, #tpu.memory_space<vmem_shared>>
    tpu.wait_dma2 semaphore(%arg13 : memref<!tpu.dma_semaphore, #tpu.memory_space<semaphore_mem>>) src(%arg10 : memref<125x64xf32, #tpu.memory_space<vmem>>) dst(%dma_wait3A_89 : memref<125x64xf32, #tpu.memory_space<vmem_shared>>)
    %dma_wait3A_90 = arith.constant 0 : i32
    %dma_wait3A_91 = tpu.memref_slice %arg11[%add3A_54, %dma_wait3A_90] : memref<10000x64xf32, #tpu.memory_space<vmem_shared>> -> memref<125x64xf32, #tpu.memory_space<vmem_shared>>
    %dma_wait3A_92 = arith.constant 0 : i32
    %dma_wait3A_93 = tpu.memref_slice %arg11[%add3A_54, %dma_wait3A_92] : memref<10000x64xf32, #tpu.memory_space<vmem_shared>> -> memref<125x64xf32, #tpu.memory_space<vmem_shared>>
    tpu.wait_dma2 semaphore(%arg13 : memref<!tpu.dma_semaphore, #tpu.memory_space<semaphore_mem>>) src(%arg10 : memref<125x64xf32, #tpu.memory_space<vmem>>) dst(%dma_wait3A_93 : memref<125x64xf32, #tpu.memory_space<vmem_shared>>)
    %barrier3A = arith.constant 0 : index
    tpu.barrier barrier_id(%barrier3A)
    %eq3A = arith.constant 0 : i32
    %eq3A_94 = arith.cmpi eq, %arg0, %eq3A : i32
    %convert_element_type3A = arith.extui %eq3A_94 : i1 to i32
    %cond3A = arith.constant 0 : i32
    %cond3A_95 = arith.constant 0 : i32
    %cond3A_96 = arith.constant 0 : i32
    %cond3A_97 = arith.constant 0 : i32
    %cond3A_98 = arith.cmpi ne, %convert_element_type3A, %cond3A_97 : i32
    scf.if %cond3A_98 {
      %dma_start3A_294 = arith.constant 0 : i32
      %dma_start3A_295 = arith.constant 0 : i32
      %dma_start3A_296 = tpu.memref_slice %arg9[%cond3A_95, %cond3A_96, %dma_start3A_294, %dma_start3A_295] : memref<2x4x80x64xf32, #tpu.memory_space<vmem>> -> memref<1x1x80x64xf32, #tpu.memory_space<vmem>>
      %dma_start3A_297 = tpu.memref_squeeze %dma_start3A_296 : memref<1x1x80x64xf32, #tpu.memory_space<vmem>> -> memref<80x64xf32, #tpu.memory_space<vmem>>
      %dma_start3A_298 = arith.constant 0 : i32
      %dma_start3A_299 = tpu.memref_slice %arg7[%cond3A, %dma_start3A_298] : memref<250x80xi32, #tpu.memory_space<vmem>> -> memref<1x80xi32, #tpu.memory_space<vmem>>
      %dma_start3A_300 = tpu.memref_squeeze %dma_start3A_299 : memref<1x80xi32, #tpu.memory_space<vmem>> -> memref<80xi32, #tpu.memory_space<vmem>>
      %dma_start3A_301 = arith.constant 0 : i32
      %dma_start3A_302 = arith.constant 0 : i32
      %dma_start3A_303 = tpu.memref_slice %arg2[%dma_start3A_301, %dma_start3A_302] : memref<10000x64xf32, #tpu.memory_space<hbm>> -> memref<10000x64xf32, #tpu.memory_space<hbm>>
      tpu.enqueue_indirect_dma source(%dma_start3A_303 : memref<10000x64xf32, #tpu.memory_space<hbm>>) target(%dma_start3A_297 : memref<80x64xf32, #tpu.memory_space<vmem>>) offsets(%dma_start3A_300 : memref<80xi32, #tpu.memory_space<vmem>>) semaphore(%arg12 : memref<!tpu.dma_semaphore, #tpu.memory_space<semaphore_mem>>)
    } else {
    }
    %eq3A_99 = arith.constant 1 : i32
    %eq3A_100 = arith.cmpi eq, %arg0, %eq3A_99 : i32
    %convert_element_type3A_101 = arith.extui %eq3A_100 : i1 to i32
    %cond3A_102 = arith.constant 0 : i32
    %cond3A_103 = arith.constant 0 : i32
    %cond3A_104 = arith.constant 0 : i32
    %cond3A_105 = arith.constant 0 : i32
    %cond3A_106 = arith.cmpi ne, %convert_element_type3A_101, %cond3A_105 : i32
    scf.if %cond3A_106 {
      %dma_start3A_294 = arith.constant 0 : i32
      %dma_start3A_295 = arith.constant 0 : i32
      %dma_start3A_296 = tpu.memref_slice %arg9[%cond3A_103, %cond3A_104, %dma_start3A_294, %dma_start3A_295] : memref<2x4x80x64xf32, #tpu.memory_space<vmem>> -> memref<1x1x80x64xf32, #tpu.memory_space<vmem>>
      %dma_start3A_297 = tpu.memref_squeeze %dma_start3A_296 : memref<1x1x80x64xf32, #tpu.memory_space<vmem>> -> memref<80x64xf32, #tpu.memory_space<vmem>>
      %dma_start3A_298 = arith.constant 0 : i32
      %dma_start3A_299 = tpu.memref_slice %arg7[%cond3A_102, %dma_start3A_298] : memref<250x80xi32, #tpu.memory_space<vmem>> -> memref<1x80xi32, #tpu.memory_space<vmem>>
      %dma_start3A_300 = tpu.memref_squeeze %dma_start3A_299 : memref<1x80xi32, #tpu.memory_space<vmem>> -> memref<80xi32, #tpu.memory_space<vmem>>
      %dma_start3A_301 = arith.constant 0 : i32
      %dma_start3A_302 = arith.constant 0 : i32
      %dma_start3A_303 = tpu.memref_slice %arg3[%dma_start3A_301, %dma_start3A_302] : memref<10000x64xf32, #tpu.memory_space<hbm>> -> memref<10000x64xf32, #tpu.memory_space<hbm>>
      tpu.enqueue_indirect_dma source(%dma_start3A_303 : memref<10000x64xf32, #tpu.memory_space<hbm>>) target(%dma_start3A_297 : memref<80x64xf32, #tpu.memory_space<vmem>>) offsets(%dma_start3A_300 : memref<80xi32, #tpu.memory_space<vmem>>) semaphore(%arg12 : memref<!tpu.dma_semaphore, #tpu.memory_space<semaphore_mem>>)
    } else {
    }
    %eq3A_107 = arith.constant 0 : i32
    %eq3A_108 = arith.cmpi eq, %arg0, %eq3A_107 : i32
    %convert_element_type3A_109 = arith.extui %eq3A_108 : i1 to i32
    %cond3A_110 = arith.constant 1 : i32
    %cond3A_111 = arith.constant 0 : i32
    %cond3A_112 = arith.constant 1 : i32
    %cond3A_113 = arith.constant 0 : i32
    %cond3A_114 = arith.cmpi ne, %convert_element_type3A_109, %cond3A_113 : i32
    scf.if %cond3A_114 {
      %dma_start3A_294 = arith.constant 0 : i32
      %dma_start3A_295 = arith.constant 0 : i32
      %dma_start3A_296 = tpu.memref_slice %arg9[%cond3A_111, %cond3A_112, %dma_start3A_294, %dma_start3A_295] : memref<2x4x80x64xf32, #tpu.memory_space<vmem>> -> memref<1x1x80x64xf32, #tpu.memory_space<vmem>>
      %dma_start3A_297 = tpu.memref_squeeze %dma_start3A_296 : memref<1x1x80x64xf32, #tpu.memory_space<vmem>> -> memref<80x64xf32, #tpu.memory_space<vmem>>
      %dma_start3A_298 = arith.constant 0 : i32
      %dma_start3A_299 = tpu.memref_slice %arg7[%cond3A_110, %dma_start3A_298] : memref<250x80xi32, #tpu.memory_space<vmem>> -> memref<1x80xi32, #tpu.memory_space<vmem>>
      %dma_start3A_300 = tpu.memref_squeeze %dma_start3A_299 : memref<1x80xi32, #tpu.memory_space<vmem>> -> memref<80xi32, #tpu.memory_space<vmem>>
      %dma_start3A_301 = arith.constant 0 : i32
      %dma_start3A_302 = arith.constant 0 : i32
      %dma_start3A_303 = tpu.memref_slice %arg2[%dma_start3A_301, %dma_start3A_302] : memref<10000x64xf32, #tpu.memory_space<hbm>> -> memref<10000x64xf32, #tpu.memory_space<hbm>>
      tpu.enqueue_indirect_dma source(%dma_start3A_303 : memref<10000x64xf32, #tpu.memory_space<hbm>>) target(%dma_start3A_297 : memref<80x64xf32, #tpu.memory_space<vmem>>) offsets(%dma_start3A_300 : memref<80xi32, #tpu.memory_space<vmem>>) semaphore(%arg12 : memref<!tpu.dma_semaphore, #tpu.memory_space<semaphore_mem>>)
    } else {
    }
    %eq3A_115 = arith.constant 1 : i32
    %eq3A_116 = arith.cmpi eq, %arg0, %eq3A_115 : i32
    %convert_element_type3A_117 = arith.extui %eq3A_116 : i1 to i32
    %cond3A_118 = arith.constant 1 : i32
    %cond3A_119 = arith.constant 0 : i32
    %cond3A_120 = arith.constant 1 : i32
    %cond3A_121 = arith.constant 0 : i32
    %cond3A_122 = arith.cmpi ne, %convert_element_type3A_117, %cond3A_121 : i32
    scf.if %cond3A_122 {
      %dma_start3A_294 = arith.constant 0 : i32
      %dma_start3A_295 = arith.constant 0 : i32
      %dma_start3A_296 = tpu.memref_slice %arg9[%cond3A_119, %cond3A_120, %dma_start3A_294, %dma_start3A_295] : memref<2x4x80x64xf32, #tpu.memory_space<vmem>> -> memref<1x1x80x64xf32, #tpu.memory_space<vmem>>
      %dma_start3A_297 = tpu.memref_squeeze %dma_start3A_296 : memref<1x1x80x64xf32, #tpu.memory_space<vmem>> -> memref<80x64xf32, #tpu.memory_space<vmem>>
      %dma_start3A_298 = arith.constant 0 : i32
      %dma_start3A_299 = tpu.memref_slice %arg7[%cond3A_118, %dma_start3A_298] : memref<250x80xi32, #tpu.memory_space<vmem>> -> memref<1x80xi32, #tpu.memory_space<vmem>>
      %dma_start3A_300 = tpu.memref_squeeze %dma_start3A_299 : memref<1x80xi32, #tpu.memory_space<vmem>> -> memref<80xi32, #tpu.memory_space<vmem>>
      %dma_start3A_301 = arith.constant 0 : i32
      %dma_start3A_302 = arith.constant 0 : i32
      %dma_start3A_303 = tpu.memref_slice %arg3[%dma_start3A_301, %dma_start3A_302] : memref<10000x64xf32, #tpu.memory_space<hbm>> -> memref<10000x64xf32, #tpu.memory_space<hbm>>
      tpu.enqueue_indirect_dma source(%dma_start3A_303 : memref<10000x64xf32, #tpu.memory_space<hbm>>) target(%dma_start3A_297 : memref<80x64xf32, #tpu.memory_space<vmem>>) offsets(%dma_start3A_300 : memref<80xi32, #tpu.memory_space<vmem>>) semaphore(%arg12 : memref<!tpu.dma_semaphore, #tpu.memory_space<semaphore_mem>>)
    } else {
    }
    %eq3A_123 = arith.constant 0 : i32
    %eq3A_124 = arith.cmpi eq, %arg0, %eq3A_123 : i32
    %convert_element_type3A_125 = arith.extui %eq3A_124 : i1 to i32
    %cond3A_126 = arith.constant 2 : i32
    %cond3A_127 = arith.constant 0 : i32
    %cond3A_128 = arith.constant 2 : i32
    %cond3A_129 = arith.constant 0 : i32
    %cond3A_130 = arith.cmpi ne, %convert_element_type3A_125, %cond3A_129 : i32
    scf.if %cond3A_130 {
      %dma_start3A_294 = arith.constant 0 : i32
      %dma_start3A_295 = arith.constant 0 : i32
      %dma_start3A_296 = tpu.memref_slice %arg9[%cond3A_127, %cond3A_128, %dma_start3A_294, %dma_start3A_295] : memref<2x4x80x64xf32, #tpu.memory_space<vmem>> -> memref<1x1x80x64xf32, #tpu.memory_space<vmem>>
      %dma_start3A_297 = tpu.memref_squeeze %dma_start3A_296 : memref<1x1x80x64xf32, #tpu.memory_space<vmem>> -> memref<80x64xf32, #tpu.memory_space<vmem>>
      %dma_start3A_298 = arith.constant 0 : i32
      %dma_start3A_299 = tpu.memref_slice %arg7[%cond3A_126, %dma_start3A_298] : memref<250x80xi32, #tpu.memory_space<vmem>> -> memref<1x80xi32, #tpu.memory_space<vmem>>
      %dma_start3A_300 = tpu.memref_squeeze %dma_start3A_299 : memref<1x80xi32, #tpu.memory_space<vmem>> -> memref<80xi32, #tpu.memory_space<vmem>>
      %dma_start3A_301 = arith.constant 0 : i32
      %dma_start3A_302 = arith.constant 0 : i32
      %dma_start3A_303 = tpu.memref_slice %arg2[%dma_start3A_301, %dma_start3A_302] : memref<10000x64xf32, #tpu.memory_space<hbm>> -> memref<10000x64xf32, #tpu.memory_space<hbm>>
      tpu.enqueue_indirect_dma source(%dma_start3A_303 : memref<10000x64xf32, #tpu.memory_space<hbm>>) target(%dma_start3A_297 : memref<80x64xf32, #tpu.memory_space<vmem>>) offsets(%dma_start3A_300 : memref<80xi32, #tpu.memory_space<vmem>>) semaphore(%arg12 : memref<!tpu.dma_semaphore, #tpu.memory_space<semaphore_mem>>)
    } else {
    }
    %eq3A_131 = arith.constant 1 : i32
    %eq3A_132 = arith.cmpi eq, %arg0, %eq3A_131 : i32
    %convert_element_type3A_133 = arith.extui %eq3A_132 : i1 to i32
    %cond3A_134 = arith.constant 2 : i32
    %cond3A_135 = arith.constant 0 : i32
    %cond3A_136 = arith.constant 2 : i32
    %cond3A_137 = arith.constant 0 : i32
    %cond3A_138 = arith.cmpi ne, %convert_element_type3A_133, %cond3A_137 : i32
    scf.if %cond3A_138 {
      %dma_start3A_294 = arith.constant 0 : i32
      %dma_start3A_295 = arith.constant 0 : i32
      %dma_start3A_296 = tpu.memref_slice %arg9[%cond3A_135, %cond3A_136, %dma_start3A_294, %dma_start3A_295] : memref<2x4x80x64xf32, #tpu.memory_space<vmem>> -> memref<1x1x80x64xf32, #tpu.memory_space<vmem>>
      %dma_start3A_297 = tpu.memref_squeeze %dma_start3A_296 : memref<1x1x80x64xf32, #tpu.memory_space<vmem>> -> memref<80x64xf32, #tpu.memory_space<vmem>>
      %dma_start3A_298 = arith.constant 0 : i32
      %dma_start3A_299 = tpu.memref_slice %arg7[%cond3A_134, %dma_start3A_298] : memref<250x80xi32, #tpu.memory_space<vmem>> -> memref<1x80xi32, #tpu.memory_space<vmem>>
      %dma_start3A_300 = tpu.memref_squeeze %dma_start3A_299 : memref<1x80xi32, #tpu.memory_space<vmem>> -> memref<80xi32, #tpu.memory_space<vmem>>
      %dma_start3A_301 = arith.constant 0 : i32
      %dma_start3A_302 = arith.constant 0 : i32
      %dma_start3A_303 = tpu.memref_slice %arg3[%dma_start3A_301, %dma_start3A_302] : memref<10000x64xf32, #tpu.memory_space<hbm>> -> memref<10000x64xf32, #tpu.memory_space<hbm>>
      tpu.enqueue_indirect_dma source(%dma_start3A_303 : memref<10000x64xf32, #tpu.memory_space<hbm>>) target(%dma_start3A_297 : memref<80x64xf32, #tpu.memory_space<vmem>>) offsets(%dma_start3A_300 : memref<80xi32, #tpu.memory_space<vmem>>) semaphore(%arg12 : memref<!tpu.dma_semaphore, #tpu.memory_space<semaphore_mem>>)
    } else {
    }
    %eq3A_139 = arith.constant 0 : i32
    %eq3A_140 = arith.cmpi eq, %arg0, %eq3A_139 : i32
    %convert_element_type3A_141 = arith.extui %eq3A_140 : i1 to i32
    %cond3A_142 = arith.constant 3 : i32
    %cond3A_143 = arith.constant 0 : i32
    %cond3A_144 = arith.constant 3 : i32
    %cond3A_145 = arith.constant 0 : i32
    %cond3A_146 = arith.cmpi ne, %convert_element_type3A_141, %cond3A_145 : i32
    scf.if %cond3A_146 {
      %dma_start3A_294 = arith.constant 0 : i32
      %dma_start3A_295 = arith.constant 0 : i32
      %dma_start3A_296 = tpu.memref_slice %arg9[%cond3A_143, %cond3A_144, %dma_start3A_294, %dma_start3A_295] : memref<2x4x80x64xf32, #tpu.memory_space<vmem>> -> memref<1x1x80x64xf32, #tpu.memory_space<vmem>>
      %dma_start3A_297 = tpu.memref_squeeze %dma_start3A_296 : memref<1x1x80x64xf32, #tpu.memory_space<vmem>> -> memref<80x64xf32, #tpu.memory_space<vmem>>
      %dma_start3A_298 = arith.constant 0 : i32
      %dma_start3A_299 = tpu.memref_slice %arg7[%cond3A_142, %dma_start3A_298] : memref<250x80xi32, #tpu.memory_space<vmem>> -> memref<1x80xi32, #tpu.memory_space<vmem>>
      %dma_start3A_300 = tpu.memref_squeeze %dma_start3A_299 : memref<1x80xi32, #tpu.memory_space<vmem>> -> memref<80xi32, #tpu.memory_space<vmem>>
      %dma_start3A_301 = arith.constant 0 : i32
      %dma_start3A_302 = arith.constant 0 : i32
      %dma_start3A_303 = tpu.memref_slice %arg2[%dma_start3A_301, %dma_start3A_302] : memref<10000x64xf32, #tpu.memory_space<hbm>> -> memref<10000x64xf32, #tpu.memory_space<hbm>>
      tpu.enqueue_indirect_dma source(%dma_start3A_303 : memref<10000x64xf32, #tpu.memory_space<hbm>>) target(%dma_start3A_297 : memref<80x64xf32, #tpu.memory_space<vmem>>) offsets(%dma_start3A_300 : memref<80xi32, #tpu.memory_space<vmem>>) semaphore(%arg12 : memref<!tpu.dma_semaphore, #tpu.memory_space<semaphore_mem>>)
    } else {
    }
    %eq3A_147 = arith.constant 1 : i32
    %eq3A_148 = arith.cmpi eq, %arg0, %eq3A_147 : i32
    %convert_element_type3A_149 = arith.extui %eq3A_148 : i1 to i32
    %cond3A_150 = arith.constant 3 : i32
    %cond3A_151 = arith.constant 0 : i32
    %cond3A_152 = arith.constant 3 : i32
    %cond3A_153 = arith.constant 0 : i32
    %cond3A_154 = arith.cmpi ne, %convert_element_type3A_149, %cond3A_153 : i32
    scf.if %cond3A_154 {
      %dma_start3A_294 = arith.constant 0 : i32
      %dma_start3A_295 = arith.constant 0 : i32
      %dma_start3A_296 = tpu.memref_slice %arg9[%cond3A_151, %cond3A_152, %dma_start3A_294, %dma_start3A_295] : memref<2x4x80x64xf32, #tpu.memory_space<vmem>> -> memref<1x1x80x64xf32, #tpu.memory_space<vmem>>
      %dma_start3A_297 = tpu.memref_squeeze %dma_start3A_296 : memref<1x1x80x64xf32, #tpu.memory_space<vmem>> -> memref<80x64xf32, #tpu.memory_space<vmem>>
      %dma_start3A_298 = arith.constant 0 : i32
      %dma_start3A_299 = tpu.memref_slice %arg7[%cond3A_150, %dma_start3A_298] : memref<250x80xi32, #tpu.memory_space<vmem>> -> memref<1x80xi32, #tpu.memory_space<vmem>>
      %dma_start3A_300 = tpu.memref_squeeze %dma_start3A_299 : memref<1x80xi32, #tpu.memory_space<vmem>> -> memref<80xi32, #tpu.memory_space<vmem>>
      %dma_start3A_301 = arith.constant 0 : i32
      %dma_start3A_302 = arith.constant 0 : i32
      %dma_start3A_303 = tpu.memref_slice %arg3[%dma_start3A_301, %dma_start3A_302] : memref<10000x64xf32, #tpu.memory_space<hbm>> -> memref<10000x64xf32, #tpu.memory_space<hbm>>
      tpu.enqueue_indirect_dma source(%dma_start3A_303 : memref<10000x64xf32, #tpu.memory_space<hbm>>) target(%dma_start3A_297 : memref<80x64xf32, #tpu.memory_space<vmem>>) offsets(%dma_start3A_300 : memref<80xi32, #tpu.memory_space<vmem>>) semaphore(%arg12 : memref<!tpu.dma_semaphore, #tpu.memory_space<semaphore_mem>>)
    } else {
    }
    %scan3A_155 = arith.constant 0 : i32
    %scan3A_156 = arith.constant 0 : i32
    %scan3A_157 = arith.constant 62 : i32
    %scan3A_158 = arith.addi %scan3A_156, %scan3A_157 : i32
    %scan3A_159 = arith.constant 1 : i32
    scf.for %scan3A_294 = %scan3A_156 to %scan3A_158 step %scan3A_159  : i32 {
      %rem3A = arith.constant 2 : i32
      %rem3A_295 = arith.remsi %scan3A_294, %rem3A : i32
      %sub3A = arith.constant 1 : i32
      %sub3A_296 = arith.subi %sub3A, %rem3A_295 : i32
      %dma_wait3A_297 = arith.constant 0 : i32
      %dma_wait3A_298 = arith.constant 0 : i32
      %dma_wait3A_299 = arith.constant 0 : i32
      %dma_wait3A_300 = arith.constant 0 : i32
      %dma_wait3A_301 = tpu.memref_slice %arg9[%dma_wait3A_297, %dma_wait3A_298, %dma_wait3A_299, %dma_wait3A_300] : memref<2x4x80x64xf32, #tpu.memory_space<vmem>> -> memref<1x1x80x64xf32, #tpu.memory_space<vmem>>
      %dma_wait3A_302 = tpu.memref_squeeze %dma_wait3A_301 : memref<1x1x80x64xf32, #tpu.memory_space<vmem>> -> memref<80x64xf32, #tpu.memory_space<vmem>>
      %dma_wait3A_303 = arith.constant 0 : i32
      %dma_wait3A_304 = arith.constant 0 : i32
      %dma_wait3A_305 = tpu.memref_slice %arg2[%dma_wait3A_303, %dma_wait3A_304] : memref<10000x64xf32, #tpu.memory_space<hbm>> -> memref<80x64xf32, #tpu.memory_space<hbm>>
      %dma_wait3A_306 = arith.constant 0 : i32
      %dma_wait3A_307 = arith.constant 0 : i32
      %dma_wait3A_308 = tpu.memref_slice %arg9[%dma_wait3A_297, %dma_wait3A_298, %dma_wait3A_306, %dma_wait3A_307] : memref<2x4x80x64xf32, #tpu.memory_space<vmem>> -> memref<1x1x80x64xf32, #tpu.memory_space<vmem>>
      %dma_wait3A_309 = tpu.memref_squeeze %dma_wait3A_308 : memref<1x1x80x64xf32, #tpu.memory_space<vmem>> -> memref<80x64xf32, #tpu.memory_space<vmem>>
      %dma_wait3A_310 = arith.constant 0 : i32
      %dma_wait3A_311 = arith.constant 0 : i32
      %dma_wait3A_312 = tpu.memref_slice %arg2[%dma_wait3A_310, %dma_wait3A_311] : memref<10000x64xf32, #tpu.memory_space<hbm>> -> memref<80x64xf32, #tpu.memory_space<hbm>>
      tpu.wait_dma2 semaphore(%arg12 : memref<!tpu.dma_semaphore, #tpu.memory_space<semaphore_mem>>) src(%dma_wait3A_312 : memref<80x64xf32, #tpu.memory_space<hbm>>) dst(%dma_wait3A_309 : memref<80x64xf32, #tpu.memory_space<vmem>>)
      %dma_wait3A_313 = arith.constant 0 : i32
      %dma_wait3A_314 = arith.constant 0 : i32
      %dma_wait3A_315 = arith.constant 0 : i32
      %dma_wait3A_316 = arith.constant 0 : i32
      %dma_wait3A_317 = tpu.memref_slice %arg9[%dma_wait3A_313, %dma_wait3A_314, %dma_wait3A_315, %dma_wait3A_316] : memref<2x4x80x64xf32, #tpu.memory_space<vmem>> -> memref<1x1x80x64xf32, #tpu.memory_space<vmem>>
      %dma_wait3A_318 = tpu.memref_squeeze %dma_wait3A_317 : memref<1x1x80x64xf32, #tpu.memory_space<vmem>> -> memref<80x64xf32, #tpu.memory_space<vmem>>
      %dma_wait3A_319 = arith.constant 0 : i32
      %dma_wait3A_320 = arith.constant 0 : i32
      %dma_wait3A_321 = tpu.memref_slice %arg2[%dma_wait3A_319, %dma_wait3A_320] : memref<10000x64xf32, #tpu.memory_space<hbm>> -> memref<80x64xf32, #tpu.memory_space<hbm>>
      %dma_wait3A_322 = arith.constant 0 : i32
      %dma_wait3A_323 = arith.constant 0 : i32
      %dma_wait3A_324 = tpu.memref_slice %arg9[%dma_wait3A_313, %dma_wait3A_314, %dma_wait3A_322, %dma_wait3A_323] : memref<2x4x80x64xf32, #tpu.memory_space<vmem>> -> memref<1x1x80x64xf32, #tpu.memory_space<vmem>>
      %dma_wait3A_325 = tpu.memref_squeeze %dma_wait3A_324 : memref<1x1x80x64xf32, #tpu.memory_space<vmem>> -> memref<80x64xf32, #tpu.memory_space<vmem>>
      %dma_wait3A_326 = arith.constant 0 : i32
      %dma_wait3A_327 = arith.constant 0 : i32
      %dma_wait3A_328 = tpu.memref_slice %arg2[%dma_wait3A_326, %dma_wait3A_327] : memref<10000x64xf32, #tpu.memory_space<hbm>> -> memref<80x64xf32, #tpu.memory_space<hbm>>
      tpu.wait_dma2 semaphore(%arg12 : memref<!tpu.dma_semaphore, #tpu.memory_space<semaphore_mem>>) src(%dma_wait3A_328 : memref<80x64xf32, #tpu.memory_space<hbm>>) dst(%dma_wait3A_325 : memref<80x64xf32, #tpu.memory_space<vmem>>)
      %dma_wait3A_329 = arith.constant 0 : i32
      %dma_wait3A_330 = arith.constant 0 : i32
      %dma_wait3A_331 = arith.constant 0 : i32
      %dma_wait3A_332 = arith.constant 0 : i32
      %dma_wait3A_333 = tpu.memref_slice %arg9[%dma_wait3A_329, %dma_wait3A_330, %dma_wait3A_331, %dma_wait3A_332] : memref<2x4x80x64xf32, #tpu.memory_space<vmem>> -> memref<1x1x80x64xf32, #tpu.memory_space<vmem>>
      %dma_wait3A_334 = tpu.memref_squeeze %dma_wait3A_333 : memref<1x1x80x64xf32, #tpu.memory_space<vmem>> -> memref<80x64xf32, #tpu.memory_space<vmem>>
      %dma_wait3A_335 = arith.constant 0 : i32
      %dma_wait3A_336 = arith.constant 0 : i32
      %dma_wait3A_337 = tpu.memref_slice %arg2[%dma_wait3A_335, %dma_wait3A_336] : memref<10000x64xf32, #tpu.memory_space<hbm>> -> memref<80x64xf32, #tpu.memory_space<hbm>>
      %dma_wait3A_338 = arith.constant 0 : i32
      %dma_wait3A_339 = arith.constant 0 : i32
      %dma_wait3A_340 = tpu.memref_slice %arg9[%dma_wait3A_329, %dma_wait3A_330, %dma_wait3A_338, %dma_wait3A_339] : memref<2x4x80x64xf32, #tpu.memory_space<vmem>> -> memref<1x1x80x64xf32, #tpu.memory_space<vmem>>
      %dma_wait3A_341 = tpu.memref_squeeze %dma_wait3A_340 : memref<1x1x80x64xf32, #tpu.memory_space<vmem>> -> memref<80x64xf32, #tpu.memory_space<vmem>>
      %dma_wait3A_342 = arith.constant 0 : i32
      %dma_wait3A_343 = arith.constant 0 : i32
      %dma_wait3A_344 = tpu.memref_slice %arg2[%dma_wait3A_342, %dma_wait3A_343] : memref<10000x64xf32, #tpu.memory_space<hbm>> -> memref<80x64xf32, #tpu.memory_space<hbm>>
      tpu.wait_dma2 semaphore(%arg12 : memref<!tpu.dma_semaphore, #tpu.memory_space<semaphore_mem>>) src(%dma_wait3A_344 : memref<80x64xf32, #tpu.memory_space<hbm>>) dst(%dma_wait3A_341 : memref<80x64xf32, #tpu.memory_space<vmem>>)
      %dma_wait3A_345 = arith.constant 0 : i32
      %dma_wait3A_346 = arith.constant 0 : i32
      %dma_wait3A_347 = arith.constant 0 : i32
      %dma_wait3A_348 = arith.constant 0 : i32
      %dma_wait3A_349 = tpu.memref_slice %arg9[%dma_wait3A_345, %dma_wait3A_346, %dma_wait3A_347, %dma_wait3A_348] : memref<2x4x80x64xf32, #tpu.memory_space<vmem>> -> memref<1x1x80x64xf32, #tpu.memory_space<vmem>>
      %dma_wait3A_350 = tpu.memref_squeeze %dma_wait3A_349 : memref<1x1x80x64xf32, #tpu.memory_space<vmem>> -> memref<80x64xf32, #tpu.memory_space<vmem>>
      %dma_wait3A_351 = arith.constant 0 : i32
      %dma_wait3A_352 = arith.constant 0 : i32
      %dma_wait3A_353 = tpu.memref_slice %arg2[%dma_wait3A_351, %dma_wait3A_352] : memref<10000x64xf32, #tpu.memory_space<hbm>> -> memref<80x64xf32, #tpu.memory_space<hbm>>
      %dma_wait3A_354 = arith.constant 0 : i32
      %dma_wait3A_355 = arith.constant 0 : i32
      %dma_wait3A_356 = tpu.memref_slice %arg9[%dma_wait3A_345, %dma_wait3A_346, %dma_wait3A_354, %dma_wait3A_355] : memref<2x4x80x64xf32, #tpu.memory_space<vmem>> -> memref<1x1x80x64xf32, #tpu.memory_space<vmem>>
      %dma_wait3A_357 = tpu.memref_squeeze %dma_wait3A_356 : memref<1x1x80x64xf32, #tpu.memory_space<vmem>> -> memref<80x64xf32, #tpu.memory_space<vmem>>
      %dma_wait3A_358 = arith.constant 0 : i32
      %dma_wait3A_359 = arith.constant 0 : i32
      %dma_wait3A_360 = tpu.memref_slice %arg2[%dma_wait3A_358, %dma_wait3A_359] : memref<10000x64xf32, #tpu.memory_space<hbm>> -> memref<80x64xf32, #tpu.memory_space<hbm>>
      tpu.wait_dma2 semaphore(%arg12 : memref<!tpu.dma_semaphore, #tpu.memory_space<semaphore_mem>>) src(%dma_wait3A_360 : memref<80x64xf32, #tpu.memory_space<hbm>>) dst(%dma_wait3A_357 : memref<80x64xf32, #tpu.memory_space<vmem>>)
      %mul3A_361 = arith.constant 4 : i32
      %mul3A_362 = arith.muli %scan3A_294, %mul3A_361 : i32
      %add3A_363 = arith.constant 0 : i32
      %add3A_364 = arith.addi %mul3A_362, %add3A_363 : i32
      %dma_start3A_365 = arith.constant 0 : i32
      %dma_start3A_366 = arith.constant 0 : i32
      %dma_start3A_367 = arith.constant 0 : i32
      %dma_start3A_368 = tpu.memref_slice %arg9[%rem3A_295, %dma_start3A_365, %dma_start3A_366, %dma_start3A_367] : memref<2x4x80x64xf32, #tpu.memory_space<vmem>> -> memref<1x1x80x64xf32, #tpu.memory_space<vmem>>
      %dma_start3A_369 = tpu.memref_squeeze %dma_start3A_368 : memref<1x1x80x64xf32, #tpu.memory_space<vmem>> -> memref<80x64xf32, #tpu.memory_space<vmem>>
      %dma_start3A_370 = arith.constant 0 : i32
      %dma_start3A_371 = tpu.memref_slice %arg8[%add3A_364, %dma_start3A_370] : memref<250x80xi32, #tpu.memory_space<vmem>> -> memref<1x80xi32, #tpu.memory_space<vmem>>
      %dma_start3A_372 = tpu.memref_squeeze %dma_start3A_371 : memref<1x80xi32, #tpu.memory_space<vmem>> -> memref<80xi32, #tpu.memory_space<vmem>>
      %dma_start3A_373 = arith.constant 0 : i32
      %dma_start3A_374 = arith.constant 0 : i32
      %dma_start3A_375 = tpu.memref_slice %arg11[%dma_start3A_373, %dma_start3A_374] : memref<10000x64xf32, #tpu.memory_space<vmem_shared>> -> memref<10000x64xf32, #tpu.memory_space<vmem_shared>>
      tpu.enqueue_indirect_dma source(%dma_start3A_369 : memref<80x64xf32, #tpu.memory_space<vmem>>) target(%dma_start3A_375 : memref<10000x64xf32, #tpu.memory_space<vmem_shared>>) offsets(%dma_start3A_372 : memref<80xi32, #tpu.memory_space<vmem>>) semaphore(%arg13 : memref<!tpu.dma_semaphore, #tpu.memory_space<semaphore_mem>>) {add = true}
      %mul3A_376 = arith.constant 4 : i32
      %mul3A_377 = arith.muli %scan3A_294, %mul3A_376 : i32
      %add3A_378 = arith.constant 1 : i32
      %add3A_379 = arith.addi %mul3A_377, %add3A_378 : i32
      %dma_start3A_380 = arith.constant 1 : i32
      %dma_start3A_381 = arith.constant 0 : i32
      %dma_start3A_382 = arith.constant 0 : i32
      %dma_start3A_383 = tpu.memref_slice %arg9[%rem3A_295, %dma_start3A_380, %dma_start3A_381, %dma_start3A_382] : memref<2x4x80x64xf32, #tpu.memory_space<vmem>> -> memref<1x1x80x64xf32, #tpu.memory_space<vmem>>
      %dma_start3A_384 = tpu.memref_squeeze %dma_start3A_383 : memref<1x1x80x64xf32, #tpu.memory_space<vmem>> -> memref<80x64xf32, #tpu.memory_space<vmem>>
      %dma_start3A_385 = arith.constant 0 : i32
      %dma_start3A_386 = tpu.memref_slice %arg8[%add3A_379, %dma_start3A_385] : memref<250x80xi32, #tpu.memory_space<vmem>> -> memref<1x80xi32, #tpu.memory_space<vmem>>
      %dma_start3A_387 = tpu.memref_squeeze %dma_start3A_386 : memref<1x80xi32, #tpu.memory_space<vmem>> -> memref<80xi32, #tpu.memory_space<vmem>>
      %dma_start3A_388 = arith.constant 0 : i32
      %dma_start3A_389 = arith.constant 0 : i32
      %dma_start3A_390 = tpu.memref_slice %arg11[%dma_start3A_388, %dma_start3A_389] : memref<10000x64xf32, #tpu.memory_space<vmem_shared>> -> memref<10000x64xf32, #tpu.memory_space<vmem_shared>>
      tpu.enqueue_indirect_dma source(%dma_start3A_384 : memref<80x64xf32, #tpu.memory_space<vmem>>) target(%dma_start3A_390 : memref<10000x64xf32, #tpu.memory_space<vmem_shared>>) offsets(%dma_start3A_387 : memref<80xi32, #tpu.memory_space<vmem>>) semaphore(%arg13 : memref<!tpu.dma_semaphore, #tpu.memory_space<semaphore_mem>>) {add = true}
      %mul3A_391 = arith.constant 4 : i32
      %mul3A_392 = arith.muli %scan3A_294, %mul3A_391 : i32
      %add3A_393 = arith.constant 2 : i32
      %add3A_394 = arith.addi %mul3A_392, %add3A_393 : i32
      %dma_start3A_395 = arith.constant 2 : i32
      %dma_start3A_396 = arith.constant 0 : i32
      %dma_start3A_397 = arith.constant 0 : i32
      %dma_start3A_398 = tpu.memref_slice %arg9[%rem3A_295, %dma_start3A_395, %dma_start3A_396, %dma_start3A_397] : memref<2x4x80x64xf32, #tpu.memory_space<vmem>> -> memref<1x1x80x64xf32, #tpu.memory_space<vmem>>
      %dma_start3A_399 = tpu.memref_squeeze %dma_start3A_398 : memref<1x1x80x64xf32, #tpu.memory_space<vmem>> -> memref<80x64xf32, #tpu.memory_space<vmem>>
      %dma_start3A_400 = arith.constant 0 : i32
      %dma_start3A_401 = tpu.memref_slice %arg8[%add3A_394, %dma_start3A_400] : memref<250x80xi32, #tpu.memory_space<vmem>> -> memref<1x80xi32, #tpu.memory_space<vmem>>
      %dma_start3A_402 = tpu.memref_squeeze %dma_start3A_401 : memref<1x80xi32, #tpu.memory_space<vmem>> -> memref<80xi32, #tpu.memory_space<vmem>>
      %dma_start3A_403 = arith.constant 0 : i32
      %dma_start3A_404 = arith.constant 0 : i32
      %dma_start3A_405 = tpu.memref_slice %arg11[%dma_start3A_403, %dma_start3A_404] : memref<10000x64xf32, #tpu.memory_space<vmem_shared>> -> memref<10000x64xf32, #tpu.memory_space<vmem_shared>>
      tpu.enqueue_indirect_dma source(%dma_start3A_399 : memref<80x64xf32, #tpu.memory_space<vmem>>) target(%dma_start3A_405 : memref<10000x64xf32, #tpu.memory_space<vmem_shared>>) offsets(%dma_start3A_402 : memref<80xi32, #tpu.memory_space<vmem>>) semaphore(%arg13 : memref<!tpu.dma_semaphore, #tpu.memory_space<semaphore_mem>>) {add = true}
      %mul3A_406 = arith.constant 4 : i32
      %mul3A_407 = arith.muli %scan3A_294, %mul3A_406 : i32
      %add3A_408 = arith.constant 3 : i32
      %add3A_409 = arith.addi %mul3A_407, %add3A_408 : i32
      %dma_start3A_410 = arith.constant 3 : i32
      %dma_start3A_411 = arith.constant 0 : i32
      %dma_start3A_412 = arith.constant 0 : i32
      %dma_start3A_413 = tpu.memref_slice %arg9[%rem3A_295, %dma_start3A_410, %dma_start3A_411, %dma_start3A_412] : memref<2x4x80x64xf32, #tpu.memory_space<vmem>> -> memref<1x1x80x64xf32, #tpu.memory_space<vmem>>
      %dma_start3A_414 = tpu.memref_squeeze %dma_start3A_413 : memref<1x1x80x64xf32, #tpu.memory_space<vmem>> -> memref<80x64xf32, #tpu.memory_space<vmem>>
      %dma_start3A_415 = arith.constant 0 : i32
      %dma_start3A_416 = tpu.memref_slice %arg8[%add3A_409, %dma_start3A_415] : memref<250x80xi32, #tpu.memory_space<vmem>> -> memref<1x80xi32, #tpu.memory_space<vmem>>
      %dma_start3A_417 = tpu.memref_squeeze %dma_start3A_416 : memref<1x80xi32, #tpu.memory_space<vmem>> -> memref<80xi32, #tpu.memory_space<vmem>>
      %dma_start3A_418 = arith.constant 0 : i32
      %dma_start3A_419 = arith.constant 0 : i32
      %dma_start3A_420 = tpu.memref_slice %arg11[%dma_start3A_418, %dma_start3A_419] : memref<10000x64xf32, #tpu.memory_space<vmem_shared>> -> memref<10000x64xf32, #tpu.memory_space<vmem_shared>>
      tpu.enqueue_indirect_dma source(%dma_start3A_414 : memref<80x64xf32, #tpu.memory_space<vmem>>) target(%dma_start3A_420 : memref<10000x64xf32, #tpu.memory_space<vmem_shared>>) offsets(%dma_start3A_417 : memref<80xi32, #tpu.memory_space<vmem>>) semaphore(%arg13 : memref<!tpu.dma_semaphore, #tpu.memory_space<semaphore_mem>>) {add = true}
      %lt3A = arith.constant 61 : i32
      %lt3A_421 = arith.cmpi slt, %scan3A_294, %lt3A : i32
      %convert_element_type3A_422 = arith.extui %lt3A_421 : i1 to i32
      %cond3A_423 = arith.constant 0 : i32
      %cond3A_424 = arith.cmpi ne, %convert_element_type3A_422, %cond3A_423 : i32
      scf.if %cond3A_424 {
        %add3A_489 = arith.constant 1 : i32
        %add3A_490 = arith.addi %scan3A_294, %add3A_489 : i32
        %mul3A_491 = arith.constant 4 : i32
        %mul3A_492 = arith.muli %add3A_490, %mul3A_491 : i32
        %add3A_493 = arith.constant 0 : i32
        %add3A_494 = arith.addi %mul3A_492, %add3A_493 : i32
        %eq3A_495 = arith.constant 0 : i32
        %eq3A_496 = arith.cmpi eq, %arg0, %eq3A_495 : i32
        %convert_element_type3A_497 = arith.extui %eq3A_496 : i1 to i32
        %cond3A_498 = arith.constant 0 : i32
        %cond3A_499 = arith.constant 0 : i32
        %cond3A_500 = arith.cmpi ne, %convert_element_type3A_497, %cond3A_499 : i32
        scf.if %cond3A_500 {
          %dma_start3A_561 = arith.constant 0 : i32
          %dma_start3A_562 = arith.constant 0 : i32
          %dma_start3A_563 = tpu.memref_slice %arg9[%sub3A_296, %cond3A_498, %dma_start3A_561, %dma_start3A_562] : memref<2x4x80x64xf32, #tpu.memory_space<vmem>> -> memref<1x1x80x64xf32, #tpu.memory_space<vmem>>
          %dma_start3A_564 = tpu.memref_squeeze %dma_start3A_563 : memref<1x1x80x64xf32, #tpu.memory_space<vmem>> -> memref<80x64xf32, #tpu.memory_space<vmem>>
          %dma_start3A_565 = arith.constant 0 : i32
          %dma_start3A_566 = tpu.memref_slice %arg7[%add3A_494, %dma_start3A_565] : memref<250x80xi32, #tpu.memory_space<vmem>> -> memref<1x80xi32, #tpu.memory_space<vmem>>
          %dma_start3A_567 = tpu.memref_squeeze %dma_start3A_566 : memref<1x80xi32, #tpu.memory_space<vmem>> -> memref<80xi32, #tpu.memory_space<vmem>>
          %dma_start3A_568 = arith.constant 0 : i32
          %dma_start3A_569 = arith.constant 0 : i32
          %dma_start3A_570 = tpu.memref_slice %arg2[%dma_start3A_568, %dma_start3A_569] : memref<10000x64xf32, #tpu.memory_space<hbm>> -> memref<10000x64xf32, #tpu.memory_space<hbm>>
          tpu.enqueue_indirect_dma source(%dma_start3A_570 : memref<10000x64xf32, #tpu.memory_space<hbm>>) target(%dma_start3A_564 : memref<80x64xf32, #tpu.memory_space<vmem>>) offsets(%dma_start3A_567 : memref<80xi32, #tpu.memory_space<vmem>>) semaphore(%arg12 : memref<!tpu.dma_semaphore, #tpu.memory_space<semaphore_mem>>)
        } else {
        }
        %eq3A_501 = arith.constant 1 : i32
        %eq3A_502 = arith.cmpi eq, %arg0, %eq3A_501 : i32
        %convert_element_type3A_503 = arith.extui %eq3A_502 : i1 to i32
        %cond3A_504 = arith.constant 0 : i32
        %cond3A_505 = arith.constant 0 : i32
        %cond3A_506 = arith.cmpi ne, %convert_element_type3A_503, %cond3A_505 : i32
        scf.if %cond3A_506 {
          %dma_start3A_561 = arith.constant 0 : i32
          %dma_start3A_562 = arith.constant 0 : i32
          %dma_start3A_563 = tpu.memref_slice %arg9[%sub3A_296, %cond3A_504, %dma_start3A_561, %dma_start3A_562] : memref<2x4x80x64xf32, #tpu.memory_space<vmem>> -> memref<1x1x80x64xf32, #tpu.memory_space<vmem>>
          %dma_start3A_564 = tpu.memref_squeeze %dma_start3A_563 : memref<1x1x80x64xf32, #tpu.memory_space<vmem>> -> memref<80x64xf32, #tpu.memory_space<vmem>>
          %dma_start3A_565 = arith.constant 0 : i32
          %dma_start3A_566 = tpu.memref_slice %arg7[%add3A_494, %dma_start3A_565] : memref<250x80xi32, #tpu.memory_space<vmem>> -> memref<1x80xi32, #tpu.memory_space<vmem>>
          %dma_start3A_567 = tpu.memref_squeeze %dma_start3A_566 : memref<1x80xi32, #tpu.memory_space<vmem>> -> memref<80xi32, #tpu.memory_space<vmem>>
          %dma_start3A_568 = arith.constant 0 : i32
          %dma_start3A_569 = arith.constant 0 : i32
          %dma_start3A_570 = tpu.memref_slice %arg3[%dma_start3A_568, %dma_start3A_569] : memref<10000x64xf32, #tpu.memory_space<hbm>> -> memref<10000x64xf32, #tpu.memory_space<hbm>>
          tpu.enqueue_indirect_dma source(%dma_start3A_570 : memref<10000x64xf32, #tpu.memory_space<hbm>>) target(%dma_start3A_564 : memref<80x64xf32, #tpu.memory_space<vmem>>) offsets(%dma_start3A_567 : memref<80xi32, #tpu.memory_space<vmem>>) semaphore(%arg12 : memref<!tpu.dma_semaphore, #tpu.memory_space<semaphore_mem>>)
        } else {
        }
        %add3A_507 = arith.constant 1 : i32
        %add3A_508 = arith.addi %scan3A_294, %add3A_507 : i32
        %mul3A_509 = arith.constant 4 : i32
        %mul3A_510 = arith.muli %add3A_508, %mul3A_509 : i32
        %add3A_511 = arith.constant 1 : i32
        %add3A_512 = arith.addi %mul3A_510, %add3A_511 : i32
        %eq3A_513 = arith.constant 0 : i32
        %eq3A_514 = arith.cmpi eq, %arg0, %eq3A_513 : i32
        %convert_element_type3A_515 = arith.extui %eq3A_514 : i1 to i32
        %cond3A_516 = arith.constant 1 : i32
        %cond3A_517 = arith.constant 0 : i32
        %cond3A_518 = arith.cmpi ne, %convert_element_type3A_515, %cond3A_517 : i32
        scf.if %cond3A_518 {
          %dma_start3A_561 = arith.constant 0 : i32
          %dma_start3A_562 = arith.constant 0 : i32
          %dma_start3A_563 = tpu.memref_slice %arg9[%sub3A_296, %cond3A_516, %dma_start3A_561, %dma_start3A_562] : memref<2x4x80x64xf32, #tpu.memory_space<vmem>> -> memref<1x1x80x64xf32, #tpu.memory_space<vmem>>
          %dma_start3A_564 = tpu.memref_squeeze %dma_start3A_563 : memref<1x1x80x64xf32, #tpu.memory_space<vmem>> -> memref<80x64xf32, #tpu.memory_space<vmem>>
          %dma_start3A_565 = arith.constant 0 : i32
          %dma_start3A_566 = tpu.memref_slice %arg7[%add3A_512, %dma_start3A_565] : memref<250x80xi32, #tpu.memory_space<vmem>> -> memref<1x80xi32, #tpu.memory_space<vmem>>
          %dma_start3A_567 = tpu.memref_squeeze %dma_start3A_566 : memref<1x80xi32, #tpu.memory_space<vmem>> -> memref<80xi32, #tpu.memory_space<vmem>>
          %dma_start3A_568 = arith.constant 0 : i32
          %dma_start3A_569 = arith.constant 0 : i32
          %dma_start3A_570 = tpu.memref_slice %arg2[%dma_start3A_568, %dma_start3A_569] : memref<10000x64xf32, #tpu.memory_space<hbm>> -> memref<10000x64xf32, #tpu.memory_space<hbm>>
          tpu.enqueue_indirect_dma source(%dma_start3A_570 : memref<10000x64xf32, #tpu.memory_space<hbm>>) target(%dma_start3A_564 : memref<80x64xf32, #tpu.memory_space<vmem>>) offsets(%dma_start3A_567 : memref<80xi32, #tpu.memory_space<vmem>>) semaphore(%arg12 : memref<!tpu.dma_semaphore, #tpu.memory_space<semaphore_mem>>)
        } else {
        }
        %eq3A_519 = arith.constant 1 : i32
        %eq3A_520 = arith.cmpi eq, %arg0, %eq3A_519 : i32
        %convert_element_type3A_521 = arith.extui %eq3A_520 : i1 to i32
        %cond3A_522 = arith.constant 1 : i32
        %cond3A_523 = arith.constant 0 : i32
        %cond3A_524 = arith.cmpi ne, %convert_element_type3A_521, %cond3A_523 : i32
        scf.if %cond3A_524 {
          %dma_start3A_561 = arith.constant 0 : i32
          %dma_start3A_562 = arith.constant 0 : i32
          %dma_start3A_563 = tpu.memref_slice %arg9[%sub3A_296, %cond3A_522, %dma_start3A_561, %dma_start3A_562] : memref<2x4x80x64xf32, #tpu.memory_space<vmem>> -> memref<1x1x80x64xf32, #tpu.memory_space<vmem>>
          %dma_start3A_564 = tpu.memref_squeeze %dma_start3A_563 : memref<1x1x80x64xf32, #tpu.memory_space<vmem>> -> memref<80x64xf32, #tpu.memory_space<vmem>>
          %dma_start3A_565 = arith.constant 0 : i32
          %dma_start3A_566 = tpu.memref_slice %arg7[%add3A_512, %dma_start3A_565] : memref<250x80xi32, #tpu.memory_space<vmem>> -> memref<1x80xi32, #tpu.memory_space<vmem>>
          %dma_start3A_567 = tpu.memref_squeeze %dma_start3A_566 : memref<1x80xi32, #tpu.memory_space<vmem>> -> memref<80xi32, #tpu.memory_space<vmem>>
          %dma_start3A_568 = arith.constant 0 : i32
          %dma_start3A_569 = arith.constant 0 : i32
          %dma_start3A_570 = tpu.memref_slice %arg3[%dma_start3A_568, %dma_start3A_569] : memref<10000x64xf32, #tpu.memory_space<hbm>> -> memref<10000x64xf32, #tpu.memory_space<hbm>>
          tpu.enqueue_indirect_dma source(%dma_start3A_570 : memref<10000x64xf32, #tpu.memory_space<hbm>>) target(%dma_start3A_564 : memref<80x64xf32, #tpu.memory_space<vmem>>) offsets(%dma_start3A_567 : memref<80xi32, #tpu.memory_space<vmem>>) semaphore(%arg12 : memref<!tpu.dma_semaphore, #tpu.memory_space<semaphore_mem>>)
        } else {
        }
        %add3A_525 = arith.constant 1 : i32
        %add3A_526 = arith.addi %scan3A_294, %add3A_525 : i32
        %mul3A_527 = arith.constant 4 : i32
        %mul3A_528 = arith.muli %add3A_526, %mul3A_527 : i32
        %add3A_529 = arith.constant 2 : i32
        %add3A_530 = arith.addi %mul3A_528, %add3A_529 : i32
        %eq3A_531 = arith.constant 0 : i32
        %eq3A_532 = arith.cmpi eq, %arg0, %eq3A_531 : i32
        %convert_element_type3A_533 = arith.extui %eq3A_532 : i1 to i32
        %cond3A_534 = arith.constant 2 : i32
        %cond3A_535 = arith.constant 0 : i32
        %cond3A_536 = arith.cmpi ne, %convert_element_type3A_533, %cond3A_535 : i32
        scf.if %cond3A_536 {
          %dma_start3A_561 = arith.constant 0 : i32
          %dma_start3A_562 = arith.constant 0 : i32
          %dma_start3A_563 = tpu.memref_slice %arg9[%sub3A_296, %cond3A_534, %dma_start3A_561, %dma_start3A_562] : memref<2x4x80x64xf32, #tpu.memory_space<vmem>> -> memref<1x1x80x64xf32, #tpu.memory_space<vmem>>
          %dma_start3A_564 = tpu.memref_squeeze %dma_start3A_563 : memref<1x1x80x64xf32, #tpu.memory_space<vmem>> -> memref<80x64xf32, #tpu.memory_space<vmem>>
          %dma_start3A_565 = arith.constant 0 : i32
          %dma_start3A_566 = tpu.memref_slice %arg7[%add3A_530, %dma_start3A_565] : memref<250x80xi32, #tpu.memory_space<vmem>> -> memref<1x80xi32, #tpu.memory_space<vmem>>
          %dma_start3A_567 = tpu.memref_squeeze %dma_start3A_566 : memref<1x80xi32, #tpu.memory_space<vmem>> -> memref<80xi32, #tpu.memory_space<vmem>>
          %dma_start3A_568 = arith.constant 0 : i32
          %dma_start3A_569 = arith.constant 0 : i32
          %dma_start3A_570 = tpu.memref_slice %arg2[%dma_start3A_568, %dma_start3A_569] : memref<10000x64xf32, #tpu.memory_space<hbm>> -> memref<10000x64xf32, #tpu.memory_space<hbm>>
          tpu.enqueue_indirect_dma source(%dma_start3A_570 : memref<10000x64xf32, #tpu.memory_space<hbm>>) target(%dma_start3A_564 : memref<80x64xf32, #tpu.memory_space<vmem>>) offsets(%dma_start3A_567 : memref<80xi32, #tpu.memory_space<vmem>>) semaphore(%arg12 : memref<!tpu.dma_semaphore, #tpu.memory_space<semaphore_mem>>)
        } else {
        }
        %eq3A_537 = arith.constant 1 : i32
        %eq3A_538 = arith.cmpi eq, %arg0, %eq3A_537 : i32
        %convert_element_type3A_539 = arith.extui %eq3A_538 : i1 to i32
        %cond3A_540 = arith.constant 2 : i32
        %cond3A_541 = arith.constant 0 : i32
        %cond3A_542 = arith.cmpi ne, %convert_element_type3A_539, %cond3A_541 : i32
        scf.if %cond3A_542 {
          %dma_start3A_561 = arith.constant 0 : i32
          %dma_start3A_562 = arith.constant 0 : i32
          %dma_start3A_563 = tpu.memref_slice %arg9[%sub3A_296, %cond3A_540, %dma_start3A_561, %dma_start3A_562] : memref<2x4x80x64xf32, #tpu.memory_space<vmem>> -> memref<1x1x80x64xf32, #tpu.memory_space<vmem>>
          %dma_start3A_564 = tpu.memref_squeeze %dma_start3A_563 : memref<1x1x80x64xf32, #tpu.memory_space<vmem>> -> memref<80x64xf32, #tpu.memory_space<vmem>>
          %dma_start3A_565 = arith.constant 0 : i32
          %dma_start3A_566 = tpu.memref_slice %arg7[%add3A_530, %dma_start3A_565] : memref<250x80xi32, #tpu.memory_space<vmem>> -> memref<1x80xi32, #tpu.memory_space<vmem>>
          %dma_start3A_567 = tpu.memref_squeeze %dma_start3A_566 : memref<1x80xi32, #tpu.memory_space<vmem>> -> memref<80xi32, #tpu.memory_space<vmem>>
          %dma_start3A_568 = arith.constant 0 : i32
          %dma_start3A_569 = arith.constant 0 : i32
          %dma_start3A_570 = tpu.memref_slice %arg3[%dma_start3A_568, %dma_start3A_569] : memref<10000x64xf32, #tpu.memory_space<hbm>> -> memref<10000x64xf32, #tpu.memory_space<hbm>>
          tpu.enqueue_indirect_dma source(%dma_start3A_570 : memref<10000x64xf32, #tpu.memory_space<hbm>>) target(%dma_start3A_564 : memref<80x64xf32, #tpu.memory_space<vmem>>) offsets(%dma_start3A_567 : memref<80xi32, #tpu.memory_space<vmem>>) semaphore(%arg12 : memref<!tpu.dma_semaphore, #tpu.memory_space<semaphore_mem>>)
        } else {
        }
        %add3A_543 = arith.constant 1 : i32
        %add3A_544 = arith.addi %scan3A_294, %add3A_543 : i32
        %mul3A_545 = arith.constant 4 : i32
        %mul3A_546 = arith.muli %add3A_544, %mul3A_545 : i32
        %add3A_547 = arith.constant 3 : i32
        %add3A_548 = arith.addi %mul3A_546, %add3A_547 : i32
        %eq3A_549 = arith.constant 0 : i32
        %eq3A_550 = arith.cmpi eq, %arg0, %eq3A_549 : i32
        %convert_element_type3A_551 = arith.extui %eq3A_550 : i1 to i32
        %cond3A_552 = arith.constant 3 : i32
        %cond3A_553 = arith.constant 0 : i32
        %cond3A_554 = arith.cmpi ne, %convert_element_type3A_551, %cond3A_553 : i32
        scf.if %cond3A_554 {
          %dma_start3A_561 = arith.constant 0 : i32
          %dma_start3A_562 = arith.constant 0 : i32
          %dma_start3A_563 = tpu.memref_slice %arg9[%sub3A_296, %cond3A_552, %dma_start3A_561, %dma_start3A_562] : memref<2x4x80x64xf32, #tpu.memory_space<vmem>> -> memref<1x1x80x64xf32, #tpu.memory_space<vmem>>
          %dma_start3A_564 = tpu.memref_squeeze %dma_start3A_563 : memref<1x1x80x64xf32, #tpu.memory_space<vmem>> -> memref<80x64xf32, #tpu.memory_space<vmem>>
          %dma_start3A_565 = arith.constant 0 : i32
          %dma_start3A_566 = tpu.memref_slice %arg7[%add3A_548, %dma_start3A_565] : memref<250x80xi32, #tpu.memory_space<vmem>> -> memref<1x80xi32, #tpu.memory_space<vmem>>
          %dma_start3A_567 = tpu.memref_squeeze %dma_start3A_566 : memref<1x80xi32, #tpu.memory_space<vmem>> -> memref<80xi32, #tpu.memory_space<vmem>>
          %dma_start3A_568 = arith.constant 0 : i32
          %dma_start3A_569 = arith.constant 0 : i32
          %dma_start3A_570 = tpu.memref_slice %arg2[%dma_start3A_568, %dma_start3A_569] : memref<10000x64xf32, #tpu.memory_space<hbm>> -> memref<10000x64xf32, #tpu.memory_space<hbm>>
          tpu.enqueue_indirect_dma source(%dma_start3A_570 : memref<10000x64xf32, #tpu.memory_space<hbm>>) target(%dma_start3A_564 : memref<80x64xf32, #tpu.memory_space<vmem>>) offsets(%dma_start3A_567 : memref<80xi32, #tpu.memory_space<vmem>>) semaphore(%arg12 : memref<!tpu.dma_semaphore, #tpu.memory_space<semaphore_mem>>)
        } else {
        }
        %eq3A_555 = arith.constant 1 : i32
        %eq3A_556 = arith.cmpi eq, %arg0, %eq3A_555 : i32
        %convert_element_type3A_557 = arith.extui %eq3A_556 : i1 to i32
        %cond3A_558 = arith.constant 3 : i32
        %cond3A_559 = arith.constant 0 : i32
        %cond3A_560 = arith.cmpi ne, %convert_element_type3A_557, %cond3A_559 : i32
        scf.if %cond3A_560 {
          %dma_start3A_561 = arith.constant 0 : i32
          %dma_start3A_562 = arith.constant 0 : i32
          %dma_start3A_563 = tpu.memref_slice %arg9[%sub3A_296, %cond3A_558, %dma_start3A_561, %dma_start3A_562] : memref<2x4x80x64xf32, #tpu.memory_space<vmem>> -> memref<1x1x80x64xf32, #tpu.memory_space<vmem>>
          %dma_start3A_564 = tpu.memref_squeeze %dma_start3A_563 : memref<1x1x80x64xf32, #tpu.memory_space<vmem>> -> memref<80x64xf32, #tpu.memory_space<vmem>>
          %dma_start3A_565 = arith.constant 0 : i32
          %dma_start3A_566 = tpu.memref_slice %arg7[%add3A_548, %dma_start3A_565] : memref<250x80xi32, #tpu.memory_space<vmem>> -> memref<1x80xi32, #tpu.memory_space<vmem>>
          %dma_start3A_567 = tpu.memref_squeeze %dma_start3A_566 : memref<1x80xi32, #tpu.memory_space<vmem>> -> memref<80xi32, #tpu.memory_space<vmem>>
          %dma_start3A_568 = arith.constant 0 : i32
          %dma_start3A_569 = arith.constant 0 : i32
          %dma_start3A_570 = tpu.memref_slice %arg3[%dma_start3A_568, %dma_start3A_569] : memref<10000x64xf32, #tpu.memory_space<hbm>> -> memref<10000x64xf32, #tpu.memory_space<hbm>>
          tpu.enqueue_indirect_dma source(%dma_start3A_570 : memref<10000x64xf32, #tpu.memory_space<hbm>>) target(%dma_start3A_564 : memref<80x64xf32, #tpu.memory_space<vmem>>) offsets(%dma_start3A_567 : memref<80xi32, #tpu.memory_space<vmem>>) semaphore(%arg12 : memref<!tpu.dma_semaphore, #tpu.memory_space<semaphore_mem>>)
        } else {
        }
      } else {
      }
      %dma_wait3A_425 = arith.constant 0 : i32
      %dma_wait3A_426 = arith.constant 0 : i32
      %dma_wait3A_427 = arith.constant 0 : i32
      %dma_wait3A_428 = arith.constant 0 : i32
      %dma_wait3A_429 = tpu.memref_slice %arg9[%dma_wait3A_425, %dma_wait3A_426, %dma_wait3A_427, %dma_wait3A_428] : memref<2x4x80x64xf32, #tpu.memory_space<vmem>> -> memref<1x1x80x64xf32, #tpu.memory_space<vmem>>
      %dma_wait3A_430 = tpu.memref_squeeze %dma_wait3A_429 : memref<1x1x80x64xf32, #tpu.memory_space<vmem>> -> memref<80x64xf32, #tpu.memory_space<vmem>>
      %dma_wait3A_431 = arith.constant 0 : i32
      %dma_wait3A_432 = arith.constant 0 : i32
      %dma_wait3A_433 = tpu.memref_slice %arg2[%dma_wait3A_431, %dma_wait3A_432] : memref<10000x64xf32, #tpu.memory_space<hbm>> -> memref<80x64xf32, #tpu.memory_space<hbm>>
      %dma_wait3A_434 = arith.constant 0 : i32
      %dma_wait3A_435 = arith.constant 0 : i32
      %dma_wait3A_436 = tpu.memref_slice %arg9[%dma_wait3A_425, %dma_wait3A_426, %dma_wait3A_434, %dma_wait3A_435] : memref<2x4x80x64xf32, #tpu.memory_space<vmem>> -> memref<1x1x80x64xf32, #tpu.memory_space<vmem>>
      %dma_wait3A_437 = tpu.memref_squeeze %dma_wait3A_436 : memref<1x1x80x64xf32, #tpu.memory_space<vmem>> -> memref<80x64xf32, #tpu.memory_space<vmem>>
      %dma_wait3A_438 = arith.constant 0 : i32
      %dma_wait3A_439 = arith.constant 0 : i32
      %dma_wait3A_440 = tpu.memref_slice %arg2[%dma_wait3A_438, %dma_wait3A_439] : memref<10000x64xf32, #tpu.memory_space<hbm>> -> memref<80x64xf32, #tpu.memory_space<hbm>>
      tpu.wait_dma2 semaphore(%arg13 : memref<!tpu.dma_semaphore, #tpu.memory_space<semaphore_mem>>) src(%dma_wait3A_440 : memref<80x64xf32, #tpu.memory_space<hbm>>) dst(%dma_wait3A_437 : memref<80x64xf32, #tpu.memory_space<vmem>>)
      %dma_wait3A_441 = arith.constant 0 : i32
      %dma_wait3A_442 = arith.constant 0 : i32
      %dma_wait3A_443 = arith.constant 0 : i32
      %dma_wait3A_444 = arith.constant 0 : i32
      %dma_wait3A_445 = tpu.memref_slice %arg9[%dma_wait3A_441, %dma_wait3A_442, %dma_wait3A_443, %dma_wait3A_444] : memref<2x4x80x64xf32, #tpu.memory_space<vmem>> -> memref<1x1x80x64xf32, #tpu.memory_space<vmem>>
      %dma_wait3A_446 = tpu.memref_squeeze %dma_wait3A_445 : memref<1x1x80x64xf32, #tpu.memory_space<vmem>> -> memref<80x64xf32, #tpu.memory_space<vmem>>
      %dma_wait3A_447 = arith.constant 0 : i32
      %dma_wait3A_448 = arith.constant 0 : i32
      %dma_wait3A_449 = tpu.memref_slice %arg2[%dma_wait3A_447, %dma_wait3A_448] : memref<10000x64xf32, #tpu.memory_space<hbm>> -> memref<80x64xf32, #tpu.memory_space<hbm>>
      %dma_wait3A_450 = arith.constant 0 : i32
      %dma_wait3A_451 = arith.constant 0 : i32
      %dma_wait3A_452 = tpu.memref_slice %arg9[%dma_wait3A_441, %dma_wait3A_442, %dma_wait3A_450, %dma_wait3A_451] : memref<2x4x80x64xf32, #tpu.memory_space<vmem>> -> memref<1x1x80x64xf32, #tpu.memory_space<vmem>>
      %dma_wait3A_453 = tpu.memref_squeeze %dma_wait3A_452 : memref<1x1x80x64xf32, #tpu.memory_space<vmem>> -> memref<80x64xf32, #tpu.memory_space<vmem>>
      %dma_wait3A_454 = arith.constant 0 : i32
      %dma_wait3A_455 = arith.constant 0 : i32
      %dma_wait3A_456 = tpu.memref_slice %arg2[%dma_wait3A_454, %dma_wait3A_455] : memref<10000x64xf32, #tpu.memory_space<hbm>> -> memref<80x64xf32, #tpu.memory_space<hbm>>
      tpu.wait_dma2 semaphore(%arg13 : memref<!tpu.dma_semaphore, #tpu.memory_space<semaphore_mem>>) src(%dma_wait3A_456 : memref<80x64xf32, #tpu.memory_space<hbm>>) dst(%dma_wait3A_453 : memref<80x64xf32, #tpu.memory_space<vmem>>)
      %dma_wait3A_457 = arith.constant 0 : i32
      %dma_wait3A_458 = arith.constant 0 : i32
      %dma_wait3A_459 = arith.constant 0 : i32
      %dma_wait3A_460 = arith.constant 0 : i32
      %dma_wait3A_461 = tpu.memref_slice %arg9[%dma_wait3A_457, %dma_wait3A_458, %dma_wait3A_459, %dma_wait3A_460] : memref<2x4x80x64xf32, #tpu.memory_space<vmem>> -> memref<1x1x80x64xf32, #tpu.memory_space<vmem>>
      %dma_wait3A_462 = tpu.memref_squeeze %dma_wait3A_461 : memref<1x1x80x64xf32, #tpu.memory_space<vmem>> -> memref<80x64xf32, #tpu.memory_space<vmem>>
      %dma_wait3A_463 = arith.constant 0 : i32
      %dma_wait3A_464 = arith.constant 0 : i32
      %dma_wait3A_465 = tpu.memref_slice %arg2[%dma_wait3A_463, %dma_wait3A_464] : memref<10000x64xf32, #tpu.memory_space<hbm>> -> memref<80x64xf32, #tpu.memory_space<hbm>>
      %dma_wait3A_466 = arith.constant 0 : i32
      %dma_wait3A_467 = arith.constant 0 : i32
      %dma_wait3A_468 = tpu.memref_slice %arg9[%dma_wait3A_457, %dma_wait3A_458, %dma_wait3A_466, %dma_wait3A_467] : memref<2x4x80x64xf32, #tpu.memory_space<vmem>> -> memref<1x1x80x64xf32, #tpu.memory_space<vmem>>
      %dma_wait3A_469 = tpu.memref_squeeze %dma_wait3A_468 : memref<1x1x80x64xf32, #tpu.memory_space<vmem>> -> memref<80x64xf32, #tpu.memory_space<vmem>>
      %dma_wait3A_470 = arith.constant 0 : i32
      %dma_wait3A_471 = arith.constant 0 : i32
      %dma_wait3A_472 = tpu.memref_slice %arg2[%dma_wait3A_470, %dma_wait3A_471] : memref<10000x64xf32, #tpu.memory_space<hbm>> -> memref<80x64xf32, #tpu.memory_space<hbm>>
      tpu.wait_dma2 semaphore(%arg13 : memref<!tpu.dma_semaphore, #tpu.memory_space<semaphore_mem>>) src(%dma_wait3A_472 : memref<80x64xf32, #tpu.memory_space<hbm>>) dst(%dma_wait3A_469 : memref<80x64xf32, #tpu.memory_space<vmem>>)
      %dma_wait3A_473 = arith.constant 0 : i32
      %dma_wait3A_474 = arith.constant 0 : i32
      %dma_wait3A_475 = arith.constant 0 : i32
      %dma_wait3A_476 = arith.constant 0 : i32
      %dma_wait3A_477 = tpu.memref_slice %arg9[%dma_wait3A_473, %dma_wait3A_474, %dma_wait3A_475, %dma_wait3A_476] : memref<2x4x80x64xf32, #tpu.memory_space<vmem>> -> memref<1x1x80x64xf32, #tpu.memory_space<vmem>>
      %dma_wait3A_478 = tpu.memref_squeeze %dma_wait3A_477 : memref<1x1x80x64xf32, #tpu.memory_space<vmem>> -> memref<80x64xf32, #tpu.memory_space<vmem>>
      %dma_wait3A_479 = arith.constant 0 : i32
      %dma_wait3A_480 = arith.constant 0 : i32
      %dma_wait3A_481 = tpu.memref_slice %arg2[%dma_wait3A_479, %dma_wait3A_480] : memref<10000x64xf32, #tpu.memory_space<hbm>> -> memref<80x64xf32, #tpu.memory_space<hbm>>
      %dma_wait3A_482 = arith.constant 0 : i32
      %dma_wait3A_483 = arith.constant 0 : i32
      %dma_wait3A_484 = tpu.memref_slice %arg9[%dma_wait3A_473, %dma_wait3A_474, %dma_wait3A_482, %dma_wait3A_483] : memref<2x4x80x64xf32, #tpu.memory_space<vmem>> -> memref<1x1x80x64xf32, #tpu.memory_space<vmem>>
      %dma_wait3A_485 = tpu.memref_squeeze %dma_wait3A_484 : memref<1x1x80x64xf32, #tpu.memory_space<vmem>> -> memref<80x64xf32, #tpu.memory_space<vmem>>
      %dma_wait3A_486 = arith.constant 0 : i32
      %dma_wait3A_487 = arith.constant 0 : i32
      %dma_wait3A_488 = tpu.memref_slice %arg2[%dma_wait3A_486, %dma_wait3A_487] : memref<10000x64xf32, #tpu.memory_space<hbm>> -> memref<80x64xf32, #tpu.memory_space<hbm>>
      tpu.wait_dma2 semaphore(%arg13 : memref<!tpu.dma_semaphore, #tpu.memory_space<semaphore_mem>>) src(%dma_wait3A_488 : memref<80x64xf32, #tpu.memory_space<hbm>>) dst(%dma_wait3A_485 : memref<80x64xf32, #tpu.memory_space<vmem>>)
    }
    %scan3A_160 = arith.constant 62 : i32
    %eq3A_161 = arith.constant 0 : i32
    %eq3A_162 = arith.cmpi eq, %arg0, %eq3A_161 : i32
    %convert_element_type3A_163 = arith.extui %eq3A_162 : i1 to i32
    %cond3A_164 = arith.constant 248 : i32
    %cond3A_165 = arith.constant 0 : i32
    %cond3A_166 = arith.constant 0 : i32
    %cond3A_167 = arith.constant 0 : i32
    %cond3A_168 = arith.cmpi ne, %convert_element_type3A_163, %cond3A_167 : i32
    scf.if %cond3A_168 {
      %dma_start3A_294 = arith.constant 0 : i32
      %dma_start3A_295 = arith.constant 0 : i32
      %dma_start3A_296 = tpu.memref_slice %arg9[%cond3A_165, %cond3A_166, %dma_start3A_294, %dma_start3A_295] : memref<2x4x80x64xf32, #tpu.memory_space<vmem>> -> memref<1x1x80x64xf32, #tpu.memory_space<vmem>>
      %dma_start3A_297 = tpu.memref_squeeze %dma_start3A_296 : memref<1x1x80x64xf32, #tpu.memory_space<vmem>> -> memref<80x64xf32, #tpu.memory_space<vmem>>
      %dma_start3A_298 = arith.constant 0 : i32
      %dma_start3A_299 = tpu.memref_slice %arg7[%cond3A_164, %dma_start3A_298] : memref<250x80xi32, #tpu.memory_space<vmem>> -> memref<1x80xi32, #tpu.memory_space<vmem>>
      %dma_start3A_300 = tpu.memref_squeeze %dma_start3A_299 : memref<1x80xi32, #tpu.memory_space<vmem>> -> memref<80xi32, #tpu.memory_space<vmem>>
      %dma_start3A_301 = arith.constant 0 : i32
      %dma_start3A_302 = arith.constant 0 : i32
      %dma_start3A_303 = tpu.memref_slice %arg2[%dma_start3A_301, %dma_start3A_302] : memref<10000x64xf32, #tpu.memory_space<hbm>> -> memref<10000x64xf32, #tpu.memory_space<hbm>>
      tpu.enqueue_indirect_dma source(%dma_start3A_303 : memref<10000x64xf32, #tpu.memory_space<hbm>>) target(%dma_start3A_297 : memref<80x64xf32, #tpu.memory_space<vmem>>) offsets(%dma_start3A_300 : memref<80xi32, #tpu.memory_space<vmem>>) semaphore(%arg12 : memref<!tpu.dma_semaphore, #tpu.memory_space<semaphore_mem>>)
    } else {
    }
    %eq3A_169 = arith.constant 1 : i32
    %eq3A_170 = arith.cmpi eq, %arg0, %eq3A_169 : i32
    %convert_element_type3A_171 = arith.extui %eq3A_170 : i1 to i32
    %cond3A_172 = arith.constant 248 : i32
    %cond3A_173 = arith.constant 0 : i32
    %cond3A_174 = arith.constant 0 : i32
    %cond3A_175 = arith.constant 0 : i32
    %cond3A_176 = arith.cmpi ne, %convert_element_type3A_171, %cond3A_175 : i32
    scf.if %cond3A_176 {
      %dma_start3A_294 = arith.constant 0 : i32
      %dma_start3A_295 = arith.constant 0 : i32
      %dma_start3A_296 = tpu.memref_slice %arg9[%cond3A_173, %cond3A_174, %dma_start3A_294, %dma_start3A_295] : memref<2x4x80x64xf32, #tpu.memory_space<vmem>> -> memref<1x1x80x64xf32, #tpu.memory_space<vmem>>
      %dma_start3A_297 = tpu.memref_squeeze %dma_start3A_296 : memref<1x1x80x64xf32, #tpu.memory_space<vmem>> -> memref<80x64xf32, #tpu.memory_space<vmem>>
      %dma_start3A_298 = arith.constant 0 : i32
      %dma_start3A_299 = tpu.memref_slice %arg7[%cond3A_172, %dma_start3A_298] : memref<250x80xi32, #tpu.memory_space<vmem>> -> memref<1x80xi32, #tpu.memory_space<vmem>>
      %dma_start3A_300 = tpu.memref_squeeze %dma_start3A_299 : memref<1x80xi32, #tpu.memory_space<vmem>> -> memref<80xi32, #tpu.memory_space<vmem>>
      %dma_start3A_301 = arith.constant 0 : i32
      %dma_start3A_302 = arith.constant 0 : i32
      %dma_start3A_303 = tpu.memref_slice %arg3[%dma_start3A_301, %dma_start3A_302] : memref<10000x64xf32, #tpu.memory_space<hbm>> -> memref<10000x64xf32, #tpu.memory_space<hbm>>
      tpu.enqueue_indirect_dma source(%dma_start3A_303 : memref<10000x64xf32, #tpu.memory_space<hbm>>) target(%dma_start3A_297 : memref<80x64xf32, #tpu.memory_space<vmem>>) offsets(%dma_start3A_300 : memref<80xi32, #tpu.memory_space<vmem>>) semaphore(%arg12 : memref<!tpu.dma_semaphore, #tpu.memory_space<semaphore_mem>>)
    } else {
    }
    %dma_wait3A_177 = arith.constant 0 : i32
    %dma_wait3A_178 = arith.constant 0 : i32
    %dma_wait3A_179 = arith.constant 0 : i32
    %dma_wait3A_180 = arith.constant 0 : i32
    %dma_wait3A_181 = tpu.memref_slice %arg9[%dma_wait3A_177, %dma_wait3A_178, %dma_wait3A_179, %dma_wait3A_180] : memref<2x4x80x64xf32, #tpu.memory_space<vmem>> -> memref<1x1x80x64xf32, #tpu.memory_space<vmem>>
    %dma_wait3A_182 = tpu.memref_squeeze %dma_wait3A_181 : memref<1x1x80x64xf32, #tpu.memory_space<vmem>> -> memref<80x64xf32, #tpu.memory_space<vmem>>
    %dma_wait3A_183 = arith.constant 0 : i32
    %dma_wait3A_184 = arith.constant 0 : i32
    %dma_wait3A_185 = tpu.memref_slice %arg2[%dma_wait3A_183, %dma_wait3A_184] : memref<10000x64xf32, #tpu.memory_space<hbm>> -> memref<80x64xf32, #tpu.memory_space<hbm>>
    %dma_wait3A_186 = arith.constant 0 : i32
    %dma_wait3A_187 = arith.constant 0 : i32
    %dma_wait3A_188 = tpu.memref_slice %arg9[%dma_wait3A_177, %dma_wait3A_178, %dma_wait3A_186, %dma_wait3A_187] : memref<2x4x80x64xf32, #tpu.memory_space<vmem>> -> memref<1x1x80x64xf32, #tpu.memory_space<vmem>>
    %dma_wait3A_189 = tpu.memref_squeeze %dma_wait3A_188 : memref<1x1x80x64xf32, #tpu.memory_space<vmem>> -> memref<80x64xf32, #tpu.memory_space<vmem>>
    %dma_wait3A_190 = arith.constant 0 : i32
    %dma_wait3A_191 = arith.constant 0 : i32
    %dma_wait3A_192 = tpu.memref_slice %arg2[%dma_wait3A_190, %dma_wait3A_191] : memref<10000x64xf32, #tpu.memory_space<hbm>> -> memref<80x64xf32, #tpu.memory_space<hbm>>
    tpu.wait_dma2 semaphore(%arg12 : memref<!tpu.dma_semaphore, #tpu.memory_space<semaphore_mem>>) src(%dma_wait3A_192 : memref<80x64xf32, #tpu.memory_space<hbm>>) dst(%dma_wait3A_189 : memref<80x64xf32, #tpu.memory_space<vmem>>)
    %dma_start3A_193 = arith.constant 0 : i32
    %dma_start3A_194 = arith.constant 0 : i32
    %dma_start3A_195 = arith.constant 248 : i32
    %dma_start3A_196 = arith.constant 0 : i32
    %dma_start3A_197 = arith.constant 0 : i32
    %dma_start3A_198 = tpu.memref_slice %arg9[%dma_start3A_193, %dma_start3A_194, %dma_start3A_196, %dma_start3A_197] : memref<2x4x80x64xf32, #tpu.memory_space<vmem>> -> memref<1x1x80x64xf32, #tpu.memory_space<vmem>>
    %dma_start3A_199 = tpu.memref_squeeze %dma_start3A_198 : memref<1x1x80x64xf32, #tpu.memory_space<vmem>> -> memref<80x64xf32, #tpu.memory_space<vmem>>
    %dma_start3A_200 = arith.constant 0 : i32
    %dma_start3A_201 = tpu.memref_slice %arg8[%dma_start3A_195, %dma_start3A_200] : memref<250x80xi32, #tpu.memory_space<vmem>> -> memref<1x80xi32, #tpu.memory_space<vmem>>
    %dma_start3A_202 = tpu.memref_squeeze %dma_start3A_201 : memref<1x80xi32, #tpu.memory_space<vmem>> -> memref<80xi32, #tpu.memory_space<vmem>>
    %dma_start3A_203 = arith.constant 0 : i32
    %dma_start3A_204 = arith.constant 0 : i32
    %dma_start3A_205 = tpu.memref_slice %arg11[%dma_start3A_203, %dma_start3A_204] : memref<10000x64xf32, #tpu.memory_space<vmem_shared>> -> memref<10000x64xf32, #tpu.memory_space<vmem_shared>>
    tpu.enqueue_indirect_dma source(%dma_start3A_199 : memref<80x64xf32, #tpu.memory_space<vmem>>) target(%dma_start3A_205 : memref<10000x64xf32, #tpu.memory_space<vmem_shared>>) offsets(%dma_start3A_202 : memref<80xi32, #tpu.memory_space<vmem>>) semaphore(%arg13 : memref<!tpu.dma_semaphore, #tpu.memory_space<semaphore_mem>>) {add = true}
    %dma_wait3A_206 = arith.constant 0 : i32
    %dma_wait3A_207 = arith.constant 0 : i32
    %dma_wait3A_208 = arith.constant 0 : i32
    %dma_wait3A_209 = arith.constant 0 : i32
    %dma_wait3A_210 = tpu.memref_slice %arg9[%dma_wait3A_206, %dma_wait3A_207, %dma_wait3A_208, %dma_wait3A_209] : memref<2x4x80x64xf32, #tpu.memory_space<vmem>> -> memref<1x1x80x64xf32, #tpu.memory_space<vmem>>
    %dma_wait3A_211 = tpu.memref_squeeze %dma_wait3A_210 : memref<1x1x80x64xf32, #tpu.memory_space<vmem>> -> memref<80x64xf32, #tpu.memory_space<vmem>>
    %dma_wait3A_212 = arith.constant 0 : i32
    %dma_wait3A_213 = arith.constant 0 : i32
    %dma_wait3A_214 = tpu.memref_slice %arg2[%dma_wait3A_212, %dma_wait3A_213] : memref<10000x64xf32, #tpu.memory_space<hbm>> -> memref<80x64xf32, #tpu.memory_space<hbm>>
    %dma_wait3A_215 = arith.constant 0 : i32
    %dma_wait3A_216 = arith.constant 0 : i32
    %dma_wait3A_217 = tpu.memref_slice %arg9[%dma_wait3A_206, %dma_wait3A_207, %dma_wait3A_215, %dma_wait3A_216] : memref<2x4x80x64xf32, #tpu.memory_space<vmem>> -> memref<1x1x80x64xf32, #tpu.memory_space<vmem>>
    %dma_wait3A_218 = tpu.memref_squeeze %dma_wait3A_217 : memref<1x1x80x64xf32, #tpu.memory_space<vmem>> -> memref<80x64xf32, #tpu.memory_space<vmem>>
    %dma_wait3A_219 = arith.constant 0 : i32
    %dma_wait3A_220 = arith.constant 0 : i32
    %dma_wait3A_221 = tpu.memref_slice %arg2[%dma_wait3A_219, %dma_wait3A_220] : memref<10000x64xf32, #tpu.memory_space<hbm>> -> memref<80x64xf32, #tpu.memory_space<hbm>>
    tpu.wait_dma2 semaphore(%arg13 : memref<!tpu.dma_semaphore, #tpu.memory_space<semaphore_mem>>) src(%dma_wait3A_221 : memref<80x64xf32, #tpu.memory_space<hbm>>) dst(%dma_wait3A_218 : memref<80x64xf32, #tpu.memory_space<vmem>>)
    %eq3A_222 = arith.constant 0 : i32
    %eq3A_223 = arith.cmpi eq, %arg0, %eq3A_222 : i32
    %convert_element_type3A_224 = arith.extui %eq3A_223 : i1 to i32
    %cond3A_225 = arith.constant 249 : i32
    %cond3A_226 = arith.constant 0 : i32
    %cond3A_227 = arith.constant 0 : i32
    %cond3A_228 = arith.constant 0 : i32
    %cond3A_229 = arith.cmpi ne, %convert_element_type3A_224, %cond3A_228 : i32
    scf.if %cond3A_229 {
      %dma_start3A_294 = arith.constant 0 : i32
      %dma_start3A_295 = arith.constant 0 : i32
      %dma_start3A_296 = tpu.memref_slice %arg9[%cond3A_226, %cond3A_227, %dma_start3A_294, %dma_start3A_295] : memref<2x4x80x64xf32, #tpu.memory_space<vmem>> -> memref<1x1x80x64xf32, #tpu.memory_space<vmem>>
      %dma_start3A_297 = tpu.memref_squeeze %dma_start3A_296 : memref<1x1x80x64xf32, #tpu.memory_space<vmem>> -> memref<80x64xf32, #tpu.memory_space<vmem>>
      %dma_start3A_298 = arith.constant 0 : i32
      %dma_start3A_299 = tpu.memref_slice %arg7[%cond3A_225, %dma_start3A_298] : memref<250x80xi32, #tpu.memory_space<vmem>> -> memref<1x80xi32, #tpu.memory_space<vmem>>
      %dma_start3A_300 = tpu.memref_squeeze %dma_start3A_299 : memref<1x80xi32, #tpu.memory_space<vmem>> -> memref<80xi32, #tpu.memory_space<vmem>>
      %dma_start3A_301 = arith.constant 0 : i32
      %dma_start3A_302 = arith.constant 0 : i32
      %dma_start3A_303 = tpu.memref_slice %arg2[%dma_start3A_301, %dma_start3A_302] : memref<10000x64xf32, #tpu.memory_space<hbm>> -> memref<10000x64xf32, #tpu.memory_space<hbm>>
      tpu.enqueue_indirect_dma source(%dma_start3A_303 : memref<10000x64xf32, #tpu.memory_space<hbm>>) target(%dma_start3A_297 : memref<80x64xf32, #tpu.memory_space<vmem>>) offsets(%dma_start3A_300 : memref<80xi32, #tpu.memory_space<vmem>>) semaphore(%arg12 : memref<!tpu.dma_semaphore, #tpu.memory_space<semaphore_mem>>)
    } else {
    }
    %eq3A_230 = arith.constant 1 : i32
    %eq3A_231 = arith.cmpi eq, %arg0, %eq3A_230 : i32
    %convert_element_type3A_232 = arith.extui %eq3A_231 : i1 to i32
    %cond3A_233 = arith.constant 249 : i32
    %cond3A_234 = arith.constant 0 : i32
    %cond3A_235 = arith.constant 0 : i32
    %cond3A_236 = arith.constant 0 : i32
    %cond3A_237 = arith.cmpi ne, %convert_element_type3A_232, %cond3A_236 : i32
    scf.if %cond3A_237 {
      %dma_start3A_294 = arith.constant 0 : i32
      %dma_start3A_295 = arith.constant 0 : i32
      %dma_start3A_296 = tpu.memref_slice %arg9[%cond3A_234, %cond3A_235, %dma_start3A_294, %dma_start3A_295] : memref<2x4x80x64xf32, #tpu.memory_space<vmem>> -> memref<1x1x80x64xf32, #tpu.memory_space<vmem>>
      %dma_start3A_297 = tpu.memref_squeeze %dma_start3A_296 : memref<1x1x80x64xf32, #tpu.memory_space<vmem>> -> memref<80x64xf32, #tpu.memory_space<vmem>>
      %dma_start3A_298 = arith.constant 0 : i32
      %dma_start3A_299 = tpu.memref_slice %arg7[%cond3A_233, %dma_start3A_298] : memref<250x80xi32, #tpu.memory_space<vmem>> -> memref<1x80xi32, #tpu.memory_space<vmem>>
      %dma_start3A_300 = tpu.memref_squeeze %dma_start3A_299 : memref<1x80xi32, #tpu.memory_space<vmem>> -> memref<80xi32, #tpu.memory_space<vmem>>
      %dma_start3A_301 = arith.constant 0 : i32
      %dma_start3A_302 = arith.constant 0 : i32
      %dma_start3A_303 = tpu.memref_slice %arg3[%dma_start3A_301, %dma_start3A_302] : memref<10000x64xf32, #tpu.memory_space<hbm>> -> memref<10000x64xf32, #tpu.memory_space<hbm>>
      tpu.enqueue_indirect_dma source(%dma_start3A_303 : memref<10000x64xf32, #tpu.memory_space<hbm>>) target(%dma_start3A_297 : memref<80x64xf32, #tpu.memory_space<vmem>>) offsets(%dma_start3A_300 : memref<80xi32, #tpu.memory_space<vmem>>) semaphore(%arg12 : memref<!tpu.dma_semaphore, #tpu.memory_space<semaphore_mem>>)
    } else {
    }
    %dma_wait3A_238 = arith.constant 0 : i32
    %dma_wait3A_239 = arith.constant 0 : i32
    %dma_wait3A_240 = arith.constant 0 : i32
    %dma_wait3A_241 = arith.constant 0 : i32
    %dma_wait3A_242 = tpu.memref_slice %arg9[%dma_wait3A_238, %dma_wait3A_239, %dma_wait3A_240, %dma_wait3A_241] : memref<2x4x80x64xf32, #tpu.memory_space<vmem>> -> memref<1x1x80x64xf32, #tpu.memory_space<vmem>>
    %dma_wait3A_243 = tpu.memref_squeeze %dma_wait3A_242 : memref<1x1x80x64xf32, #tpu.memory_space<vmem>> -> memref<80x64xf32, #tpu.memory_space<vmem>>
    %dma_wait3A_244 = arith.constant 0 : i32
    %dma_wait3A_245 = arith.constant 0 : i32
    %dma_wait3A_246 = tpu.memref_slice %arg2[%dma_wait3A_244, %dma_wait3A_245] : memref<10000x64xf32, #tpu.memory_space<hbm>> -> memref<80x64xf32, #tpu.memory_space<hbm>>
    %dma_wait3A_247 = arith.constant 0 : i32
    %dma_wait3A_248 = arith.constant 0 : i32
    %dma_wait3A_249 = tpu.memref_slice %arg9[%dma_wait3A_238, %dma_wait3A_239, %dma_wait3A_247, %dma_wait3A_248] : memref<2x4x80x64xf32, #tpu.memory_space<vmem>> -> memref<1x1x80x64xf32, #tpu.memory_space<vmem>>
    %dma_wait3A_250 = tpu.memref_squeeze %dma_wait3A_249 : memref<1x1x80x64xf32, #tpu.memory_space<vmem>> -> memref<80x64xf32, #tpu.memory_space<vmem>>
    %dma_wait3A_251 = arith.constant 0 : i32
    %dma_wait3A_252 = arith.constant 0 : i32
    %dma_wait3A_253 = tpu.memref_slice %arg2[%dma_wait3A_251, %dma_wait3A_252] : memref<10000x64xf32, #tpu.memory_space<hbm>> -> memref<80x64xf32, #tpu.memory_space<hbm>>
    tpu.wait_dma2 semaphore(%arg12 : memref<!tpu.dma_semaphore, #tpu.memory_space<semaphore_mem>>) src(%dma_wait3A_253 : memref<80x64xf32, #tpu.memory_space<hbm>>) dst(%dma_wait3A_250 : memref<80x64xf32, #tpu.memory_space<vmem>>)
    %dma_start3A_254 = arith.constant 0 : i32
    %dma_start3A_255 = arith.constant 0 : i32
    %dma_start3A_256 = arith.constant 249 : i32
    %dma_start3A_257 = arith.constant 0 : i32
    %dma_start3A_258 = arith.constant 0 : i32
    %dma_start3A_259 = tpu.memref_slice %arg9[%dma_start3A_254, %dma_start3A_255, %dma_start3A_257, %dma_start3A_258] : memref<2x4x80x64xf32, #tpu.memory_space<vmem>> -> memref<1x1x80x64xf32, #tpu.memory_space<vmem>>
    %dma_start3A_260 = tpu.memref_squeeze %dma_start3A_259 : memref<1x1x80x64xf32, #tpu.memory_space<vmem>> -> memref<80x64xf32, #tpu.memory_space<vmem>>
    %dma_start3A_261 = arith.constant 0 : i32
    %dma_start3A_262 = tpu.memref_slice %arg8[%dma_start3A_256, %dma_start3A_261] : memref<250x80xi32, #tpu.memory_space<vmem>> -> memref<1x80xi32, #tpu.memory_space<vmem>>
    %dma_start3A_263 = tpu.memref_squeeze %dma_start3A_262 : memref<1x80xi32, #tpu.memory_space<vmem>> -> memref<80xi32, #tpu.memory_space<vmem>>
    %dma_start3A_264 = arith.constant 0 : i32
    %dma_start3A_265 = arith.constant 0 : i32
    %dma_start3A_266 = tpu.memref_slice %arg11[%dma_start3A_264, %dma_start3A_265] : memref<10000x64xf32, #tpu.memory_space<vmem_shared>> -> memref<10000x64xf32, #tpu.memory_space<vmem_shared>>
    tpu.enqueue_indirect_dma source(%dma_start3A_260 : memref<80x64xf32, #tpu.memory_space<vmem>>) target(%dma_start3A_266 : memref<10000x64xf32, #tpu.memory_space<vmem_shared>>) offsets(%dma_start3A_263 : memref<80xi32, #tpu.memory_space<vmem>>) semaphore(%arg13 : memref<!tpu.dma_semaphore, #tpu.memory_space<semaphore_mem>>) {add = true}
    %dma_wait3A_267 = arith.constant 0 : i32
    %dma_wait3A_268 = arith.constant 0 : i32
    %dma_wait3A_269 = arith.constant 0 : i32
    %dma_wait3A_270 = arith.constant 0 : i32
    %dma_wait3A_271 = tpu.memref_slice %arg9[%dma_wait3A_267, %dma_wait3A_268, %dma_wait3A_269, %dma_wait3A_270] : memref<2x4x80x64xf32, #tpu.memory_space<vmem>> -> memref<1x1x80x64xf32, #tpu.memory_space<vmem>>
    %dma_wait3A_272 = tpu.memref_squeeze %dma_wait3A_271 : memref<1x1x80x64xf32, #tpu.memory_space<vmem>> -> memref<80x64xf32, #tpu.memory_space<vmem>>
    %dma_wait3A_273 = arith.constant 0 : i32
    %dma_wait3A_274 = arith.constant 0 : i32
    %dma_wait3A_275 = tpu.memref_slice %arg2[%dma_wait3A_273, %dma_wait3A_274] : memref<10000x64xf32, #tpu.memory_space<hbm>> -> memref<80x64xf32, #tpu.memory_space<hbm>>
    %dma_wait3A_276 = arith.constant 0 : i32
    %dma_wait3A_277 = arith.constant 0 : i32
    %dma_wait3A_278 = tpu.memref_slice %arg9[%dma_wait3A_267, %dma_wait3A_268, %dma_wait3A_276, %dma_wait3A_277] : memref<2x4x80x64xf32, #tpu.memory_space<vmem>> -> memref<1x1x80x64xf32, #tpu.memory_space<vmem>>
    %dma_wait3A_279 = tpu.memref_squeeze %dma_wait3A_278 : memref<1x1x80x64xf32, #tpu.memory_space<vmem>> -> memref<80x64xf32, #tpu.memory_space<vmem>>
    %dma_wait3A_280 = arith.constant 0 : i32
    %dma_wait3A_281 = arith.constant 0 : i32
    %dma_wait3A_282 = tpu.memref_slice %arg2[%dma_wait3A_280, %dma_wait3A_281] : memref<10000x64xf32, #tpu.memory_space<hbm>> -> memref<80x64xf32, #tpu.memory_space<hbm>>
    tpu.wait_dma2 semaphore(%arg13 : memref<!tpu.dma_semaphore, #tpu.memory_space<semaphore_mem>>) src(%dma_wait3A_282 : memref<80x64xf32, #tpu.memory_space<hbm>>) dst(%dma_wait3A_279 : memref<80x64xf32, #tpu.memory_space<vmem>>)
    %barrier3A_283 = arith.constant 0 : index
    tpu.barrier barrier_id(%barrier3A_283)
    %eq3A_284 = arith.constant 0 : i32
    %eq3A_285 = arith.cmpi eq, %arg0, %eq3A_284 : i32
    %convert_element_type3A_286 = arith.extui %eq3A_285 : i1 to i32
    %cond3A_287 = arith.constant 0 : i32
    %cond3A_288 = arith.cmpi ne, %convert_element_type3A_286, %cond3A_287 : i32
    scf.if %cond3A_288 {
      %mul3A_294 = arith.constant 625 : i32
      %mul3A_295 = arith.muli %arg1, %mul3A_294 : i32
      %add3A_296 = arith.constant 0 : i32
      %add3A_297 = arith.addi %mul3A_295, %add3A_296 : i32
      %mul3A_298 = arith.constant 625 : i32
      %mul3A_299 = arith.muli %arg1, %mul3A_298 : i32
      %add3A_300 = arith.constant 0 : i32
      %add3A_301 = arith.addi %mul3A_299, %add3A_300 : i32
      %dma_start3A_302 = arith.constant 0 : i32
      %dma_start3A_303 = tpu.memref_slice %arg6[%add3A_301, %dma_start3A_302] : memref<10000x128xf32, #tpu.memory_space<hbm>> -> memref<125x64xf32, #tpu.memory_space<hbm>>
      %dma_start3A_304 = arith.constant 0 : i32
      %dma_start3A_305 = tpu.memref_slice %arg11[%add3A_297, %dma_start3A_304] : memref<10000x64xf32, #tpu.memory_space<vmem_shared>> -> memref<125x64xf32, #tpu.memory_space<vmem_shared>>
      tpu.enqueue_dma source(%dma_start3A_305 : memref<125x64xf32, #tpu.memory_space<vmem_shared>>) target(%dma_start3A_303 : memref<125x64xf32, #tpu.memory_space<hbm>>) target_semaphore(%arg12 : memref<!tpu.dma_semaphore, #tpu.memory_space<semaphore_mem>>)
      %mul3A_306 = arith.constant 625 : i32
      %mul3A_307 = arith.muli %arg1, %mul3A_306 : i32
      %add3A_308 = arith.constant 125 : i32
      %add3A_309 = arith.addi %mul3A_307, %add3A_308 : i32
      %mul3A_310 = arith.constant 625 : i32
      %mul3A_311 = arith.muli %arg1, %mul3A_310 : i32
      %add3A_312 = arith.constant 125 : i32
      %add3A_313 = arith.addi %mul3A_311, %add3A_312 : i32
      %dma_start3A_314 = arith.constant 0 : i32
      %dma_start3A_315 = tpu.memref_slice %arg6[%add3A_313, %dma_start3A_314] : memref<10000x128xf32, #tpu.memory_space<hbm>> -> memref<125x64xf32, #tpu.memory_space<hbm>>
      %dma_start3A_316 = arith.constant 0 : i32
      %dma_start3A_317 = tpu.memref_slice %arg11[%add3A_309, %dma_start3A_316] : memref<10000x64xf32, #tpu.memory_space<vmem_shared>> -> memref<125x64xf32, #tpu.memory_space<vmem_shared>>
      tpu.enqueue_dma source(%dma_start3A_317 : memref<125x64xf32, #tpu.memory_space<vmem_shared>>) target(%dma_start3A_315 : memref<125x64xf32, #tpu.memory_space<hbm>>) target_semaphore(%arg12 : memref<!tpu.dma_semaphore, #tpu.memory_space<semaphore_mem>>)
      %mul3A_318 = arith.constant 625 : i32
      %mul3A_319 = arith.muli %arg1, %mul3A_318 : i32
      %add3A_320 = arith.constant 250 : i32
      %add3A_321 = arith.addi %mul3A_319, %add3A_320 : i32
      %mul3A_322 = arith.constant 625 : i32
      %mul3A_323 = arith.muli %arg1, %mul3A_322 : i32
      %add3A_324 = arith.constant 250 : i32
      %add3A_325 = arith.addi %mul3A_323, %add3A_324 : i32
      %dma_start3A_326 = arith.constant 0 : i32
      %dma_start3A_327 = tpu.memref_slice %arg6[%add3A_325, %dma_start3A_326] : memref<10000x128xf32, #tpu.memory_space<hbm>> -> memref<125x64xf32, #tpu.memory_space<hbm>>
      %dma_start3A_328 = arith.constant 0 : i32
      %dma_start3A_329 = tpu.memref_slice %arg11[%add3A_321, %dma_start3A_328] : memref<10000x64xf32, #tpu.memory_space<vmem_shared>> -> memref<125x64xf32, #tpu.memory_space<vmem_shared>>
      tpu.enqueue_dma source(%dma_start3A_329 : memref<125x64xf32, #tpu.memory_space<vmem_shared>>) target(%dma_start3A_327 : memref<125x64xf32, #tpu.memory_space<hbm>>) target_semaphore(%arg12 : memref<!tpu.dma_semaphore, #tpu.memory_space<semaphore_mem>>)
      %mul3A_330 = arith.constant 625 : i32
      %mul3A_331 = arith.muli %arg1, %mul3A_330 : i32
      %add3A_332 = arith.constant 375 : i32
      %add3A_333 = arith.addi %mul3A_331, %add3A_332 : i32
      %mul3A_334 = arith.constant 625 : i32
      %mul3A_335 = arith.muli %arg1, %mul3A_334 : i32
      %add3A_336 = arith.constant 375 : i32
      %add3A_337 = arith.addi %mul3A_335, %add3A_336 : i32
      %dma_start3A_338 = arith.constant 0 : i32
      %dma_start3A_339 = tpu.memref_slice %arg6[%add3A_337, %dma_start3A_338] : memref<10000x128xf32, #tpu.memory_space<hbm>> -> memref<125x64xf32, #tpu.memory_space<hbm>>
      %dma_start3A_340 = arith.constant 0 : i32
      %dma_start3A_341 = tpu.memref_slice %arg11[%add3A_333, %dma_start3A_340] : memref<10000x64xf32, #tpu.memory_space<vmem_shared>> -> memref<125x64xf32, #tpu.memory_space<vmem_shared>>
      tpu.enqueue_dma source(%dma_start3A_341 : memref<125x64xf32, #tpu.memory_space<vmem_shared>>) target(%dma_start3A_339 : memref<125x64xf32, #tpu.memory_space<hbm>>) target_semaphore(%arg12 : memref<!tpu.dma_semaphore, #tpu.memory_space<semaphore_mem>>)
      %mul3A_342 = arith.constant 625 : i32
      %mul3A_343 = arith.muli %arg1, %mul3A_342 : i32
      %add3A_344 = arith.constant 500 : i32
      %add3A_345 = arith.addi %mul3A_343, %add3A_344 : i32
      %mul3A_346 = arith.constant 625 : i32
      %mul3A_347 = arith.muli %arg1, %mul3A_346 : i32
      %add3A_348 = arith.constant 500 : i32
      %add3A_349 = arith.addi %mul3A_347, %add3A_348 : i32
      %dma_start3A_350 = arith.constant 0 : i32
      %dma_start3A_351 = tpu.memref_slice %arg6[%add3A_349, %dma_start3A_350] : memref<10000x128xf32, #tpu.memory_space<hbm>> -> memref<125x64xf32, #tpu.memory_space<hbm>>
      %dma_start3A_352 = arith.constant 0 : i32
      %dma_start3A_353 = tpu.memref_slice %arg11[%add3A_345, %dma_start3A_352] : memref<10000x64xf32, #tpu.memory_space<vmem_shared>> -> memref<125x64xf32, #tpu.memory_space<vmem_shared>>
      tpu.enqueue_dma source(%dma_start3A_353 : memref<125x64xf32, #tpu.memory_space<vmem_shared>>) target(%dma_start3A_351 : memref<125x64xf32, #tpu.memory_space<hbm>>) target_semaphore(%arg12 : memref<!tpu.dma_semaphore, #tpu.memory_space<semaphore_mem>>)
      %dma_wait3A_354 = arith.constant 0 : i32
      %dma_wait3A_355 = tpu.memref_slice %arg6[%add3A_301, %dma_wait3A_354] : memref<10000x128xf32, #tpu.memory_space<hbm>> -> memref<125x64xf32, #tpu.memory_space<hbm>>
      %dma_wait3A_356 = arith.constant 0 : i32
      %dma_wait3A_357 = tpu.memref_slice %arg11[%add3A_297, %dma_wait3A_356] : memref<10000x64xf32, #tpu.memory_space<vmem_shared>> -> memref<125x64xf32, #tpu.memory_space<vmem_shared>>
      tpu.wait_dma2 semaphore(%arg12 : memref<!tpu.dma_semaphore, #tpu.memory_space<semaphore_mem>>) src(%dma_wait3A_357 : memref<125x64xf32, #tpu.memory_space<vmem_shared>>) dst(%dma_wait3A_355 : memref<125x64xf32, #tpu.memory_space<hbm>>)
      %dma_wait3A_358 = arith.constant 0 : i32
      %dma_wait3A_359 = tpu.memref_slice %arg6[%add3A_313, %dma_wait3A_358] : memref<10000x128xf32, #tpu.memory_space<hbm>> -> memref<125x64xf32, #tpu.memory_space<hbm>>
      %dma_wait3A_360 = arith.constant 0 : i32
      %dma_wait3A_361 = tpu.memref_slice %arg11[%add3A_309, %dma_wait3A_360] : memref<10000x64xf32, #tpu.memory_space<vmem_shared>> -> memref<125x64xf32, #tpu.memory_space<vmem_shared>>
      tpu.wait_dma2 semaphore(%arg12 : memref<!tpu.dma_semaphore, #tpu.memory_space<semaphore_mem>>) src(%dma_wait3A_361 : memref<125x64xf32, #tpu.memory_space<vmem_shared>>) dst(%dma_wait3A_359 : memref<125x64xf32, #tpu.memory_space<hbm>>)
      %dma_wait3A_362 = arith.constant 0 : i32
      %dma_wait3A_363 = tpu.memref_slice %arg6[%add3A_325, %dma_wait3A_362] : memref<10000x128xf32, #tpu.memory_space<hbm>> -> memref<125x64xf32, #tpu.memory_space<hbm>>
      %dma_wait3A_364 = arith.constant 0 : i32
      %dma_wait3A_365 = tpu.memref_slice %arg11[%add3A_321, %dma_wait3A_364] : memref<10000x64xf32, #tpu.memory_space<vmem_shared>> -> memref<125x64xf32, #tpu.memory_space<vmem_shared>>
      tpu.wait_dma2 semaphore(%arg12 : memref<!tpu.dma_semaphore, #tpu.memory_space<semaphore_mem>>) src(%dma_wait3A_365 : memref<125x64xf32, #tpu.memory_space<vmem_shared>>) dst(%dma_wait3A_363 : memref<125x64xf32, #tpu.memory_space<hbm>>)
      %dma_wait3A_366 = arith.constant 0 : i32
      %dma_wait3A_367 = tpu.memref_slice %arg6[%add3A_337, %dma_wait3A_366] : memref<10000x128xf32, #tpu.memory_space<hbm>> -> memref<125x64xf32, #tpu.memory_space<hbm>>
      %dma_wait3A_368 = arith.constant 0 : i32
      %dma_wait3A_369 = tpu.memref_slice %arg11[%add3A_333, %dma_wait3A_368] : memref<10000x64xf32, #tpu.memory_space<vmem_shared>> -> memref<125x64xf32, #tpu.memory_space<vmem_shared>>
      tpu.wait_dma2 semaphore(%arg12 : memref<!tpu.dma_semaphore, #tpu.memory_space<semaphore_mem>>) src(%dma_wait3A_369 : memref<125x64xf32, #tpu.memory_space<vmem_shared>>) dst(%dma_wait3A_367 : memref<125x64xf32, #tpu.memory_space<hbm>>)
      %dma_wait3A_370 = arith.constant 0 : i32
      %dma_wait3A_371 = tpu.memref_slice %arg6[%add3A_349, %dma_wait3A_370] : memref<10000x128xf32, #tpu.memory_space<hbm>> -> memref<125x64xf32, #tpu.memory_space<hbm>>
      %dma_wait3A_372 = arith.constant 0 : i32
      %dma_wait3A_373 = tpu.memref_slice %arg11[%add3A_345, %dma_wait3A_372] : memref<10000x64xf32, #tpu.memory_space<vmem_shared>> -> memref<125x64xf32, #tpu.memory_space<vmem_shared>>
      tpu.wait_dma2 semaphore(%arg12 : memref<!tpu.dma_semaphore, #tpu.memory_space<semaphore_mem>>) src(%dma_wait3A_373 : memref<125x64xf32, #tpu.memory_space<vmem_shared>>) dst(%dma_wait3A_371 : memref<125x64xf32, #tpu.memory_space<hbm>>)
    } else {
    }
    %eq3A_289 = arith.constant 1 : i32
    %eq3A_290 = arith.cmpi eq, %arg0, %eq3A_289 : i32
    %convert_element_type3A_291 = arith.extui %eq3A_290 : i1 to i32
    %cond3A_292 = arith.constant 0 : i32
    %cond3A_293 = arith.cmpi ne, %convert_element_type3A_291, %cond3A_292 : i32
    scf.if %cond3A_293 {
      %mul3A_294 = arith.constant 625 : i32
      %mul3A_295 = arith.muli %arg1, %mul3A_294 : i32
      %add3A_296 = arith.constant 0 : i32
      %add3A_297 = arith.addi %mul3A_295, %add3A_296 : i32
      %mul3A_298 = arith.constant 625 : i32
      %mul3A_299 = arith.muli %arg1, %mul3A_298 : i32
      %add3A_300 = arith.constant 0 : i32
      %add3A_301 = arith.addi %mul3A_299, %add3A_300 : i32
      %dma_start3A_302 = arith.constant 64 : i32
      %dma_start3A_303 = tpu.memref_slice %arg6[%add3A_301, %dma_start3A_302] : memref<10000x128xf32, #tpu.memory_space<hbm>> -> memref<125x64xf32, #tpu.memory_space<hbm>>
      %dma_start3A_304 = arith.constant 0 : i32
      %dma_start3A_305 = tpu.memref_slice %arg11[%add3A_297, %dma_start3A_304] : memref<10000x64xf32, #tpu.memory_space<vmem_shared>> -> memref<125x64xf32, #tpu.memory_space<vmem_shared>>
      tpu.enqueue_dma source(%dma_start3A_305 : memref<125x64xf32, #tpu.memory_space<vmem_shared>>) target(%dma_start3A_303 : memref<125x64xf32, #tpu.memory_space<hbm>>) target_semaphore(%arg12 : memref<!tpu.dma_semaphore, #tpu.memory_space<semaphore_mem>>)
      %mul3A_306 = arith.constant 625 : i32
      %mul3A_307 = arith.muli %arg1, %mul3A_306 : i32
      %add3A_308 = arith.constant 125 : i32
      %add3A_309 = arith.addi %mul3A_307, %add3A_308 : i32
      %mul3A_310 = arith.constant 625 : i32
      %mul3A_311 = arith.muli %arg1, %mul3A_310 : i32
      %add3A_312 = arith.constant 125 : i32
      %add3A_313 = arith.addi %mul3A_311, %add3A_312 : i32
      %dma_start3A_314 = arith.constant 64 : i32
      %dma_start3A_315 = tpu.memref_slice %arg6[%add3A_313, %dma_start3A_314] : memref<10000x128xf32, #tpu.memory_space<hbm>> -> memref<125x64xf32, #tpu.memory_space<hbm>>
      %dma_start3A_316 = arith.constant 0 : i32
      %dma_start3A_317 = tpu.memref_slice %arg11[%add3A_309, %dma_start3A_316] : memref<10000x64xf32, #tpu.memory_space<vmem_shared>> -> memref<125x64xf32, #tpu.memory_space<vmem_shared>>
      tpu.enqueue_dma source(%dma_start3A_317 : memref<125x64xf32, #tpu.memory_space<vmem_shared>>) target(%dma_start3A_315 : memref<125x64xf32, #tpu.memory_space<hbm>>) target_semaphore(%arg12 : memref<!tpu.dma_semaphore, #tpu.memory_space<semaphore_mem>>)
      %mul3A_318 = arith.constant 625 : i32
      %mul3A_319 = arith.muli %arg1, %mul3A_318 : i32
      %add3A_320 = arith.constant 250 : i32
      %add3A_321 = arith.addi %mul3A_319, %add3A_320 : i32
      %mul3A_322 = arith.constant 625 : i32
      %mul3A_323 = arith.muli %arg1, %mul3A_322 : i32
      %add3A_324 = arith.constant 250 : i32
      %add3A_325 = arith.addi %mul3A_323, %add3A_324 : i32
      %dma_start3A_326 = arith.constant 64 : i32
      %dma_start3A_327 = tpu.memref_slice %arg6[%add3A_325, %dma_start3A_326] : memref<10000x128xf32, #tpu.memory_space<hbm>> -> memref<125x64xf32, #tpu.memory_space<hbm>>
      %dma_start3A_328 = arith.constant 0 : i32
      %dma_start3A_329 = tpu.memref_slice %arg11[%add3A_321, %dma_start3A_328] : memref<10000x64xf32, #tpu.memory_space<vmem_shared>> -> memref<125x64xf32, #tpu.memory_space<vmem_shared>>
      tpu.enqueue_dma source(%dma_start3A_329 : memref<125x64xf32, #tpu.memory_space<vmem_shared>>) target(%dma_start3A_327 : memref<125x64xf32, #tpu.memory_space<hbm>>) target_semaphore(%arg12 : memref<!tpu.dma_semaphore, #tpu.memory_space<semaphore_mem>>)
      %mul3A_330 = arith.constant 625 : i32
      %mul3A_331 = arith.muli %arg1, %mul3A_330 : i32
      %add3A_332 = arith.constant 375 : i32
      %add3A_333 = arith.addi %mul3A_331, %add3A_332 : i32
      %mul3A_334 = arith.constant 625 : i32
      %mul3A_335 = arith.muli %arg1, %mul3A_334 : i32
      %add3A_336 = arith.constant 375 : i32
      %add3A_337 = arith.addi %mul3A_335, %add3A_336 : i32
      %dma_start3A_338 = arith.constant 64 : i32
      %dma_start3A_339 = tpu.memref_slice %arg6[%add3A_337, %dma_start3A_338] : memref<10000x128xf32, #tpu.memory_space<hbm>> -> memref<125x64xf32, #tpu.memory_space<hbm>>
      %dma_start3A_340 = arith.constant 0 : i32
      %dma_start3A_341 = tpu.memref_slice %arg11[%add3A_333, %dma_start3A_340] : memref<10000x64xf32, #tpu.memory_space<vmem_shared>> -> memref<125x64xf32, #tpu.memory_space<vmem_shared>>
      tpu.enqueue_dma source(%dma_start3A_341 : memref<125x64xf32, #tpu.memory_space<vmem_shared>>) target(%dma_start3A_339 : memref<125x64xf32, #tpu.memory_space<hbm>>) target_semaphore(%arg12 : memref<!tpu.dma_semaphore, #tpu.memory_space<semaphore_mem>>)
      %mul3A_342 = arith.constant 625 : i32
      %mul3A_343 = arith.muli %arg1, %mul3A_342 : i32
      %add3A_344 = arith.constant 500 : i32
      %add3A_345 = arith.addi %mul3A_343, %add3A_344 : i32
      %mul3A_346 = arith.constant 625 : i32
      %mul3A_347 = arith.muli %arg1, %mul3A_346 : i32
      %add3A_348 = arith.constant 500 : i32
      %add3A_349 = arith.addi %mul3A_347, %add3A_348 : i32
      %dma_start3A_350 = arith.constant 64 : i32
      %dma_start3A_351 = tpu.memref_slice %arg6[%add3A_349, %dma_start3A_350] : memref<10000x128xf32, #tpu.memory_space<hbm>> -> memref<125x64xf32, #tpu.memory_space<hbm>>
      %dma_start3A_352 = arith.constant 0 : i32
      %dma_start3A_353 = tpu.memref_slice %arg11[%add3A_345, %dma_start3A_352] : memref<10000x64xf32, #tpu.memory_space<vmem_shared>> -> memref<125x64xf32, #tpu.memory_space<vmem_shared>>
      tpu.enqueue_dma source(%dma_start3A_353 : memref<125x64xf32, #tpu.memory_space<vmem_shared>>) target(%dma_start3A_351 : memref<125x64xf32, #tpu.memory_space<hbm>>) target_semaphore(%arg12 : memref<!tpu.dma_semaphore, #tpu.memory_space<semaphore_mem>>)
      %dma_wait3A_354 = arith.constant 64 : i32
      %dma_wait3A_355 = tpu.memref_slice %arg6[%add3A_301, %dma_wait3A_354] : memref<10000x128xf32, #tpu.memory_space<hbm>> -> memref<125x64xf32, #tpu.memory_space<hbm>>
      %dma_wait3A_356 = arith.constant 0 : i32
      %dma_wait3A_357 = tpu.memref_slice %arg11[%add3A_297, %dma_wait3A_356] : memref<10000x64xf32, #tpu.memory_space<vmem_shared>> -> memref<125x64xf32, #tpu.memory_space<vmem_shared>>
      tpu.wait_dma2 semaphore(%arg12 : memref<!tpu.dma_semaphore, #tpu.memory_space<semaphore_mem>>) src(%dma_wait3A_357 : memref<125x64xf32, #tpu.memory_space<vmem_shared>>) dst(%dma_wait3A_355 : memref<125x64xf32, #tpu.memory_space<hbm>>)
      %dma_wait3A_358 = arith.constant 64 : i32
      %dma_wait3A_359 = tpu.memref_slice %arg6[%add3A_313, %dma_wait3A_358] : memref<10000x128xf32, #tpu.memory_space<hbm>> -> memref<125x64xf32, #tpu.memory_space<hbm>>
      %dma_wait3A_360 = arith.constant 0 : i32
      %dma_wait3A_361 = tpu.memref_slice %arg11[%add3A_309, %dma_wait3A_360] : memref<10000x64xf32, #tpu.memory_space<vmem_shared>> -> memref<125x64xf32, #tpu.memory_space<vmem_shared>>
      tpu.wait_dma2 semaphore(%arg12 : memref<!tpu.dma_semaphore, #tpu.memory_space<semaphore_mem>>) src(%dma_wait3A_361 : memref<125x64xf32, #tpu.memory_space<vmem_shared>>) dst(%dma_wait3A_359 : memref<125x64xf32, #tpu.memory_space<hbm>>)
      %dma_wait3A_362 = arith.constant 64 : i32
      %dma_wait3A_363 = tpu.memref_slice %arg6[%add3A_325, %dma_wait3A_362] : memref<10000x128xf32, #tpu.memory_space<hbm>> -> memref<125x64xf32, #tpu.memory_space<hbm>>
      %dma_wait3A_364 = arith.constant 0 : i32
      %dma_wait3A_365 = tpu.memref_slice %arg11[%add3A_321, %dma_wait3A_364] : memref<10000x64xf32, #tpu.memory_space<vmem_shared>> -> memref<125x64xf32, #tpu.memory_space<vmem_shared>>
      tpu.wait_dma2 semaphore(%arg12 : memref<!tpu.dma_semaphore, #tpu.memory_space<semaphore_mem>>) src(%dma_wait3A_365 : memref<125x64xf32, #tpu.memory_space<vmem_shared>>) dst(%dma_wait3A_363 : memref<125x64xf32, #tpu.memory_space<hbm>>)
      %dma_wait3A_366 = arith.constant 64 : i32
      %dma_wait3A_367 = tpu.memref_slice %arg6[%add3A_337, %dma_wait3A_366] : memref<10000x128xf32, #tpu.memory_space<hbm>> -> memref<125x64xf32, #tpu.memory_space<hbm>>
      %dma_wait3A_368 = arith.constant 0 : i32
      %dma_wait3A_369 = tpu.memref_slice %arg11[%add3A_333, %dma_wait3A_368] : memref<10000x64xf32, #tpu.memory_space<vmem_shared>> -> memref<125x64xf32, #tpu.memory_space<vmem_shared>>
      tpu.wait_dma2 semaphore(%arg12 : memref<!tpu.dma_semaphore, #tpu.memory_space<semaphore_mem>>) src(%dma_wait3A_369 : memref<125x64xf32, #tpu.memory_space<vmem_shared>>) dst(%dma_wait3A_367 : memref<125x64xf32, #tpu.memory_space<hbm>>)
      %dma_wait3A_370 = arith.constant 64 : i32
      %dma_wait3A_371 = tpu.memref_slice %arg6[%add3A_349, %dma_wait3A_370] : memref<10000x128xf32, #tpu.memory_space<hbm>> -> memref<125x64xf32, #tpu.memory_space<hbm>>
      %dma_wait3A_372 = arith.constant 0 : i32
      %dma_wait3A_373 = tpu.memref_slice %arg11[%add3A_345, %dma_wait3A_372] : memref<10000x64xf32, #tpu.memory_space<vmem_shared>> -> memref<125x64xf32, #tpu.memory_space<vmem_shared>>
      tpu.wait_dma2 semaphore(%arg12 : memref<!tpu.dma_semaphore, #tpu.memory_space<semaphore_mem>>) src(%dma_wait3A_373 : memref<125x64xf32, #tpu.memory_space<vmem_shared>>) dst(%dma_wait3A_371 : memref<125x64xf32, #tpu.memory_space<hbm>>)
    } else {
    }
    return
  }
}

module attributes {stable_mosaic.version = 14 : i64} {
  func.func @_tc1_body(%arg0: i32, %arg1: memref<2000x128xf32, #tpu.memory_space<vmem>>, %arg2: memref<128x128xf32, #tpu.memory_space<vmem>>, %arg3: memref<2x2000x16xf32, #tpu.memory_space<vmem>>, %arg4: memref<2000x64xf32, #tpu.memory_space<vmem>>, %arg5: memref<2000x64xf32, #tpu.memory_space<vmem>>, %arg6: memref<2000x1xf32, #tpu.memory_space<vmem>>) attributes {dimension_semantics = [#tpu.dimension_semantics<arbitrary>], iteration_bounds = array<i64: 5>, scalar_prefetch = 0 : i64, scratch_operands = 0 : i64, tpu.core_type = #tpu.core_type<tc>, window_params = [{transform_indices = @transform_0, window_bounds = array<i64: 2000, 128>}, {pipeline_mode = #tpu.pipeline_mode<synchronous>, transform_indices = @transform_1, window_bounds = array<i64: 128, 128>}, {transform_indices = @transform_2, window_bounds = array<i64: 2, 2000, 16>}, {transform_indices = @transform_3, window_bounds = array<i64: 2000, 64>}, {transform_indices = @transform_4, window_bounds = array<i64: 2000, 64>}, {transform_indices = @transform_5, window_bounds = array<i64: 2000, 1>}]} {
    %get3A = arith.constant 0 : index
    %get3A_0 = arith.constant 0 : index
    %get3A_1 = arith.constant 0 : index
    %get3A_2 = vector.load %arg3[%get3A, %get3A_0, %get3A_1] : memref<2x2000x16xf32, #tpu.memory_space<vmem>>, vector<2x2000x16xf32>
    %reduce_sum3A = arith.constant dense<0.000000e+00> : vector<2000xf32>
    %reduce_sum3A_3 = vector.multi_reduction <add>, %get3A_2, %reduce_sum3A [0, 2] : vector<2x2000x16xf32> to vector<2000xf32>
    %mul3A = arith.constant 6.250000e-02 : f32
    %mul3A_4 = vector.broadcast %mul3A : f32 to vector<2000xf32>
    %mul3A_5 = arith.mulf %reduce_sum3A_3, %mul3A_4 : vector<2000xf32>
    %add3A = arith.constant 1.000000e+00 : f32
    %add3A_6 = vector.broadcast %add3A : f32 to vector<2000xf32>
    %add3A_7 = arith.addf %add3A_6, %mul3A_5 : vector<2000xf32>
    %rsqrt3A = math.rsqrt %add3A_7 : vector<2000xf32>
    %get3A_8 = arith.constant 0 : index
    %get3A_9 = arith.constant 0 : index
    %get3A_10 = vector.load %arg1[%get3A_8, %get3A_9] : memref<2000x128xf32, #tpu.memory_space<vmem>>, vector<2000x128xf32>
    %get3A_11 = arith.constant 0 : index
    %get3A_12 = arith.constant 0 : index
    %get3A_13 = vector.load %arg2[%get3A_11, %get3A_12] : memref<128x128xf32, #tpu.memory_space<vmem>>, vector<128x128xf32>
    %dot_general3A = arith.constant dense<0.000000e+00> : vector<2000x128xf32>
    %dot_general3A_14 = tpu.matmul %get3A_10, %get3A_13, %dot_general3A {dimension_numbers = #tpu.dot_dimension_numbers<[1], [0], [0], [1], [0, 0, 1, 1], [], []>, transpose_lhs_hint = false} : vector<2000x128xf32>, vector<128x128xf32>, vector<2000x128xf32> -> vector<2000x128xf32>
    %broadcast_in_dim3A = vector.shape_cast %rsqrt3A : vector<2000xf32> to vector<2000x1xf32>
    %mul3A_15 = vector.broadcast %broadcast_in_dim3A : vector<2000x1xf32> to vector<2000x128xf32>
    %mul3A_16 = arith.mulf %dot_general3A_14, %mul3A_15 : vector<2000x128xf32>
    %slice3A = vector.extract_strided_slice %mul3A_16 {offsets = [0, 0], sizes = [2000, 64], strides = [1, 1]} : vector<2000x128xf32> to vector<2000x64xf32>
    %swap3A = arith.constant 0 : index
    %swap3A_17 = arith.constant 0 : index
    %swap3A_18 = vector.load %arg4[%swap3A, %swap3A_17] : memref<2000x64xf32, #tpu.memory_space<vmem>>, vector<2000x64xf32>
    tpu.vector_store %arg4[%swap3A, %swap3A_17], %slice3A {strides = array<i32>} : memref<2000x64xf32, #tpu.memory_space<vmem>>, vector<2000x64xf32>,
    %slice3A_19 = vector.extract_strided_slice %mul3A_16 {offsets = [0, 64], sizes = [2000, 64], strides = [1, 1]} : vector<2000x128xf32> to vector<2000x64xf32>
    %swap3A_20 = arith.constant 0 : index
    %swap3A_21 = arith.constant 0 : index
    %swap3A_22 = vector.load %arg5[%swap3A_20, %swap3A_21] : memref<2000x64xf32, #tpu.memory_space<vmem>>, vector<2000x64xf32>
    tpu.vector_store %arg5[%swap3A_20, %swap3A_21], %slice3A_19 {strides = array<i32>} : memref<2000x64xf32, #tpu.memory_space<vmem>>, vector<2000x64xf32>,
    %broadcast_in_dim3A_23 = vector.shape_cast %rsqrt3A : vector<2000xf32> to vector<2000x1xf32>
    %swap3A_24 = arith.constant 0 : index
    %swap3A_25 = arith.constant 0 : index
    %swap3A_26 = vector.load %arg6[%swap3A_24, %swap3A_25] : memref<2000x1xf32, #tpu.memory_space<vmem>>, vector<2000x1xf32>
    tpu.vector_store %arg6[%swap3A_24, %swap3A_25], %broadcast_in_dim3A_23 {strides = array<i32>} : memref<2000x1xf32, #tpu.memory_space<vmem>>, vector<2000x1xf32>,
    return
  }
  func.func @transform_0(%arg0: i32) -> (i32, i32) {
    %c0_i32 = arith.constant 0 : i32
    %c0_i32_0 = arith.constant 0 : i32
    return %arg0, %c0_i32 : i32, i32
  }
  func.func @transform_1(%arg0: i32) -> (i32, i32) {
    %c0_i32 = arith.constant 0 : i32
    %c0_i32_0 = arith.constant 0 : i32
    %c0_i32_1 = arith.constant 0 : i32
    return %c0_i32, %c0_i32_0 : i32, i32
  }
  func.func @transform_2(%arg0: i32) -> (i32, i32, i32) {
    %c0_i32 = arith.constant 0 : i32
    %c0_i32_0 = arith.constant 0 : i32
    %c0_i32_1 = arith.constant 0 : i32
    return %c0_i32, %arg0, %c0_i32_0 : i32, i32, i32
  }
  func.func @transform_3(%arg0: i32) -> (i32, i32) {
    %c0_i32 = arith.constant 0 : i32
    %c0_i32_0 = arith.constant 0 : i32
    return %arg0, %c0_i32 : i32, i32
  }
  func.func @transform_4(%arg0: i32) -> (i32, i32) {
    %c0_i32 = arith.constant 0 : i32
    %c0_i32_0 = arith.constant 0 : i32
    return %arg0, %c0_i32 : i32, i32
  }
  func.func @transform_5(%arg0: i32) -> (i32, i32) {
    %c0_i32 = arith.constant 0 : i32
    %c0_i32_0 = arith.constant 0 : i32
    return %arg0, %c0_i32 : i32, i32
  }
}

module attributes {stable_mosaic.version = 14 : i64} {
  func.func @_tc2_body(%arg0: i32, %arg1: memref<2000x128xf32, #tpu.memory_space<vmem>>, %arg2: memref<2000x64xf32, #tpu.memory_space<vmem>>, %arg3: memref<2000x64xf32, #tpu.memory_space<vmem>>, %arg4: memref<2000x1xf32, #tpu.memory_space<vmem>>, %arg5: memref<1x128xf32, #tpu.memory_space<vmem>>, %arg6: memref<128x128xf32, #tpu.memory_space<vmem>>, %arg7: memref<2000x64xf32, #tpu.memory_space<vmem>>, %arg8: memref<2000x64xf32, #tpu.memory_space<vmem>>) attributes {dimension_semantics = [#tpu.dimension_semantics<arbitrary>], iteration_bounds = array<i64: 5>, scalar_prefetch = 0 : i64, scratch_operands = 0 : i64, tpu.core_type = #tpu.core_type<tc>, window_params = [{transform_indices = @transform_0, window_bounds = array<i64: 2000, 128>}, {transform_indices = @transform_1, window_bounds = array<i64: 2000, 64>}, {transform_indices = @transform_2, window_bounds = array<i64: 2000, 64>}, {transform_indices = @transform_3, window_bounds = array<i64: 2000, 1>}, {pipeline_mode = #tpu.pipeline_mode<synchronous>, transform_indices = @transform_4, window_bounds = array<i64: 1, 128>}, {pipeline_mode = #tpu.pipeline_mode<synchronous>, transform_indices = @transform_5, window_bounds = array<i64: 128, 128>}, {transform_indices = @transform_6, window_bounds = array<i64: 2000, 64>}, {transform_indices = @transform_7, window_bounds = array<i64: 2000, 64>}]} {
    %get3A = arith.constant 0 : index
    %get3A_0 = arith.constant 0 : index
    %get3A_1 = vector.load %arg4[%get3A, %get3A_0] : memref<2000x1xf32, #tpu.memory_space<vmem>>, vector<2000x1xf32>
    %get3A_2 = arith.constant 0 : index
    %get3A_3 = arith.constant 0 : index
    %get3A_4 = vector.load %arg2[%get3A_2, %get3A_3] : memref<2000x64xf32, #tpu.memory_space<vmem>>, vector<2000x64xf32>
    %get3A_5 = arith.constant 0 : index
    %get3A_6 = arith.constant 0 : index
    %get3A_7 = vector.load %arg3[%get3A_5, %get3A_6] : memref<2000x64xf32, #tpu.memory_space<vmem>>, vector<2000x64xf32>
    %concatenate3A = tpu.concatenate %get3A_4, %get3A_7 in 1 : vector<2000x64xf32>, vector<2000x64xf32> -> vector<2000x128xf32>
    %get3A_8 = arith.constant 0 : index
    %get3A_9 = arith.constant 0 : index
    %get3A_10 = vector.load %arg1[%get3A_8, %get3A_9] : memref<2000x128xf32, #tpu.memory_space<vmem>>, vector<2000x128xf32>
    %add3A = arith.addf %get3A_10, %concatenate3A : vector<2000x128xf32>
    %mul3A = vector.broadcast %get3A_1 : vector<2000x1xf32> to vector<2000x128xf32>
    %mul3A_11 = arith.mulf %add3A, %mul3A : vector<2000x128xf32>
    %get3A_12 = arith.constant 0 : index
    %get3A_13 = arith.constant 0 : index
    %get3A_14 = vector.load %arg5[%get3A_12, %get3A_13] : memref<1x128xf32, #tpu.memory_space<vmem>>, vector<1x128xf32>
    %add3A_15 = vector.broadcast %get3A_14 : vector<1x128xf32> to vector<2000x128xf32>
    %add3A_16 = arith.addf %mul3A_11, %add3A_15 : vector<2000x128xf32>
    %max3A = arith.constant 0.000000e+00 : f32
    %max3A_17 = vector.broadcast %max3A : f32 to vector<2000x128xf32>
    %max3A_18 = arith.maximumf %add3A_16, %max3A_17 : vector<2000x128xf32>
    %get3A_19 = arith.constant 0 : index
    %get3A_20 = arith.constant 0 : index
    %get3A_21 = vector.load %arg6[%get3A_19, %get3A_20] : memref<128x128xf32, #tpu.memory_space<vmem>>, vector<128x128xf32>
    %dot_general3A = arith.constant dense<0.000000e+00> : vector<2000x128xf32>
    %dot_general3A_22 = tpu.matmul %max3A_18, %get3A_21, %dot_general3A {dimension_numbers = #tpu.dot_dimension_numbers<[1], [0], [0], [1], [0, 0, 1, 1], [], []>, transpose_lhs_hint = false} : vector<2000x128xf32>, vector<128x128xf32>, vector<2000x128xf32> -> vector<2000x128xf32>
    %mul3A_23 = vector.broadcast %get3A_1 : vector<2000x1xf32> to vector<2000x128xf32>
    %mul3A_24 = arith.mulf %dot_general3A_22, %mul3A_23 : vector<2000x128xf32>
    %slice3A = vector.extract_strided_slice %mul3A_24 {offsets = [0, 0], sizes = [2000, 64], strides = [1, 1]} : vector<2000x128xf32> to vector<2000x64xf32>
    %swap3A = arith.constant 0 : index
    %swap3A_25 = arith.constant 0 : index
    %swap3A_26 = vector.load %arg7[%swap3A, %swap3A_25] : memref<2000x64xf32, #tpu.memory_space<vmem>>, vector<2000x64xf32>
    tpu.vector_store %arg7[%swap3A, %swap3A_25], %slice3A {strides = array<i32>} : memref<2000x64xf32, #tpu.memory_space<vmem>>, vector<2000x64xf32>,
    %slice3A_27 = vector.extract_strided_slice %mul3A_24 {offsets = [0, 64], sizes = [2000, 64], strides = [1, 1]} : vector<2000x128xf32> to vector<2000x64xf32>
    %swap3A_28 = arith.constant 0 : index
    %swap3A_29 = arith.constant 0 : index
    %swap3A_30 = vector.load %arg8[%swap3A_28, %swap3A_29] : memref<2000x64xf32, #tpu.memory_space<vmem>>, vector<2000x64xf32>
    tpu.vector_store %arg8[%swap3A_28, %swap3A_29], %slice3A_27 {strides = array<i32>} : memref<2000x64xf32, #tpu.memory_space<vmem>>, vector<2000x64xf32>,
    return
  }
  func.func @transform_0(%arg0: i32) -> (i32, i32) {
    %c0_i32 = arith.constant 0 : i32
    %c0_i32_0 = arith.constant 0 : i32
    return %arg0, %c0_i32 : i32, i32
  }
  func.func @transform_1(%arg0: i32) -> (i32, i32) {
    %c0_i32 = arith.constant 0 : i32
    %c0_i32_0 = arith.constant 0 : i32
    return %arg0, %c0_i32 : i32, i32
  }
  func.func @transform_2(%arg0: i32) -> (i32, i32) {
    %c0_i32 = arith.constant 0 : i32
    %c0_i32_0 = arith.constant 0 : i32
    return %arg0, %c0_i32 : i32, i32
  }
  func.func @transform_3(%arg0: i32) -> (i32, i32) {
    %c0_i32 = arith.constant 0 : i32
    %c0_i32_0 = arith.constant 0 : i32
    return %arg0, %c0_i32 : i32, i32
  }
  func.func @transform_4(%arg0: i32) -> (i32, i32) {
    %c0_i32 = arith.constant 0 : i32
    %c0_i32_0 = arith.constant 0 : i32
    %c0_i32_1 = arith.constant 0 : i32
    return %c0_i32, %c0_i32_0 : i32, i32
  }
  func.func @transform_5(%arg0: i32) -> (i32, i32) {
    %c0_i32 = arith.constant 0 : i32
    %c0_i32_0 = arith.constant 0 : i32
    %c0_i32_1 = arith.constant 0 : i32
    return %c0_i32, %c0_i32_0 : i32, i32
  }
  func.func @transform_6(%arg0: i32) -> (i32, i32) {
    %c0_i32 = arith.constant 0 : i32
    %c0_i32_0 = arith.constant 0 : i32
    return %arg0, %c0_i32 : i32, i32
  }
  func.func @transform_7(%arg0: i32) -> (i32, i32) {
    %c0_i32 = arith.constant 0 : i32
    %c0_i32_0 = arith.constant 0 : i32
    return %arg0, %c0_i32 : i32, i32
  }
}

module attributes {stable_mosaic.version = 14 : i64} {
  func.func @_lm_body(%arg0: i32, %arg1: memref<8xi32, #tpu.memory_space<smem>>, %arg2: memref<8xi32, #tpu.memory_space<smem>>, %arg3: memref<8x1024xf32, #tpu.memory_space<vmem>>, %arg4: memref<1024x256xf32, #tpu.memory_space<vmem>>, %arg5: memref<1x256xf32, #tpu.memory_space<vmem>>, %arg6: memref<1x1x256xf32, #tpu.memory_space<vmem>>) attributes {dimension_semantics = [#tpu.dimension_semantics<arbitrary>], iteration_bounds = array<i64: 8>, scalar_prefetch = 2 : i64, scratch_operands = 0 : i64, tpu.core_type = #tpu.core_type<tc>, window_params = [{transform_indices = @transform_0, window_bounds = array<i64: 8, 1024>}, {pipeline_mode = #tpu.pipeline_mode<synchronous>, transform_indices = @transform_1, window_bounds = array<i64: 1024, 256>}, {pipeline_mode = #tpu.pipeline_mode<synchronous>, transform_indices = @transform_2, window_bounds = array<i64: 1, 256>}, {transform_indices = @transform_3, window_bounds = array<i64: 1, 1, 256>}]} {
    %get3A = arith.index_cast %arg0 : i32 to index
    %get3A_0 = memref.load %arg1[%get3A] : memref<8xi32, #tpu.memory_space<smem>>
    %rem3A = arith.constant 8 : i32
    %rem3A_1 = arith.remsi %get3A_0, %rem3A : i32
    %get3A_2 = arith.index_cast %arg0 : i32 to index
    %get3A_3 = memref.load %arg2[%get3A_2] : memref<8xi32, #tpu.memory_space<smem>>
    %convert_element_type3A = arith.sitofp %get3A_3 : i32 to f32
    %get3A_4 = arith.constant 0 : index
    %get3A_5 = arith.constant 0 : index
    %get3A_6 = vector.load %arg3[%get3A_4, %get3A_5] : memref<8x1024xf32, #tpu.memory_space<vmem>>, vector<8x1024xf32>
    %iota3A = tpu.iota {dimensions = array<i32: 0>} : vector<8x1xi32>
    %eq3A = vector.broadcast %rem3A_1 : i32 to vector<8x1xi32>
    %eq3A_7 = arith.cmpi eq, %iota3A, %eq3A : vector<8x1xi32>
    %convert_element_type3A_8 = arith.extui %eq3A_7 : vector<8x1xi1> to vector<8x1xi32>
    %convert_element_type3A_9 = arith.sitofp %convert_element_type3A_8 : vector<8x1xi32> to vector<8x1xf32>
    %mul3A = vector.broadcast %convert_element_type3A_9 : vector<8x1xf32> to vector<8x1024xf32>
    %mul3A_10 = arith.mulf %get3A_6, %mul3A : vector<8x1024xf32>
    %reduce_sum3A = arith.constant dense<0.000000e+00> : vector<1024xf32>
    %reduce_sum3A_11 = vector.multi_reduction <add>, %mul3A_10, %reduce_sum3A [0] : vector<8x1024xf32> to vector<1024xf32>
    %broadcast_in_dim3A = vector.shape_cast %reduce_sum3A_11 : vector<1024xf32> to vector<1x1024xf32>
    %get3A_12 = arith.constant 0 : index
    %get3A_13 = arith.constant 0 : index
    %get3A_14 = vector.load %arg4[%get3A_12, %get3A_13] : memref<1024x256xf32, #tpu.memory_space<vmem>>, vector<1024x256xf32>
    %dot_general3A = arith.constant dense<0.000000e+00> : vector<1x256xf32>
    %dot_general3A_15 = tpu.matmul %broadcast_in_dim3A, %get3A_14, %dot_general3A {dimension_numbers = #tpu.dot_dimension_numbers<[1], [0], [0], [1], [0, 0, 1, 1], [], []>, transpose_lhs_hint = false} : vector<1x1024xf32>, vector<1024x256xf32>, vector<1x256xf32> -> vector<1x256xf32>
    %mul3A_16 = vector.broadcast %convert_element_type3A : f32 to vector<1x256xf32>
    %mul3A_17 = arith.mulf %mul3A_16, %dot_general3A_15 : vector<1x256xf32>
    %get3A_18 = arith.constant 0 : index
    %get3A_19 = arith.constant 0 : index
    %get3A_20 = vector.load %arg5[%get3A_18, %get3A_19] : memref<1x256xf32, #tpu.memory_space<vmem>>, vector<1x256xf32>
    %add3A = arith.addf %mul3A_17, %get3A_20 : vector<1x256xf32>
    %broadcast_in_dim3A_21 = vector.shape_cast %add3A : vector<1x256xf32> to vector<1x1x256xf32>
    %swap3A = arith.constant 0 : index
    %swap3A_22 = arith.constant 0 : index
    %swap3A_23 = arith.constant 0 : index
    %swap3A_24 = vector.load %arg6[%swap3A, %swap3A_22, %swap3A_23] : memref<1x1x256xf32, #tpu.memory_space<vmem>>, vector<1x1x256xf32>
    tpu.vector_store %arg6[%swap3A, %swap3A_22, %swap3A_23], %broadcast_in_dim3A_21 {strides = array<i32>} : memref<1x1x256xf32, #tpu.memory_space<vmem>>, vector<1x1x256xf32>,
    return
  }
  func.func @transform_0(%arg0: i32, %arg1: memref<8xi32, #tpu.memory_space<smem>>, %arg2: memref<8xi32, #tpu.memory_space<smem>>) -> (i32, i32) {
    %get3A = arith.index_cast %arg0 : i32 to index
    %get3A_0 = memref.load %arg1[%get3A] : memref<8xi32, #tpu.memory_space<smem>>
    %jit3A = arith.constant 8 : i32
    %div3A = arith.divsi %get3A_0, %jit3A : i32
    %sign3A = arith.constant 0 : i32
    %sign3A_1 = arith.cmpi sgt, %get3A_0, %sign3A : i32
    %sign3A_2 = arith.extui %sign3A_1 : i1 to i32
    %sign3A_3 = arith.constant 0 : i32
    %sign3A_4 = arith.cmpi slt, %get3A_0, %sign3A_3 : i32
    %sign3A_5 = arith.extui %sign3A_4 : i1 to i32
    %sign3A_6 = arith.subi %sign3A_2, %sign3A_5 : i32
    %sign3A_7 = arith.constant 0 : i32
    %sign3A_8 = arith.cmpi sgt, %jit3A, %sign3A_7 : i32
    %sign3A_9 = arith.extui %sign3A_8 : i1 to i32
    %sign3A_10 = arith.constant 0 : i32
    %sign3A_11 = arith.cmpi slt, %jit3A, %sign3A_10 : i32
    %sign3A_12 = arith.extui %sign3A_11 : i1 to i32
    %sign3A_13 = arith.subi %sign3A_9, %sign3A_12 : i32
    %ne3A = arith.cmpi ne, %sign3A_6, %sign3A_13 : i32
    %rem3A = arith.remsi %get3A_0, %jit3A : i32
    %ne3A_14 = arith.constant 0 : i32
    %ne3A_15 = arith.cmpi ne, %rem3A, %ne3A_14 : i32
    %and3A = arith.andi %ne3A, %ne3A_15 : i1
    %sub3A = arith.constant 1 : i32
    %sub3A_16 = arith.subi %div3A, %sub3A : i32
    %select_n3A = arith.select %and3A, %sub3A_16, %div3A : i32
    %c0_i32 = arith.constant 0 : i32
    %c0_i32_17 = arith.constant 0 : i32
    return %select_n3A, %c0_i32 : i32, i32
  }
  func.func @transform_1(%arg0: i32, %arg1: memref<8xi32, #tpu.memory_space<smem>>, %arg2: memref<8xi32, #tpu.memory_space<smem>>) -> (i32, i32) {
    %c0_i32 = arith.constant 0 : i32
    %c0_i32_0 = arith.constant 0 : i32
    %c0_i32_1 = arith.constant 0 : i32
    return %c0_i32, %c0_i32_0 : i32, i32
  }
  func.func @transform_2(%arg0: i32, %arg1: memref<8xi32, #tpu.memory_space<smem>>, %arg2: memref<8xi32, #tpu.memory_space<smem>>) -> (i32, i32) {
    %c0_i32 = arith.constant 0 : i32
    %c0_i32_0 = arith.constant 0 : i32
    %c0_i32_1 = arith.constant 0 : i32
    return %c0_i32, %c0_i32_0 : i32, i32
  }
  func.func @transform_3(%arg0: i32, %arg1: memref<8xi32, #tpu.memory_space<smem>>, %arg2: memref<8xi32, #tpu.memory_space<smem>>) -> (i32, i32, i32) {
    %c0_i32 = arith.constant 0 : i32
    %c0_i32_0 = arith.constant 0 : i32
    %c0_i32_1 = arith.constant 0 : i32
    return %arg0, %c0_i32, %c0_i32_0 : i32, i32, i32
  }
}

module attributes {stable_mosaic.version = 14 : i64} {
  func.func @_tc3_body(%arg0: i32, %arg1: memref<2000x128xf32, #tpu.memory_space<vmem>>, %arg2: memref<2000x64xf32, #tpu.memory_space<vmem>>, %arg3: memref<2000x64xf32, #tpu.memory_space<vmem>>, %arg4: memref<2000x1xf32, #tpu.memory_space<vmem>>, %arg5: memref<1x128xf32, #tpu.memory_space<vmem>>, %arg6: memref<2000x128xf32, #tpu.memory_space<vmem>>) attributes {dimension_semantics = [#tpu.dimension_semantics<arbitrary>], iteration_bounds = array<i64: 5>, scalar_prefetch = 0 : i64, scratch_operands = 0 : i64, tpu.core_type = #tpu.core_type<tc>, window_params = [{transform_indices = @transform_0, window_bounds = array<i64: 2000, 128>}, {transform_indices = @transform_1, window_bounds = array<i64: 2000, 64>}, {transform_indices = @transform_2, window_bounds = array<i64: 2000, 64>}, {transform_indices = @transform_3, window_bounds = array<i64: 2000, 1>}, {pipeline_mode = #tpu.pipeline_mode<synchronous>, transform_indices = @transform_4, window_bounds = array<i64: 1, 128>}, {transform_indices = @transform_5, window_bounds = array<i64: 2000, 128>}]} {
    %get3A = arith.constant 0 : index
    %get3A_0 = arith.constant 0 : index
    %get3A_1 = vector.load %arg2[%get3A, %get3A_0] : memref<2000x64xf32, #tpu.memory_space<vmem>>, vector<2000x64xf32>
    %get3A_2 = arith.constant 0 : index
    %get3A_3 = arith.constant 0 : index
    %get3A_4 = vector.load %arg3[%get3A_2, %get3A_3] : memref<2000x64xf32, #tpu.memory_space<vmem>>, vector<2000x64xf32>
    %concatenate3A = tpu.concatenate %get3A_1, %get3A_4 in 1 : vector<2000x64xf32>, vector<2000x64xf32> -> vector<2000x128xf32>
    %get3A_5 = arith.constant 0 : index
    %get3A_6 = arith.constant 0 : index
    %get3A_7 = vector.load %arg1[%get3A_5, %get3A_6] : memref<2000x128xf32, #tpu.memory_space<vmem>>, vector<2000x128xf32>
    %add3A = arith.addf %get3A_7, %concatenate3A : vector<2000x128xf32>
    %get3A_8 = arith.constant 0 : index
    %get3A_9 = arith.constant 0 : index
    %get3A_10 = vector.load %arg4[%get3A_8, %get3A_9] : memref<2000x1xf32, #tpu.memory_space<vmem>>, vector<2000x1xf32>
    %mul3A = vector.broadcast %get3A_10 : vector<2000x1xf32> to vector<2000x128xf32>
    %mul3A_11 = arith.mulf %add3A, %mul3A : vector<2000x128xf32>
    %get3A_12 = arith.constant 0 : index
    %get3A_13 = arith.constant 0 : index
    %get3A_14 = vector.load %arg5[%get3A_12, %get3A_13] : memref<1x128xf32, #tpu.memory_space<vmem>>, vector<1x128xf32>
    %add3A_15 = vector.broadcast %get3A_14 : vector<1x128xf32> to vector<2000x128xf32>
    %add3A_16 = arith.addf %mul3A_11, %add3A_15 : vector<2000x128xf32>
    %swap3A = arith.constant 0 : index
    %swap3A_17 = arith.constant 0 : index
    %swap3A_18 = vector.load %arg6[%swap3A, %swap3A_17] : memref<2000x128xf32, #tpu.memory_space<vmem>>, vector<2000x128xf32>
    tpu.vector_store %arg6[%swap3A, %swap3A_17], %add3A_16 {strides = array<i32>} : memref<2000x128xf32, #tpu.memory_space<vmem>>, vector<2000x128xf32>,
    return
  }
  func.func @transform_0(%arg0: i32) -> (i32, i32) {
    %c0_i32 = arith.constant 0 : i32
    %c0_i32_0 = arith.constant 0 : i32
    return %arg0, %c0_i32 : i32, i32
  }
  func.func @transform_1(%arg0: i32) -> (i32, i32) {
    %c0_i32 = arith.constant 0 : i32
    %c0_i32_0 = arith.constant 0 : i32
    return %arg0, %c0_i32 : i32, i32
  }
  func.func @transform_2(%arg0: i32) -> (i32, i32) {
    %c0_i32 = arith.constant 0 : i32
    %c0_i32_0 = arith.constant 0 : i32
    return %arg0, %c0_i32 : i32, i32
  }
  func.func @transform_3(%arg0: i32) -> (i32, i32) {
    %c0_i32 = arith.constant 0 : i32
    %c0_i32_0 = arith.constant 0 : i32
    return %arg0, %c0_i32 : i32, i32
  }
  func.func @transform_4(%arg0: i32) -> (i32, i32) {
    %c0_i32 = arith.constant 0 : i32
    %c0_i32_0 = arith.constant 0 : i32
    %c0_i32_1 = arith.constant 0 : i32
    return %c0_i32, %c0_i32_0 : i32, i32
  }
  func.func @transform_5(%arg0: i32) -> (i32, i32) {
    %c0_i32 = arith.constant 0 : i32
    %c0_i32_0 = arith.constant 0 : i32
    return %arg0, %c0_i32 : i32, i32
  }
}

</mosaic_0001>

<sc_bundles>
// kernel: kernel.12.cloned.1.call-start
scs
__scs_entry_jumppad:
0x0: {  	(pc) =	sbr.rel $0x88, $3  }
0x1: {  	(tag) =	ssettag $0x0;
	lr =	simm.s32 $0x1  }
0x2: {  	[smem:$0x3F96] =	sst lr;
	_ =	strace $0xD0000000  }
0x3: {  	_ = 	snop  }
0x4: {  	_ = 	snop  }
0x5: {  	_ = 	snop  }
0x6: {  	_ = 	snop  }
0x7: {  	_ = 	snop  }
__scs_overlays_trampoline_lowered:
0x8: {  	[smem:$0x3FA5] =	sst s0  }
0x9: {  	[smem:$0x3FA6] =	sst s1  }
0xa: {  	[smem:$0x3FA7] =	sst s2  }
0xb: {  	[smem:$0x3FA8] =	sst s3  }
0xc: {  	[smem:$0x3FA9] =	sst s4  }
0xd: {  	[smem:$0x3FAA] =	sst s5  }
0xe: {  	[smem:$0x3FAB] =	sst s6  }
0xf: {  	[smem:$0x3FAC] =	sst s7  }
0x10: {  	[smem:$0x3FAD] =	sst s8  }
0x11: {  	[smem:$0x3FAE] =	sst s9;
	s0 =	simm.s32 @!p0 $0x0  }
0x12: {  	s1 =	sld [smem:$0x3F94];
	s0 =	simm.s32 @p0 $0x1  }
0x13: {  	[smem:$0x3FAF] =	sst s0;
	s0 =	simm.s32 @!p1 $0x0  }
0x14: {  	s2 =	sld [smem:$0x3F93];
	s0 =	simm.s32 @p1 $0x1  }
0x15: {  	[smem:$0x3FB0] =	sst s0;
	s0 =	simm.s32 @!p2 $0x0  }
0x16: {  	s3 =	sld [smem:$0x3FDB];
	s0 =	simm.s32 @p2 $0x1  }
0x17: {  	s4 =	simm.s32 $0x1BF5;
	[smem:$0x3FB2] =	sst s0  }
0x18: {  	s0 =	sld [smem:$0x3F95];
	_ =	swait.ge [sflag:s4], $0x0  }
0x19: {  	s7 =	sld [smem:$0x3F96]  }
0x1a: {  	s8 =	sadd.s32 $0xFFFFE003, lr  }
0x1b: {  	s9 =	sadd.s32 $0xFFFFFEF7, lr;
	s5 =	simm.s32 $0xFFFFFFFF;
	p2 =	slt.u32 s8, $0xFFFFF086  }
0x1c: {  	p1 =	slt.u32 s9, $0xF7A;
	s5 =	simm.s32 @!p2 $0x0  }
0x1d: {  	s5 =	simm.s32 @p1 $0x1;
	p0 =	seq.s32 s7, s2  }
0x1e: {  	s7 =	smul.u32 @!p0 $0xF7A, s2;
	p2 =	seq.s32 @!p0 s5, $0x0  }
0x1f: {  	s9 =	smul.u32 $0xF7A, s1;
	s8 =	simm.s32 @!p0 $0x1BF5;
	p2 =	por !p2, p0  }
0x20: {  	[sflag:s8] =	ssyncset.s32 @!p0 $0xFFFFF086;
	s6 =	sadd.s32 @!p0 s3, s7;
	s7 =	simm.s32 @!p0 $0x108  }
0x21: {  	s3 =	sadd.s32 s3, s9;
	s6 =	sadd.s32 @!p0 $0x88, s6;
	s7 =	simm.s32 @p2 $0x1082  }
0x22: {  	[simem:s7], [sflag:s8] =	dma.local @!p0 [hbm:s6], $0xF7A  }
0x23: {  	s9 =	sor.u32 $0xD0000000, s2;
	s6 =	simm.s32 $0x108;
	_ =	swait.ge @!p0 [sflag:s8], $0x0  }
0x24: {  	s3 =	sadd.s32 $0x88, s3;
	s6 =	simm.s32 @!p1 $0x1082;
	[sflag:s4] =	ssyncset.s32 $0xFFFFF086  }
0x25: {  	[simem:s6], [sflag:s4] =	dma.local [hbm:s3], $0xF7A  }
0x26: {  	[smem:$0x3F96] =	sst s1;
	(tag) =	ssettag s2;
	_ =	strace s9  }
0x27: {  	s1 =	sld [smem:$0x3FA6]  }
0x28: {  	s2 =	sld [smem:$0x3FA7]  }
0x29: {  	s4 =	sld [smem:$0x3FA9]  }
0x2a: {  	p0 =	seq.s32 s5, $0x0;
	s5 =	sld [smem:$0x3FAA]  }
0x2b: {  	s6 =	sld [smem:$0x3FAB]  }
0x2c: {  	s7 =	sld [smem:$0x3FAC]  }
0x2d: {  	s3 =	simm.s32 $0x108;
	s8 =	sld [smem:$0x3FAD]  }
0x2e: {  	s3 =	simm.s32 @!p0 $0x1082;
	s9 =	sld [smem:$0x3FAE]  }
0x2f: {  	lr =	sadd.s32 s0, s3;
	s0 =	sld [smem:$0x3FA5]  }
0x30: {  	s3 =	sld [smem:$0x3FA8]  }
0x31: {  	[smem:$0x3FB1] =	sst s10  }
0x32: {  	s10 =	sld [smem:$0x3FAF];
	_ =	sdelay $0x3  }
0x33: {  	p0 =	seq.s32 s10, $0x1;
	s10 =	sld [smem:$0x3FB1];
	_ =	sdelay $0x3  }
0x34: {  	[smem:$0x3FB1] =	sst s10  }
0x35: {  	s10 =	sld [smem:$0x3FB0];
	_ =	sdelay $0x3  }
0x36: {  	p1 =	seq.s32 s10, $0x1;
	s10 =	sld [smem:$0x3FB1];
	_ =	sdelay $0x3  }
0x37: {  	[smem:$0x3FB1] =	sst s10  }
0x38: {  	s10 =	sld [smem:$0x3FB2]  }
0x39: {  	_ = 	snop;
	(pc) =	sbr.ind lr, $3  }
0x3a: {  	_ = 	snop  }
0x3b: {  	_ = 	snop  }
0x3c: {  	p2 =	seq.s32 s10, $0x1;
	s10 =	sld [smem:$0x3FB1]  }
0x3d: {  	_ =	shalt  }
0x3e: {  	_ =	shalt  }
0x3f: {  	_ =	shalt  }
0x40: {  	_ =	shalt  }
0x41: {  	_ =	shalt  }
0x42: {  	_ =	shalt  }
0x43: {  	_ =	shalt  }
0x44: {  	_ =	shalt  }
0x45: {  	_ =	shalt  }
0x46: {  	_ =	shalt  }
0x47: {  	_ =	shalt  }
0x48: {  	_ =	shalt  }
0x49: {  	_ =	shalt  }
0x4a: {  	_ =	shalt  }
0x4b: {  	_ =	shalt  }
0x4c: {  	_ =	shalt  }
0x4d: {  	_ =	shalt  }
0x4e: {  	_ =	shalt  }
0x4f: {  	_ =	shalt  }
0x50: {  	_ =	shalt  }
0x51: {  	_ =	shalt  }
0x52: {  	_ =	shalt  }
0x53: {  	_ =	shalt  }
0x54: {  	_ =	shalt  }
0x55: {  	_ =	shalt  }
0x56: {  	_ =	shalt  }
0x57: {  	_ =	shalt  }
0x58: {  	_ =	shalt  }
0x59: {  	_ =	shalt  }
0x5a: {  	_ =	shalt  }
0x5b: {  	_ =	shalt  }
0x5c: {  	_ =	shalt  }
0x5d: {  	_ =	shalt  }
0x5e: {  	_ =	shalt  }
0x5f: {  	_ =	shalt  }
0x60: {  	_ =	shalt  }
0x61: {  	_ =	shalt  }
0x62: {  	_ =	shalt  }
0x63: {  	_ =	shalt  }
0x64: {  	_ =	shalt  }
0x65: {  	_ =	shalt  }
0x66: {  	_ =	shalt  }
0x67: {  	_ =	shalt  }
0x68: {  	_ =	shalt  }
0x69: {  	_ =	shalt  }
0x6a: {  	_ =	shalt  }
0x6b: {  	_ =	shalt  }
0x6c: {  	_ =	shalt  }
0x6d: {  	_ =	shalt  }
0x6e: {  	_ =	shalt  }
0x6f: {  	_ =	shalt  }
0x70: {  	_ =	shalt  }
0x71: {  	_ =	shalt  }
0x72: {  	_ =	shalt  }
0x73: {  	_ =	shalt  }
0x74: {  	_ =	shalt  }
0x75: {  	_ =	shalt  }
0x76: {  	_ =	shalt  }
0x77: {  	_ =	shalt  }
0x78: {  	_ =	shalt  }
0x79: {  	_ =	shalt  }
0x7a: {  	_ =	shalt  }
0x7b: {  	_ =	shalt  }
0x7c: {  	_ =	shalt  }
0x7d: {  	_ =	shalt  }
0x7e: {  	_ =	shalt  }
0x7f: {  	_ =	shalt  }
0x80: {  	_ =	shalt  }
0x81: {  	_ =	shalt  }
0x82: {  	_ =	shalt  }
0x83: {  	_ =	shalt  }
0x84: {  	_ =	shalt  }
0x85: {  	_ =	shalt  }
0x86: {  	_ =	shalt  }
0x87: {  	_ =	shalt  }
.Lfunc_end0:
.L_simem_size_0:
called_computation.1_lowered:
.L_overlay_start_0:
0x88: {  	s2 =	sld [smem:$0x3FD9]  }
0x89: {  	s3 =	sld [smem:$0x3FFE];
	_ =	sdelay $0x1  }
0x8a: {  	s1 =	srdreg.scid  }
0x8b: {  	s0 =	sand.u32 $0x1, s1  }
0x8c: {  	s16 =	sshll.u32 s0, $0xA;
	s2 =	sadd.s32 s3, s2  }
0x8d: {  	s2 =	sadd.s32 s2, s16  }
0x8e: {  	[smem:$0x3FBD] =	sst s2  }
0x8f: {  	_ = 	snop  }
0x90: {  	(tm) =	ssettm $0x1  }
0x91: {  	s17 =	sld [smem:$0x3FFB];
	_ =	sdelay $0x3  }
0x92: {  	_ =	strace s17  }
0x93: {  	s2 =	sld [smem:$0x3FFC];
	_ =	sdelay $0x3  }
0x94: {  	_ =	strace s2  }
0x95: {  	s2 =	sld [smem:$0x3FFD];
	_ =	sdelay $0x3  }
0x96: {  	_ =	strace s2  }
0x97: {  	_ =	strace $0x8FFFFFFF  }
0x98: {  	s18 =	sld [smem:$0x3FDB];
	_ =	sdelay $0x1  }
0x99: {  	s19 =	simm.s32 $_scs_section_size  }
0x9a: {  	s4 =	simm.s32 $_size__tile_overlayer_lowered;
	s5 =	simm.s32 $_tile_overlayer_lowered  }
0x9b: {  	s22 =	simm.s32 $0x1BFF;
	s21 =	sshll.u32 s5, $0x1;
	s2 =	sadd.s32 s19, s18  }
0x9c: {  	s6 =	simm.s32 $0x0;
	s20 =	sshll.u32 s4, $0x1;
	s4 =	sadd.s32 s21, s2  }
0x9d: {  	[timem:s6], [sflag:s22] =	dma.local [hbm:s4], s20  }
0x9e: {  	_ =	swait.ge [sflag:s22], s20  }
0x9f: {  	s3 =	ssub.s32 $0x0, s20;
	[sflag:s22] =	ssyncset.done $0x0  }
0xa0: {  	[sflag:s22] =	ssyncadd.s32 s3;
	_ =	sdelay $0x1  }
0xa1: {  	s23 =	simm.s32 $0x1B8B  }
0xa2: {  	_ =	swait.ge [sflag:s23], $0x1  }
0xa3: {  	[sflag:s23] =	ssyncset.done $0x0  }
0xa4: {  	s25 =	simm.s32 $0x1B8E;
	s24 =	sld [smem:$0x3FFE];
	[sflag:s23] =	ssyncadd.s32 $0xFFFFFFFF  }
0xa5: {  	s26 =	simm.s32 $execute0_lowered;
	[smem:$0x3FD2] =	sst s25  }
0xa6: {  	s4 =	sshll.u32 s26, $0x1;
	_ =	strace $0x80000049;
	[dreg:$0x1] =	wrdreg $0xFFFFFFFF  }
0xa7: {  	s28 =	simm.s32 $_size_execute0_lowered;
	s2 =	sadd.s32 s2, s4;
	[dreg:$0x0] =	wrdreg $0x0  }
0xa8: {  	s4 =	sshll.u32 s28, $0x1;
	[dreg:$0x2] =	wrdreg s2  }
0xa9: {  	[dreg:$0x3] =	wrdreg s4  }
0xaa: {  	[dreg:$0x4] =	wrdreg $0xC0  }
0xab: {  	_ =	task [dreg:s6], $0x5FFFF  }
0xac: {  	[dreg:$0x1] =	wrdreg $0xFFFFFFFF  }
0xad: {  	[dreg:$0x0] =	wrdreg $0x60  }
0xae: {  	[dreg:$0x2] =	wrdreg s24  }
0xaf: {  	[dreg:$0x3] =	wrdreg $0x15B800  }
0xb0: {  	[dreg:$0x4] =	wrdreg $0x9  }
0xb1: {  	_ =	task.clear_ibuf [dreg:s6], $0x5FFFF;
	_ =	strace $0x90000049  }
0xb2: {  	s29 =	simm.s32 $0x9;
	_ =	strace $0x8000004B  }
0xb3: {  	_ =	swait.ge [sflag:s29], $0x1  }
0xb4: {  	[sflag:s29] =	ssyncadd.s32 $0xFFFFFFFF  }
0xb5: {  	_ =	strace $0x9000004B  }
0xb6: {  	_ =	sfence  }
0xb7: {  	s30 =	sld [smem:$0x0];
	_ =	sdelay $0x2  }
0xb8: {  	s31 =	sshll.u32 s1, $0xD;
	s1 =	sshrl.u32 s1, $0x2  }
0xb9: {  	s3 =	sand.u32 $0x4000, s31;
	s1 =	sadd.s32 s1, s30  }
0xba: {  	s0 =	sor.u32 s3, s0;
	s1 =	sshll.u32 s1, $0x11  }
0xbb: {  	s0 =	sor.u32 s1, s0  }
0xbc: {  	s0 =	sadd.s32 $0x8F2B, s0  }
0xbd: {  	[sflag:s0] =	ssyncadd.remote.s32 $0x1  }
0xbe: {  	_ =	sfence.sel $0xFFFF  }
0xbf: {  	[dreg:$0x0] =	wrdreg $0xFFFFFFFF;
	(pc) =	sbr.abs _section_cstart, $3  }
0xc0: {  	[dreg:$0x1] =	wrdreg $0xFFFFFFFF  }
0xc1: {  	_ =	task.clear_ibuf [dreg:s6], $0x2FFFF;
	_ =	strace $0x9FFFFFFF  }
0xc2: {  	(tm) =	ssettm $0x7FFFFFFF  }
0xc3: {  	_ =	shalt  }
tec
execute0_lowered:
.L_overlay_start_1:
0x0: {  	(tag) =	ssettag $0x1  }
0x1: {  	s0 =	rddreg [dreg:$0x0];
	s13 =	stileid.u32  }
0x2: {  	s2 =	rddreg [dreg:$0x1];
	s1 =	smul.u32 $0x9C4, s13  }
0x3: {  	s3 =	simm.s32 $0x0;
	s4 =	srdreg.scid;
	s8 =	smul.u32 $0x271, s13  }
0x4: {  	[smem:$0x7FF] =	sst s3;
	s6 =	smul.u32 $0x27100, s13  }
0x5: {  	s11 =	sand.u32 $0x1, s4;
	s16 =	sadd.s32 $0x8C400, s0;
	s18 =	smul.u32 $0x2710, s13  }
0x6: {  	s19 =	sadd.s32 $0x8C408, s0;
	_ =	strace $0x8000004A;
	s4 =	ssub.s32 $0x2, s11  }
0x7: {  	p0 =	seq.s32 s11, $0x0;
	s1 =	sadd.s32 s1, s0;
	s5 =	sshrl.u32 s4, $0x1  }
0x8: {  	s12 =	sadd.s32 $0x7D, s8;
	s29 =	sshrl.u32 s6, $0x2;
	s30 =	sadd.s32 $0xFA, s8  }
0x9: {  	s14 =	sadd.s32 $0x177, s8;
	s15 =	sadd.s32 $0x1F4, s8;
	s11 =	sadd.s32 s18, s19  }
0xa: {  	s18 =	sadd.s32 s16, s18;
	s17 =	ssub.s32 s4, s5;
	s4 =	sadd.s32 $0x3000, s1  }
0xb: {  	s5 =	sadd.s32 $0xCE00, s1;
	s7 =	sshll.u32 s12, $0x6;
	s6 =	sadd.s32 s29, s2  }
0xc: {  	s9 =	sshll.u32 s30, $0x6;
	s31 =	sshll.u32 s14, $0x6;
	s10 =	sshll.u32 s15, $0x6  }
0xd: {  	s20 =	sshll.u32 s12, $0x4;
	s1 =	sshll.u32 s30, $0x4;
	s21 =	sshll.u32 s14, $0x4  }
0xe: {  	s22 =	sshll.u32 s15, $0x4;
	s11 =	smov.u32 @p0 s18;
	s18 =	simm.s32 $0x8  }
0xf: {  	s7 =	sadd.s32 s7, s2;
	s8 =	sadd.s32 s9, s2;
	s9 =	sadd.s32 s31, s2  }
0x10: {  	s10 =	sadd.s32 s10, s2;
	s12 =	sadd.s32 s20, s19;
	s13 =	sadd.s32 s1, s19  }
0x11: {  	s14 =	sadd.s32 s21, s19;
	s15 =	sadd.s32 s22, s19;
	s23 =	sadd.s32 s16, s20  }
0x12: {  	s1 =	sadd.s32 s16, s1;
	s19 =	simm.s32 $0x78A00;
	s24 =	sadd.s32 s16, s21  }
0x13: {  	s25 =	sadd.s32 s16, s22;
	s16 =	smax.u32 s17, $0x1;
	s20 =	simm.s32 $0x1  }
0x14: {  	s21 =	simm.s32 $0x2;
	s22 =	simm.s32 $0x50;
	s19 =	simm.s32 @!p0 $0x65000  }
0x15: {  	s12 =	smov.u32 @p0 s23;
	s13 =	smov.u32 @p0 s1;
	s23 =	simm.s32 $0x9C40  }
0x16: {  	s14 =	smov.u32 @p0 s24;
	s15 =	smov.u32 @p0 s25;
	s1 =	simm.s32 $0x0  }
0x17: {  	v0 =	vimm.f32 $0.0e+00;
	s17 =	sadd.s32 s19, s0;
	s19 =	simm.s32 $0x13C40;
	s0 =	simm.s32 $0x10  }
.LBB2_1:
0x18: {  	[tilespmem:s3], [sflag:$0x1] =	stream.linear.gather [hbm4b:s4+s3], $0x4E20, $0x38;
	[tilespmem:$0x1F7C0] =	vst v63  }
0x19: {  	s31 =	sand.u32 $0x7F00, s3  }
0x1a: {  	s24 =	simm.s32 $0x4E20;
	s25 =	sand.u32 $0x30, s3;
	s26 =	sshrl.u32 s31, $0x2  }
0x1b: {  	[tilespmem:s24], [sflag:$0x2] =	stream.linear.gather [hbm4b:s5+s3], $0x4E20, $0x38;
	[tilespmem:$0x1F7C0] =	vst v63  }
0x1c: {  	s24 =	simm.s32 $0x40;
	s26 =	sor.u32 s25, s26;
	s25 =	simm.s32 $0x0  }
.LBB2_2:
0x1d: {  	p0 =	sne.s32 s24, $0x7CC0  }
0x1e: {  	[tilespmem:s26+$0x13C40] =	vst v0;
	s25 =	sadd.s32 $0x10, s25;
	s26 =	smov.u32 s24;
	s24 =	sadd.s32 $0x40, s24  }
.Ltmp0:
0x1f: {  	(pc) =	sbr.rel @p0 .LBB2_2-.Ltmp0, $4  }
0x20: {  	_ = 	snop  }
0x21: {  	s26 =	sand.u32 $0x7F00, s26  }
0x22: {  	s28 =	sand.u32 $0x30, s25;
	s26 =	sshrl.u32 s26, $0x2  }
0x23: {  	s26 =	sor.u32 s28, s26  }
0x24: {  	[tilespmem:s26+$0x13C40] =	vst v0  }
0x25: {  	[spmem:s6] =	stream.linear.scatter [tilespmem:s19], [sflag:$0x2], $0x1F40, $0x38;
	[tilespmem:$0x1F7C0] =	vst v63  }
0x26: {  	_ = 	snop  }
0x27: {  	[spmem:s7] =	stream.linear.scatter [tilespmem:s19], [sflag:$0x2], $0x1F40, $0x38;
	[tilespmem:$0x1F7C0] =	vst v63  }
0x28: {  	_ = 	snop  }
0x29: {  	[spmem:s8] =	stream.linear.scatter [tilespmem:s19], [sflag:$0x2], $0x1F40, $0x38;
	[tilespmem:$0x1F7C0] =	vst v63  }
0x2a: {  	_ = 	snop  }
0x2b: {  	[spmem:s9] =	stream.linear.scatter [tilespmem:s19], [sflag:$0x2], $0x1F40, $0x38;
	[tilespmem:$0x1F7C0] =	vst v63  }
0x2c: {  	_ = 	snop  }
0x2d: {  	[spmem:s10] =	stream.linear.scatter [tilespmem:s19], [sflag:$0x2], $0x1F40, $0x38;
	[tilespmem:$0x1F7C0] =	vst v63  }
0x2e: {  	_ =	swait.ge [sflag:s20], $0x4E20  }
0x2f: {  	[sflag:s20] =	ssyncset.done $0x0  }
0x30: {  	[sflag:s20] =	ssyncadd.s32 $0xFFFFB1E0  }
0x31: {  	_ =	swait.ge [sflag:s21], $0x4E20  }
0x32: {  	[sflag:s21] =	ssyncset.done $0x0  }
0x33: {  	[sflag:s21] =	ssyncadd.s32 $0xFFFFB1E0  }
0x34: {  	_ =	swait.ge [sflag:s21], $0x1F40  }
0x35: {  	[sflag:s21] =	ssyncset.done $0x0  }
0x36: {  	[sflag:s21] =	ssyncadd.s32 $0xFFFFE0C0  }
0x37: {  	_ =	swait.ge [sflag:s21], $0x1F40  }
0x38: {  	[sflag:s21] =	ssyncset.done $0x0  }
0x39: {  	[sflag:s21] =	ssyncadd.s32 $0xFFFFE0C0  }
0x3a: {  	_ =	swait.ge [sflag:s21], $0x1F40  }
0x3b: {  	[sflag:s21] =	ssyncset.done $0x0  }
0x3c: {  	[sflag:s21] =	ssyncadd.s32 $0xFFFFE0C0  }
0x3d: {  	_ =	swait.ge [sflag:s21], $0x1F40  }
0x3e: {  	[sflag:s21] =	ssyncset.done $0x0  }
0x3f: {  	[sflag:s21] =	ssyncadd.s32 $0xFFFFE0C0  }
0x40: {  	_ =	swait.ge [sflag:s21], $0x1F40  }
0x41: {  	[sflag:s21] =	ssyncset.done $0x0  }
0x42: {  	[sflag:s21] =	ssyncadd.s32 $0xFFFFE0C0  }
0x43: {  	s24 =	simm.s32 $0x0;
	[bflag:$0x0] =	sbarrier.arrive $0xFFFF  }
0x44: {  	[tilespmem:s23], [sflag:$0x1] =	stream.indirect.gather [hbm4b:s17+s22], $0x40, s24, s22, $0xb8;
	[tilespmem:$0x1F7C0] =	vst v63  }
0x45: {  	s25 =	simm.s32 $0xB040  }
0x46: {  	[tilespmem:s25], [sflag:$0x1] =	stream.indirect.gather [hbm4b:s17+s22], $0x40, s22, s22, $0xb8;
	[tilespmem:$0x1F7C0] =	vst v63  }
0x47: {  	s26 =	simm.s32 $0xA0;
	s28 =	simm.s32 $0xC440  }
0x48: {  	[tilespmem:s28], [sflag:$0x1] =	stream.indirect.gather [hbm4b:s17+s22], $0x40, s26, s22, $0xb8;
	[tilespmem:$0x1F7C0] =	vst v63  }
0x49: {  	s29 =	simm.s32 $0xF0;
	s30 =	simm.s32 $0xD840  }
0x4a: {  	[tilespmem:s30], [sflag:$0x1] =	stream.indirect.gather [hbm4b:s17+s22], $0x40, s29, s22, $0xb8;
	[tilespmem:$0x1F7C0] =	vst v63  }
0x4b: {  	_ =	swait.ge [sflag:s20], $0x1400  }
0x4c: {  	[sflag:s20] =	ssyncset.done $0x0  }
0x4d: {  	[sflag:s20] =	ssyncadd.s32 $0xFFFFEC00  }
0x4e: {  	_ =	swait.ge [sflag:s20], $0x1400  }
0x4f: {  	[sflag:s20] =	ssyncset.done $0x0  }
0x50: {  	[sflag:s20] =	ssyncadd.s32 $0xFFFFEC00  }
0x51: {  	_ =	swait.ge [sflag:s20], $0x1400  }
0x52: {  	s31 =	sand.u32 $0x1, s24;
	[sflag:s20] =	ssyncset.done $0x0  }
0x53: {  	s29 =	smul.u32 $0x14000, s31;
	[sflag:s20] =	ssyncadd.s32 $0xFFFFEC00  }
0x54: {  	_ =	swait.ge [sflag:s20], $0x1400  }
0x55: {  	s26 =	sshrl.u32 s29, $0x2;
	[sflag:s20] =	ssyncset.done $0x0  }
0x56: {  	s29 =	simm.s32 $0x4E20;
	s28 =	sadd.s32 $0x9C40, s26;
	[sflag:s20] =	ssyncadd.s32 $0xFFFFEC00  }
0x57: {  	[spmem:s2] =	stream.indirect.scatter.add.f32 [tilespmem:s28], [sflag:$0x2], $0x40, s29, s22, $0xb8;
	[tilespmem:$0x1F7C0] =	vst v63  }
0x58: {  	s25 =	sxor.u32 $0x1, s31;
	s31 =	simm.s32 $0x4E70;
	s30 =	sadd.s32 $0xB040, s26  }
0x59: {  	[spmem:s2] =	stream.indirect.scatter.add.f32 [tilespmem:s30], [sflag:$0x2], $0x40, s31, s22, $0xb8;
	[tilespmem:$0x1F7C0] =	vst v63  }
0x5a: {  	s25 =	smul.u32 $0x14000, s25;
	s30 =	sadd.s32 $0xC440, s26;
	s31 =	simm.s32 $0x4EC0  }
0x5b: {  	[spmem:s2] =	stream.indirect.scatter.add.f32 [tilespmem:s30], [sflag:$0x2], $0x40, s31, s22, $0xb8;
	[tilespmem:$0x1F7C0] =	vst v63  }
0x5c: {  	s25 =	sshrl.u32 s25, $0x2;
	s26 =	sadd.s32 $0xD840, s26;
	s30 =	simm.s32 $0x4F10  }
0x5d: {  	[spmem:s2] =	stream.indirect.scatter.add.f32 [tilespmem:s26], [sflag:$0x2], $0x40, s30, s22, $0xb8;
	[tilespmem:$0x1F7C0] =	vst v63  }
0x5e: {  	s29 =	simm.s32 $0x140;
	s31 =	sadd.s32 $0x9C40, s25  }
0x5f: {  	[tilespmem:s31], [sflag:$0x1] =	stream.indirect.gather [hbm4b:s17+s22], $0x40, s29, s22, $0xb8;
	[tilespmem:$0x1F7C0] =	vst v63  }
0x60: {  	s30 =	sadd.s32 $0xB040, s25;
	s31 =	simm.s32 $0x190  }
0x61: {  	[tilespmem:s30], [sflag:$0x1] =	stream.indirect.gather [hbm4b:s17+s22], $0x40, s31, s22, $0xb8;
	[tilespmem:$0x1F7C0] =	vst v63  }
0x62: {  	s29 =	sadd.s32 $0xC440, s25;
	s30 =	simm.s32 $0x1E0  }
0x63: {  	[tilespmem:s29], [sflag:$0x1] =	stream.indirect.gather [hbm4b:s17+s22], $0x40, s30, s22, $0xb8;
	[tilespmem:$0x1F7C0] =	vst v63  }
0x64: {  	s25 =	sadd.s32 $0xD840, s25;
	s31 =	simm.s32 $0x230  }
0x65: {  	[tilespmem:s25], [sflag:$0x1] =	stream.indirect.gather [hbm4b:s17+s22], $0x40, s31, s22, $0xb8;
	[tilespmem:$0x1F7C0] =	vst v63  }
0x66: {  	_ =	swait.ge [sflag:s21], $0x1400  }
0x67: {  	[sflag:s21] =	ssyncset.done $0x0  }
0x68: {  	[sflag:s21] =	ssyncadd.s32 $0xFFFFEC00  }
0x69: {  	_ =	swait.ge [sflag:s21], $0x1400  }
0x6a: {  	[sflag:s21] =	ssyncset.done $0x0  }
0x6b: {  	[sflag:s21] =	ssyncadd.s32 $0xFFFFEC00  }
0x6c: {  	_ =	swait.ge [sflag:s21], $0x1400  }
0x6d: {  	[sflag:s21] =	ssyncset.done $0x0  }
0x6e: {  	[sflag:s21] =	ssyncadd.s32 $0xFFFFEC00  }
0x6f: {  	_ =	swait.ge [sflag:s21], $0x1400  }
0x70: {  	s25 =	simm.s32 $0x500;
	[sflag:s21] =	ssyncset.done $0x0  }
.LBB2_4:
0x71: {  	p0 =	sne.s32 s25, $0x12C00;
	[sflag:s21] =	ssyncadd.s32 $0xFFFFEC00;
	s24 =	sadd.s32 $0x1, s24  }
0x72: {  	s26 =	smov.u32 s25;
	s25 =	sadd.s32 $0x500, s25;
	_ =	swait.ge [sflag:s20], $0x1400  }
0x73: {  	[sflag:s20] =	ssyncset.done $0x0  }
0x74: {  	[sflag:s20] =	ssyncadd.s32 $0xFFFFEC00  }
0x75: {  	_ =	swait.ge [sflag:s20], $0x1400  }
0x76: {  	[sflag:s20] =	ssyncset.done $0x0  }
0x77: {  	[sflag:s20] =	ssyncadd.s32 $0xFFFFEC00  }
0x78: {  	_ =	swait.ge [sflag:s20], $0x1400  }
0x79: {  	s28 =	sand.u32 $0x1, s24;
	[sflag:s20] =	ssyncset.done $0x0  }
0x7a: {  	s29 =	sxor.u32 $0x1, s28;
	s28 =	smul.u32 $0x14000, s28;
	[sflag:s20] =	ssyncadd.s32 $0xFFFFEC00  }
0x7b: {  	s29 =	smul.u32 $0x14000, s29;
	_ =	swait.ge [sflag:s20], $0x1400  }
0x7c: {  	s26 =	sshra.s32 s26, $0x2;
	s28 =	sshrl.u32 s28, $0x2;
	[sflag:s20] =	ssyncset.done $0x0  }
0x7d: {  	s31 =	sadd.s32 $0x4E20, s26;
	s30 =	sadd.s32 $0x9C40, s28;
	[sflag:s20] =	ssyncadd.s32 $0xFFFFEC00  }
0x7e: {  	[spmem:s2] =	stream.indirect.scatter.add.f32 [tilespmem:s30], [sflag:$0x2], $0x40, s31, s22, $0xb8;
	[tilespmem:$0x1F7C0] =	vst v63  }
0x7f: {  	s30 =	sadd.s32 $0xB040, s28;
	s31 =	sadd.s32 $0x4E70, s26  }
0x80: {  	[spmem:s2] =	stream.indirect.scatter.add.f32 [tilespmem:s30], [sflag:$0x2], $0x40, s31, s22, $0xb8;
	[tilespmem:$0x1F7C0] =	vst v63  }
0x81: {  	s30 =	sadd.s32 $0xC440, s28;
	s31 =	sadd.s32 $0x4EC0, s26  }
0x82: {  	[spmem:s2] =	stream.indirect.scatter.add.f32 [tilespmem:s30], [sflag:$0x2], $0x40, s31, s22, $0xb8;
	[tilespmem:$0x1F7C0] =	vst v63  }
0x83: {  	s29 =	sshrl.u32 s29, $0x2;
	s28 =	sadd.s32 $0xD840, s28;
	s30 =	sadd.s32 $0x4F10, s26  }
0x84: {  	[spmem:s2] =	stream.indirect.scatter.add.f32 [tilespmem:s28], [sflag:$0x2], $0x40, s30, s22, $0xb8;
	[tilespmem:$0x1F7C0] =	vst v63  }
0x85: {  	s28 =	sadd.s32 $0x9C40, s29;
	s30 =	sadd.s32 $0x140, s26  }
0x86: {  	[tilespmem:s28], [sflag:$0x1] =	stream.indirect.gather [hbm4b:s17+s22], $0x40, s30, s22, $0xb8;
	[tilespmem:$0x1F7C0] =	vst v63  }
0x87: {  	s28 =	sadd.s32 $0xB040, s29;
	s30 =	sadd.s32 $0x190, s26  }
0x88: {  	[tilespmem:s28], [sflag:$0x1] =	stream.indirect.gather [hbm4b:s17+s22], $0x40, s30, s22, $0xb8;
	[tilespmem:$0x1F7C0] =	vst v63  }
0x89: {  	s28 =	sadd.s32 $0xC440, s29;
	s30 =	sadd.s32 $0x1E0, s26  }
0x8a: {  	[tilespmem:s28], [sflag:$0x1] =	stream.indirect.gather [hbm4b:s17+s22], $0x40, s30, s22, $0xb8;
	[tilespmem:$0x1F7C0] =	vst v63  }
0x8b: {  	s26 =	sadd.s32 $0x230, s26;
	s28 =	sadd.s32 $0xD840, s29  }
0x8c: {  	[tilespmem:s28], [sflag:$0x1] =	stream.indirect.gather [hbm4b:s17+s22], $0x40, s26, s22, $0xb8;
	[tilespmem:$0x1F7C0] =	vst v63  }
0x8d: {  	_ =	swait.ge [sflag:s21], $0x1400  }
0x8e: {  	[sflag:s21] =	ssyncset.done $0x0  }
0x8f: {  	[sflag:s21] =	ssyncadd.s32 $0xFFFFEC00  }
0x90: {  	_ =	swait.ge [sflag:s21], $0x1400  }
0x91: {  	[sflag:s21] =	ssyncset.done $0x0  }
0x92: {  	[sflag:s21] =	ssyncadd.s32 $0xFFFFEC00  }
.Ltmp1:
0x93: {  	_ =	swait.ge [sflag:s21], $0x1400;
	(pc) =	sbr.rel @p0 .LBB2_4-.Ltmp1, $4  }
0x94: {  	[sflag:s21] =	ssyncset.done $0x0  }
0x95: {  	[sflag:s21] =	ssyncadd.s32 $0xFFFFEC00  }
0x96: {  	_ =	swait.ge [sflag:s21], $0x1400  }
0x97: {  	[sflag:s21] =	ssyncset.done $0x0  }
0x98: {  	[sflag:s21] =	ssyncadd.s32 $0xFFFFEC00  }
0x99: {  	_ =	swait.ge [sflag:s20], $0x1400  }
0x9a: {  	[sflag:s20] =	ssyncset.done $0x0  }
0x9b: {  	[sflag:s20] =	ssyncadd.s32 $0xFFFFEC00  }
0x9c: {  	_ =	swait.ge [sflag:s20], $0x1400  }
0x9d: {  	[sflag:s20] =	ssyncset.done $0x0  }
0x9e: {  	[sflag:s20] =	ssyncadd.s32 $0xFFFFEC00  }
0x9f: {  	_ =	swait.ge [sflag:s20], $0x1400  }
0xa0: {  	[sflag:s20] =	ssyncset.done $0x0  }
0xa1: {  	[sflag:s20] =	ssyncadd.s32 $0xFFFFEC00  }
0xa2: {  	_ =	swait.ge [sflag:s20], $0x1400  }
0xa3: {  	[sflag:s20] =	ssyncset.done $0x0  }
0xa4: {  	s24 =	simm.s32 $0x9A60;
	s25 =	simm.s32 $0xEC40;
	[sflag:s20] =	ssyncadd.s32 $0xFFFFEC00  }
0xa5: {  	[spmem:s2] =	stream.indirect.scatter.add.f32 [tilespmem:s25], [sflag:$0x2], $0x40, s24, s22, $0xb8;
	[tilespmem:$0x1F7C0] =	vst v63  }
0xa6: {  	s28 =	simm.s32 $0x9AB0;
	s29 =	simm.s32 $0x10040  }
0xa7: {  	[spmem:s2] =	stream.indirect.scatter.add.f32 [tilespmem:s29], [sflag:$0x2], $0x40, s28, s22, $0xb8;
	[tilespmem:$0x1F7C0] =	vst v63  }
0xa8: {  	s30 =	simm.s32 $0x9B00;
	s31 =	simm.s32 $0x11440  }
0xa9: {  	[spmem:s2] =	stream.indirect.scatter.add.f32 [tilespmem:s31], [sflag:$0x2], $0x40, s30, s22, $0xb8;
	[tilespmem:$0x1F7C0] =	vst v63  }
0xaa: {  	s26 =	simm.s32 $0x12840;
	s25 =	simm.s32 $0x9B50  }
0xab: {  	[spmem:s2] =	stream.indirect.scatter.add.f32 [tilespmem:s26], [sflag:$0x2], $0x40, s25, s22, $0xb8;
	[tilespmem:$0x1F7C0] =	vst v63  }
0xac: {  	_ =	swait.ge [sflag:s21], $0x1400  }
0xad: {  	[sflag:s21] =	ssyncset.done $0x0  }
0xae: {  	[sflag:s21] =	ssyncadd.s32 $0xFFFFEC00  }
0xaf: {  	_ =	swait.ge [sflag:s21], $0x1400  }
0xb0: {  	[sflag:s21] =	ssyncset.done $0x0  }
0xb1: {  	[sflag:s21] =	ssyncadd.s32 $0xFFFFEC00  }
0xb2: {  	_ =	swait.ge [sflag:s21], $0x1400  }
0xb3: {  	[sflag:s21] =	ssyncset.done $0x0  }
0xb4: {  	[sflag:s21] =	ssyncadd.s32 $0xFFFFEC00  }
0xb5: {  	_ =	swait.ge [sflag:s21], $0x1400  }
0xb6: {  	[sflag:s21] =	ssyncset.done $0x0  }
0xb7: {  	s28 =	simm.s32 $0x4D80;
	[sflag:s21] =	ssyncadd.s32 $0xFFFFEC00  }
0xb8: {  	[tilespmem:s23], [sflag:$0x1] =	stream.indirect.gather [hbm4b:s17+s22], $0x40, s28, s22, $0xb8;
	[tilespmem:$0x1F7C0] =	vst v63  }
0xb9: {  	_ =	swait.ge [sflag:s20], $0x1400  }
0xba: {  	[sflag:s20] =	ssyncset.done $0x0  }
0xbb: {  	s29 =	simm.s32 $0x9BA0;
	[sflag:s20] =	ssyncadd.s32 $0xFFFFEC00  }
0xbc: {  	[spmem:s2] =	stream.indirect.scatter.add.f32 [tilespmem:s23], [sflag:$0x2], $0x40, s29, s22, $0xb8;
	[tilespmem:$0x1F7C0] =	vst v63  }
0xbd: {  	_ =	swait.ge [sflag:s21], $0x1400  }
0xbe: {  	[sflag:s21] =	ssyncset.done $0x0  }
0xbf: {  	s30 =	simm.s32 $0x4DD0;
	[sflag:s21] =	ssyncadd.s32 $0xFFFFEC00  }
0xc0: {  	[tilespmem:s23], [sflag:$0x1] =	stream.indirect.gather [hbm4b:s17+s22], $0x40, s30, s22, $0xb8;
	[tilespmem:$0x1F7C0] =	vst v63  }
0xc1: {  	_ =	swait.ge [sflag:s20], $0x1400  }
0xc2: {  	[sflag:s20] =	ssyncset.done $0x0  }
0xc3: {  	s31 =	simm.s32 $0x9BF0;
	s25 =	stileid.u32;
	[sflag:s20] =	ssyncadd.s32 $0xFFFFEC00  }
0xc4: {  	[spmem:s2] =	stream.indirect.scatter.add.f32 [tilespmem:s23], [sflag:$0x2], $0x40, s31, s22, $0xb8;
	[tilespmem:$0x1F7C0] =	vst v63  }
0xc5: {  	s24 =	sshll.u32 s25, $0x6;
	_ =	swait.ge [sflag:s21], $0x1400  }
0xc6: {  	s26 =	sshrl.u32 s6, $0x3;
	s24 =	sor.u32 $0x1C01, s24;
	[sflag:s21] =	ssyncset.done $0x0  }
0xc7: {  	s28 =	sshrl.u32 s7, $0x3;
	s29 =	sshrl.u32 s8, $0x3;
	[sflag:s21] =	ssyncadd.s32 $0xFFFFEC00  }
0xc8: {  	s30 =	sshrl.u32 s9, $0x3;
	s31 =	sshrl.u32 s10, $0x3;
	[bflag:$0x0] =	sbarrier.arrive $0xFFFF  }
0xc9: {  	[hbm:s11@s0], [sflag:s24] =	dma.strided [spmem:s26@s18], $0x3E8, s20, $0x8   }
0xca: {  	[hbm:s12@s0], [sflag:s24] =	dma.strided [spmem:s28@s18], $0x3E8, s20, $0x8   }
0xcb: {  	[hbm:s13@s0], [sflag:s24] =	dma.strided [spmem:s29@s18], $0x3E8, s20, $0x8   }
0xcc: {  	[hbm:s14@s0], [sflag:s24] =	dma.strided [spmem:s30@s18], $0x3E8, s20, $0x8   }
0xcd: {  	[hbm:s15@s0], [sflag:s24] =	dma.strided [spmem:s31@s18], $0x3E8, s20, $0x8   }
0xce: {  	_ =	swait.ge [sflag:s20], $0x3E8  }
0xcf: {  	[sflag:s20] =	ssyncset.done $0x0  }
0xd0: {  	[sflag:s20] =	ssyncadd.s32 $0xFFFFFC18  }
0xd1: {  	_ =	swait.ge [sflag:s20], $0x3E8  }
0xd2: {  	[sflag:s20] =	ssyncset.done $0x0  }
0xd3: {  	[sflag:s20] =	ssyncadd.s32 $0xFFFFFC18  }
0xd4: {  	_ =	swait.ge [sflag:s20], $0x3E8  }
0xd5: {  	[sflag:s20] =	ssyncset.done $0x0  }
0xd6: {  	s1 =	sadd.s32 $0x1, s1;
	[sflag:s20] =	ssyncadd.s32 $0xFFFFFC18  }
0xd7: {  	p0 =	sne.s32 s1, s16;
	_ =	swait.ge [sflag:s20], $0x3E8  }
.Ltmp2:
0xd8: {  	[sflag:s20] =	ssyncset.done $0x0;
	(pc) =	sbr.rel @p0 .LBB2_1-.Ltmp2, $4  }
0xd9: {  	[sflag:s20] =	ssyncadd.s32 $0xFFFFFC18  }
0xda: {  	_ =	swait.ge [sflag:s20], $0x3E8  }
0xdb: {  	[sflag:s20] =	ssyncset.done $0x0  }
0xdc: {  	[sflag:s20] =	ssyncadd.s32 $0xFFFFFC18  }
0xdd: {  	_ =	sfence.sel $0x180000  }
0xde: {  	[bflag:$0x0] =	sbarrier.arrive $0xFFFF  }
0xdf: {  	_ =	strace $0x9000004A  }
0xe0: {  	s0 =	stileid.u32;
	[bflag:$0x2] =	sbarrier.arrive $0xFFFF  }
0xe1: {  	p0 =	sne.s32 s0, $0x0;
	s0 =	rddreg [dreg:$0x2]  }
0xe2: {  	s0 =	sadd.s32 @!p0 $0x100000, s0  }
0xe3: {  	[sflag:s0] =	ssyncadd.tile.s32 @!p0 $0x1;
	_ =	shalt  }
.Lfunc_end2:
_tile_overlayer_lowered:
.L_overlay_start_2:
0xe4: {  	(tag) =	ssettag $0x2  }
0xe5: {  	s0 =	rddreg [dreg:$0x0];
	s2 =	stileid.u32  }
0xe6: {  	s1 =	rddreg [dreg:$0x1];
	p0 =	sne.s32 s2, $0x0  }
0xe7: {  	s3 =	rddreg [dreg:$0x2];
	[bflag:$0x3] =	sbarrier.arrive $0xFFFF;
	s2 =	simm.s32 @!p0 $0x1C03  }
0xe8: {  	[timem:s3], [sflag:s2] =	dma.local @!p0 [hbm:s0], s1  }
0xe9: {  	s0 =	simm.s32 @!p0 $0x3  }
0xea: {  	_ =	swait.ge @!p0 [sflag:s0], s1  }
0xeb: {  	s1 =	ssub.s32 @!p0 $0x0, s1;
	[sflag:s0] =	ssyncset.done @!p0 $0x0  }
0xec: {  	[sflag:s0] =	ssyncadd.s32 @!p0 s1  }
0xed: {  	[bflag:$0x3] =	sbarrier.arrive $0xFFFF  }
0xee: {  	_ =	shalt  }

// kernel: kernel.15.cloned.1.call-start
scs
__scs_entry_jumppad:
0x0: {  	(pc) =	sbr.rel $0x88, $3  }
0x1: {  	(tag) =	ssettag $0x0;
	lr =	simm.s32 $0x1  }
0x2: {  	[smem:$0x3F96] =	sst lr;
	_ =	strace $0xD0000000  }
0x3: {  	_ = 	snop  }
0x4: {  	_ = 	snop  }
0x5: {  	_ = 	snop  }
0x6: {  	_ = 	snop  }
0x7: {  	_ = 	snop  }
__scs_overlays_trampoline_lowered:
0x8: {  	[smem:$0x3FA5] =	sst s0  }
0x9: {  	[smem:$0x3FA6] =	sst s1  }
0xa: {  	[smem:$0x3FA7] =	sst s2  }
0xb: {  	[smem:$0x3FA8] =	sst s3  }
0xc: {  	[smem:$0x3FA9] =	sst s4  }
0xd: {  	[smem:$0x3FAA] =	sst s5  }
0xe: {  	[smem:$0x3FAB] =	sst s6  }
0xf: {  	[smem:$0x3FAC] =	sst s7  }
0x10: {  	[smem:$0x3FAD] =	sst s8  }
0x11: {  	[smem:$0x3FAE] =	sst s9;
	s0 =	simm.s32 @!p0 $0x0  }
0x12: {  	s1 =	sld [smem:$0x3F94];
	s0 =	simm.s32 @p0 $0x1  }
0x13: {  	[smem:$0x3FAF] =	sst s0;
	s0 =	simm.s32 @!p1 $0x0  }
0x14: {  	s2 =	sld [smem:$0x3F93];
	s0 =	simm.s32 @p1 $0x1  }
0x15: {  	[smem:$0x3FB0] =	sst s0;
	s0 =	simm.s32 @!p2 $0x0  }
0x16: {  	s3 =	sld [smem:$0x3FDB];
	s0 =	simm.s32 @p2 $0x1  }
0x17: {  	s4 =	simm.s32 $0x1BF5;
	[smem:$0x3FB2] =	sst s0  }
0x18: {  	s0 =	sld [smem:$0x3F95];
	_ =	swait.ge [sflag:s4], $0x0  }
0x19: {  	s7 =	sld [smem:$0x3F96]  }
0x1a: {  	s8 =	sadd.s32 $0xFFFFE003, lr  }
0x1b: {  	s9 =	sadd.s32 $0xFFFFFEF7, lr;
	s5 =	simm.s32 $0xFFFFFFFF;
	p2 =	slt.u32 s8, $0xFFFFF086  }
0x1c: {  	p1 =	slt.u32 s9, $0xF7A;
	s5 =	simm.s32 @!p2 $0x0  }
0x1d: {  	s5 =	simm.s32 @p1 $0x1;
	p0 =	seq.s32 s7, s2  }
0x1e: {  	s7 =	smul.u32 @!p0 $0xF7A, s2;
	p2 =	seq.s32 @!p0 s5, $0x0  }
0x1f: {  	s9 =	smul.u32 $0xF7A, s1;
	s8 =	simm.s32 @!p0 $0x1BF5;
	p2 =	por !p2, p0  }
0x20: {  	[sflag:s8] =	ssyncset.s32 @!p0 $0xFFFFF086;
	s6 =	sadd.s32 @!p0 s3, s7;
	s7 =	simm.s32 @!p0 $0x108  }
0x21: {  	s3 =	sadd.s32 s3, s9;
	s6 =	sadd.s32 @!p0 $0x88, s6;
	s7 =	simm.s32 @p2 $0x1082  }
0x22: {  	[simem:s7], [sflag:s8] =	dma.local @!p0 [hbm:s6], $0xF7A  }
0x23: {  	s9 =	sor.u32 $0xD0000000, s2;
	s6 =	simm.s32 $0x108;
	_ =	swait.ge @!p0 [sflag:s8], $0x0  }
0x24: {  	s3 =	sadd.s32 $0x88, s3;
	s6 =	simm.s32 @!p1 $0x1082;
	[sflag:s4] =	ssyncset.s32 $0xFFFFF086  }
0x25: {  	[simem:s6], [sflag:s4] =	dma.local [hbm:s3], $0xF7A  }
0x26: {  	[smem:$0x3F96] =	sst s1;
	(tag) =	ssettag s2;
	_ =	strace s9  }
0x27: {  	s1 =	sld [smem:$0x3FA6]  }
0x28: {  	s2 =	sld [smem:$0x3FA7]  }
0x29: {  	s4 =	sld [smem:$0x3FA9]  }
0x2a: {  	p0 =	seq.s32 s5, $0x0;
	s5 =	sld [smem:$0x3FAA]  }
0x2b: {  	s6 =	sld [smem:$0x3FAB]  }
0x2c: {  	s7 =	sld [smem:$0x3FAC]  }
0x2d: {  	s3 =	simm.s32 $0x108;
	s8 =	sld [smem:$0x3FAD]  }
0x2e: {  	s3 =	simm.s32 @!p0 $0x1082;
	s9 =	sld [smem:$0x3FAE]  }
0x2f: {  	lr =	sadd.s32 s0, s3;
	s0 =	sld [smem:$0x3FA5]  }
0x30: {  	s3 =	sld [smem:$0x3FA8]  }
0x31: {  	[smem:$0x3FB1] =	sst s10  }
0x32: {  	s10 =	sld [smem:$0x3FAF];
	_ =	sdelay $0x3  }
0x33: {  	p0 =	seq.s32 s10, $0x1;
	s10 =	sld [smem:$0x3FB1];
	_ =	sdelay $0x3  }
0x34: {  	[smem:$0x3FB1] =	sst s10  }
0x35: {  	s10 =	sld [smem:$0x3FB0];
	_ =	sdelay $0x3  }
0x36: {  	p1 =	seq.s32 s10, $0x1;
	s10 =	sld [smem:$0x3FB1];
	_ =	sdelay $0x3  }
0x37: {  	[smem:$0x3FB1] =	sst s10  }
0x38: {  	s10 =	sld [smem:$0x3FB2]  }
0x39: {  	_ = 	snop;
	(pc) =	sbr.ind lr, $3  }
0x3a: {  	_ = 	snop  }
0x3b: {  	_ = 	snop  }
0x3c: {  	p2 =	seq.s32 s10, $0x1;
	s10 =	sld [smem:$0x3FB1]  }
0x3d: {  	_ =	shalt  }
0x3e: {  	_ =	shalt  }
0x3f: {  	_ =	shalt  }
0x40: {  	_ =	shalt  }
0x41: {  	_ =	shalt  }
0x42: {  	_ =	shalt  }
0x43: {  	_ =	shalt  }
0x44: {  	_ =	shalt  }
0x45: {  	_ =	shalt  }
0x46: {  	_ =	shalt  }
0x47: {  	_ =	shalt  }
0x48: {  	_ =	shalt  }
0x49: {  	_ =	shalt  }
0x4a: {  	_ =	shalt  }
0x4b: {  	_ =	shalt  }
0x4c: {  	_ =	shalt  }
0x4d: {  	_ =	shalt  }
0x4e: {  	_ =	shalt  }
0x4f: {  	_ =	shalt  }
0x50: {  	_ =	shalt  }
0x51: {  	_ =	shalt  }
0x52: {  	_ =	shalt  }
0x53: {  	_ =	shalt  }
0x54: {  	_ =	shalt  }
0x55: {  	_ =	shalt  }
0x56: {  	_ =	shalt  }
0x57: {  	_ =	shalt  }
0x58: {  	_ =	shalt  }
0x59: {  	_ =	shalt  }
0x5a: {  	_ =	shalt  }
0x5b: {  	_ =	shalt  }
0x5c: {  	_ =	shalt  }
0x5d: {  	_ =	shalt  }
0x5e: {  	_ =	shalt  }
0x5f: {  	_ =	shalt  }
0x60: {  	_ =	shalt  }
0x61: {  	_ =	shalt  }
0x62: {  	_ =	shalt  }
0x63: {  	_ =	shalt  }
0x64: {  	_ =	shalt  }
0x65: {  	_ =	shalt  }
0x66: {  	_ =	shalt  }
0x67: {  	_ =	shalt  }
0x68: {  	_ =	shalt  }
0x69: {  	_ =	shalt  }
0x6a: {  	_ =	shalt  }
0x6b: {  	_ =	shalt  }
0x6c: {  	_ =	shalt  }
0x6d: {  	_ =	shalt  }
0x6e: {  	_ =	shalt  }
0x6f: {  	_ =	shalt  }
0x70: {  	_ =	shalt  }
0x71: {  	_ =	shalt  }
0x72: {  	_ =	shalt  }
0x73: {  	_ =	shalt  }
0x74: {  	_ =	shalt  }
0x75: {  	_ =	shalt  }
0x76: {  	_ =	shalt  }
0x77: {  	_ =	shalt  }
0x78: {  	_ =	shalt  }
0x79: {  	_ =	shalt  }
0x7a: {  	_ =	shalt  }
0x7b: {  	_ =	shalt  }
0x7c: {  	_ =	shalt  }
0x7d: {  	_ =	shalt  }
0x7e: {  	_ =	shalt  }
0x7f: {  	_ =	shalt  }
0x80: {  	_ =	shalt  }
0x81: {  	_ =	shalt  }
0x82: {  	_ =	shalt  }
0x83: {  	_ =	shalt  }
0x84: {  	_ =	shalt  }
0x85: {  	_ =	shalt  }
0x86: {  	_ =	shalt  }
0x87: {  	_ =	shalt  }
.Lfunc_end0:
.L_simem_size_0:
called_computation.2_lowered:
.L_overlay_start_0:
0x88: {  	s2 =	sld [smem:$0x3FD9]  }
0x89: {  	s3 =	sld [smem:$0x3FFE];
	_ =	sdelay $0x1  }
0x8a: {  	s1 =	srdreg.scid  }
0x8b: {  	s0 =	sand.u32 $0x1, s1  }
0x8c: {  	s14 =	sshll.u32 s0, $0xA;
	s2 =	sadd.s32 s3, s2  }
0x8d: {  	s2 =	sadd.s32 s2, s14  }
0x8e: {  	[smem:$0x3FBD] =	sst s2  }
0x8f: {  	_ = 	snop  }
0x90: {  	s2 =	sld [smem:$0x3FD0];
	_ =	sdelay $0x2  }
0x91: {  	s15 =	simm.s32 $0xA;
	s4 =	simm.s32 $0x10  }
0x92: {  	[smem:s4], [sflag:s15] =	dma.local [hbm:s2], $0x1  }
0x93: {  	_ =	swait.eq [sflag:s15], $0x1  }
0x94: {  	[sflag:s15] =	ssyncset.done $0x0  }
0x95: {  	[sflag:s15] =	ssyncadd.s32 $0xFFFFFFFF  }
0x96: {  	s16 =	sld [smem:$0x11];
	(tm) =	ssettm $0x1  }
0x97: {  	s17 =	sld [smem:$0x3FFB];
	_ =	sdelay $0x3  }
0x98: {  	_ =	strace s17  }
0x99: {  	s3 =	sld [smem:$0x3FFC];
	_ =	sdelay $0x3  }
0x9a: {  	_ =	strace s3  }
0x9b: {  	s3 =	sld [smem:$0x3FFD];
	_ =	sdelay $0x3  }
0x9c: {  	_ =	strace s3  }
0x9d: {  	_ =	strace $0x8FFFFFFF  }
0x9e: {  	s18 =	sld [smem:$0x3FDB];
	_ =	sdelay $0x1  }
0x9f: {  	s19 =	simm.s32 $_scs_section_size  }
0xa0: {  	s5 =	simm.s32 $_size__tile_overlayer_lowered;
	s6 =	simm.s32 $_tile_overlayer_lowered  }
0xa1: {  	s22 =	simm.s32 $0x1BFF;
	s21 =	sshll.u32 s6, $0x1;
	s3 =	sadd.s32 s19, s18  }
0xa2: {  	s7 =	simm.s32 $0x0;
	s20 =	sshll.u32 s5, $0x1;
	s5 =	sadd.s32 s21, s3  }
0xa3: {  	[timem:s7], [sflag:s22] =	dma.local [hbm:s5], s20  }
0xa4: {  	_ =	swait.ge [sflag:s22], s20  }
0xa5: {  	s4 =	ssub.s32 $0x0, s20;
	[sflag:s22] =	ssyncset.done $0x0  }
0xa6: {  	[sflag:s22] =	ssyncadd.s32 s4;
	_ =	sdelay $0x1  }
0xa7: {  	s23 =	simm.s32 $0x1B8B  }
0xa8: {  	_ =	swait.ge [sflag:s23], $0x1  }
0xa9: {  	[sflag:s23] =	ssyncset.done $0x0  }
0xaa: {  	s25 =	simm.s32 $0x1B8E;
	s24 =	sld [smem:$0x3FFE];
	[sflag:s23] =	ssyncadd.s32 $0xFFFFFFFF  }
0xab: {  	s26 =	simm.s32 $execute0_lowered;
	[smem:$0x3FD2] =	sst s25  }
0xac: {  	s5 =	sshll.u32 s26, $0x1;
	_ =	strace $0x8000004C;
	[dreg:$0x1] =	wrdreg $0xFFFFFFFF  }
0xad: {  	s28 =	simm.s32 $_size_execute0_lowered;
	s3 =	sadd.s32 s3, s5;
	[dreg:$0x0] =	wrdreg $0x0  }
0xae: {  	s5 =	sshll.u32 s28, $0x1;
	[dreg:$0x2] =	wrdreg s3  }
0xaf: {  	[dreg:$0x3] =	wrdreg s5  }
0xb0: {  	[dreg:$0x4] =	wrdreg $0xC0  }
0xb1: {  	_ =	task [dreg:s7], $0x5FFFF  }
0xb2: {  	[dreg:$0x1] =	wrdreg $0xFFFFFFFF  }
0xb3: {  	[dreg:$0x0] =	wrdreg $0x60  }
0xb4: {  	[dreg:$0x2] =	wrdreg s24  }
0xb5: {  	[dreg:$0x3] =	wrdreg s16  }
0xb6: {  	[dreg:$0x4] =	wrdreg $0x15B800  }
0xb7: {  	[dreg:$0x5] =	wrdreg $0x9  }
0xb8: {  	_ =	task.clear_ibuf [dreg:s7], $0x6FFFF;
	_ =	strace $0x9000004C  }
0xb9: {  	s29 =	simm.s32 $0x9;
	_ =	strace $0x8000004E  }
0xba: {  	_ =	swait.ge [sflag:s29], $0x1  }
0xbb: {  	[sflag:s29] =	ssyncadd.s32 $0xFFFFFFFF  }
0xbc: {  	_ =	strace $0x9000004E  }
0xbd: {  	_ =	sfence  }
0xbe: {  	s30 =	sld [smem:$0x0];
	_ =	sdelay $0x2  }
0xbf: {  	s31 =	sshll.u32 s1, $0xD;
	s1 =	sshrl.u32 s1, $0x2  }
0xc0: {  	s3 =	sand.u32 $0x4000, s31;
	s1 =	sadd.s32 s1, s30  }
0xc1: {  	s0 =	sor.u32 s3, s0;
	s1 =	sshll.u32 s1, $0x11  }
0xc2: {  	s0 =	sor.u32 s1, s0  }
0xc3: {  	s0 =	sadd.s32 $0x8F2B, s0  }
0xc4: {  	[sflag:s0] =	ssyncadd.remote.s32 $0x1  }
0xc5: {  	_ =	sfence.sel $0xFFFF  }
0xc6: {  	[dreg:$0x0] =	wrdreg $0xFFFFFFFF;
	(pc) =	sbr.abs _section_cstart, $3  }
0xc7: {  	[dreg:$0x1] =	wrdreg $0xFFFFFFFF  }
0xc8: {  	_ =	task.clear_ibuf [dreg:s7], $0x2FFFF;
	_ =	strace $0x9FFFFFFF  }
0xc9: {  	(tm) =	ssettm $0x7FFFFFFF  }
tec
execute0_lowered:
.L_overlay_start_1:
0x0: {  	(tag) =	ssettag $0x1  }
0x1: {  	s0 =	rddreg [dreg:$0x0];
	s17 =	stileid.u32  }
0x2: {  	s1 =	rddreg [dreg:$0x1];
	s5 =	smul.u32 $0x9C4, s17  }
0x3: {  	s2 =	rddreg [dreg:$0x2];
	s8 =	smul.u32 $0x271, s17  }
0x4: {  	s3 =	simm.s32 $0x0;
	s4 =	srdreg.scid;
	s7 =	smul.u32 $0x27100, s17  }
0x5: {  	[smem:$0x7FF] =	sst s3;
	s11 =	sand.u32 $0x1, s4;
	s17 =	smul.u32 $0x2710, s17  }
0x6: {  	s18 =	sadd.s32 $0x8, s1;
	_ =	strace $0x8000004D;
	s4 =	ssub.s32 $0x2, s11  }
0x7: {  	p0 =	seq.s32 s11, $0x0;
	s5 =	sadd.s32 s5, s0;
	s6 =	sshrl.u32 s4, $0x1  }
0x8: {  	s12 =	sadd.s32 $0x7D, s8;
	s29 =	sshrl.u32 s7, $0x2;
	s13 =	sadd.s32 $0xFA, s8  }
0x9: {  	s14 =	sadd.s32 $0x177, s8;
	s15 =	sadd.s32 $0x1F4, s8;
	s11 =	sadd.s32 s17, s18  }
0xa: {  	s16 =	ssub.s32 s4, s6;
	s4 =	sadd.s32 $0x3000, s5;
	s5 =	sadd.s32 $0xCE00, s5  }
0xb: {  	s30 =	sshll.u32 s12, $0x6;
	s6 =	sadd.s32 s29, s2;
	s9 =	sshll.u32 s13, $0x6  }
0xc: {  	s31 =	sshll.u32 s14, $0x6;
	s10 =	sshll.u32 s15, $0x6;
	s19 =	sshll.u32 s12, $0x4  }
0xd: {  	s20 =	sshll.u32 s13, $0x4;
	s21 =	sshll.u32 s14, $0x4;
	s22 =	sshll.u32 s15, $0x4  }
0xe: {  	s7 =	sadd.s32 s30, s2;
	s8 =	sadd.s32 s9, s2;
	s9 =	sadd.s32 s31, s2  }
0xf: {  	s10 =	sadd.s32 s10, s2;
	s12 =	sadd.s32 s19, s18;
	s13 =	sadd.s32 s20, s18  }
0x10: {  	s14 =	sadd.s32 s21, s18;
	s15 =	sadd.s32 s22, s18;
	s18 =	sadd.s32 s1, s17  }
0x11: {  	s23 =	sadd.s32 s1, s19;
	s24 =	sadd.s32 s1, s20;
	s17 =	simm.s32 $0x51800  }
0x12: {  	s25 =	sadd.s32 s1, s21;
	s1 =	sadd.s32 s1, s22;
	s16 =	smax.u32 s16, $0x1  }
0x13: {  	s19 =	simm.s32 $0x13C40;
	s20 =	simm.s32 $0x1;
	s21 =	simm.s32 $0x2  }
0x14: {  	s22 =	simm.s32 $0x50;
	s17 =	simm.s32 @!p0 $0x3DE00;
	s11 =	smov.u32 @p0 s18  }
0x15: {  	s12 =	smov.u32 @p0 s23;
	s13 =	smov.u32 @p0 s24;
	s23 =	simm.s32 $0x9C40  }
0x16: {  	s14 =	smov.u32 @p0 s25;
	s15 =	smov.u32 @p0 s1;
	s18 =	simm.s32 $0x8  }
0x17: {  	v0 =	vimm.f32 $0.0e+00;
	s1 =	simm.s32 $0x0;
	s17 =	sadd.s32 s17, s0;
	s0 =	simm.s32 $0x10  }
.LBB2_1:
0x18: {  	[tilespmem:s3], [sflag:$0x1] =	stream.linear.gather [hbm4b:s4+s3], $0x4E20, $0x38;
	[tilespmem:$0x1F7C0] =	vst v63  }
0x19: {  	s31 =	sand.u32 $0x7F00, s3  }
0x1a: {  	s24 =	simm.s32 $0x4E20;
	s25 =	sand.u32 $0x30, s3;
	s26 =	sshrl.u32 s31, $0x2  }
0x1b: {  	[tilespmem:s24], [sflag:$0x2] =	stream.linear.gather [hbm4b:s5+s3], $0x4E20, $0x38;
	[tilespmem:$0x1F7C0] =	vst v63  }
0x1c: {  	s24 =	simm.s32 $0x40;
	s26 =	sor.u32 s25, s26;
	s25 =	simm.s32 $0x0  }
.LBB2_2:
0x1d: {  	p0 =	sne.s32 s24, $0x7CC0  }
0x1e: {  	[tilespmem:s26+$0x13C40] =	vst v0;
	s25 =	sadd.s32 $0x10, s25;
	s26 =	smov.u32 s24;
	s24 =	sadd.s32 $0x40, s24  }
.Ltmp0:
0x1f: {  	(pc) =	sbr.rel @p0 .LBB2_2-.Ltmp0, $4  }
0x20: {  	_ = 	snop  }
0x21: {  	s26 =	sand.u32 $0x7F00, s26  }
0x22: {  	s28 =	sand.u32 $0x30, s25;
	s26 =	sshrl.u32 s26, $0x2  }
0x23: {  	s26 =	sor.u32 s28, s26  }
0x24: {  	[tilespmem:s26+$0x13C40] =	vst v0  }
0x25: {  	[spmem:s6] =	stream.linear.scatter [tilespmem:s19], [sflag:$0x2], $0x1F40, $0x38;
	[tilespmem:$0x1F7C0] =	vst v63  }
0x26: {  	_ = 	snop  }
0x27: {  	[spmem:s7] =	stream.linear.scatter [tilespmem:s19], [sflag:$0x2], $0x1F40, $0x38;
	[tilespmem:$0x1F7C0] =	vst v63  }
0x28: {  	_ = 	snop  }
0x29: {  	[spmem:s8] =	stream.linear.scatter [tilespmem:s19], [sflag:$0x2], $0x1F40, $0x38;
	[tilespmem:$0x1F7C0] =	vst v63  }
0x2a: {  	_ = 	snop  }
0x2b: {  	[spmem:s9] =	stream.linear.scatter [tilespmem:s19], [sflag:$0x2], $0x1F40, $0x38;
	[tilespmem:$0x1F7C0] =	vst v63  }
0x2c: {  	_ = 	snop  }
0x2d: {  	[spmem:s10] =	stream.linear.scatter [tilespmem:s19], [sflag:$0x2], $0x1F40, $0x38;
	[tilespmem:$0x1F7C0] =	vst v63  }
0x2e: {  	_ =	swait.ge [sflag:s20], $0x4E20  }
0x2f: {  	[sflag:s20] =	ssyncset.done $0x0  }
0x30: {  	[sflag:s20] =	ssyncadd.s32 $0xFFFFB1E0  }
0x31: {  	_ =	swait.ge [sflag:s21], $0x4E20  }
0x32: {  	[sflag:s21] =	ssyncset.done $0x0  }
0x33: {  	[sflag:s21] =	ssyncadd.s32 $0xFFFFB1E0  }
0x34: {  	_ =	swait.ge [sflag:s21], $0x1F40  }
0x35: {  	[sflag:s21] =	ssyncset.done $0x0  }
0x36: {  	[sflag:s21] =	ssyncadd.s32 $0xFFFFE0C0  }
0x37: {  	_ =	swait.ge [sflag:s21], $0x1F40  }
0x38: {  	[sflag:s21] =	ssyncset.done $0x0  }
0x39: {  	[sflag:s21] =	ssyncadd.s32 $0xFFFFE0C0  }
0x3a: {  	_ =	swait.ge [sflag:s21], $0x1F40  }
0x3b: {  	[sflag:s21] =	ssyncset.done $0x0  }
0x3c: {  	[sflag:s21] =	ssyncadd.s32 $0xFFFFE0C0  }
0x3d: {  	_ =	swait.ge [sflag:s21], $0x1F40  }
0x3e: {  	[sflag:s21] =	ssyncset.done $0x0  }
0x3f: {  	[sflag:s21] =	ssyncadd.s32 $0xFFFFE0C0  }
0x40: {  	_ =	swait.ge [sflag:s21], $0x1F40  }
0x41: {  	[sflag:s21] =	ssyncset.done $0x0  }
0x42: {  	[sflag:s21] =	ssyncadd.s32 $0xFFFFE0C0  }
0x43: {  	s24 =	simm.s32 $0x0;
	[bflag:$0x0] =	sbarrier.arrive $0xFFFF  }
0x44: {  	[tilespmem:s23], [sflag:$0x1] =	stream.indirect.gather [hbm4b:s17+s22], $0x40, s24, s22, $0xb8;
	[tilespmem:$0x1F7C0] =	vst v63  }
0x45: {  	s25 =	simm.s32 $0xB040  }
0x46: {  	[tilespmem:s25], [sflag:$0x1] =	stream.indirect.gather [hbm4b:s17+s22], $0x40, s22, s22, $0xb8;
	[tilespmem:$0x1F7C0] =	vst v63  }
0x47: {  	s26 =	simm.s32 $0xA0;
	s28 =	simm.s32 $0xC440  }
0x48: {  	[tilespmem:s28], [sflag:$0x1] =	stream.indirect.gather [hbm4b:s17+s22], $0x40, s26, s22, $0xb8;
	[tilespmem:$0x1F7C0] =	vst v63  }
0x49: {  	s29 =	simm.s32 $0xF0;
	s30 =	simm.s32 $0xD840  }
0x4a: {  	[tilespmem:s30], [sflag:$0x1] =	stream.indirect.gather [hbm4b:s17+s22], $0x40, s29, s22, $0xb8;
	[tilespmem:$0x1F7C0] =	vst v63  }
0x4b: {  	_ =	swait.ge [sflag:s20], $0x1400  }
0x4c: {  	[sflag:s20] =	ssyncset.done $0x0  }
0x4d: {  	[sflag:s20] =	ssyncadd.s32 $0xFFFFEC00  }
0x4e: {  	_ =	swait.ge [sflag:s20], $0x1400  }
0x4f: {  	[sflag:s20] =	ssyncset.done $0x0  }
0x50: {  	[sflag:s20] =	ssyncadd.s32 $0xFFFFEC00  }
0x51: {  	_ =	swait.ge [sflag:s20], $0x1400  }
0x52: {  	s31 =	sand.u32 $0x1, s24;
	[sflag:s20] =	ssyncset.done $0x0  }
0x53: {  	s29 =	smul.u32 $0x14000, s31;
	[sflag:s20] =	ssyncadd.s32 $0xFFFFEC00  }
0x54: {  	_ =	swait.ge [sflag:s20], $0x1400  }
0x55: {  	s26 =	sshrl.u32 s29, $0x2;
	[sflag:s20] =	ssyncset.done $0x0  }
0x56: {  	s29 =	simm.s32 $0x4E20;
	s28 =	sadd.s32 $0x9C40, s26;
	[sflag:s20] =	ssyncadd.s32 $0xFFFFEC00  }
0x57: {  	[spmem:s2] =	stream.indirect.scatter.add.f32 [tilespmem:s28], [sflag:$0x2], $0x40, s29, s22, $0xb8;
	[tilespmem:$0x1F7C0] =	vst v63  }
0x58: {  	s25 =	sxor.u32 $0x1, s31;
	s31 =	simm.s32 $0x4E70;
	s30 =	sadd.s32 $0xB040, s26  }
0x59: {  	[spmem:s2] =	stream.indirect.scatter.add.f32 [tilespmem:s30], [sflag:$0x2], $0x40, s31, s22, $0xb8;
	[tilespmem:$0x1F7C0] =	vst v63  }
0x5a: {  	s25 =	smul.u32 $0x14000, s25;
	s30 =	sadd.s32 $0xC440, s26;
	s31 =	simm.s32 $0x4EC0  }
0x5b: {  	[spmem:s2] =	stream.indirect.scatter.add.f32 [tilespmem:s30], [sflag:$0x2], $0x40, s31, s22, $0xb8;
	[tilespmem:$0x1F7C0] =	vst v63  }
0x5c: {  	s25 =	sshrl.u32 s25, $0x2;
	s26 =	sadd.s32 $0xD840, s26;
	s30 =	simm.s32 $0x4F10  }
0x5d: {  	[spmem:s2] =	stream.indirect.scatter.add.f32 [tilespmem:s26], [sflag:$0x2], $0x40, s30, s22, $0xb8;
	[tilespmem:$0x1F7C0] =	vst v63  }
0x5e: {  	s29 =	simm.s32 $0x140;
	s31 =	sadd.s32 $0x9C40, s25  }
0x5f: {  	[tilespmem:s31], [sflag:$0x1] =	stream.indirect.gather [hbm4b:s17+s22], $0x40, s29, s22, $0xb8;
	[tilespmem:$0x1F7C0] =	vst v63  }
0x60: {  	s30 =	sadd.s32 $0xB040, s25;
	s31 =	simm.s32 $0x190  }
0x61: {  	[tilespmem:s30], [sflag:$0x1] =	stream.indirect.gather [hbm4b:s17+s22], $0x40, s31, s22, $0xb8;
	[tilespmem:$0x1F7C0] =	vst v63  }
0x62: {  	s29 =	sadd.s32 $0xC440, s25;
	s30 =	simm.s32 $0x1E0  }
0x63: {  	[tilespmem:s29], [sflag:$0x1] =	stream.indirect.gather [hbm4b:s17+s22], $0x40, s30, s22, $0xb8;
	[tilespmem:$0x1F7C0] =	vst v63  }
0x64: {  	s25 =	sadd.s32 $0xD840, s25;
	s31 =	simm.s32 $0x230  }
0x65: {  	[tilespmem:s25], [sflag:$0x1] =	stream.indirect.gather [hbm4b:s17+s22], $0x40, s31, s22, $0xb8;
	[tilespmem:$0x1F7C0] =	vst v63  }
0x66: {  	_ =	swait.ge [sflag:s21], $0x1400  }
0x67: {  	[sflag:s21] =	ssyncset.done $0x0  }
0x68: {  	[sflag:s21] =	ssyncadd.s32 $0xFFFFEC00  }
0x69: {  	_ =	swait.ge [sflag:s21], $0x1400  }
0x6a: {  	[sflag:s21] =	ssyncset.done $0x0  }
0x6b: {  	[sflag:s21] =	ssyncadd.s32 $0xFFFFEC00  }
0x6c: {  	_ =	swait.ge [sflag:s21], $0x1400  }
0x6d: {  	[sflag:s21] =	ssyncset.done $0x0  }
0x6e: {  	[sflag:s21] =	ssyncadd.s32 $0xFFFFEC00  }
0x6f: {  	_ =	swait.ge [sflag:s21], $0x1400  }
0x70: {  	s25 =	simm.s32 $0x500;
	[sflag:s21] =	ssyncset.done $0x0  }
.LBB2_4:
0x71: {  	p0 =	sne.s32 s25, $0x12C00;
	[sflag:s21] =	ssyncadd.s32 $0xFFFFEC00;
	s24 =	sadd.s32 $0x1, s24  }
0x72: {  	s26 =	smov.u32 s25;
	s25 =	sadd.s32 $0x500, s25;
	_ =	swait.ge [sflag:s20], $0x1400  }
0x73: {  	[sflag:s20] =	ssyncset.done $0x0  }
0x74: {  	[sflag:s20] =	ssyncadd.s32 $0xFFFFEC00  }
0x75: {  	_ =	swait.ge [sflag:s20], $0x1400  }
0x76: {  	[sflag:s20] =	ssyncset.done $0x0  }
0x77: {  	[sflag:s20] =	ssyncadd.s32 $0xFFFFEC00  }
0x78: {  	_ =	swait.ge [sflag:s20], $0x1400  }
0x79: {  	s28 =	sand.u32 $0x1, s24;
	[sflag:s20] =	ssyncset.done $0x0  }
0x7a: {  	s29 =	sxor.u32 $0x1, s28;
	s28 =	smul.u32 $0x14000, s28;
	[sflag:s20] =	ssyncadd.s32 $0xFFFFEC00  }
0x7b: {  	s29 =	smul.u32 $0x14000, s29;
	_ =	swait.ge [sflag:s20], $0x1400  }
0x7c: {  	s26 =	sshra.s32 s26, $0x2;
	s28 =	sshrl.u32 s28, $0x2;
	[sflag:s20] =	ssyncset.done $0x0  }
0x7d: {  	s31 =	sadd.s32 $0x4E20, s26;
	s30 =	sadd.s32 $0x9C40, s28;
	[sflag:s20] =	ssyncadd.s32 $0xFFFFEC00  }
0x7e: {  	[spmem:s2] =	stream.indirect.scatter.add.f32 [tilespmem:s30], [sflag:$0x2], $0x40, s31, s22, $0xb8;
	[tilespmem:$0x1F7C0] =	vst v63  }
0x7f: {  	s30 =	sadd.s32 $0xB040, s28;
	s31 =	sadd.s32 $0x4E70, s26  }
0x80: {  	[spmem:s2] =	stream.indirect.scatter.add.f32 [tilespmem:s30], [sflag:$0x2], $0x40, s31, s22, $0xb8;
	[tilespmem:$0x1F7C0] =	vst v63  }
0x81: {  	s30 =	sadd.s32 $0xC440, s28;
	s31 =	sadd.s32 $0x4EC0, s26  }
0x82: {  	[spmem:s2] =	stream.indirect.scatter.add.f32 [tilespmem:s30], [sflag:$0x2], $0x40, s31, s22, $0xb8;
	[tilespmem:$0x1F7C0] =	vst v63  }
0x83: {  	s29 =	sshrl.u32 s29, $0x2;
	s28 =	sadd.s32 $0xD840, s28;
	s30 =	sadd.s32 $0x4F10, s26  }
0x84: {  	[spmem:s2] =	stream.indirect.scatter.add.f32 [tilespmem:s28], [sflag:$0x2], $0x40, s30, s22, $0xb8;
	[tilespmem:$0x1F7C0] =	vst v63  }
0x85: {  	s28 =	sadd.s32 $0x9C40, s29;
	s30 =	sadd.s32 $0x140, s26  }
0x86: {  	[tilespmem:s28], [sflag:$0x1] =	stream.indirect.gather [hbm4b:s17+s22], $0x40, s30, s22, $0xb8;
	[tilespmem:$0x1F7C0] =	vst v63  }
0x87: {  	s28 =	sadd.s32 $0xB040, s29;
	s30 =	sadd.s32 $0x190, s26  }
0x88: {  	[tilespmem:s28], [sflag:$0x1] =	stream.indirect.gather [hbm4b:s17+s22], $0x40, s30, s22, $0xb8;
	[tilespmem:$0x1F7C0] =	vst v63  }
0x89: {  	s28 =	sadd.s32 $0xC440, s29;
	s30 =	sadd.s32 $0x1E0, s26  }
0x8a: {  	[tilespmem:s28], [sflag:$0x1] =	stream.indirect.gather [hbm4b:s17+s22], $0x40, s30, s22, $0xb8;
	[tilespmem:$0x1F7C0] =	vst v63  }
0x8b: {  	s26 =	sadd.s32 $0x230, s26;
	s28 =	sadd.s32 $0xD840, s29  }
0x8c: {  	[tilespmem:s28], [sflag:$0x1] =	stream.indirect.gather [hbm4b:s17+s22], $0x40, s26, s22, $0xb8;
	[tilespmem:$0x1F7C0] =	vst v63  }
0x8d: {  	_ =	swait.ge [sflag:s21], $0x1400  }
0x8e: {  	[sflag:s21] =	ssyncset.done $0x0  }
0x8f: {  	[sflag:s21] =	ssyncadd.s32 $0xFFFFEC00  }
0x90: {  	_ =	swait.ge [sflag:s21], $0x1400  }
0x91: {  	[sflag:s21] =	ssyncset.done $0x0  }
0x92: {  	[sflag:s21] =	ssyncadd.s32 $0xFFFFEC00  }
.Ltmp1:
0x93: {  	_ =	swait.ge [sflag:s21], $0x1400;
	(pc) =	sbr.rel @p0 .LBB2_4-.Ltmp1, $4  }
0x94: {  	[sflag:s21] =	ssyncset.done $0x0  }
0x95: {  	[sflag:s21] =	ssyncadd.s32 $0xFFFFEC00  }
0x96: {  	_ =	swait.ge [sflag:s21], $0x1400  }
0x97: {  	[sflag:s21] =	ssyncset.done $0x0  }
0x98: {  	[sflag:s21] =	ssyncadd.s32 $0xFFFFEC00  }
0x99: {  	_ =	swait.ge [sflag:s20], $0x1400  }
0x9a: {  	[sflag:s20] =	ssyncset.done $0x0  }
0x9b: {  	[sflag:s20] =	ssyncadd.s32 $0xFFFFEC00  }
0x9c: {  	_ =	swait.ge [sflag:s20], $0x1400  }
0x9d: {  	[sflag:s20] =	ssyncset.done $0x0  }
0x9e: {  	[sflag:s20] =	ssyncadd.s32 $0xFFFFEC00  }
0x9f: {  	_ =	swait.ge [sflag:s20], $0x1400  }
0xa0: {  	[sflag:s20] =	ssyncset.done $0x0  }
0xa1: {  	[sflag:s20] =	ssyncadd.s32 $0xFFFFEC00  }
0xa2: {  	_ =	swait.ge [sflag:s20], $0x1400  }
0xa3: {  	[sflag:s20] =	ssyncset.done $0x0  }
0xa4: {  	s24 =	simm.s32 $0x9A60;
	s25 =	simm.s32 $0xEC40;
	[sflag:s20] =	ssyncadd.s32 $0xFFFFEC00  }
0xa5: {  	[spmem:s2] =	stream.indirect.scatter.add.f32 [tilespmem:s25], [sflag:$0x2], $0x40, s24, s22, $0xb8;
	[tilespmem:$0x1F7C0] =	vst v63  }
0xa6: {  	s28 =	simm.s32 $0x9AB0;
	s29 =	simm.s32 $0x10040  }
0xa7: {  	[spmem:s2] =	stream.indirect.scatter.add.f32 [tilespmem:s29], [sflag:$0x2], $0x40, s28, s22, $0xb8;
	[tilespmem:$0x1F7C0] =	vst v63  }
0xa8: {  	s30 =	simm.s32 $0x9B00;
	s31 =	simm.s32 $0x11440  }
0xa9: {  	[spmem:s2] =	stream.indirect.scatter.add.f32 [tilespmem:s31], [sflag:$0x2], $0x40, s30, s22, $0xb8;
	[tilespmem:$0x1F7C0] =	vst v63  }
0xaa: {  	s26 =	simm.s32 $0x12840;
	s25 =	simm.s32 $0x9B50  }
0xab: {  	[spmem:s2] =	stream.indirect.scatter.add.f32 [tilespmem:s26], [sflag:$0x2], $0x40, s25, s22, $0xb8;
	[tilespmem:$0x1F7C0] =	vst v63  }
0xac: {  	_ =	swait.ge [sflag:s21], $0x1400  }
0xad: {  	[sflag:s21] =	ssyncset.done $0x0  }
0xae: {  	[sflag:s21] =	ssyncadd.s32 $0xFFFFEC00  }
0xaf: {  	_ =	swait.ge [sflag:s21], $0x1400  }
0xb0: {  	[sflag:s21] =	ssyncset.done $0x0  }
0xb1: {  	[sflag:s21] =	ssyncadd.s32 $0xFFFFEC00  }
0xb2: {  	_ =	swait.ge [sflag:s21], $0x1400  }
0xb3: {  	[sflag:s21] =	ssyncset.done $0x0  }
0xb4: {  	[sflag:s21] =	ssyncadd.s32 $0xFFFFEC00  }
0xb5: {  	_ =	swait.ge [sflag:s21], $0x1400  }
0xb6: {  	[sflag:s21] =	ssyncset.done $0x0  }
0xb7: {  	s28 =	simm.s32 $0x4D80;
	[sflag:s21] =	ssyncadd.s32 $0xFFFFEC00  }
0xb8: {  	[tilespmem:s23], [sflag:$0x1] =	stream.indirect.gather [hbm4b:s17+s22], $0x40, s28, s22, $0xb8;
	[tilespmem:$0x1F7C0] =	vst v63  }
0xb9: {  	_ =	swait.ge [sflag:s20], $0x1400  }
0xba: {  	[sflag:s20] =	ssyncset.done $0x0  }
0xbb: {  	s29 =	simm.s32 $0x9BA0;
	[sflag:s20] =	ssyncadd.s32 $0xFFFFEC00  }
0xbc: {  	[spmem:s2] =	stream.indirect.scatter.add.f32 [tilespmem:s23], [sflag:$0x2], $0x40, s29, s22, $0xb8;
	[tilespmem:$0x1F7C0] =	vst v63  }
0xbd: {  	_ =	swait.ge [sflag:s21], $0x1400  }
0xbe: {  	[sflag:s21] =	ssyncset.done $0x0  }
0xbf: {  	s30 =	simm.s32 $0x4DD0;
	[sflag:s21] =	ssyncadd.s32 $0xFFFFEC00  }
0xc0: {  	[tilespmem:s23], [sflag:$0x1] =	stream.indirect.gather [hbm4b:s17+s22], $0x40, s30, s22, $0xb8;
	[tilespmem:$0x1F7C0] =	vst v63  }
0xc1: {  	_ =	swait.ge [sflag:s20], $0x1400  }
0xc2: {  	[sflag:s20] =	ssyncset.done $0x0  }
0xc3: {  	s31 =	simm.s32 $0x9BF0;
	s25 =	stileid.u32;
	[sflag:s20] =	ssyncadd.s32 $0xFFFFEC00  }
0xc4: {  	[spmem:s2] =	stream.indirect.scatter.add.f32 [tilespmem:s23], [sflag:$0x2], $0x40, s31, s22, $0xb8;
	[tilespmem:$0x1F7C0] =	vst v63  }
0xc5: {  	s24 =	sshll.u32 s25, $0x6;
	_ =	swait.ge [sflag:s21], $0x1400  }
0xc6: {  	s26 =	sshrl.u32 s6, $0x3;
	s24 =	sor.u32 $0x1C01, s24;
	[sflag:s21] =	ssyncset.done $0x0  }
0xc7: {  	s28 =	sshrl.u32 s7, $0x3;
	s29 =	sshrl.u32 s8, $0x3;
	[sflag:s21] =	ssyncadd.s32 $0xFFFFEC00  }
0xc8: {  	s30 =	sshrl.u32 s9, $0x3;
	s31 =	sshrl.u32 s10, $0x3;
	[bflag:$0x0] =	sbarrier.arrive $0xFFFF  }
0xc9: {  	[hbm:s11@s0], [sflag:s24] =	dma.strided [spmem:s26@s18], $0x3E8, s20, $0x8   }
0xca: {  	[hbm:s12@s0], [sflag:s24] =	dma.strided [spmem:s28@s18], $0x3E8, s20, $0x8   }
0xcb: {  	[hbm:s13@s0], [sflag:s24] =	dma.strided [spmem:s29@s18], $0x3E8, s20, $0x8   }
0xcc: {  	[hbm:s14@s0], [sflag:s24] =	dma.strided [spmem:s30@s18], $0x3E8, s20, $0x8   }
0xcd: {  	[hbm:s15@s0], [sflag:s24] =	dma.strided [spmem:s31@s18], $0x3E8, s20, $0x8   }
0xce: {  	_ =	swait.ge [sflag:s20], $0x3E8  }
0xcf: {  	[sflag:s20] =	ssyncset.done $0x0  }
0xd0: {  	[sflag:s20] =	ssyncadd.s32 $0xFFFFFC18  }
0xd1: {  	_ =	swait.ge [sflag:s20], $0x3E8  }
0xd2: {  	[sflag:s20] =	ssyncset.done $0x0  }
0xd3: {  	[sflag:s20] =	ssyncadd.s32 $0xFFFFFC18  }
0xd4: {  	_ =	swait.ge [sflag:s20], $0x3E8  }
0xd5: {  	[sflag:s20] =	ssyncset.done $0x0  }
0xd6: {  	s1 =	sadd.s32 $0x1, s1;
	[sflag:s20] =	ssyncadd.s32 $0xFFFFFC18  }
0xd7: {  	p0 =	sne.s32 s1, s16;
	_ =	swait.ge [sflag:s20], $0x3E8  }
.Ltmp2:
0xd8: {  	[sflag:s20] =	ssyncset.done $0x0;
	(pc) =	sbr.rel @p0 .LBB2_1-.Ltmp2, $4  }
0xd9: {  	[sflag:s20] =	ssyncadd.s32 $0xFFFFFC18  }
0xda: {  	_ =	swait.ge [sflag:s20], $0x3E8  }
0xdb: {  	[sflag:s20] =	ssyncset.done $0x0  }
0xdc: {  	[sflag:s20] =	ssyncadd.s32 $0xFFFFFC18  }
0xdd: {  	_ =	sfence.sel $0x180000  }
0xde: {  	[bflag:$0x0] =	sbarrier.arrive $0xFFFF  }
0xdf: {  	_ =	strace $0x9000004D  }
0xe0: {  	s0 =	stileid.u32;
	[bflag:$0x2] =	sbarrier.arrive $0xFFFF  }
0xe1: {  	p0 =	sne.s32 s0, $0x0;
	s0 =	rddreg [dreg:$0x3]  }
0xe2: {  	s0 =	sadd.s32 @!p0 $0x100000, s0  }
0xe3: {  	[sflag:s0] =	ssyncadd.tile.s32 @!p0 $0x1;
	_ =	shalt  }
.Lfunc_end2:
_tile_overlayer_lowered:
.L_overlay_start_2:
0xe4: {  	(tag) =	ssettag $0x2  }
0xe5: {  	s0 =	rddreg [dreg:$0x0];
	s2 =	stileid.u32  }
0xe6: {  	s1 =	rddreg [dreg:$0x1];
	p0 =	sne.s32 s2, $0x0  }
0xe7: {  	s3 =	rddreg [dreg:$0x2];
	[bflag:$0x3] =	sbarrier.arrive $0xFFFF;
	s2 =	simm.s32 @!p0 $0x1C03  }
0xe8: {  	[timem:s3], [sflag:s2] =	dma.local @!p0 [hbm:s0], s1  }
0xe9: {  	s0 =	simm.s32 @!p0 $0x3  }
0xea: {  	_ =	swait.ge @!p0 [sflag:s0], s1  }
0xeb: {  	s1 =	ssub.s32 @!p0 $0x0, s1;
	[sflag:s0] =	ssyncset.done @!p0 $0x0  }
0xec: {  	[sflag:s0] =	ssyncadd.s32 @!p0 s1  }
0xed: {  	[bflag:$0x3] =	sbarrier.arrive $0xFFFF  }
0xee: {  	_ =	shalt  }

// kernel: kernel.9.cloned.1.call-start
scs
__scs_entry_jumppad:
0x0: {  	(pc) =	sbr.rel $0x88, $3  }
0x1: {  	(tag) =	ssettag $0x0;
	lr =	simm.s32 $0x1  }
0x2: {  	[smem:$0x3F96] =	sst lr;
	_ =	strace $0xD0000000  }
0x3: {  	_ = 	snop  }
0x4: {  	_ = 	snop  }
0x5: {  	_ = 	snop  }
0x6: {  	_ = 	snop  }
0x7: {  	_ = 	snop  }
__scs_overlays_trampoline_lowered:
0x8: {  	[smem:$0x3FA5] =	sst s0  }
0x9: {  	[smem:$0x3FA6] =	sst s1  }
0xa: {  	[smem:$0x3FA7] =	sst s2  }
0xb: {  	[smem:$0x3FA8] =	sst s3  }
0xc: {  	[smem:$0x3FA9] =	sst s4  }
0xd: {  	[smem:$0x3FAA] =	sst s5  }
0xe: {  	[smem:$0x3FAB] =	sst s6  }
0xf: {  	[smem:$0x3FAC] =	sst s7  }
0x10: {  	[smem:$0x3FAD] =	sst s8  }
0x11: {  	[smem:$0x3FAE] =	sst s9;
	s0 =	simm.s32 @!p0 $0x0  }
0x12: {  	s1 =	sld [smem:$0x3F94];
	s0 =	simm.s32 @p0 $0x1  }
0x13: {  	[smem:$0x3FAF] =	sst s0;
	s0 =	simm.s32 @!p1 $0x0  }
0x14: {  	s2 =	sld [smem:$0x3F93];
	s0 =	simm.s32 @p1 $0x1  }
0x15: {  	[smem:$0x3FB0] =	sst s0;
	s0 =	simm.s32 @!p2 $0x0  }
0x16: {  	s3 =	sld [smem:$0x3FDB];
	s0 =	simm.s32 @p2 $0x1  }
0x17: {  	s4 =	simm.s32 $0x1BF5;
	[smem:$0x3FB2] =	sst s0  }
0x18: {  	s0 =	sld [smem:$0x3F95];
	_ =	swait.ge [sflag:s4], $0x0  }
0x19: {  	s7 =	sld [smem:$0x3F96]  }
0x1a: {  	s8 =	sadd.s32 $0xFFFFE003, lr  }
0x1b: {  	s9 =	sadd.s32 $0xFFFFFEF7, lr;
	s5 =	simm.s32 $0xFFFFFFFF;
	p2 =	slt.u32 s8, $0xFFFFF086  }
0x1c: {  	p1 =	slt.u32 s9, $0xF7A;
	s5 =	simm.s32 @!p2 $0x0  }
0x1d: {  	s5 =	simm.s32 @p1 $0x1;
	p0 =	seq.s32 s7, s2  }
0x1e: {  	s7 =	smul.u32 @!p0 $0xF7A, s2;
	p2 =	seq.s32 @!p0 s5, $0x0  }
0x1f: {  	s9 =	smul.u32 $0xF7A, s1;
	s8 =	simm.s32 @!p0 $0x1BF5;
	p2 =	por !p2, p0  }
0x20: {  	[sflag:s8] =	ssyncset.s32 @!p0 $0xFFFFF086;
	s6 =	sadd.s32 @!p0 s3, s7;
	s7 =	simm.s32 @!p0 $0x108  }
0x21: {  	s3 =	sadd.s32 s3, s9;
	s6 =	sadd.s32 @!p0 $0x88, s6;
	s7 =	simm.s32 @p2 $0x1082  }
0x22: {  	[simem:s7], [sflag:s8] =	dma.local @!p0 [hbm:s6], $0xF7A  }
0x23: {  	s9 =	sor.u32 $0xD0000000, s2;
	s6 =	simm.s32 $0x108;
	_ =	swait.ge @!p0 [sflag:s8], $0x0  }
0x24: {  	s3 =	sadd.s32 $0x88, s3;
	s6 =	simm.s32 @!p1 $0x1082;
	[sflag:s4] =	ssyncset.s32 $0xFFFFF086  }
0x25: {  	[simem:s6], [sflag:s4] =	dma.local [hbm:s3], $0xF7A  }
0x26: {  	[smem:$0x3F96] =	sst s1;
	(tag) =	ssettag s2;
	_ =	strace s9  }
0x27: {  	s1 =	sld [smem:$0x3FA6]  }
0x28: {  	s2 =	sld [smem:$0x3FA7]  }
0x29: {  	s4 =	sld [smem:$0x3FA9]  }
0x2a: {  	p0 =	seq.s32 s5, $0x0;
	s5 =	sld [smem:$0x3FAA]  }
0x2b: {  	s6 =	sld [smem:$0x3FAB]  }
0x2c: {  	s7 =	sld [smem:$0x3FAC]  }
0x2d: {  	s3 =	simm.s32 $0x108;
	s8 =	sld [smem:$0x3FAD]  }
0x2e: {  	s3 =	simm.s32 @!p0 $0x1082;
	s9 =	sld [smem:$0x3FAE]  }
0x2f: {  	lr =	sadd.s32 s0, s3;
	s0 =	sld [smem:$0x3FA5]  }
0x30: {  	s3 =	sld [smem:$0x3FA8]  }
0x31: {  	[smem:$0x3FB1] =	sst s10  }
0x32: {  	s10 =	sld [smem:$0x3FAF];
	_ =	sdelay $0x3  }
0x33: {  	p0 =	seq.s32 s10, $0x1;
	s10 =	sld [smem:$0x3FB1];
	_ =	sdelay $0x3  }
0x34: {  	[smem:$0x3FB1] =	sst s10  }
0x35: {  	s10 =	sld [smem:$0x3FB0];
	_ =	sdelay $0x3  }
0x36: {  	p1 =	seq.s32 s10, $0x1;
	s10 =	sld [smem:$0x3FB1];
	_ =	sdelay $0x3  }
0x37: {  	[smem:$0x3FB1] =	sst s10  }
0x38: {  	s10 =	sld [smem:$0x3FB2]  }
0x39: {  	_ = 	snop;
	(pc) =	sbr.ind lr, $3  }
0x3a: {  	_ = 	snop  }
0x3b: {  	_ = 	snop  }
0x3c: {  	p2 =	seq.s32 s10, $0x1;
	s10 =	sld [smem:$0x3FB1]  }
0x3d: {  	_ =	shalt  }
0x3e: {  	_ =	shalt  }
0x3f: {  	_ =	shalt  }
0x40: {  	_ =	shalt  }
0x41: {  	_ =	shalt  }
0x42: {  	_ =	shalt  }
0x43: {  	_ =	shalt  }
0x44: {  	_ =	shalt  }
0x45: {  	_ =	shalt  }
0x46: {  	_ =	shalt  }
0x47: {  	_ =	shalt  }
0x48: {  	_ =	shalt  }
0x49: {  	_ =	shalt  }
0x4a: {  	_ =	shalt  }
0x4b: {  	_ =	shalt  }
0x4c: {  	_ =	shalt  }
0x4d: {  	_ =	shalt  }
0x4e: {  	_ =	shalt  }
0x4f: {  	_ =	shalt  }
0x50: {  	_ =	shalt  }
0x51: {  	_ =	shalt  }
0x52: {  	_ =	shalt  }
0x53: {  	_ =	shalt  }
0x54: {  	_ =	shalt  }
0x55: {  	_ =	shalt  }
0x56: {  	_ =	shalt  }
0x57: {  	_ =	shalt  }
0x58: {  	_ =	shalt  }
0x59: {  	_ =	shalt  }
0x5a: {  	_ =	shalt  }
0x5b: {  	_ =	shalt  }
0x5c: {  	_ =	shalt  }
0x5d: {  	_ =	shalt  }
0x5e: {  	_ =	shalt  }
0x5f: {  	_ =	shalt  }
0x60: {  	_ =	shalt  }
0x61: {  	_ =	shalt  }
0x62: {  	_ =	shalt  }
0x63: {  	_ =	shalt  }
0x64: {  	_ =	shalt  }
0x65: {  	_ =	shalt  }
0x66: {  	_ =	shalt  }
0x67: {  	_ =	shalt  }
0x68: {  	_ =	shalt  }
0x69: {  	_ =	shalt  }
0x6a: {  	_ =	shalt  }
0x6b: {  	_ =	shalt  }
0x6c: {  	_ =	shalt  }
0x6d: {  	_ =	shalt  }
0x6e: {  	_ =	shalt  }
0x6f: {  	_ =	shalt  }
0x70: {  	_ =	shalt  }
0x71: {  	_ =	shalt  }
0x72: {  	_ =	shalt  }
0x73: {  	_ =	shalt  }
0x74: {  	_ =	shalt  }
0x75: {  	_ =	shalt  }
0x76: {  	_ =	shalt  }
0x77: {  	_ =	shalt  }
0x78: {  	_ =	shalt  }
0x79: {  	_ =	shalt  }
0x7a: {  	_ =	shalt  }
0x7b: {  	_ =	shalt  }
0x7c: {  	_ =	shalt  }
0x7d: {  	_ =	shalt  }
0x7e: {  	_ =	shalt  }
0x7f: {  	_ =	shalt  }
0x80: {  	_ =	shalt  }
0x81: {  	_ =	shalt  }
0x82: {  	_ =	shalt  }
0x83: {  	_ =	shalt  }
0x84: {  	_ =	shalt  }
0x85: {  	_ =	shalt  }
0x86: {  	_ =	shalt  }
0x87: {  	_ =	shalt  }
.Lfunc_end0:
.L_simem_size_0:
called_computation_lowered:
.L_overlay_start_0:
0x88: {  	s2 =	sld [smem:$0x3FD9]  }
0x89: {  	s3 =	sld [smem:$0x3FFE];
	_ =	sdelay $0x1  }
0x8a: {  	s1 =	srdreg.scid  }
0x8b: {  	s0 =	sand.u32 $0x1, s1  }
0x8c: {  	s14 =	sshll.u32 s0, $0xA;
	s2 =	sadd.s32 s3, s2  }
0x8d: {  	s2 =	sadd.s32 s2, s14  }
0x8e: {  	[smem:$0x3FBD] =	sst s2  }
0x8f: {  	_ = 	snop  }
0x90: {  	s2 =	sld [smem:$0x3FD0];
	_ =	sdelay $0x2  }
0x91: {  	s15 =	simm.s32 $0xA;
	s4 =	simm.s32 $0x10  }
0x92: {  	[smem:s4], [sflag:s15] =	dma.local [hbm:s2], $0x1  }
0x93: {  	_ =	swait.eq [sflag:s15], $0x1  }
0x94: {  	[sflag:s15] =	ssyncset.done $0x0  }
0x95: {  	[sflag:s15] =	ssyncadd.s32 $0xFFFFFFFF  }
0x96: {  	s16 =	sld [smem:$0x11];
	(tm) =	ssettm $0x1  }
0x97: {  	s17 =	sld [smem:$0x3FFB];
	_ =	sdelay $0x3  }
0x98: {  	_ =	strace s17  }
0x99: {  	s3 =	sld [smem:$0x3FFC];
	_ =	sdelay $0x3  }
0x9a: {  	_ =	strace s3  }
0x9b: {  	s3 =	sld [smem:$0x3FFD];
	_ =	sdelay $0x3  }
0x9c: {  	_ =	strace s3  }
0x9d: {  	_ =	strace $0x8FFFFFFF  }
0x9e: {  	s18 =	sld [smem:$0x3FDB];
	_ =	sdelay $0x1  }
0x9f: {  	s19 =	simm.s32 $_scs_section_size  }
0xa0: {  	s5 =	simm.s32 $_size__tile_overlayer_lowered;
	s6 =	simm.s32 $_tile_overlayer_lowered  }
0xa1: {  	s22 =	simm.s32 $0x1BFF;
	s21 =	sshll.u32 s6, $0x1;
	s3 =	sadd.s32 s19, s18  }
0xa2: {  	s7 =	simm.s32 $0x0;
	s20 =	sshll.u32 s5, $0x1;
	s5 =	sadd.s32 s21, s3  }
0xa3: {  	[timem:s7], [sflag:s22] =	dma.local [hbm:s5], s20  }
0xa4: {  	_ =	swait.ge [sflag:s22], s20  }
0xa5: {  	s4 =	ssub.s32 $0x0, s20;
	[sflag:s22] =	ssyncset.done $0x0  }
0xa6: {  	[sflag:s22] =	ssyncadd.s32 s4;
	_ =	sdelay $0x1  }
0xa7: {  	s23 =	simm.s32 $0x1B8B  }
0xa8: {  	_ =	swait.ge [sflag:s23], $0x1  }
0xa9: {  	[sflag:s23] =	ssyncset.done $0x0  }
0xaa: {  	s25 =	simm.s32 $0x1B8E;
	s24 =	sld [smem:$0x3FFE];
	[sflag:s23] =	ssyncadd.s32 $0xFFFFFFFF  }
0xab: {  	s26 =	simm.s32 $execute0_lowered;
	[smem:$0x3FD2] =	sst s25  }
0xac: {  	s5 =	sshll.u32 s26, $0x1;
	_ =	strace $0x80000046;
	[dreg:$0x1] =	wrdreg $0xFFFFFFFF  }
0xad: {  	s28 =	simm.s32 $_size_execute0_lowered;
	s3 =	sadd.s32 s3, s5;
	[dreg:$0x0] =	wrdreg $0x0  }
0xae: {  	s5 =	sshll.u32 s28, $0x1;
	[dreg:$0x2] =	wrdreg s3  }
0xaf: {  	[dreg:$0x3] =	wrdreg s5  }
0xb0: {  	[dreg:$0x4] =	wrdreg $0xC0  }
0xb1: {  	_ =	task [dreg:s7], $0x5FFFF  }
0xb2: {  	[dreg:$0x1] =	wrdreg $0xFFFFFFFF  }
0xb3: {  	[dreg:$0x0] =	wrdreg $0x60  }
0xb4: {  	[dreg:$0x2] =	wrdreg s24  }
0xb5: {  	[dreg:$0x3] =	wrdreg s16  }
0xb6: {  	[dreg:$0x4] =	wrdreg $0x33E00  }
0xb7: {  	[dreg:$0x5] =	wrdreg $0x9  }
0xb8: {  	_ =	task.clear_ibuf [dreg:s7], $0x6FFFF;
	_ =	strace $0x90000046  }
0xb9: {  	s29 =	simm.s32 $0x9;
	_ =	strace $0x80000048  }
0xba: {  	_ =	swait.ge [sflag:s29], $0x1  }
0xbb: {  	[sflag:s29] =	ssyncadd.s32 $0xFFFFFFFF  }
0xbc: {  	_ =	strace $0x90000048  }
0xbd: {  	_ =	sfence  }
0xbe: {  	s30 =	sld [smem:$0x0];
	_ =	sdelay $0x2  }
0xbf: {  	s31 =	sshll.u32 s1, $0xD;
	s1 =	sshrl.u32 s1, $0x2  }
0xc0: {  	s3 =	sand.u32 $0x4000, s31;
	s1 =	sadd.s32 s1, s30  }
0xc1: {  	s0 =	sor.u32 s3, s0;
	s1 =	sshll.u32 s1, $0x11  }
0xc2: {  	s0 =	sor.u32 s1, s0  }
0xc3: {  	s0 =	sadd.s32 $0x8F2B, s0  }
0xc4: {  	[sflag:s0] =	ssyncadd.remote.s32 $0x1  }
0xc5: {  	_ =	sfence.sel $0xFFFF  }
0xc6: {  	[dreg:$0x0] =	wrdreg $0xFFFFFFFF;
	(pc) =	sbr.abs _section_cstart, $3  }
0xc7: {  	[dreg:$0x1] =	wrdreg $0xFFFFFFFF  }
0xc8: {  	_ =	task.clear_ibuf [dreg:s7], $0x2FFFF;
	_ =	strace $0x9FFFFFFF  }
0xc9: {  	(tm) =	ssettm $0x7FFFFFFF  }
tec
execute0_lowered:
.L_overlay_start_1:
0x0: {  	(tag) =	ssettag $0x1  }
0x1: {  	s4 =	rddreg [dreg:$0x0]  }
0x2: {  	s1 =	srdreg.scid;
	s10 =	rddreg [dreg:$0x1]  }
0x3: {  	s0 =	stileid.u32;
	s2 =	rddreg [dreg:$0x2];
	s3 =	simm.s32 $0x0  }
0x4: {  	s13 =	simm.s32 $0x2C10;
	s14 =	simm.s32 $0x50;
	s15 =	simm.s32 $0x2710  }
0x5: {  	s16 =	simm.s32 $0x1;
	s19 =	simm.s32 $0x0;
	s6 =	smul.u32 $0x4E20, s0  }
0x6: {  	s5 =	sand.u32 $0x1, s1;
	s1 =	rddreg [dreg:$0x3];
	s29 =	smul.u32 $0x9C40, s0  }
0x7: {  	[smem:$0x7FF] =	sst s3;
	s8 =	smul.u32 $0x2710, s0;
	s17 =	sshll.u32 s0, $0x6  }
0x8: {  	s7 =	smul.u32 $0x2710, s5;
	_ =	strace $0x80000047;
	s30 =	ssub.s32 $0x2, s5  }
0x9: {  	s11 =	smul.u32 $0x27100, s5;
	s17 =	sor.u32 $0x1C02, s17;
	s9 =	sshrl.u32 s30, $0x1  }
0xa: {  	s5 =	sadd.s32 s8, s2;
	s6 =	sadd.s32 s7, s6;
	s7 =	sshrl.u32 s29, $0x2  }
0xb: {  	s12 =	ssub.s32 s30, s9;
	s11 =	sadd.s32 s8, s11;
	s18 =	sshrl.u32 s5, $0x3  }
0xc: {  	s6 =	sshrl.u32 s6, $0x3;
	s31 =	sadd.s32 s7, s2;
	s11 =	sshrl.u32 s11, $0x3  }
0xd: {  	s4 =	sadd.s32 s6, s4;
	s6 =	sadd.s32 $0x7D0, s31;
	s7 =	sadd.s32 $0xFA0, s31  }
0xe: {  	s8 =	sadd.s32 $0x1770, s31;
	s9 =	sadd.s32 $0x1F40, s31;
	s10 =	sadd.s32 s10, s11  }
0xf: {  	v0 =	vimm.f32 $0.0e+00;
	v1 =	vimm.f32 $1.000000000e+00;
	s11 =	smax.u32 s12, $0x1;
	s12 =	simm.s32 $0x2;
	s4 =	sadd.s32 $0xCE00, s4  }
.LBB2_1:
0x10: {  	[tilespmem:s3], [sflag:$0x2] =	stream.linear.gather [hbm4b:s4+s3], $0x2710, $0x38;
	[tilespmem:$0x5AF0] =	vst v63  }
0x11: {  	_ =	swait.ge [sflag:s12], $0x2710  }
0x12: {  	[sflag:s12] =	ssyncset.done $0x0  }
0x13: {  	s20 =	simm.s32 $0x0;
	[sflag:s12] =	ssyncadd.s32 $0xFFFFD8F0  }
.LBB2_2:
0x14: {  	p0 =	sne.s32 s20, $0x1F00  }
.Ltmp0:
0x15: {  	_ = 	snop;
	(pc) =	sbr.rel @p0 .LBB2_2-.Ltmp0, $3  }
0x16: {  	_ =	sdelay $0x1  }
0x17: {  	s21 =	sshra.s32 s20, $0x2  }
0x18: {  	s20 =	sadd.s32 $0x40, s20;
	[tilespmem:s21+$0x2C10] =	vst v0  }
0x19: {  	s20 =	simm.s32 $0x40;
	s21 =	simm.s32 $0x0  }
.LBB2_4:
0x1a: {  	p0 =	sne.s32 s20, $0x13C0;
	[tilespmem:s21+$0x2710] =	vst v1;
	s21 =	smov.u32 s20;
	s20 =	sadd.s32 $0x40, s20  }
.Ltmp1:
0x1b: {  	(pc) =	sbr.rel @p0 .LBB2_4-.Ltmp1, $2  }
0x1c: {  	_ =	sdelay $0x2  }
0x1d: {  	s21 =	sshra.s32 s21, $0x2  }
0x1e: {  	[tilespmem:s21+$0x2710] =	vst v1  }
0x1f: {  	[spmem:s5] =	stream.linear.scatter [tilespmem:s13], [sflag:$0x2], $0x7D0, $0x38;
	[tilespmem:$0x5AF0] =	vst v63  }
0x20: {  	_ =	swait.ge [sflag:s12], $0x7D0  }
0x21: {  	[sflag:s12] =	ssyncset.done $0x0  }
0x22: {  	[sflag:s12] =	ssyncadd.s32 $0xFFFFF830  }
0x23: {  	[spmem:s6] =	stream.linear.scatter [tilespmem:s13], [sflag:$0x2], $0x7D0, $0x38;
	[tilespmem:$0x5AF0] =	vst v63  }
0x24: {  	_ =	swait.ge [sflag:s12], $0x7D0  }
0x25: {  	[sflag:s12] =	ssyncset.done $0x0  }
0x26: {  	[sflag:s12] =	ssyncadd.s32 $0xFFFFF830  }
0x27: {  	[spmem:s7] =	stream.linear.scatter [tilespmem:s13], [sflag:$0x2], $0x7D0, $0x38;
	[tilespmem:$0x5AF0] =	vst v63  }
0x28: {  	_ =	swait.ge [sflag:s12], $0x7D0  }
0x29: {  	[sflag:s12] =	ssyncset.done $0x0  }
0x2a: {  	[sflag:s12] =	ssyncadd.s32 $0xFFFFF830  }
0x2b: {  	[spmem:s8] =	stream.linear.scatter [tilespmem:s13], [sflag:$0x2], $0x7D0, $0x38;
	[tilespmem:$0x5AF0] =	vst v63  }
0x2c: {  	_ =	swait.ge [sflag:s12], $0x7D0  }
0x2d: {  	[sflag:s12] =	ssyncset.done $0x0  }
0x2e: {  	[sflag:s12] =	ssyncadd.s32 $0xFFFFF830  }
0x2f: {  	[spmem:s9] =	stream.linear.scatter [tilespmem:s13], [sflag:$0x2], $0x7D0, $0x38;
	[tilespmem:$0x5AF0] =	vst v63  }
0x30: {  	_ =	swait.ge [sflag:s12], $0x7D0  }
0x31: {  	[sflag:s12] =	ssyncset.done $0x0  }
0x32: {  	[sflag:s12] =	ssyncadd.s32 $0xFFFFF830  }
0x33: {  	s20 =	simm.s32 $0x0;
	[bflag:$0x0] =	sbarrier.arrive $0xFFFF  }
.LBB2_6:
0x34: {  	p0 =	sne.s32 s20, $0x9B00  }
.Ltmp2:
0x35: {  	_ = 	snop;
	(pc) =	sbr.rel @p0 .LBB2_6-.Ltmp2, $3  }
0x36: {  	_ =	sdelay $0x1  }
0x37: {  	s21 =	sshra.s32 s20, $0x2;
	s20 =	sadd.s32 $0x140, s20  }
0x38: {  	[spmem:s2] =	stream.indirect.scatter.add.f32 [tilespmem:s15], [sflag:$0x1], $0x10, s21, s14, $0xb8;
	[tilespmem:$0x5AF0] =	vst v63  }
0x39: {  	_ =	swait.ge [sflag:s16], $0x500  }
0x3a: {  	s20 =	simm.s32 $0x7C;
	[sflag:s16] =	ssyncset.done $0x0  }
.LBB2_8:
0x3b: {  	p0 =	sne.s32 s20, $0x1;
	s20 =	sadd.s32 $0xFFFFFFFF, s20;
	[sflag:s16] =	ssyncadd.s32 $0xFFFFFB00  }
.Ltmp3:
0x3c: {  	(pc) =	sbr.rel @p0 .LBB2_8-.Ltmp3, $3  }
0x3d: {  	_ =	sdelay $0x1  }
0x3e: {  	_ =	swait.ge [sflag:s16], $0x500  }
0x3f: {  	[sflag:s16] =	ssyncset.done $0x0  }
0x40: {  	s19 =	sadd.s32 $0x1, s19  }
0x41: {  	[sflag:s16] =	ssyncadd.s32 $0xFFFFFB00;
	p0 =	sne.s32 s19, s11  }
.Ltmp4:
0x42: {  	[bflag:$0x0] =	sbarrier.arrive $0xFFFF;
	(pc) =	sbr.rel @p0 .LBB2_1-.Ltmp4, $4  }
0x43: {  	[hbm:s10], [sflag:s17] =	dma.local [spmem:s18], $0x4E2  }
0x44: {  	_ =	swait.ge [sflag:s12], $0x4E2  }
0x45: {  	[sflag:s12] =	ssyncset.done $0x0  }
0x46: {  	[sflag:s12] =	ssyncadd.s32 $0xFFFFFB1E  }
0x47: {  	_ =	sfence.sel $0x180000  }
0x48: {  	[bflag:$0x0] =	sbarrier.arrive $0xFFFF  }
0x49: {  	p0 =	sne.s32 s0, $0x0;
	_ =	strace $0x90000047  }
0x4a: {  	s0 =	sadd.s32 @!p0 $0x100000, s1;
	[bflag:$0x2] =	sbarrier.arrive $0xFFFF  }
0x4b: {  	[sflag:s0] =	ssyncadd.tile.s32 @!p0 $0x1;
	_ =	shalt  }
.Lfunc_end2:
_tile_overlayer_lowered:
.L_overlay_start_2:
0x4c: {  	(tag) =	ssettag $0x2  }
0x4d: {  	s0 =	rddreg [dreg:$0x0];
	s2 =	stileid.u32  }
0x4e: {  	s1 =	rddreg [dreg:$0x1];
	p0 =	sne.s32 s2, $0x0  }
0x4f: {  	s3 =	rddreg [dreg:$0x2];
	[bflag:$0x3] =	sbarrier.arrive $0xFFFF;
	s2 =	simm.s32 @!p0 $0x1C02  }
0x50: {  	[timem:s3], [sflag:s2] =	dma.local @!p0 [hbm:s0], s1  }
0x51: {  	s0 =	simm.s32 @!p0 $0x2  }
0x52: {  	_ =	swait.ge @!p0 [sflag:s0], s1  }
0x53: {  	s1 =	ssub.s32 @!p0 $0x0, s1;
	[sflag:s0] =	ssyncset.done @!p0 $0x0  }
0x54: {  	[sflag:s0] =	ssyncadd.s32 @!p0 s1  }
0x55: {  	[bflag:$0x3] =	sbarrier.arrive $0xFFFF  }
0x56: {  	_ =	shalt  }

</sc_bundles>
